<compile_context>
chip_gen: v7x
topology: tpu7x:2x2x1
jax: 0.10.2.dev20260603
libtpu: 0.0.44.dev20260713+nightly
codegen_flags: <defaults>
</compile_context>

<pallas_src>
import functools

import jax
import jax.numpy as jnp
from jax import lax
from jax.experimental import pallas as pl
from jax.experimental.pallas import tpu as pltpu
from jax.experimental.pallas import tpu_sc as plsc

EMBEDDING_DIM = 64
_D = EMBEDDING_DIM
_L = 16

_info = plsc.get_sparse_core_info()
_NC, _NS = _info.num_cores, _info.num_subcores
_NW = _NC * _NS

_BW = 512
_DH = _D // 2


def _lookup_impl(n_t, n_b, table_t16, idx_t):
    assert n_b == _NW * _BW and n_t % 2 == 0 and _BW % _L == 0
    mesh = plsc.VectorSubcoreMesh(core_axis_name="c", subcore_axis_name="s")

    @functools.partial(
        pl.kernel,
        mesh=mesh,
        out_type=jax.ShapeDtypeStruct((n_t, _D, n_b), jnp.float32),
        scratch_types=[
            pltpu.VMEM((_D, _L), jnp.float32),
            pltpu.VMEM((_BW,), jnp.int32),
            pltpu.VMEM((_BW,), jnp.int32),
            pltpu.VMEM((_DH, _BW), jnp.float32),
            pltpu.VMEM((_DH, _BW), jnp.float32),
            pltpu.SemaphoreType.DMA,
            pltpu.SemaphoreType.DMA,
            pltpu.SemaphoreType.DMA,
            pltpu.SemaphoreType.DMA,
        ],
    )
    def k(table_hbm, idx_hbm, out_hbm, tbl_v, idxa, idxb, buf0, buf1,
          sem0, sem1, semia, semib):
        sid = lax.axis_index("s")
        wid = sid * _NC + lax.axis_index("c")
        b0 = pl.multiple_of(wid * _BW, _BW)
        pltpu.sync_copy(table_hbm, tbl_v)

        def half(t, h, idx_v, buf, sem):
            d0 = h * _DH

            @pl.when(t >= 1)
            def _wait_prev():
                pltpu.make_async_copy(
                    buf, out_hbm.at[t, pl.ds(d0, _DH), pl.ds(b0, _BW)],
                    sem).wait()

            cols = [tbl_v[d0 + j, :] for j in range(_DH)]

            @plsc.parallel_loop(0, _BW // _L, 1, unroll=4)
            def _bb(bb):
                o = pl.multiple_of(bb * _L, _L)
                idxv = idx_v[pl.ds(o, _L)]
                for j in range(_DH):
                    buf[j, pl.ds(o, _L)] = (
                        cols[j].at[idxv].get(mode="promise_in_bounds"))

            pltpu.async_copy(
                buf, out_hbm.at[t, pl.ds(d0, _DH), pl.ds(b0, _BW)], sem)

        def step(t, idx_v, semi):
            pltpu.make_async_copy(
                idx_hbm.at[t, pl.ds(b0, _BW)], idx_v, semi).wait()
            half(t, 0, idx_v, buf0, sem0)
            half(t, 1, idx_v, buf1, sem1)

        def body(tp, carry):
            t0 = 2 * tp
            pltpu.async_copy(idx_hbm.at[t0 + 1, pl.ds(b0, _BW)], idxb, semib)
            step(t0, idxa, semia)

            @pl.when(t0 + 2 < n_t)
            def _prefetch_next():
                pltpu.async_copy(
                    idx_hbm.at[t0 + 2, pl.ds(b0, _BW)], idxa, semia)

            step(t0 + 1, idxb, semib)
            return carry

        pltpu.async_copy(idx_hbm.at[0, pl.ds(b0, _BW)], idxa, semia)
        lax.fori_loop(0, n_t // 2, body, 0)
        pltpu.make_async_copy(
            buf0, out_hbm.at[0, pl.ds(0, _DH), pl.ds(b0, _BW)], sem0).wait()
        pltpu.make_async_copy(
            buf1, out_hbm.at[0, pl.ds(_DH, _DH), pl.ds(b0, _BW)], sem1).wait()

    return k(table_t16, idx_t)


def kernel(inputs, table):
    b, t = inputs.shape
    idx_t = inputs.T
    table_t16 = jnp.zeros((_D, _L), jnp.float32).at[:, :4].set(table.T)
    out_t = _lookup_impl(t, b, table_t16, idx_t)
    return jnp.transpose(out_t, (2, 0, 1))

# --- scband reference (transcript-rebuilt; emitter-appended) ---
"""Pipeline reference for scband-action-encoder-65618510348818 (READ-ONLY COPY).

The authoritative reference and input builder live on the scoring server;
editing this copy changes nothing except your own understanding.
"""

import jax, jax.numpy as jnp
import numpy as np

EMBEDDING_DIM = 64
NUM_EMBEDDINGS = 4

def setup_inputs(seed: int = 0) -> dict:
    key = jax.random.key(seed)
    k1, k2 = jax.random.split(key)
    inputs = jax.random.randint(k1, (16384, 200), 0, NUM_EMBEDDINGS, dtype=jnp.int64 if jax.config.jax_enable_x64 else jnp.int32)
    table = jax.random.normal(k2, (NUM_EMBEDDINGS, EMBEDDING_DIM), dtype=jnp.float32)
    return {"inputs": inputs, "table": table}

def reference(inputs, table):
    # nn.Embedding forward: table[inputs]
    return jnp.take(table, inputs, axis=0)

if __name__ == "__main__":
    import jax
    _d = setup_inputs()
    print(jax.jit(kernel)(*tuple(_d.values())))

</pallas_src>

<mosaic_0001>
#map = affine_map<(d0, d1) -> (0, 0)>
#map1 = affine_map<(d0, d1) -> (0, 0, 0)>
module attributes {stable_mosaic.version = 14 : i64} {
  func.func @k(%arg0: i32, %arg1: i32, %arg2: memref<64x16xf32, #tpu.memory_space<hbm>>, %arg3: memref<200x16384xi32, #tpu.memory_space<hbm>>, %arg4: memref<200x64x16384xf32, #tpu.memory_space<hbm>>, %arg5: memref<64x16xf32, #tpu.memory_space<vmem>>, %arg6: memref<512xi32, #tpu.memory_space<vmem>>, %arg7: memref<512xi32, #tpu.memory_space<vmem>>, %arg8: memref<32x512xf32, #tpu.memory_space<vmem>>, %arg9: memref<32x512xf32, #tpu.memory_space<vmem>>, %arg10: memref<!tpu.dma_semaphore, #tpu.memory_space<semaphore_mem>>, %arg11: memref<!tpu.dma_semaphore, #tpu.memory_space<semaphore_mem>>, %arg12: memref<!tpu.dma_semaphore, #tpu.memory_space<semaphore_mem>>, %arg13: memref<!tpu.dma_semaphore, #tpu.memory_space<semaphore_mem>>) attributes {dimension_semantics = [#tpu.dimension_semantics<core_parallel>, #tpu.dimension_semantics<subcore_parallel>], iteration_bounds = array<i64: 2, 16>, scalar_prefetch = 0 : i64, scratch_operands = 9 : i64, tpu.core_type = #tpu.core_type<sc_vector_subcore>, window_params = [{transform_indices = #map}, {transform_indices = #map}, {transform_indices = #map1}]} {
    %mul3A = arith.constant 2 : i32
    %mul3A_0 = arith.muli %arg1, %mul3A : i32
    %add3A = arith.addi %mul3A_0, %arg0 : i32
    %mul3A_1 = arith.constant 512 : i32
    %mul3A_2 = arith.muli %add3A, %mul3A_1 : i32
    %multiple_of3A = tpu.assume_multiple %mul3A_2, 512 : i32
    "tpu.region"() ({
      %run_scoped3A = tpu.sem_alloc : memref<!tpu.dma_semaphore, #tpu.memory_space<semaphore_mem>>
      tpu.enqueue_dma source(%arg2 : memref<64x16xf32, #tpu.memory_space<hbm>>) target(%arg5 : memref<64x16xf32, #tpu.memory_space<vmem>>) target_semaphore(%run_scoped3A : memref<!tpu.dma_semaphore, #tpu.memory_space<semaphore_mem>>)
      tpu.wait_dma2 semaphore(%run_scoped3A : memref<!tpu.dma_semaphore, #tpu.memory_space<semaphore_mem>>) src(%arg2 : memref<64x16xf32, #tpu.memory_space<hbm>>) dst(%arg5 : memref<64x16xf32, #tpu.memory_space<vmem>>)
      tpu.yield
    }) : () -> ()
    %dma_start3A = arith.constant 0 : i32
    %dma_start3A_3 = tpu.memref_slice %arg3[%dma_start3A, %multiple_of3A] : memref<200x16384xi32, #tpu.memory_space<hbm>> -> memref<1x512xi32, #tpu.memory_space<hbm>>
    %dma_start3A_4 = tpu.memref_squeeze %dma_start3A_3 : memref<1x512xi32, #tpu.memory_space<hbm>> -> memref<512xi32, #tpu.memory_space<hbm>>
    %dma_start3A_5 = tpu.memref_slice %arg3[%dma_start3A, %multiple_of3A] : memref<200x16384xi32, #tpu.memory_space<hbm>> -> memref<1x512xi32, #tpu.memory_space<hbm>>
    %dma_start3A_6 = tpu.memref_squeeze %dma_start3A_5 : memref<1x512xi32, #tpu.memory_space<hbm>> -> memref<512xi32, #tpu.memory_space<hbm>>
    tpu.enqueue_dma source(%dma_start3A_6 : memref<512xi32, #tpu.memory_space<hbm>>) target(%arg6 : memref<512xi32, #tpu.memory_space<vmem>>) target_semaphore(%arg12 : memref<!tpu.dma_semaphore, #tpu.memory_space<semaphore_mem>>)
    %scan3A = arith.constant 0 : i32
    %scan3A_7 = arith.constant 0 : i32
    %scan3A_8 = arith.constant 100 : i32
    %scan3A_9 = arith.addi %scan3A_7, %scan3A_8 : i32
    %scan3A_10 = arith.constant 1 : i32
    scf.for %scan3A_25 = %scan3A_7 to %scan3A_9 step %scan3A_10  : i32 {
      %mul3A_26 = arith.constant 2 : i32
      %mul3A_27 = arith.muli %mul3A_26, %scan3A_25 : i32
      %add3A_28 = arith.constant 1 : i32
      %add3A_29 = arith.addi %mul3A_27, %add3A_28 : i32
      %dma_start3A_30 = tpu.memref_slice %arg3[%add3A_29, %multiple_of3A] : memref<200x16384xi32, #tpu.memory_space<hbm>> -> memref<1x512xi32, #tpu.memory_space<hbm>>
      %dma_start3A_31 = tpu.memref_squeeze %dma_start3A_30 : memref<1x512xi32, #tpu.memory_space<hbm>> -> memref<512xi32, #tpu.memory_space<hbm>>
      %dma_start3A_32 = tpu.memref_slice %arg3[%add3A_29, %multiple_of3A] : memref<200x16384xi32, #tpu.memory_space<hbm>> -> memref<1x512xi32, #tpu.memory_space<hbm>>
      %dma_start3A_33 = tpu.memref_squeeze %dma_start3A_32 : memref<1x512xi32, #tpu.memory_space<hbm>> -> memref<512xi32, #tpu.memory_space<hbm>>
      tpu.enqueue_dma source(%dma_start3A_33 : memref<512xi32, #tpu.memory_space<hbm>>) target(%arg7 : memref<512xi32, #tpu.memory_space<vmem>>) target_semaphore(%arg13 : memref<!tpu.dma_semaphore, #tpu.memory_space<semaphore_mem>>)
      %dma_wait3A_34 = tpu.memref_slice %arg3[%mul3A_27, %multiple_of3A] : memref<200x16384xi32, #tpu.memory_space<hbm>> -> memref<1x512xi32, #tpu.memory_space<hbm>>
      %dma_wait3A_35 = tpu.memref_squeeze %dma_wait3A_34 : memref<1x512xi32, #tpu.memory_space<hbm>> -> memref<512xi32, #tpu.memory_space<hbm>>
      %dma_wait3A_36 = tpu.memref_slice %arg3[%mul3A_27, %multiple_of3A] : memref<200x16384xi32, #tpu.memory_space<hbm>> -> memref<1x512xi32, #tpu.memory_space<hbm>>
      %dma_wait3A_37 = tpu.memref_squeeze %dma_wait3A_36 : memref<1x512xi32, #tpu.memory_space<hbm>> -> memref<512xi32, #tpu.memory_space<hbm>>
      tpu.wait_dma2 semaphore(%arg12 : memref<!tpu.dma_semaphore, #tpu.memory_space<semaphore_mem>>) src(%dma_wait3A_37 : memref<512xi32, #tpu.memory_space<hbm>>) dst(%arg6 : memref<512xi32, #tpu.memory_space<vmem>>)
      %ge3A = arith.constant 1 : i32
      %ge3A_38 = arith.cmpi sge, %mul3A_27, %ge3A : i32
      %convert_element_type3A = arith.extui %ge3A_38 : i1 to i32
      %cond3A = arith.constant 0 : i32
      %cond3A_39 = arith.cmpi ne, %convert_element_type3A, %cond3A : i32
      scf.if %cond3A_39 {
        %dma_wait3A_741 = arith.constant 0 : i32
        %dma_wait3A_742 = tpu.memref_slice %arg4[%mul3A_27, %dma_wait3A_741, %multiple_of3A] : memref<200x64x16384xf32, #tpu.memory_space<hbm>> -> memref<1x32x512xf32, #tpu.memory_space<hbm>>
        %dma_wait3A_743 = tpu.memref_squeeze %dma_wait3A_742 : memref<1x32x512xf32, #tpu.memory_space<hbm>> -> memref<32x512xf32, #tpu.memory_space<hbm>>
        %dma_wait3A_744 = arith.constant 0 : i32
        %dma_wait3A_745 = tpu.memref_slice %arg4[%mul3A_27, %dma_wait3A_744, %multiple_of3A] : memref<200x64x16384xf32, #tpu.memory_space<hbm>> -> memref<1x32x512xf32, #tpu.memory_space<hbm>>
        %dma_wait3A_746 = tpu.memref_squeeze %dma_wait3A_745 : memref<1x32x512xf32, #tpu.memory_space<hbm>> -> memref<32x512xf32, #tpu.memory_space<hbm>>
        tpu.wait_dma2 semaphore(%arg10 : memref<!tpu.dma_semaphore, #tpu.memory_space<semaphore_mem>>) src(%arg8 : memref<32x512xf32, #tpu.memory_space<vmem>>) dst(%dma_wait3A_746 : memref<32x512xf32, #tpu.memory_space<hbm>>)
      } else {
      }
      %get3A = arith.constant 0 : i32
      %get3A_40 = arith.index_cast %get3A : i32 to index
      %get3A_41 = arith.constant 0 : index
      %get3A_42 = tpu.vector_load %arg5[%get3A_40, %get3A_41] {strides = array<i32>} : memref<64x16xf32, #tpu.memory_space<vmem>>, vector<1x16xf32>,
      %get3A_43 = vector.shape_cast %get3A_42 : vector<1x16xf32> to vector<16xf32>
      %get3A_44 = arith.constant 1 : i32
      %get3A_45 = arith.index_cast %get3A_44 : i32 to index
      %get3A_46 = arith.constant 0 : index
      %get3A_47 = tpu.vector_load %arg5[%get3A_45, %get3A_46] {strides = array<i32>} : memref<64x16xf32, #tpu.memory_space<vmem>>, vector<1x16xf32>,
      %get3A_48 = vector.shape_cast %get3A_47 : vector<1x16xf32> to vector<16xf32>
      %get3A_49 = arith.constant 2 : i32
      %get3A_50 = arith.index_cast %get3A_49 : i32 to index
      %get3A_51 = arith.constant 0 : index
      %get3A_52 = tpu.vector_load %arg5[%get3A_50, %get3A_51] {strides = array<i32>} : memref<64x16xf32, #tpu.memory_space<vmem>>, vector<1x16xf32>,
      %get3A_53 = vector.shape_cast %get3A_52 : vector<1x16xf32> to vector<16xf32>
      %get3A_54 = arith.constant 3 : i32
      %get3A_55 = arith.index_cast %get3A_54 : i32 to index
      %get3A_56 = arith.constant 0 : index
      %get3A_57 = tpu.vector_load %arg5[%get3A_55, %get3A_56] {strides = array<i32>} : memref<64x16xf32, #tpu.memory_space<vmem>>, vector<1x16xf32>,
      %get3A_58 = vector.shape_cast %get3A_57 : vector<1x16xf32> to vector<16xf32>
      %get3A_59 = arith.constant 4 : i32
      %get3A_60 = arith.index_cast %get3A_59 : i32 to index
      %get3A_61 = arith.constant 0 : index
      %get3A_62 = tpu.vector_load %arg5[%get3A_60, %get3A_61] {strides = array<i32>} : memref<64x16xf32, #tpu.memory_space<vmem>>, vector<1x16xf32>,
      %get3A_63 = vector.shape_cast %get3A_62 : vector<1x16xf32> to vector<16xf32>
      %get3A_64 = arith.constant 5 : i32
      %get3A_65 = arith.index_cast %get3A_64 : i32 to index
      %get3A_66 = arith.constant 0 : index
      %get3A_67 = tpu.vector_load %arg5[%get3A_65, %get3A_66] {strides = array<i32>} : memref<64x16xf32, #tpu.memory_space<vmem>>, vector<1x16xf32>,
      %get3A_68 = vector.shape_cast %get3A_67 : vector<1x16xf32> to vector<16xf32>
      %get3A_69 = arith.constant 6 : i32
      %get3A_70 = arith.index_cast %get3A_69 : i32 to index
      %get3A_71 = arith.constant 0 : index
      %get3A_72 = tpu.vector_load %arg5[%get3A_70, %get3A_71] {strides = array<i32>} : memref<64x16xf32, #tpu.memory_space<vmem>>, vector<1x16xf32>,
      %get3A_73 = vector.shape_cast %get3A_72 : vector<1x16xf32> to vector<16xf32>
      %get3A_74 = arith.constant 7 : i32
      %get3A_75 = arith.index_cast %get3A_74 : i32 to index
      %get3A_76 = arith.constant 0 : index
      %get3A_77 = tpu.vector_load %arg5[%get3A_75, %get3A_76] {strides = array<i32>} : memref<64x16xf32, #tpu.memory_space<vmem>>, vector<1x16xf32>,
      %get3A_78 = vector.shape_cast %get3A_77 : vector<1x16xf32> to vector<16xf32>
      %get3A_79 = arith.constant 8 : i32
      %get3A_80 = arith.index_cast %get3A_79 : i32 to index
      %get3A_81 = arith.constant 0 : index
      %get3A_82 = tpu.vector_load %arg5[%get3A_80, %get3A_81] {strides = array<i32>} : memref<64x16xf32, #tpu.memory_space<vmem>>, vector<1x16xf32>,
      %get3A_83 = vector.shape_cast %get3A_82 : vector<1x16xf32> to vector<16xf32>
      %get3A_84 = arith.constant 9 : i32
      %get3A_85 = arith.index_cast %get3A_84 : i32 to index
      %get3A_86 = arith.constant 0 : index
      %get3A_87 = tpu.vector_load %arg5[%get3A_85, %get3A_86] {strides = array<i32>} : memref<64x16xf32, #tpu.memory_space<vmem>>, vector<1x16xf32>,
      %get3A_88 = vector.shape_cast %get3A_87 : vector<1x16xf32> to vector<16xf32>
      %get3A_89 = arith.constant 10 : i32
      %get3A_90 = arith.index_cast %get3A_89 : i32 to index
      %get3A_91 = arith.constant 0 : index
      %get3A_92 = tpu.vector_load %arg5[%get3A_90, %get3A_91] {strides = array<i32>} : memref<64x16xf32, #tpu.memory_space<vmem>>, vector<1x16xf32>,
      %get3A_93 = vector.shape_cast %get3A_92 : vector<1x16xf32> to vector<16xf32>
      %get3A_94 = arith.constant 11 : i32
      %get3A_95 = arith.index_cast %get3A_94 : i32 to index
      %get3A_96 = arith.constant 0 : index
      %get3A_97 = tpu.vector_load %arg5[%get3A_95, %get3A_96] {strides = array<i32>} : memref<64x16xf32, #tpu.memory_space<vmem>>, vector<1x16xf32>,
      %get3A_98 = vector.shape_cast %get3A_97 : vector<1x16xf32> to vector<16xf32>
      %get3A_99 = arith.constant 12 : i32
      %get3A_100 = arith.index_cast %get3A_99 : i32 to index
      %get3A_101 = arith.constant 0 : index
      %get3A_102 = tpu.vector_load %arg5[%get3A_100, %get3A_101] {strides = array<i32>} : memref<64x16xf32, #tpu.memory_space<vmem>>, vector<1x16xf32>,
      %get3A_103 = vector.shape_cast %get3A_102 : vector<1x16xf32> to vector<16xf32>
      %get3A_104 = arith.constant 13 : i32
      %get3A_105 = arith.index_cast %get3A_104 : i32 to index
      %get3A_106 = arith.constant 0 : index
      %get3A_107 = tpu.vector_load %arg5[%get3A_105, %get3A_106] {strides = array<i32>} : memref<64x16xf32, #tpu.memory_space<vmem>>, vector<1x16xf32>,
      %get3A_108 = vector.shape_cast %get3A_107 : vector<1x16xf32> to vector<16xf32>
      %get3A_109 = arith.constant 14 : i32
      %get3A_110 = arith.index_cast %get3A_109 : i32 to index
      %get3A_111 = arith.constant 0 : index
      %get3A_112 = tpu.vector_load %arg5[%get3A_110, %get3A_111] {strides = array<i32>} : memref<64x16xf32, #tpu.memory_space<vmem>>, vector<1x16xf32>,
      %get3A_113 = vector.shape_cast %get3A_112 : vector<1x16xf32> to vector<16xf32>
      %get3A_114 = arith.constant 15 : i32
      %get3A_115 = arith.index_cast %get3A_114 : i32 to index
      %get3A_116 = arith.constant 0 : index
      %get3A_117 = tpu.vector_load %arg5[%get3A_115, %get3A_116] {strides = array<i32>} : memref<64x16xf32, #tpu.memory_space<vmem>>, vector<1x16xf32>,
      %get3A_118 = vector.shape_cast %get3A_117 : vector<1x16xf32> to vector<16xf32>
      %get3A_119 = arith.constant 16 : i32
      %get3A_120 = arith.index_cast %get3A_119 : i32 to index
      %get3A_121 = arith.constant 0 : index
      %get3A_122 = tpu.vector_load %arg5[%get3A_120, %get3A_121] {strides = array<i32>} : memref<64x16xf32, #tpu.memory_space<vmem>>, vector<1x16xf32>,
      %get3A_123 = vector.shape_cast %get3A_122 : vector<1x16xf32> to vector<16xf32>
      %get3A_124 = arith.constant 17 : i32
      %get3A_125 = arith.index_cast %get3A_124 : i32 to index
      %get3A_126 = arith.constant 0 : index
      %get3A_127 = tpu.vector_load %arg5[%get3A_125, %get3A_126] {strides = array<i32>} : memref<64x16xf32, #tpu.memory_space<vmem>>, vector<1x16xf32>,
      %get3A_128 = vector.shape_cast %get3A_127 : vector<1x16xf32> to vector<16xf32>
      %get3A_129 = arith.constant 18 : i32
      %get3A_130 = arith.index_cast %get3A_129 : i32 to index
      %get3A_131 = arith.constant 0 : index
      %get3A_132 = tpu.vector_load %arg5[%get3A_130, %get3A_131] {strides = array<i32>} : memref<64x16xf32, #tpu.memory_space<vmem>>, vector<1x16xf32>,
      %get3A_133 = vector.shape_cast %get3A_132 : vector<1x16xf32> to vector<16xf32>
      %get3A_134 = arith.constant 19 : i32
      %get3A_135 = arith.index_cast %get3A_134 : i32 to index
      %get3A_136 = arith.constant 0 : index
      %get3A_137 = tpu.vector_load %arg5[%get3A_135, %get3A_136] {strides = array<i32>} : memref<64x16xf32, #tpu.memory_space<vmem>>, vector<1x16xf32>,
      %get3A_138 = vector.shape_cast %get3A_137 : vector<1x16xf32> to vector<16xf32>
      %get3A_139 = arith.constant 20 : i32
      %get3A_140 = arith.index_cast %get3A_139 : i32 to index
      %get3A_141 = arith.constant 0 : index
      %get3A_142 = tpu.vector_load %arg5[%get3A_140, %get3A_141] {strides = array<i32>} : memref<64x16xf32, #tpu.memory_space<vmem>>, vector<1x16xf32>,
      %get3A_143 = vector.shape_cast %get3A_142 : vector<1x16xf32> to vector<16xf32>
      %get3A_144 = arith.constant 21 : i32
      %get3A_145 = arith.index_cast %get3A_144 : i32 to index
      %get3A_146 = arith.constant 0 : index
      %get3A_147 = tpu.vector_load %arg5[%get3A_145, %get3A_146] {strides = array<i32>} : memref<64x16xf32, #tpu.memory_space<vmem>>, vector<1x16xf32>,
      %get3A_148 = vector.shape_cast %get3A_147 : vector<1x16xf32> to vector<16xf32>
      %get3A_149 = arith.constant 22 : i32
      %get3A_150 = arith.index_cast %get3A_149 : i32 to index
      %get3A_151 = arith.constant 0 : index
      %get3A_152 = tpu.vector_load %arg5[%get3A_150, %get3A_151] {strides = array<i32>} : memref<64x16xf32, #tpu.memory_space<vmem>>, vector<1x16xf32>,
      %get3A_153 = vector.shape_cast %get3A_152 : vector<1x16xf32> to vector<16xf32>
      %get3A_154 = arith.constant 23 : i32
      %get3A_155 = arith.index_cast %get3A_154 : i32 to index
      %get3A_156 = arith.constant 0 : index
      %get3A_157 = tpu.vector_load %arg5[%get3A_155, %get3A_156] {strides = array<i32>} : memref<64x16xf32, #tpu.memory_space<vmem>>, vector<1x16xf32>,
      %get3A_158 = vector.shape_cast %get3A_157 : vector<1x16xf32> to vector<16xf32>
      %get3A_159 = arith.constant 24 : i32
      %get3A_160 = arith.index_cast %get3A_159 : i32 to index
      %get3A_161 = arith.constant 0 : index
      %get3A_162 = tpu.vector_load %arg5[%get3A_160, %get3A_161] {strides = array<i32>} : memref<64x16xf32, #tpu.memory_space<vmem>>, vector<1x16xf32>,
      %get3A_163 = vector.shape_cast %get3A_162 : vector<1x16xf32> to vector<16xf32>
      %get3A_164 = arith.constant 25 : i32
      %get3A_165 = arith.index_cast %get3A_164 : i32 to index
      %get3A_166 = arith.constant 0 : index
      %get3A_167 = tpu.vector_load %arg5[%get3A_165, %get3A_166] {strides = array<i32>} : memref<64x16xf32, #tpu.memory_space<vmem>>, vector<1x16xf32>,
      %get3A_168 = vector.shape_cast %get3A_167 : vector<1x16xf32> to vector<16xf32>
      %get3A_169 = arith.constant 26 : i32
      %get3A_170 = arith.index_cast %get3A_169 : i32 to index
      %get3A_171 = arith.constant 0 : index
      %get3A_172 = tpu.vector_load %arg5[%get3A_170, %get3A_171] {strides = array<i32>} : memref<64x16xf32, #tpu.memory_space<vmem>>, vector<1x16xf32>,
      %get3A_173 = vector.shape_cast %get3A_172 : vector<1x16xf32> to vector<16xf32>
      %get3A_174 = arith.constant 27 : i32
      %get3A_175 = arith.index_cast %get3A_174 : i32 to index
      %get3A_176 = arith.constant 0 : index
      %get3A_177 = tpu.vector_load %arg5[%get3A_175, %get3A_176] {strides = array<i32>} : memref<64x16xf32, #tpu.memory_space<vmem>>, vector<1x16xf32>,
      %get3A_178 = vector.shape_cast %get3A_177 : vector<1x16xf32> to vector<16xf32>
      %get3A_179 = arith.constant 28 : i32
      %get3A_180 = arith.index_cast %get3A_179 : i32 to index
      %get3A_181 = arith.constant 0 : index
      %get3A_182 = tpu.vector_load %arg5[%get3A_180, %get3A_181] {strides = array<i32>} : memref<64x16xf32, #tpu.memory_space<vmem>>, vector<1x16xf32>,
      %get3A_183 = vector.shape_cast %get3A_182 : vector<1x16xf32> to vector<16xf32>
      %get3A_184 = arith.constant 29 : i32
      %get3A_185 = arith.index_cast %get3A_184 : i32 to index
      %get3A_186 = arith.constant 0 : index
      %get3A_187 = tpu.vector_load %arg5[%get3A_185, %get3A_186] {strides = array<i32>} : memref<64x16xf32, #tpu.memory_space<vmem>>, vector<1x16xf32>,
      %get3A_188 = vector.shape_cast %get3A_187 : vector<1x16xf32> to vector<16xf32>
      %get3A_189 = arith.constant 30 : i32
      %get3A_190 = arith.index_cast %get3A_189 : i32 to index
      %get3A_191 = arith.constant 0 : index
      %get3A_192 = tpu.vector_load %arg5[%get3A_190, %get3A_191] {strides = array<i32>} : memref<64x16xf32, #tpu.memory_space<vmem>>, vector<1x16xf32>,
      %get3A_193 = vector.shape_cast %get3A_192 : vector<1x16xf32> to vector<16xf32>
      %get3A_194 = arith.constant 31 : i32
      %get3A_195 = arith.index_cast %get3A_194 : i32 to index
      %get3A_196 = arith.constant 0 : index
      %get3A_197 = tpu.vector_load %arg5[%get3A_195, %get3A_196] {strides = array<i32>} : memref<64x16xf32, #tpu.memory_space<vmem>>, vector<1x16xf32>,
      %get3A_198 = vector.shape_cast %get3A_197 : vector<1x16xf32> to vector<16xf32>
      %parallel_loop3A = arith.constant 0 : i32
      %parallel_loop3A_199 = arith.constant 32 : i32
      %parallel_loop3A_200 = arith.constant 1 : i32
      scf.for %parallel_loop3A_741 = %parallel_loop3A to %parallel_loop3A_199 step %parallel_loop3A_200  : i32 {
        %parallel_loop3A_742 = arith.constant 16 : i32
        %parallel_loop3A_743 = arith.muli %parallel_loop3A_741, %parallel_loop3A_742 : i32
        %parallel_loop3A_744 = tpu.assume_multiple %parallel_loop3A_743, 16 : i32
        %parallel_loop3A_745 = arith.index_cast %parallel_loop3A_744 : i32 to index
        %parallel_loop3A_746 = tpu.vector_load %arg6[%parallel_loop3A_745] {strides = array<i32>} : memref<512xi32, #tpu.memory_space<vmem>>, vector<16xi32>,
        %parallel_loop3A_747 = vector.shape_cast %parallel_loop3A_746 : vector<16xi32> to vector<16xi32>
        %parallel_loop3A_748 = arith.constant 0 : i32
        %parallel_loop3A_749 = vector.broadcast %parallel_loop3A_748 : i32 to vector<16xi32>
        %parallel_loop3A_750 = arith.cmpi slt, %parallel_loop3A_747, %parallel_loop3A_749 : vector<16xi32>
        %parallel_loop3A_751 = arith.constant 16 : i32
        %parallel_loop3A_752 = vector.broadcast %parallel_loop3A_751 : i32 to vector<16xi32>
        %parallel_loop3A_753 = arith.addi %parallel_loop3A_747, %parallel_loop3A_752 : vector<16xi32>
        %parallel_loop3A_754 = arith.select %parallel_loop3A_750, %parallel_loop3A_753, %parallel_loop3A_747 : vector<16xi1>, vector<16xi32>
        %parallel_loop3A_755 = vector.shape_cast %parallel_loop3A_754 : vector<16xi32> to vector<16x1xi32>
        %parallel_loop3A_756 = vector.shape_cast %parallel_loop3A_755 : vector<16x1xi32> to vector<16xi32>
        %parallel_loop3A_757 = tpu.dynamic_gather %get3A_43[%parallel_loop3A_756] in [0] : vector<16xf32>, vector<16xi32> -> vector<16xf32>
        %parallel_loop3A_758 = arith.constant 0 : i32
        %parallel_loop3A_759 = arith.index_cast %parallel_loop3A_758 : i32 to index
        %parallel_loop3A_760 = arith.index_cast %parallel_loop3A_744 : i32 to index
        %parallel_loop3A_761 = tpu.vector_load %arg8[%parallel_loop3A_759, %parallel_loop3A_760] {strides = array<i32>} : memref<32x512xf32, #tpu.memory_space<vmem>>, vector<1x16xf32>,
        %parallel_loop3A_762 = vector.shape_cast %parallel_loop3A_761 : vector<1x16xf32> to vector<16xf32>
        %parallel_loop3A_763 = vector.shape_cast %parallel_loop3A_757 : vector<16xf32> to vector<1x16xf32>
        tpu.vector_store %arg8[%parallel_loop3A_759, %parallel_loop3A_760], %parallel_loop3A_763 {strides = array<i32>} : memref<32x512xf32, #tpu.memory_space<vmem>>, vector<1x16xf32>,
        %parallel_loop3A_764 = arith.constant 0 : i32
        %parallel_loop3A_765 = vector.broadcast %parallel_loop3A_764 : i32 to vector<16xi32>
        %parallel_loop3A_766 = arith.cmpi slt, %parallel_loop3A_747, %parallel_loop3A_765 : vector<16xi32>
        %parallel_loop3A_767 = arith.constant 16 : i32
        %parallel_loop3A_768 = vector.broadcast %parallel_loop3A_767 : i32 to vector<16xi32>
        %parallel_loop3A_769 = arith.addi %parallel_loop3A_747, %parallel_loop3A_768 : vector<16xi32>
        %parallel_loop3A_770 = arith.select %parallel_loop3A_766, %parallel_loop3A_769, %parallel_loop3A_747 : vector<16xi1>, vector<16xi32>
        %parallel_loop3A_771 = vector.shape_cast %parallel_loop3A_770 : vector<16xi32> to vector<16x1xi32>
        %parallel_loop3A_772 = vector.shape_cast %parallel_loop3A_771 : vector<16x1xi32> to vector<16xi32>
        %parallel_loop3A_773 = tpu.dynamic_gather %get3A_48[%parallel_loop3A_772] in [0] : vector<16xf32>, vector<16xi32> -> vector<16xf32>
        %parallel_loop3A_774 = arith.constant 1 : i32
        %parallel_loop3A_775 = arith.index_cast %parallel_loop3A_774 : i32 to index
        %parallel_loop3A_776 = arith.index_cast %parallel_loop3A_744 : i32 to index
        %parallel_loop3A_777 = tpu.vector_load %arg8[%parallel_loop3A_775, %parallel_loop3A_776] {strides = array<i32>} : memref<32x512xf32, #tpu.memory_space<vmem>>, vector<1x16xf32>,
        %parallel_loop3A_778 = vector.shape_cast %parallel_loop3A_777 : vector<1x16xf32> to vector<16xf32>
        %parallel_loop3A_779 = vector.shape_cast %parallel_loop3A_773 : vector<16xf32> to vector<1x16xf32>
        tpu.vector_store %arg8[%parallel_loop3A_775, %parallel_loop3A_776], %parallel_loop3A_779 {strides = array<i32>} : memref<32x512xf32, #tpu.memory_space<vmem>>, vector<1x16xf32>,
        %parallel_loop3A_780 = arith.constant 0 : i32
        %parallel_loop3A_781 = vector.broadcast %parallel_loop3A_780 : i32 to vector<16xi32>
        %parallel_loop3A_782 = arith.cmpi slt, %parallel_loop3A_747, %parallel_loop3A_781 : vector<16xi32>
        %parallel_loop3A_783 = arith.constant 16 : i32
        %parallel_loop3A_784 = vector.broadcast %parallel_loop3A_783 : i32 to vector<16xi32>
        %parallel_loop3A_785 = arith.addi %parallel_loop3A_747, %parallel_loop3A_784 : vector<16xi32>
        %parallel_loop3A_786 = arith.select %parallel_loop3A_782, %parallel_loop3A_785, %parallel_loop3A_747 : vector<16xi1>, vector<16xi32>
        %parallel_loop3A_787 = vector.shape_cast %parallel_loop3A_786 : vector<16xi32> to vector<16x1xi32>
        %parallel_loop3A_788 = vector.shape_cast %parallel_loop3A_787 : vector<16x1xi32> to vector<16xi32>
        %parallel_loop3A_789 = tpu.dynamic_gather %get3A_53[%parallel_loop3A_788] in [0] : vector<16xf32>, vector<16xi32> -> vector<16xf32>
        %parallel_loop3A_790 = arith.constant 2 : i32
        %parallel_loop3A_791 = arith.index_cast %parallel_loop3A_790 : i32 to index
        %parallel_loop3A_792 = arith.index_cast %parallel_loop3A_744 : i32 to index
        %parallel_loop3A_793 = tpu.vector_load %arg8[%parallel_loop3A_791, %parallel_loop3A_792] {strides = array<i32>} : memref<32x512xf32, #tpu.memory_space<vmem>>, vector<1x16xf32>,
        %parallel_loop3A_794 = vector.shape_cast %parallel_loop3A_793 : vector<1x16xf32> to vector<16xf32>
        %parallel_loop3A_795 = vector.shape_cast %parallel_loop3A_789 : vector<16xf32> to vector<1x16xf32>
        tpu.vector_store %arg8[%parallel_loop3A_791, %parallel_loop3A_792], %parallel_loop3A_795 {strides = array<i32>} : memref<32x512xf32, #tpu.memory_space<vmem>>, vector<1x16xf32>,
        %parallel_loop3A_796 = arith.constant 0 : i32
        %parallel_loop3A_797 = vector.broadcast %parallel_loop3A_796 : i32 to vector<16xi32>
        %parallel_loop3A_798 = arith.cmpi slt, %parallel_loop3A_747, %parallel_loop3A_797 : vector<16xi32>
        %parallel_loop3A_799 = arith.constant 16 : i32
        %parallel_loop3A_800 = vector.broadcast %parallel_loop3A_799 : i32 to vector<16xi32>
        %parallel_loop3A_801 = arith.addi %parallel_loop3A_747, %parallel_loop3A_800 : vector<16xi32>
        %parallel_loop3A_802 = arith.select %parallel_loop3A_798, %parallel_loop3A_801, %parallel_loop3A_747 : vector<16xi1>, vector<16xi32>
        %parallel_loop3A_803 = vector.shape_cast %parallel_loop3A_802 : vector<16xi32> to vector<16x1xi32>
        %parallel_loop3A_804 = vector.shape_cast %parallel_loop3A_803 : vector<16x1xi32> to vector<16xi32>
        %parallel_loop3A_805 = tpu.dynamic_gather %get3A_58[%parallel_loop3A_804] in [0] : vector<16xf32>, vector<16xi32> -> vector<16xf32>
        %parallel_loop3A_806 = arith.constant 3 : i32
        %parallel_loop3A_807 = arith.index_cast %parallel_loop3A_806 : i32 to index
        %parallel_loop3A_808 = arith.index_cast %parallel_loop3A_744 : i32 to index
        %parallel_loop3A_809 = tpu.vector_load %arg8[%parallel_loop3A_807, %parallel_loop3A_808] {strides = array<i32>} : memref<32x512xf32, #tpu.memory_space<vmem>>, vector<1x16xf32>,
        %parallel_loop3A_810 = vector.shape_cast %parallel_loop3A_809 : vector<1x16xf32> to vector<16xf32>
        %parallel_loop3A_811 = vector.shape_cast %parallel_loop3A_805 : vector<16xf32> to vector<1x16xf32>
        tpu.vector_store %arg8[%parallel_loop3A_807, %parallel_loop3A_808], %parallel_loop3A_811 {strides = array<i32>} : memref<32x512xf32, #tpu.memory_space<vmem>>, vector<1x16xf32>,
        %parallel_loop3A_812 = arith.constant 0 : i32
        %parallel_loop3A_813 = vector.broadcast %parallel_loop3A_812 : i32 to vector<16xi32>
        %parallel_loop3A_814 = arith.cmpi slt, %parallel_loop3A_747, %parallel_loop3A_813 : vector<16xi32>
        %parallel_loop3A_815 = arith.constant 16 : i32
        %parallel_loop3A_816 = vector.broadcast %parallel_loop3A_815 : i32 to vector<16xi32>
        %parallel_loop3A_817 = arith.addi %parallel_loop3A_747, %parallel_loop3A_816 : vector<16xi32>
        %parallel_loop3A_818 = arith.select %parallel_loop3A_814, %parallel_loop3A_817, %parallel_loop3A_747 : vector<16xi1>, vector<16xi32>
        %parallel_loop3A_819 = vector.shape_cast %parallel_loop3A_818 : vector<16xi32> to vector<16x1xi32>
        %parallel_loop3A_820 = vector.shape_cast %parallel_loop3A_819 : vector<16x1xi32> to vector<16xi32>
        %parallel_loop3A_821 = tpu.dynamic_gather %get3A_63[%parallel_loop3A_820] in [0] : vector<16xf32>, vector<16xi32> -> vector<16xf32>
        %parallel_loop3A_822 = arith.constant 4 : i32
        %parallel_loop3A_823 = arith.index_cast %parallel_loop3A_822 : i32 to index
        %parallel_loop3A_824 = arith.index_cast %parallel_loop3A_744 : i32 to index
        %parallel_loop3A_825 = tpu.vector_load %arg8[%parallel_loop3A_823, %parallel_loop3A_824] {strides = array<i32>} : memref<32x512xf32, #tpu.memory_space<vmem>>, vector<1x16xf32>,
        %parallel_loop3A_826 = vector.shape_cast %parallel_loop3A_825 : vector<1x16xf32> to vector<16xf32>
        %parallel_loop3A_827 = vector.shape_cast %parallel_loop3A_821 : vector<16xf32> to vector<1x16xf32>
        tpu.vector_store %arg8[%parallel_loop3A_823, %parallel_loop3A_824], %parallel_loop3A_827 {strides = array<i32>} : memref<32x512xf32, #tpu.memory_space<vmem>>, vector<1x16xf32>,
        %parallel_loop3A_828 = arith.constant 0 : i32
        %parallel_loop3A_829 = vector.broadcast %parallel_loop3A_828 : i32 to vector<16xi32>
        %parallel_loop3A_830 = arith.cmpi slt, %parallel_loop3A_747, %parallel_loop3A_829 : vector<16xi32>
        %parallel_loop3A_831 = arith.constant 16 : i32
        %parallel_loop3A_832 = vector.broadcast %parallel_loop3A_831 : i32 to vector<16xi32>
        %parallel_loop3A_833 = arith.addi %parallel_loop3A_747, %parallel_loop3A_832 : vector<16xi32>
        %parallel_loop3A_834 = arith.select %parallel_loop3A_830, %parallel_loop3A_833, %parallel_loop3A_747 : vector<16xi1>, vector<16xi32>
        %parallel_loop3A_835 = vector.shape_cast %parallel_loop3A_834 : vector<16xi32> to vector<16x1xi32>
        %parallel_loop3A_836 = vector.shape_cast %parallel_loop3A_835 : vector<16x1xi32> to vector<16xi32>
        %parallel_loop3A_837 = tpu.dynamic_gather %get3A_68[%parallel_loop3A_836] in [0] : vector<16xf32>, vector<16xi32> -> vector<16xf32>
        %parallel_loop3A_838 = arith.constant 5 : i32
        %parallel_loop3A_839 = arith.index_cast %parallel_loop3A_838 : i32 to index
        %parallel_loop3A_840 = arith.index_cast %parallel_loop3A_744 : i32 to index
        %parallel_loop3A_841 = tpu.vector_load %arg8[%parallel_loop3A_839, %parallel_loop3A_840] {strides = array<i32>} : memref<32x512xf32, #tpu.memory_space<vmem>>, vector<1x16xf32>,
        %parallel_loop3A_842 = vector.shape_cast %parallel_loop3A_841 : vector<1x16xf32> to vector<16xf32>
        %parallel_loop3A_843 = vector.shape_cast %parallel_loop3A_837 : vector<16xf32> to vector<1x16xf32>
        tpu.vector_store %arg8[%parallel_loop3A_839, %parallel_loop3A_840], %parallel_loop3A_843 {strides = array<i32>} : memref<32x512xf32, #tpu.memory_space<vmem>>, vector<1x16xf32>,
        %parallel_loop3A_844 = arith.constant 0 : i32
        %parallel_loop3A_845 = vector.broadcast %parallel_loop3A_844 : i32 to vector<16xi32>
        %parallel_loop3A_846 = arith.cmpi slt, %parallel_loop3A_747, %parallel_loop3A_845 : vector<16xi32>
        %parallel_loop3A_847 = arith.constant 16 : i32
        %parallel_loop3A_848 = vector.broadcast %parallel_loop3A_847 : i32 to vector<16xi32>
        %parallel_loop3A_849 = arith.addi %parallel_loop3A_747, %parallel_loop3A_848 : vector<16xi32>
        %parallel_loop3A_850 = arith.select %parallel_loop3A_846, %parallel_loop3A_849, %parallel_loop3A_747 : vector<16xi1>, vector<16xi32>
        %parallel_loop3A_851 = vector.shape_cast %parallel_loop3A_850 : vector<16xi32> to vector<16x1xi32>
        %parallel_loop3A_852 = vector.shape_cast %parallel_loop3A_851 : vector<16x1xi32> to vector<16xi32>
        %parallel_loop3A_853 = tpu.dynamic_gather %get3A_73[%parallel_loop3A_852] in [0] : vector<16xf32>, vector<16xi32> -> vector<16xf32>
        %parallel_loop3A_854 = arith.constant 6 : i32
        %parallel_loop3A_855 = arith.index_cast %parallel_loop3A_854 : i32 to index
        %parallel_loop3A_856 = arith.index_cast %parallel_loop3A_744 : i32 to index
        %parallel_loop3A_857 = tpu.vector_load %arg8[%parallel_loop3A_855, %parallel_loop3A_856] {strides = array<i32>} : memref<32x512xf32, #tpu.memory_space<vmem>>, vector<1x16xf32>,
        %parallel_loop3A_858 = vector.shape_cast %parallel_loop3A_857 : vector<1x16xf32> to vector<16xf32>
        %parallel_loop3A_859 = vector.shape_cast %parallel_loop3A_853 : vector<16xf32> to vector<1x16xf32>
        tpu.vector_store %arg8[%parallel_loop3A_855, %parallel_loop3A_856], %parallel_loop3A_859 {strides = array<i32>} : memref<32x512xf32, #tpu.memory_space<vmem>>, vector<1x16xf32>,
        %parallel_loop3A_860 = arith.constant 0 : i32
        %parallel_loop3A_861 = vector.broadcast %parallel_loop3A_860 : i32 to vector<16xi32>
        %parallel_loop3A_862 = arith.cmpi slt, %parallel_loop3A_747, %parallel_loop3A_861 : vector<16xi32>
        %parallel_loop3A_863 = arith.constant 16 : i32
        %parallel_loop3A_864 = vector.broadcast %parallel_loop3A_863 : i32 to vector<16xi32>
        %parallel_loop3A_865 = arith.addi %parallel_loop3A_747, %parallel_loop3A_864 : vector<16xi32>
        %parallel_loop3A_866 = arith.select %parallel_loop3A_862, %parallel_loop3A_865, %parallel_loop3A_747 : vector<16xi1>, vector<16xi32>
        %parallel_loop3A_867 = vector.shape_cast %parallel_loop3A_866 : vector<16xi32> to vector<16x1xi32>
        %parallel_loop3A_868 = vector.shape_cast %parallel_loop3A_867 : vector<16x1xi32> to vector<16xi32>
        %parallel_loop3A_869 = tpu.dynamic_gather %get3A_78[%parallel_loop3A_868] in [0] : vector<16xf32>, vector<16xi32> -> vector<16xf32>
        %parallel_loop3A_870 = arith.constant 7 : i32
        %parallel_loop3A_871 = arith.index_cast %parallel_loop3A_870 : i32 to index
        %parallel_loop3A_872 = arith.index_cast %parallel_loop3A_744 : i32 to index
        %parallel_loop3A_873 = tpu.vector_load %arg8[%parallel_loop3A_871, %parallel_loop3A_872] {strides = array<i32>} : memref<32x512xf32, #tpu.memory_space<vmem>>, vector<1x16xf32>,
        %parallel_loop3A_874 = vector.shape_cast %parallel_loop3A_873 : vector<1x16xf32> to vector<16xf32>
        %parallel_loop3A_875 = vector.shape_cast %parallel_loop3A_869 : vector<16xf32> to vector<1x16xf32>
        tpu.vector_store %arg8[%parallel_loop3A_871, %parallel_loop3A_872], %parallel_loop3A_875 {strides = array<i32>} : memref<32x512xf32, #tpu.memory_space<vmem>>, vector<1x16xf32>,
        %parallel_loop3A_876 = arith.constant 0 : i32
        %parallel_loop3A_877 = vector.broadcast %parallel_loop3A_876 : i32 to vector<16xi32>
        %parallel_loop3A_878 = arith.cmpi slt, %parallel_loop3A_747, %parallel_loop3A_877 : vector<16xi32>
        %parallel_loop3A_879 = arith.constant 16 : i32
        %parallel_loop3A_880 = vector.broadcast %parallel_loop3A_879 : i32 to vector<16xi32>
        %parallel_loop3A_881 = arith.addi %parallel_loop3A_747, %parallel_loop3A_880 : vector<16xi32>
        %parallel_loop3A_882 = arith.select %parallel_loop3A_878, %parallel_loop3A_881, %parallel_loop3A_747 : vector<16xi1>, vector<16xi32>
        %parallel_loop3A_883 = vector.shape_cast %parallel_loop3A_882 : vector<16xi32> to vector<16x1xi32>
        %parallel_loop3A_884 = vector.shape_cast %parallel_loop3A_883 : vector<16x1xi32> to vector<16xi32>
        %parallel_loop3A_885 = tpu.dynamic_gather %get3A_83[%parallel_loop3A_884] in [0] : vector<16xf32>, vector<16xi32> -> vector<16xf32>
        %parallel_loop3A_886 = arith.constant 8 : i32
        %parallel_loop3A_887 = arith.index_cast %parallel_loop3A_886 : i32 to index
        %parallel_loop3A_888 = arith.index_cast %parallel_loop3A_744 : i32 to index
        %parallel_loop3A_889 = tpu.vector_load %arg8[%parallel_loop3A_887, %parallel_loop3A_888] {strides = array<i32>} : memref<32x512xf32, #tpu.memory_space<vmem>>, vector<1x16xf32>,
        %parallel_loop3A_890 = vector.shape_cast %parallel_loop3A_889 : vector<1x16xf32> to vector<16xf32>
        %parallel_loop3A_891 = vector.shape_cast %parallel_loop3A_885 : vector<16xf32> to vector<1x16xf32>
        tpu.vector_store %arg8[%parallel_loop3A_887, %parallel_loop3A_888], %parallel_loop3A_891 {strides = array<i32>} : memref<32x512xf32, #tpu.memory_space<vmem>>, vector<1x16xf32>,
        %parallel_loop3A_892 = arith.constant 0 : i32
        %parallel_loop3A_893 = vector.broadcast %parallel_loop3A_892 : i32 to vector<16xi32>
        %parallel_loop3A_894 = arith.cmpi slt, %parallel_loop3A_747, %parallel_loop3A_893 : vector<16xi32>
        %parallel_loop3A_895 = arith.constant 16 : i32
        %parallel_loop3A_896 = vector.broadcast %parallel_loop3A_895 : i32 to vector<16xi32>
        %parallel_loop3A_897 = arith.addi %parallel_loop3A_747, %parallel_loop3A_896 : vector<16xi32>
        %parallel_loop3A_898 = arith.select %parallel_loop3A_894, %parallel_loop3A_897, %parallel_loop3A_747 : vector<16xi1>, vector<16xi32>
        %parallel_loop3A_899 = vector.shape_cast %parallel_loop3A_898 : vector<16xi32> to vector<16x1xi32>
        %parallel_loop3A_900 = vector.shape_cast %parallel_loop3A_899 : vector<16x1xi32> to vector<16xi32>
        %parallel_loop3A_901 = tpu.dynamic_gather %get3A_88[%parallel_loop3A_900] in [0] : vector<16xf32>, vector<16xi32> -> vector<16xf32>
        %parallel_loop3A_902 = arith.constant 9 : i32
        %parallel_loop3A_903 = arith.index_cast %parallel_loop3A_902 : i32 to index
        %parallel_loop3A_904 = arith.index_cast %parallel_loop3A_744 : i32 to index
        %parallel_loop3A_905 = tpu.vector_load %arg8[%parallel_loop3A_903, %parallel_loop3A_904] {strides = array<i32>} : memref<32x512xf32, #tpu.memory_space<vmem>>, vector<1x16xf32>,
        %parallel_loop3A_906 = vector.shape_cast %parallel_loop3A_905 : vector<1x16xf32> to vector<16xf32>
        %parallel_loop3A_907 = vector.shape_cast %parallel_loop3A_901 : vector<16xf32> to vector<1x16xf32>
        tpu.vector_store %arg8[%parallel_loop3A_903, %parallel_loop3A_904], %parallel_loop3A_907 {strides = array<i32>} : memref<32x512xf32, #tpu.memory_space<vmem>>, vector<1x16xf32>,
        %parallel_loop3A_908 = arith.constant 0 : i32
        %parallel_loop3A_909 = vector.broadcast %parallel_loop3A_908 : i32 to vector<16xi32>
        %parallel_loop3A_910 = arith.cmpi slt, %parallel_loop3A_747, %parallel_loop3A_909 : vector<16xi32>
        %parallel_loop3A_911 = arith.constant 16 : i32
        %parallel_loop3A_912 = vector.broadcast %parallel_loop3A_911 : i32 to vector<16xi32>
        %parallel_loop3A_913 = arith.addi %parallel_loop3A_747, %parallel_loop3A_912 : vector<16xi32>
        %parallel_loop3A_914 = arith.select %parallel_loop3A_910, %parallel_loop3A_913, %parallel_loop3A_747 : vector<16xi1>, vector<16xi32>
        %parallel_loop3A_915 = vector.shape_cast %parallel_loop3A_914 : vector<16xi32> to vector<16x1xi32>
        %parallel_loop3A_916 = vector.shape_cast %parallel_loop3A_915 : vector<16x1xi32> to vector<16xi32>
        %parallel_loop3A_917 = tpu.dynamic_gather %get3A_93[%parallel_loop3A_916] in [0] : vector<16xf32>, vector<16xi32> -> vector<16xf32>
        %parallel_loop3A_918 = arith.constant 10 : i32
        %parallel_loop3A_919 = arith.index_cast %parallel_loop3A_918 : i32 to index
        %parallel_loop3A_920 = arith.index_cast %parallel_loop3A_744 : i32 to index
        %parallel_loop3A_921 = tpu.vector_load %arg8[%parallel_loop3A_919, %parallel_loop3A_920] {strides = array<i32>} : memref<32x512xf32, #tpu.memory_space<vmem>>, vector<1x16xf32>,
        %parallel_loop3A_922 = vector.shape_cast %parallel_loop3A_921 : vector<1x16xf32> to vector<16xf32>
        %parallel_loop3A_923 = vector.shape_cast %parallel_loop3A_917 : vector<16xf32> to vector<1x16xf32>
        tpu.vector_store %arg8[%parallel_loop3A_919, %parallel_loop3A_920], %parallel_loop3A_923 {strides = array<i32>} : memref<32x512xf32, #tpu.memory_space<vmem>>, vector<1x16xf32>,
        %parallel_loop3A_924 = arith.constant 0 : i32
        %parallel_loop3A_925 = vector.broadcast %parallel_loop3A_924 : i32 to vector<16xi32>
        %parallel_loop3A_926 = arith.cmpi slt, %parallel_loop3A_747, %parallel_loop3A_925 : vector<16xi32>
        %parallel_loop3A_927 = arith.constant 16 : i32
        %parallel_loop3A_928 = vector.broadcast %parallel_loop3A_927 : i32 to vector<16xi32>
        %parallel_loop3A_929 = arith.addi %parallel_loop3A_747, %parallel_loop3A_928 : vector<16xi32>
        %parallel_loop3A_930 = arith.select %parallel_loop3A_926, %parallel_loop3A_929, %parallel_loop3A_747 : vector<16xi1>, vector<16xi32>
        %parallel_loop3A_931 = vector.shape_cast %parallel_loop3A_930 : vector<16xi32> to vector<16x1xi32>
        %parallel_loop3A_932 = vector.shape_cast %parallel_loop3A_931 : vector<16x1xi32> to vector<16xi32>
        %parallel_loop3A_933 = tpu.dynamic_gather %get3A_98[%parallel_loop3A_932] in [0] : vector<16xf32>, vector<16xi32> -> vector<16xf32>
        %parallel_loop3A_934 = arith.constant 11 : i32
        %parallel_loop3A_935 = arith.index_cast %parallel_loop3A_934 : i32 to index
        %parallel_loop3A_936 = arith.index_cast %parallel_loop3A_744 : i32 to index
        %parallel_loop3A_937 = tpu.vector_load %arg8[%parallel_loop3A_935, %parallel_loop3A_936] {strides = array<i32>} : memref<32x512xf32, #tpu.memory_space<vmem>>, vector<1x16xf32>,
        %parallel_loop3A_938 = vector.shape_cast %parallel_loop3A_937 : vector<1x16xf32> to vector<16xf32>
        %parallel_loop3A_939 = vector.shape_cast %parallel_loop3A_933 : vector<16xf32> to vector<1x16xf32>
        tpu.vector_store %arg8[%parallel_loop3A_935, %parallel_loop3A_936], %parallel_loop3A_939 {strides = array<i32>} : memref<32x512xf32, #tpu.memory_space<vmem>>, vector<1x16xf32>,
        %parallel_loop3A_940 = arith.constant 0 : i32
        %parallel_loop3A_941 = vector.broadcast %parallel_loop3A_940 : i32 to vector<16xi32>
        %parallel_loop3A_942 = arith.cmpi slt, %parallel_loop3A_747, %parallel_loop3A_941 : vector<16xi32>
        %parallel_loop3A_943 = arith.constant 16 : i32
        %parallel_loop3A_944 = vector.broadcast %parallel_loop3A_943 : i32 to vector<16xi32>
        %parallel_loop3A_945 = arith.addi %parallel_loop3A_747, %parallel_loop3A_944 : vector<16xi32>
        %parallel_loop3A_946 = arith.select %parallel_loop3A_942, %parallel_loop3A_945, %parallel_loop3A_747 : vector<16xi1>, vector<16xi32>
        %parallel_loop3A_947 = vector.shape_cast %parallel_loop3A_946 : vector<16xi32> to vector<16x1xi32>
        %parallel_loop3A_948 = vector.shape_cast %parallel_loop3A_947 : vector<16x1xi32> to vector<16xi32>
        %parallel_loop3A_949 = tpu.dynamic_gather %get3A_103[%parallel_loop3A_948] in [0] : vector<16xf32>, vector<16xi32> -> vector<16xf32>
        %parallel_loop3A_950 = arith.constant 12 : i32
        %parallel_loop3A_951 = arith.index_cast %parallel_loop3A_950 : i32 to index
        %parallel_loop3A_952 = arith.index_cast %parallel_loop3A_744 : i32 to index
        %parallel_loop3A_953 = tpu.vector_load %arg8[%parallel_loop3A_951, %parallel_loop3A_952] {strides = array<i32>} : memref<32x512xf32, #tpu.memory_space<vmem>>, vector<1x16xf32>,
        %parallel_loop3A_954 = vector.shape_cast %parallel_loop3A_953 : vector<1x16xf32> to vector<16xf32>
        %parallel_loop3A_955 = vector.shape_cast %parallel_loop3A_949 : vector<16xf32> to vector<1x16xf32>
        tpu.vector_store %arg8[%parallel_loop3A_951, %parallel_loop3A_952], %parallel_loop3A_955 {strides = array<i32>} : memref<32x512xf32, #tpu.memory_space<vmem>>, vector<1x16xf32>,
        %parallel_loop3A_956 = arith.constant 0 : i32
        %parallel_loop3A_957 = vector.broadcast %parallel_loop3A_956 : i32 to vector<16xi32>
        %parallel_loop3A_958 = arith.cmpi slt, %parallel_loop3A_747, %parallel_loop3A_957 : vector<16xi32>
        %parallel_loop3A_959 = arith.constant 16 : i32
        %parallel_loop3A_960 = vector.broadcast %parallel_loop3A_959 : i32 to vector<16xi32>
        %parallel_loop3A_961 = arith.addi %parallel_loop3A_747, %parallel_loop3A_960 : vector<16xi32>
        %parallel_loop3A_962 = arith.select %parallel_loop3A_958, %parallel_loop3A_961, %parallel_loop3A_747 : vector<16xi1>, vector<16xi32>
        %parallel_loop3A_963 = vector.shape_cast %parallel_loop3A_962 : vector<16xi32> to vector<16x1xi32>
        %parallel_loop3A_964 = vector.shape_cast %parallel_loop3A_963 : vector<16x1xi32> to vector<16xi32>
        %parallel_loop3A_965 = tpu.dynamic_gather %get3A_108[%parallel_loop3A_964] in [0] : vector<16xf32>, vector<16xi32> -> vector<16xf32>
        %parallel_loop3A_966 = arith.constant 13 : i32
        %parallel_loop3A_967 = arith.index_cast %parallel_loop3A_966 : i32 to index
        %parallel_loop3A_968 = arith.index_cast %parallel_loop3A_744 : i32 to index
        %parallel_loop3A_969 = tpu.vector_load %arg8[%parallel_loop3A_967, %parallel_loop3A_968] {strides = array<i32>} : memref<32x512xf32, #tpu.memory_space<vmem>>, vector<1x16xf32>,
        %parallel_loop3A_970 = vector.shape_cast %parallel_loop3A_969 : vector<1x16xf32> to vector<16xf32>
        %parallel_loop3A_971 = vector.shape_cast %parallel_loop3A_965 : vector<16xf32> to vector<1x16xf32>
        tpu.vector_store %arg8[%parallel_loop3A_967, %parallel_loop3A_968], %parallel_loop3A_971 {strides = array<i32>} : memref<32x512xf32, #tpu.memory_space<vmem>>, vector<1x16xf32>,
        %parallel_loop3A_972 = arith.constant 0 : i32
        %parallel_loop3A_973 = vector.broadcast %parallel_loop3A_972 : i32 to vector<16xi32>
        %parallel_loop3A_974 = arith.cmpi slt, %parallel_loop3A_747, %parallel_loop3A_973 : vector<16xi32>
        %parallel_loop3A_975 = arith.constant 16 : i32
        %parallel_loop3A_976 = vector.broadcast %parallel_loop3A_975 : i32 to vector<16xi32>
        %parallel_loop3A_977 = arith.addi %parallel_loop3A_747, %parallel_loop3A_976 : vector<16xi32>
        %parallel_loop3A_978 = arith.select %parallel_loop3A_974, %parallel_loop3A_977, %parallel_loop3A_747 : vector<16xi1>, vector<16xi32>
        %parallel_loop3A_979 = vector.shape_cast %parallel_loop3A_978 : vector<16xi32> to vector<16x1xi32>
        %parallel_loop3A_980 = vector.shape_cast %parallel_loop3A_979 : vector<16x1xi32> to vector<16xi32>
        %parallel_loop3A_981 = tpu.dynamic_gather %get3A_113[%parallel_loop3A_980] in [0] : vector<16xf32>, vector<16xi32> -> vector<16xf32>
        %parallel_loop3A_982 = arith.constant 14 : i32
        %parallel_loop3A_983 = arith.index_cast %parallel_loop3A_982 : i32 to index
        %parallel_loop3A_984 = arith.index_cast %parallel_loop3A_744 : i32 to index
        %parallel_loop3A_985 = tpu.vector_load %arg8[%parallel_loop3A_983, %parallel_loop3A_984] {strides = array<i32>} : memref<32x512xf32, #tpu.memory_space<vmem>>, vector<1x16xf32>,
        %parallel_loop3A_986 = vector.shape_cast %parallel_loop3A_985 : vector<1x16xf32> to vector<16xf32>
        %parallel_loop3A_987 = vector.shape_cast %parallel_loop3A_981 : vector<16xf32> to vector<1x16xf32>
        tpu.vector_store %arg8[%parallel_loop3A_983, %parallel_loop3A_984], %parallel_loop3A_987 {strides = array<i32>} : memref<32x512xf32, #tpu.memory_space<vmem>>, vector<1x16xf32>,
        %parallel_loop3A_988 = arith.constant 0 : i32
        %parallel_loop3A_989 = vector.broadcast %parallel_loop3A_988 : i32 to vector<16xi32>
        %parallel_loop3A_990 = arith.cmpi slt, %parallel_loop3A_747, %parallel_loop3A_989 : vector<16xi32>
        %parallel_loop3A_991 = arith.constant 16 : i32
        %parallel_loop3A_992 = vector.broadcast %parallel_loop3A_991 : i32 to vector<16xi32>
        %parallel_loop3A_993 = arith.addi %parallel_loop3A_747, %parallel_loop3A_992 : vector<16xi32>
        %parallel_loop3A_994 = arith.select %parallel_loop3A_990, %parallel_loop3A_993, %parallel_loop3A_747 : vector<16xi1>, vector<16xi32>
        %parallel_loop3A_995 = vector.shape_cast %parallel_loop3A_994 : vector<16xi32> to vector<16x1xi32>
        %parallel_loop3A_996 = vector.shape_cast %parallel_loop3A_995 : vector<16x1xi32> to vector<16xi32>
        %parallel_loop3A_997 = tpu.dynamic_gather %get3A_118[%parallel_loop3A_996] in [0] : vector<16xf32>, vector<16xi32> -> vector<16xf32>
        %parallel_loop3A_998 = arith.constant 15 : i32
        %parallel_loop3A_999 = arith.index_cast %parallel_loop3A_998 : i32 to index
        %parallel_loop3A_1000 = arith.index_cast %parallel_loop3A_744 : i32 to index
        %parallel_loop3A_1001 = tpu.vector_load %arg8[%parallel_loop3A_999, %parallel_loop3A_1000] {strides = array<i32>} : memref<32x512xf32, #tpu.memory_space<vmem>>, vector<1x16xf32>,
        %parallel_loop3A_1002 = vector.shape_cast %parallel_loop3A_1001 : vector<1x16xf32> to vector<16xf32>
        %parallel_loop3A_1003 = vector.shape_cast %parallel_loop3A_997 : vector<16xf32> to vector<1x16xf32>
        tpu.vector_store %arg8[%parallel_loop3A_999, %parallel_loop3A_1000], %parallel_loop3A_1003 {strides = array<i32>} : memref<32x512xf32, #tpu.memory_space<vmem>>, vector<1x16xf32>,
        %parallel_loop3A_1004 = arith.constant 0 : i32
        %parallel_loop3A_1005 = vector.broadcast %parallel_loop3A_1004 : i32 to vector<16xi32>
        %parallel_loop3A_1006 = arith.cmpi slt, %parallel_loop3A_747, %parallel_loop3A_1005 : vector<16xi32>
        %parallel_loop3A_1007 = arith.constant 16 : i32
        %parallel_loop3A_1008 = vector.broadcast %parallel_loop3A_1007 : i32 to vector<16xi32>
        %parallel_loop3A_1009 = arith.addi %parallel_loop3A_747, %parallel_loop3A_1008 : vector<16xi32>
        %parallel_loop3A_1010 = arith.select %parallel_loop3A_1006, %parallel_loop3A_1009, %parallel_loop3A_747 : vector<16xi1>, vector<16xi32>
        %parallel_loop3A_1011 = vector.shape_cast %parallel_loop3A_1010 : vector<16xi32> to vector<16x1xi32>
        %parallel_loop3A_1012 = vector.shape_cast %parallel_loop3A_1011 : vector<16x1xi32> to vector<16xi32>
        %parallel_loop3A_1013 = tpu.dynamic_gather %get3A_123[%parallel_loop3A_1012] in [0] : vector<16xf32>, vector<16xi32> -> vector<16xf32>
        %parallel_loop3A_1014 = arith.constant 16 : i32
        %parallel_loop3A_1015 = arith.index_cast %parallel_loop3A_1014 : i32 to index
        %parallel_loop3A_1016 = arith.index_cast %parallel_loop3A_744 : i32 to index
        %parallel_loop3A_1017 = tpu.vector_load %arg8[%parallel_loop3A_1015, %parallel_loop3A_1016] {strides = array<i32>} : memref<32x512xf32, #tpu.memory_space<vmem>>, vector<1x16xf32>,
        %parallel_loop3A_1018 = vector.shape_cast %parallel_loop3A_1017 : vector<1x16xf32> to vector<16xf32>
        %parallel_loop3A_1019 = vector.shape_cast %parallel_loop3A_1013 : vector<16xf32> to vector<1x16xf32>
        tpu.vector_store %arg8[%parallel_loop3A_1015, %parallel_loop3A_1016], %parallel_loop3A_1019 {strides = array<i32>} : memref<32x512xf32, #tpu.memory_space<vmem>>, vector<1x16xf32>,
        %parallel_loop3A_1020 = arith.constant 0 : i32
        %parallel_loop3A_1021 = vector.broadcast %parallel_loop3A_1020 : i32 to vector<16xi32>
        %parallel_loop3A_1022 = arith.cmpi slt, %parallel_loop3A_747, %parallel_loop3A_1021 : vector<16xi32>
        %parallel_loop3A_1023 = arith.constant 16 : i32
        %parallel_loop3A_1024 = vector.broadcast %parallel_loop3A_1023 : i32 to vector<16xi32>
        %parallel_loop3A_1025 = arith.addi %parallel_loop3A_747, %parallel_loop3A_1024 : vector<16xi32>
        %parallel_loop3A_1026 = arith.select %parallel_loop3A_1022, %parallel_loop3A_1025, %parallel_loop3A_747 : vector<16xi1>, vector<16xi32>
        %parallel_loop3A_1027 = vector.shape_cast %parallel_loop3A_1026 : vector<16xi32> to vector<16x1xi32>
        %parallel_loop3A_1028 = vector.shape_cast %parallel_loop3A_1027 : vector<16x1xi32> to vector<16xi32>
        %parallel_loop3A_1029 = tpu.dynamic_gather %get3A_128[%parallel_loop3A_1028] in [0] : vector<16xf32>, vector<16xi32> -> vector<16xf32>
        %parallel_loop3A_1030 = arith.constant 17 : i32
        %parallel_loop3A_1031 = arith.index_cast %parallel_loop3A_1030 : i32 to index
        %parallel_loop3A_1032 = arith.index_cast %parallel_loop3A_744 : i32 to index
        %parallel_loop3A_1033 = tpu.vector_load %arg8[%parallel_loop3A_1031, %parallel_loop3A_1032] {strides = array<i32>} : memref<32x512xf32, #tpu.memory_space<vmem>>, vector<1x16xf32>,
        %parallel_loop3A_1034 = vector.shape_cast %parallel_loop3A_1033 : vector<1x16xf32> to vector<16xf32>
        %parallel_loop3A_1035 = vector.shape_cast %parallel_loop3A_1029 : vector<16xf32> to vector<1x16xf32>
        tpu.vector_store %arg8[%parallel_loop3A_1031, %parallel_loop3A_1032], %parallel_loop3A_1035 {strides = array<i32>} : memref<32x512xf32, #tpu.memory_space<vmem>>, vector<1x16xf32>,
        %parallel_loop3A_1036 = arith.constant 0 : i32
        %parallel_loop3A_1037 = vector.broadcast %parallel_loop3A_1036 : i32 to vector<16xi32>
        %parallel_loop3A_1038 = arith.cmpi slt, %parallel_loop3A_747, %parallel_loop3A_1037 : vector<16xi32>
        %parallel_loop3A_1039 = arith.constant 16 : i32
        %parallel_loop3A_1040 = vector.broadcast %parallel_loop3A_1039 : i32 to vector<16xi32>
        %parallel_loop3A_1041 = arith.addi %parallel_loop3A_747, %parallel_loop3A_1040 : vector<16xi32>
        %parallel_loop3A_1042 = arith.select %parallel_loop3A_1038, %parallel_loop3A_1041, %parallel_loop3A_747 : vector<16xi1>, vector<16xi32>
        %parallel_loop3A_1043 = vector.shape_cast %parallel_loop3A_1042 : vector<16xi32> to vector<16x1xi32>
        %parallel_loop3A_1044 = vector.shape_cast %parallel_loop3A_1043 : vector<16x1xi32> to vector<16xi32>
        %parallel_loop3A_1045 = tpu.dynamic_gather %get3A_133[%parallel_loop3A_1044] in [0] : vector<16xf32>, vector<16xi32> -> vector<16xf32>
        %parallel_loop3A_1046 = arith.constant 18 : i32
        %parallel_loop3A_1047 = arith.index_cast %parallel_loop3A_1046 : i32 to index
        %parallel_loop3A_1048 = arith.index_cast %parallel_loop3A_744 : i32 to index
        %parallel_loop3A_1049 = tpu.vector_load %arg8[%parallel_loop3A_1047, %parallel_loop3A_1048] {strides = array<i32>} : memref<32x512xf32, #tpu.memory_space<vmem>>, vector<1x16xf32>,
        %parallel_loop3A_1050 = vector.shape_cast %parallel_loop3A_1049 : vector<1x16xf32> to vector<16xf32>
        %parallel_loop3A_1051 = vector.shape_cast %parallel_loop3A_1045 : vector<16xf32> to vector<1x16xf32>
        tpu.vector_store %arg8[%parallel_loop3A_1047, %parallel_loop3A_1048], %parallel_loop3A_1051 {strides = array<i32>} : memref<32x512xf32, #tpu.memory_space<vmem>>, vector<1x16xf32>,
        %parallel_loop3A_1052 = arith.constant 0 : i32
        %parallel_loop3A_1053 = vector.broadcast %parallel_loop3A_1052 : i32 to vector<16xi32>
        %parallel_loop3A_1054 = arith.cmpi slt, %parallel_loop3A_747, %parallel_loop3A_1053 : vector<16xi32>
        %parallel_loop3A_1055 = arith.constant 16 : i32
        %parallel_loop3A_1056 = vector.broadcast %parallel_loop3A_1055 : i32 to vector<16xi32>
        %parallel_loop3A_1057 = arith.addi %parallel_loop3A_747, %parallel_loop3A_1056 : vector<16xi32>
        %parallel_loop3A_1058 = arith.select %parallel_loop3A_1054, %parallel_loop3A_1057, %parallel_loop3A_747 : vector<16xi1>, vector<16xi32>
        %parallel_loop3A_1059 = vector.shape_cast %parallel_loop3A_1058 : vector<16xi32> to vector<16x1xi32>
        %parallel_loop3A_1060 = vector.shape_cast %parallel_loop3A_1059 : vector<16x1xi32> to vector<16xi32>
        %parallel_loop3A_1061 = tpu.dynamic_gather %get3A_138[%parallel_loop3A_1060] in [0] : vector<16xf32>, vector<16xi32> -> vector<16xf32>
        %parallel_loop3A_1062 = arith.constant 19 : i32
        %parallel_loop3A_1063 = arith.index_cast %parallel_loop3A_1062 : i32 to index
        %parallel_loop3A_1064 = arith.index_cast %parallel_loop3A_744 : i32 to index
        %parallel_loop3A_1065 = tpu.vector_load %arg8[%parallel_loop3A_1063, %parallel_loop3A_1064] {strides = array<i32>} : memref<32x512xf32, #tpu.memory_space<vmem>>, vector<1x16xf32>,
        %parallel_loop3A_1066 = vector.shape_cast %parallel_loop3A_1065 : vector<1x16xf32> to vector<16xf32>
        %parallel_loop3A_1067 = vector.shape_cast %parallel_loop3A_1061 : vector<16xf32> to vector<1x16xf32>
        tpu.vector_store %arg8[%parallel_loop3A_1063, %parallel_loop3A_1064], %parallel_loop3A_1067 {strides = array<i32>} : memref<32x512xf32, #tpu.memory_space<vmem>>, vector<1x16xf32>,
        %parallel_loop3A_1068 = arith.constant 0 : i32
        %parallel_loop3A_1069 = vector.broadcast %parallel_loop3A_1068 : i32 to vector<16xi32>
        %parallel_loop3A_1070 = arith.cmpi slt, %parallel_loop3A_747, %parallel_loop3A_1069 : vector<16xi32>
        %parallel_loop3A_1071 = arith.constant 16 : i32
        %parallel_loop3A_1072 = vector.broadcast %parallel_loop3A_1071 : i32 to vector<16xi32>
        %parallel_loop3A_1073 = arith.addi %parallel_loop3A_747, %parallel_loop3A_1072 : vector<16xi32>
        %parallel_loop3A_1074 = arith.select %parallel_loop3A_1070, %parallel_loop3A_1073, %parallel_loop3A_747 : vector<16xi1>, vector<16xi32>
        %parallel_loop3A_1075 = vector.shape_cast %parallel_loop3A_1074 : vector<16xi32> to vector<16x1xi32>
        %parallel_loop3A_1076 = vector.shape_cast %parallel_loop3A_1075 : vector<16x1xi32> to vector<16xi32>
        %parallel_loop3A_1077 = tpu.dynamic_gather %get3A_143[%parallel_loop3A_1076] in [0] : vector<16xf32>, vector<16xi32> -> vector<16xf32>
        %parallel_loop3A_1078 = arith.constant 20 : i32
        %parallel_loop3A_1079 = arith.index_cast %parallel_loop3A_1078 : i32 to index
        %parallel_loop3A_1080 = arith.index_cast %parallel_loop3A_744 : i32 to index
        %parallel_loop3A_1081 = tpu.vector_load %arg8[%parallel_loop3A_1079, %parallel_loop3A_1080] {strides = array<i32>} : memref<32x512xf32, #tpu.memory_space<vmem>>, vector<1x16xf32>,
        %parallel_loop3A_1082 = vector.shape_cast %parallel_loop3A_1081 : vector<1x16xf32> to vector<16xf32>
        %parallel_loop3A_1083 = vector.shape_cast %parallel_loop3A_1077 : vector<16xf32> to vector<1x16xf32>
        tpu.vector_store %arg8[%parallel_loop3A_1079, %parallel_loop3A_1080], %parallel_loop3A_1083 {strides = array<i32>} : memref<32x512xf32, #tpu.memory_space<vmem>>, vector<1x16xf32>,
        %parallel_loop3A_1084 = arith.constant 0 : i32
        %parallel_loop3A_1085 = vector.broadcast %parallel_loop3A_1084 : i32 to vector<16xi32>
        %parallel_loop3A_1086 = arith.cmpi slt, %parallel_loop3A_747, %parallel_loop3A_1085 : vector<16xi32>
        %parallel_loop3A_1087 = arith.constant 16 : i32
        %parallel_loop3A_1088 = vector.broadcast %parallel_loop3A_1087 : i32 to vector<16xi32>
        %parallel_loop3A_1089 = arith.addi %parallel_loop3A_747, %parallel_loop3A_1088 : vector<16xi32>
        %parallel_loop3A_1090 = arith.select %parallel_loop3A_1086, %parallel_loop3A_1089, %parallel_loop3A_747 : vector<16xi1>, vector<16xi32>
        %parallel_loop3A_1091 = vector.shape_cast %parallel_loop3A_1090 : vector<16xi32> to vector<16x1xi32>
        %parallel_loop3A_1092 = vector.shape_cast %parallel_loop3A_1091 : vector<16x1xi32> to vector<16xi32>
        %parallel_loop3A_1093 = tpu.dynamic_gather %get3A_148[%parallel_loop3A_1092] in [0] : vector<16xf32>, vector<16xi32> -> vector<16xf32>
        %parallel_loop3A_1094 = arith.constant 21 : i32
        %parallel_loop3A_1095 = arith.index_cast %parallel_loop3A_1094 : i32 to index
        %parallel_loop3A_1096 = arith.index_cast %parallel_loop3A_744 : i32 to index
        %parallel_loop3A_1097 = tpu.vector_load %arg8[%parallel_loop3A_1095, %parallel_loop3A_1096] {strides = array<i32>} : memref<32x512xf32, #tpu.memory_space<vmem>>, vector<1x16xf32>,
        %parallel_loop3A_1098 = vector.shape_cast %parallel_loop3A_1097 : vector<1x16xf32> to vector<16xf32>
        %parallel_loop3A_1099 = vector.shape_cast %parallel_loop3A_1093 : vector<16xf32> to vector<1x16xf32>
        tpu.vector_store %arg8[%parallel_loop3A_1095, %parallel_loop3A_1096], %parallel_loop3A_1099 {strides = array<i32>} : memref<32x512xf32, #tpu.memory_space<vmem>>, vector<1x16xf32>,
        %parallel_loop3A_1100 = arith.constant 0 : i32
        %parallel_loop3A_1101 = vector.broadcast %parallel_loop3A_1100 : i32 to vector<16xi32>
        %parallel_loop3A_1102 = arith.cmpi slt, %parallel_loop3A_747, %parallel_loop3A_1101 : vector<16xi32>
        %parallel_loop3A_1103 = arith.constant 16 : i32
        %parallel_loop3A_1104 = vector.broadcast %parallel_loop3A_1103 : i32 to vector<16xi32>
        %parallel_loop3A_1105 = arith.addi %parallel_loop3A_747, %parallel_loop3A_1104 : vector<16xi32>
        %parallel_loop3A_1106 = arith.select %parallel_loop3A_1102, %parallel_loop3A_1105, %parallel_loop3A_747 : vector<16xi1>, vector<16xi32>
        %parallel_loop3A_1107 = vector.shape_cast %parallel_loop3A_1106 : vector<16xi32> to vector<16x1xi32>
        %parallel_loop3A_1108 = vector.shape_cast %parallel_loop3A_1107 : vector<16x1xi32> to vector<16xi32>
        %parallel_loop3A_1109 = tpu.dynamic_gather %get3A_153[%parallel_loop3A_1108] in [0] : vector<16xf32>, vector<16xi32> -> vector<16xf32>
        %parallel_loop3A_1110 = arith.constant 22 : i32
        %parallel_loop3A_1111 = arith.index_cast %parallel_loop3A_1110 : i32 to index
        %parallel_loop3A_1112 = arith.index_cast %parallel_loop3A_744 : i32 to index
        %parallel_loop3A_1113 = tpu.vector_load %arg8[%parallel_loop3A_1111, %parallel_loop3A_1112] {strides = array<i32>} : memref<32x512xf32, #tpu.memory_space<vmem>>, vector<1x16xf32>,
        %parallel_loop3A_1114 = vector.shape_cast %parallel_loop3A_1113 : vector<1x16xf32> to vector<16xf32>
        %parallel_loop3A_1115 = vector.shape_cast %parallel_loop3A_1109 : vector<16xf32> to vector<1x16xf32>
        tpu.vector_store %arg8[%parallel_loop3A_1111, %parallel_loop3A_1112], %parallel_loop3A_1115 {strides = array<i32>} : memref<32x512xf32, #tpu.memory_space<vmem>>, vector<1x16xf32>,
        %parallel_loop3A_1116 = arith.constant 0 : i32
        %parallel_loop3A_1117 = vector.broadcast %parallel_loop3A_1116 : i32 to vector<16xi32>
        %parallel_loop3A_1118 = arith.cmpi slt, %parallel_loop3A_747, %parallel_loop3A_1117 : vector<16xi32>
        %parallel_loop3A_1119 = arith.constant 16 : i32
        %parallel_loop3A_1120 = vector.broadcast %parallel_loop3A_1119 : i32 to vector<16xi32>
        %parallel_loop3A_1121 = arith.addi %parallel_loop3A_747, %parallel_loop3A_1120 : vector<16xi32>
        %parallel_loop3A_1122 = arith.select %parallel_loop3A_1118, %parallel_loop3A_1121, %parallel_loop3A_747 : vector<16xi1>, vector<16xi32>
        %parallel_loop3A_1123 = vector.shape_cast %parallel_loop3A_1122 : vector<16xi32> to vector<16x1xi32>
        %parallel_loop3A_1124 = vector.shape_cast %parallel_loop3A_1123 : vector<16x1xi32> to vector<16xi32>
        %parallel_loop3A_1125 = tpu.dynamic_gather %get3A_158[%parallel_loop3A_1124] in [0] : vector<16xf32>, vector<16xi32> -> vector<16xf32>
        %parallel_loop3A_1126 = arith.constant 23 : i32
        %parallel_loop3A_1127 = arith.index_cast %parallel_loop3A_1126 : i32 to index
        %parallel_loop3A_1128 = arith.index_cast %parallel_loop3A_744 : i32 to index
        %parallel_loop3A_1129 = tpu.vector_load %arg8[%parallel_loop3A_1127, %parallel_loop3A_1128] {strides = array<i32>} : memref<32x512xf32, #tpu.memory_space<vmem>>, vector<1x16xf32>,
        %parallel_loop3A_1130 = vector.shape_cast %parallel_loop3A_1129 : vector<1x16xf32> to vector<16xf32>
        %parallel_loop3A_1131 = vector.shape_cast %parallel_loop3A_1125 : vector<16xf32> to vector<1x16xf32>
        tpu.vector_store %arg8[%parallel_loop3A_1127, %parallel_loop3A_1128], %parallel_loop3A_1131 {strides = array<i32>} : memref<32x512xf32, #tpu.memory_space<vmem>>, vector<1x16xf32>,
        %parallel_loop3A_1132 = arith.constant 0 : i32
        %parallel_loop3A_1133 = vector.broadcast %parallel_loop3A_1132 : i32 to vector<16xi32>
        %parallel_loop3A_1134 = arith.cmpi slt, %parallel_loop3A_747, %parallel_loop3A_1133 : vector<16xi32>
        %parallel_loop3A_1135 = arith.constant 16 : i32
        %parallel_loop3A_1136 = vector.broadcast %parallel_loop3A_1135 : i32 to vector<16xi32>
        %parallel_loop3A_1137 = arith.addi %parallel_loop3A_747, %parallel_loop3A_1136 : vector<16xi32>
        %parallel_loop3A_1138 = arith.select %parallel_loop3A_1134, %parallel_loop3A_1137, %parallel_loop3A_747 : vector<16xi1>, vector<16xi32>
        %parallel_loop3A_1139 = vector.shape_cast %parallel_loop3A_1138 : vector<16xi32> to vector<16x1xi32>
        %parallel_loop3A_1140 = vector.shape_cast %parallel_loop3A_1139 : vector<16x1xi32> to vector<16xi32>
        %parallel_loop3A_1141 = tpu.dynamic_gather %get3A_163[%parallel_loop3A_1140] in [0] : vector<16xf32>, vector<16xi32> -> vector<16xf32>
        %parallel_loop3A_1142 = arith.constant 24 : i32
        %parallel_loop3A_1143 = arith.index_cast %parallel_loop3A_1142 : i32 to index
        %parallel_loop3A_1144 = arith.index_cast %parallel_loop3A_744 : i32 to index
        %parallel_loop3A_1145 = tpu.vector_load %arg8[%parallel_loop3A_1143, %parallel_loop3A_1144] {strides = array<i32>} : memref<32x512xf32, #tpu.memory_space<vmem>>, vector<1x16xf32>,
        %parallel_loop3A_1146 = vector.shape_cast %parallel_loop3A_1145 : vector<1x16xf32> to vector<16xf32>
        %parallel_loop3A_1147 = vector.shape_cast %parallel_loop3A_1141 : vector<16xf32> to vector<1x16xf32>
        tpu.vector_store %arg8[%parallel_loop3A_1143, %parallel_loop3A_1144], %parallel_loop3A_1147 {strides = array<i32>} : memref<32x512xf32, #tpu.memory_space<vmem>>, vector<1x16xf32>,
        %parallel_loop3A_1148 = arith.constant 0 : i32
        %parallel_loop3A_1149 = vector.broadcast %parallel_loop3A_1148 : i32 to vector<16xi32>
        %parallel_loop3A_1150 = arith.cmpi slt, %parallel_loop3A_747, %parallel_loop3A_1149 : vector<16xi32>
        %parallel_loop3A_1151 = arith.constant 16 : i32
        %parallel_loop3A_1152 = vector.broadcast %parallel_loop3A_1151 : i32 to vector<16xi32>
        %parallel_loop3A_1153 = arith.addi %parallel_loop3A_747, %parallel_loop3A_1152 : vector<16xi32>
        %parallel_loop3A_1154 = arith.select %parallel_loop3A_1150, %parallel_loop3A_1153, %parallel_loop3A_747 : vector<16xi1>, vector<16xi32>
        %parallel_loop3A_1155 = vector.shape_cast %parallel_loop3A_1154 : vector<16xi32> to vector<16x1xi32>
        %parallel_loop3A_1156 = vector.shape_cast %parallel_loop3A_1155 : vector<16x1xi32> to vector<16xi32>
        %parallel_loop3A_1157 = tpu.dynamic_gather %get3A_168[%parallel_loop3A_1156] in [0] : vector<16xf32>, vector<16xi32> -> vector<16xf32>
        %parallel_loop3A_1158 = arith.constant 25 : i32
        %parallel_loop3A_1159 = arith.index_cast %parallel_loop3A_1158 : i32 to index
        %parallel_loop3A_1160 = arith.index_cast %parallel_loop3A_744 : i32 to index
        %parallel_loop3A_1161 = tpu.vector_load %arg8[%parallel_loop3A_1159, %parallel_loop3A_1160] {strides = array<i32>} : memref<32x512xf32, #tpu.memory_space<vmem>>, vector<1x16xf32>,
        %parallel_loop3A_1162 = vector.shape_cast %parallel_loop3A_1161 : vector<1x16xf32> to vector<16xf32>
        %parallel_loop3A_1163 = vector.shape_cast %parallel_loop3A_1157 : vector<16xf32> to vector<1x16xf32>
        tpu.vector_store %arg8[%parallel_loop3A_1159, %parallel_loop3A_1160], %parallel_loop3A_1163 {strides = array<i32>} : memref<32x512xf32, #tpu.memory_space<vmem>>, vector<1x16xf32>,
        %parallel_loop3A_1164 = arith.constant 0 : i32
        %parallel_loop3A_1165 = vector.broadcast %parallel_loop3A_1164 : i32 to vector<16xi32>
        %parallel_loop3A_1166 = arith.cmpi slt, %parallel_loop3A_747, %parallel_loop3A_1165 : vector<16xi32>
        %parallel_loop3A_1167 = arith.constant 16 : i32
        %parallel_loop3A_1168 = vector.broadcast %parallel_loop3A_1167 : i32 to vector<16xi32>
        %parallel_loop3A_1169 = arith.addi %parallel_loop3A_747, %parallel_loop3A_1168 : vector<16xi32>
        %parallel_loop3A_1170 = arith.select %parallel_loop3A_1166, %parallel_loop3A_1169, %parallel_loop3A_747 : vector<16xi1>, vector<16xi32>
        %parallel_loop3A_1171 = vector.shape_cast %parallel_loop3A_1170 : vector<16xi32> to vector<16x1xi32>
        %parallel_loop3A_1172 = vector.shape_cast %parallel_loop3A_1171 : vector<16x1xi32> to vector<16xi32>
        %parallel_loop3A_1173 = tpu.dynamic_gather %get3A_173[%parallel_loop3A_1172] in [0] : vector<16xf32>, vector<16xi32> -> vector<16xf32>
        %parallel_loop3A_1174 = arith.constant 26 : i32
        %parallel_loop3A_1175 = arith.index_cast %parallel_loop3A_1174 : i32 to index
        %parallel_loop3A_1176 = arith.index_cast %parallel_loop3A_744 : i32 to index
        %parallel_loop3A_1177 = tpu.vector_load %arg8[%parallel_loop3A_1175, %parallel_loop3A_1176] {strides = array<i32>} : memref<32x512xf32, #tpu.memory_space<vmem>>, vector<1x16xf32>,
        %parallel_loop3A_1178 = vector.shape_cast %parallel_loop3A_1177 : vector<1x16xf32> to vector<16xf32>
        %parallel_loop3A_1179 = vector.shape_cast %parallel_loop3A_1173 : vector<16xf32> to vector<1x16xf32>
        tpu.vector_store %arg8[%parallel_loop3A_1175, %parallel_loop3A_1176], %parallel_loop3A_1179 {strides = array<i32>} : memref<32x512xf32, #tpu.memory_space<vmem>>, vector<1x16xf32>,
        %parallel_loop3A_1180 = arith.constant 0 : i32
        %parallel_loop3A_1181 = vector.broadcast %parallel_loop3A_1180 : i32 to vector<16xi32>
        %parallel_loop3A_1182 = arith.cmpi slt, %parallel_loop3A_747, %parallel_loop3A_1181 : vector<16xi32>
        %parallel_loop3A_1183 = arith.constant 16 : i32
        %parallel_loop3A_1184 = vector.broadcast %parallel_loop3A_1183 : i32 to vector<16xi32>
        %parallel_loop3A_1185 = arith.addi %parallel_loop3A_747, %parallel_loop3A_1184 : vector<16xi32>
        %parallel_loop3A_1186 = arith.select %parallel_loop3A_1182, %parallel_loop3A_1185, %parallel_loop3A_747 : vector<16xi1>, vector<16xi32>
        %parallel_loop3A_1187 = vector.shape_cast %parallel_loop3A_1186 : vector<16xi32> to vector<16x1xi32>
        %parallel_loop3A_1188 = vector.shape_cast %parallel_loop3A_1187 : vector<16x1xi32> to vector<16xi32>
        %parallel_loop3A_1189 = tpu.dynamic_gather %get3A_178[%parallel_loop3A_1188] in [0] : vector<16xf32>, vector<16xi32> -> vector<16xf32>
        %parallel_loop3A_1190 = arith.constant 27 : i32
        %parallel_loop3A_1191 = arith.index_cast %parallel_loop3A_1190 : i32 to index
        %parallel_loop3A_1192 = arith.index_cast %parallel_loop3A_744 : i32 to index
        %parallel_loop3A_1193 = tpu.vector_load %arg8[%parallel_loop3A_1191, %parallel_loop3A_1192] {strides = array<i32>} : memref<32x512xf32, #tpu.memory_space<vmem>>, vector<1x16xf32>,
        %parallel_loop3A_1194 = vector.shape_cast %parallel_loop3A_1193 : vector<1x16xf32> to vector<16xf32>
        %parallel_loop3A_1195 = vector.shape_cast %parallel_loop3A_1189 : vector<16xf32> to vector<1x16xf32>
        tpu.vector_store %arg8[%parallel_loop3A_1191, %parallel_loop3A_1192], %parallel_loop3A_1195 {strides = array<i32>} : memref<32x512xf32, #tpu.memory_space<vmem>>, vector<1x16xf32>,
        %parallel_loop3A_1196 = arith.constant 0 : i32
        %parallel_loop3A_1197 = vector.broadcast %parallel_loop3A_1196 : i32 to vector<16xi32>
        %parallel_loop3A_1198 = arith.cmpi slt, %parallel_loop3A_747, %parallel_loop3A_1197 : vector<16xi32>
        %parallel_loop3A_1199 = arith.constant 16 : i32
        %parallel_loop3A_1200 = vector.broadcast %parallel_loop3A_1199 : i32 to vector<16xi32>
        %parallel_loop3A_1201 = arith.addi %parallel_loop3A_747, %parallel_loop3A_1200 : vector<16xi32>
        %parallel_loop3A_1202 = arith.select %parallel_loop3A_1198, %parallel_loop3A_1201, %parallel_loop3A_747 : vector<16xi1>, vector<16xi32>
        %parallel_loop3A_1203 = vector.shape_cast %parallel_loop3A_1202 : vector<16xi32> to vector<16x1xi32>
        %parallel_loop3A_1204 = vector.shape_cast %parallel_loop3A_1203 : vector<16x1xi32> to vector<16xi32>
        %parallel_loop3A_1205 = tpu.dynamic_gather %get3A_183[%parallel_loop3A_1204] in [0] : vector<16xf32>, vector<16xi32> -> vector<16xf32>
        %parallel_loop3A_1206 = arith.constant 28 : i32
        %parallel_loop3A_1207 = arith.index_cast %parallel_loop3A_1206 : i32 to index
        %parallel_loop3A_1208 = arith.index_cast %parallel_loop3A_744 : i32 to index
        %parallel_loop3A_1209 = tpu.vector_load %arg8[%parallel_loop3A_1207, %parallel_loop3A_1208] {strides = array<i32>} : memref<32x512xf32, #tpu.memory_space<vmem>>, vector<1x16xf32>,
        %parallel_loop3A_1210 = vector.shape_cast %parallel_loop3A_1209 : vector<1x16xf32> to vector<16xf32>
        %parallel_loop3A_1211 = vector.shape_cast %parallel_loop3A_1205 : vector<16xf32> to vector<1x16xf32>
        tpu.vector_store %arg8[%parallel_loop3A_1207, %parallel_loop3A_1208], %parallel_loop3A_1211 {strides = array<i32>} : memref<32x512xf32, #tpu.memory_space<vmem>>, vector<1x16xf32>,
        %parallel_loop3A_1212 = arith.constant 0 : i32
        %parallel_loop3A_1213 = vector.broadcast %parallel_loop3A_1212 : i32 to vector<16xi32>
        %parallel_loop3A_1214 = arith.cmpi slt, %parallel_loop3A_747, %parallel_loop3A_1213 : vector<16xi32>
        %parallel_loop3A_1215 = arith.constant 16 : i32
        %parallel_loop3A_1216 = vector.broadcast %parallel_loop3A_1215 : i32 to vector<16xi32>
        %parallel_loop3A_1217 = arith.addi %parallel_loop3A_747, %parallel_loop3A_1216 : vector<16xi32>
        %parallel_loop3A_1218 = arith.select %parallel_loop3A_1214, %parallel_loop3A_1217, %parallel_loop3A_747 : vector<16xi1>, vector<16xi32>
        %parallel_loop3A_1219 = vector.shape_cast %parallel_loop3A_1218 : vector<16xi32> to vector<16x1xi32>
        %parallel_loop3A_1220 = vector.shape_cast %parallel_loop3A_1219 : vector<16x1xi32> to vector<16xi32>
        %parallel_loop3A_1221 = tpu.dynamic_gather %get3A_188[%parallel_loop3A_1220] in [0] : vector<16xf32>, vector<16xi32> -> vector<16xf32>
        %parallel_loop3A_1222 = arith.constant 29 : i32
        %parallel_loop3A_1223 = arith.index_cast %parallel_loop3A_1222 : i32 to index
        %parallel_loop3A_1224 = arith.index_cast %parallel_loop3A_744 : i32 to index
        %parallel_loop3A_1225 = tpu.vector_load %arg8[%parallel_loop3A_1223, %parallel_loop3A_1224] {strides = array<i32>} : memref<32x512xf32, #tpu.memory_space<vmem>>, vector<1x16xf32>,
        %parallel_loop3A_1226 = vector.shape_cast %parallel_loop3A_1225 : vector<1x16xf32> to vector<16xf32>
        %parallel_loop3A_1227 = vector.shape_cast %parallel_loop3A_1221 : vector<16xf32> to vector<1x16xf32>
        tpu.vector_store %arg8[%parallel_loop3A_1223, %parallel_loop3A_1224], %parallel_loop3A_1227 {strides = array<i32>} : memref<32x512xf32, #tpu.memory_space<vmem>>, vector<1x16xf32>,
        %parallel_loop3A_1228 = arith.constant 0 : i32
        %parallel_loop3A_1229 = vector.broadcast %parallel_loop3A_1228 : i32 to vector<16xi32>
        %parallel_loop3A_1230 = arith.cmpi slt, %parallel_loop3A_747, %parallel_loop3A_1229 : vector<16xi32>
        %parallel_loop3A_1231 = arith.constant 16 : i32
        %parallel_loop3A_1232 = vector.broadcast %parallel_loop3A_1231 : i32 to vector<16xi32>
        %parallel_loop3A_1233 = arith.addi %parallel_loop3A_747, %parallel_loop3A_1232 : vector<16xi32>
        %parallel_loop3A_1234 = arith.select %parallel_loop3A_1230, %parallel_loop3A_1233, %parallel_loop3A_747 : vector<16xi1>, vector<16xi32>
        %parallel_loop3A_1235 = vector.shape_cast %parallel_loop3A_1234 : vector<16xi32> to vector<16x1xi32>
        %parallel_loop3A_1236 = vector.shape_cast %parallel_loop3A_1235 : vector<16x1xi32> to vector<16xi32>
        %parallel_loop3A_1237 = tpu.dynamic_gather %get3A_193[%parallel_loop3A_1236] in [0] : vector<16xf32>, vector<16xi32> -> vector<16xf32>
        %parallel_loop3A_1238 = arith.constant 30 : i32
        %parallel_loop3A_1239 = arith.index_cast %parallel_loop3A_1238 : i32 to index
        %parallel_loop3A_1240 = arith.index_cast %parallel_loop3A_744 : i32 to index
        %parallel_loop3A_1241 = tpu.vector_load %arg8[%parallel_loop3A_1239, %parallel_loop3A_1240] {strides = array<i32>} : memref<32x512xf32, #tpu.memory_space<vmem>>, vector<1x16xf32>,
        %parallel_loop3A_1242 = vector.shape_cast %parallel_loop3A_1241 : vector<1x16xf32> to vector<16xf32>
        %parallel_loop3A_1243 = vector.shape_cast %parallel_loop3A_1237 : vector<16xf32> to vector<1x16xf32>
        tpu.vector_store %arg8[%parallel_loop3A_1239, %parallel_loop3A_1240], %parallel_loop3A_1243 {strides = array<i32>} : memref<32x512xf32, #tpu.memory_space<vmem>>, vector<1x16xf32>,
        %parallel_loop3A_1244 = arith.constant 0 : i32
        %parallel_loop3A_1245 = vector.broadcast %parallel_loop3A_1244 : i32 to vector<16xi32>
        %parallel_loop3A_1246 = arith.cmpi slt, %parallel_loop3A_747, %parallel_loop3A_1245 : vector<16xi32>
        %parallel_loop3A_1247 = arith.constant 16 : i32
        %parallel_loop3A_1248 = vector.broadcast %parallel_loop3A_1247 : i32 to vector<16xi32>
        %parallel_loop3A_1249 = arith.addi %parallel_loop3A_747, %parallel_loop3A_1248 : vector<16xi32>
        %parallel_loop3A_1250 = arith.select %parallel_loop3A_1246, %parallel_loop3A_1249, %parallel_loop3A_747 : vector<16xi1>, vector<16xi32>
        %parallel_loop3A_1251 = vector.shape_cast %parallel_loop3A_1250 : vector<16xi32> to vector<16x1xi32>
        %parallel_loop3A_1252 = vector.shape_cast %parallel_loop3A_1251 : vector<16x1xi32> to vector<16xi32>
        %parallel_loop3A_1253 = tpu.dynamic_gather %get3A_198[%parallel_loop3A_1252] in [0] : vector<16xf32>, vector<16xi32> -> vector<16xf32>
        %parallel_loop3A_1254 = arith.constant 31 : i32
        %parallel_loop3A_1255 = arith.index_cast %parallel_loop3A_1254 : i32 to index
        %parallel_loop3A_1256 = arith.index_cast %parallel_loop3A_744 : i32 to index
        %parallel_loop3A_1257 = tpu.vector_load %arg8[%parallel_loop3A_1255, %parallel_loop3A_1256] {strides = array<i32>} : memref<32x512xf32, #tpu.memory_space<vmem>>, vector<1x16xf32>,
        %parallel_loop3A_1258 = vector.shape_cast %parallel_loop3A_1257 : vector<1x16xf32> to vector<16xf32>
        %parallel_loop3A_1259 = vector.shape_cast %parallel_loop3A_1253 : vector<16xf32> to vector<1x16xf32>
        tpu.vector_store %arg8[%parallel_loop3A_1255, %parallel_loop3A_1256], %parallel_loop3A_1259 {strides = array<i32>} : memref<32x512xf32, #tpu.memory_space<vmem>>, vector<1x16xf32>,
      } {sc.loop_unroll_factor = 4 : i64, sc.parallel_access}
      %dma_start3A_201 = arith.constant 0 : i32
      %dma_start3A_202 = tpu.memref_slice %arg4[%mul3A_27, %dma_start3A_201, %multiple_of3A] : memref<200x64x16384xf32, #tpu.memory_space<hbm>> -> memref<1x32x512xf32, #tpu.memory_space<hbm>>
      %dma_start3A_203 = tpu.memref_squeeze %dma_start3A_202 : memref<1x32x512xf32, #tpu.memory_space<hbm>> -> memref<32x512xf32, #tpu.memory_space<hbm>>
      %dma_start3A_204 = arith.constant 0 : i32
      %dma_start3A_205 = tpu.memref_slice %arg4[%mul3A_27, %dma_start3A_204, %multiple_of3A] : memref<200x64x16384xf32, #tpu.memory_space<hbm>> -> memref<1x32x512xf32, #tpu.memory_space<hbm>>
      %dma_start3A_206 = tpu.memref_squeeze %dma_start3A_205 : memref<1x32x512xf32, #tpu.memory_space<hbm>> -> memref<32x512xf32, #tpu.memory_space<hbm>>
      tpu.enqueue_dma source(%arg8 : memref<32x512xf32, #tpu.memory_space<vmem>>) target(%dma_start3A_206 : memref<32x512xf32, #tpu.memory_space<hbm>>) target_semaphore(%arg10 : memref<!tpu.dma_semaphore, #tpu.memory_space<semaphore_mem>>)
      %ge3A_207 = arith.constant 1 : i32
      %ge3A_208 = arith.cmpi sge, %mul3A_27, %ge3A_207 : i32
      %convert_element_type3A_209 = arith.extui %ge3A_208 : i1 to i32
      %cond3A_210 = arith.constant 0 : i32
      %cond3A_211 = arith.cmpi ne, %convert_element_type3A_209, %cond3A_210 : i32
      scf.if %cond3A_211 {
        %dma_wait3A_741 = arith.constant 32 : i32
        %dma_wait3A_742 = tpu.memref_slice %arg4[%mul3A_27, %dma_wait3A_741, %multiple_of3A] : memref<200x64x16384xf32, #tpu.memory_space<hbm>> -> memref<1x32x512xf32, #tpu.memory_space<hbm>>
        %dma_wait3A_743 = tpu.memref_squeeze %dma_wait3A_742 : memref<1x32x512xf32, #tpu.memory_space<hbm>> -> memref<32x512xf32, #tpu.memory_space<hbm>>
        %dma_wait3A_744 = arith.constant 32 : i32
        %dma_wait3A_745 = tpu.memref_slice %arg4[%mul3A_27, %dma_wait3A_744, %multiple_of3A] : memref<200x64x16384xf32, #tpu.memory_space<hbm>> -> memref<1x32x512xf32, #tpu.memory_space<hbm>>
        %dma_wait3A_746 = tpu.memref_squeeze %dma_wait3A_745 : memref<1x32x512xf32, #tpu.memory_space<hbm>> -> memref<32x512xf32, #tpu.memory_space<hbm>>
        tpu.wait_dma2 semaphore(%arg11 : memref<!tpu.dma_semaphore, #tpu.memory_space<semaphore_mem>>) src(%arg9 : memref<32x512xf32, #tpu.memory_space<vmem>>) dst(%dma_wait3A_746 : memref<32x512xf32, #tpu.memory_space<hbm>>)
      } else {
      }
      %get3A_212 = arith.constant 32 : i32
      %get3A_213 = arith.index_cast %get3A_212 : i32 to index
      %get3A_214 = arith.constant 0 : index
      %get3A_215 = tpu.vector_load %arg5[%get3A_213, %get3A_214] {strides = array<i32>} : memref<64x16xf32, #tpu.memory_space<vmem>>, vector<1x16xf32>,
      %get3A_216 = vector.shape_cast %get3A_215 : vector<1x16xf32> to vector<16xf32>
      %get3A_217 = arith.constant 33 : i32
      %get3A_218 = arith.index_cast %get3A_217 : i32 to index
      %get3A_219 = arith.constant 0 : index
      %get3A_220 = tpu.vector_load %arg5[%get3A_218, %get3A_219] {strides = array<i32>} : memref<64x16xf32, #tpu.memory_space<vmem>>, vector<1x16xf32>,
      %get3A_221 = vector.shape_cast %get3A_220 : vector<1x16xf32> to vector<16xf32>
      %get3A_222 = arith.constant 34 : i32
      %get3A_223 = arith.index_cast %get3A_222 : i32 to index
      %get3A_224 = arith.constant 0 : index
      %get3A_225 = tpu.vector_load %arg5[%get3A_223, %get3A_224] {strides = array<i32>} : memref<64x16xf32, #tpu.memory_space<vmem>>, vector<1x16xf32>,
      %get3A_226 = vector.shape_cast %get3A_225 : vector<1x16xf32> to vector<16xf32>
      %get3A_227 = arith.constant 35 : i32
      %get3A_228 = arith.index_cast %get3A_227 : i32 to index
      %get3A_229 = arith.constant 0 : index
      %get3A_230 = tpu.vector_load %arg5[%get3A_228, %get3A_229] {strides = array<i32>} : memref<64x16xf32, #tpu.memory_space<vmem>>, vector<1x16xf32>,
      %get3A_231 = vector.shape_cast %get3A_230 : vector<1x16xf32> to vector<16xf32>
      %get3A_232 = arith.constant 36 : i32
      %get3A_233 = arith.index_cast %get3A_232 : i32 to index
      %get3A_234 = arith.constant 0 : index
      %get3A_235 = tpu.vector_load %arg5[%get3A_233, %get3A_234] {strides = array<i32>} : memref<64x16xf32, #tpu.memory_space<vmem>>, vector<1x16xf32>,
      %get3A_236 = vector.shape_cast %get3A_235 : vector<1x16xf32> to vector<16xf32>
      %get3A_237 = arith.constant 37 : i32
      %get3A_238 = arith.index_cast %get3A_237 : i32 to index
      %get3A_239 = arith.constant 0 : index
      %get3A_240 = tpu.vector_load %arg5[%get3A_238, %get3A_239] {strides = array<i32>} : memref<64x16xf32, #tpu.memory_space<vmem>>, vector<1x16xf32>,
      %get3A_241 = vector.shape_cast %get3A_240 : vector<1x16xf32> to vector<16xf32>
      %get3A_242 = arith.constant 38 : i32
      %get3A_243 = arith.index_cast %get3A_242 : i32 to index
      %get3A_244 = arith.constant 0 : index
      %get3A_245 = tpu.vector_load %arg5[%get3A_243, %get3A_244] {strides = array<i32>} : memref<64x16xf32, #tpu.memory_space<vmem>>, vector<1x16xf32>,
      %get3A_246 = vector.shape_cast %get3A_245 : vector<1x16xf32> to vector<16xf32>
      %get3A_247 = arith.constant 39 : i32
      %get3A_248 = arith.index_cast %get3A_247 : i32 to index
      %get3A_249 = arith.constant 0 : index
      %get3A_250 = tpu.vector_load %arg5[%get3A_248, %get3A_249] {strides = array<i32>} : memref<64x16xf32, #tpu.memory_space<vmem>>, vector<1x16xf32>,
      %get3A_251 = vector.shape_cast %get3A_250 : vector<1x16xf32> to vector<16xf32>
      %get3A_252 = arith.constant 40 : i32
      %get3A_253 = arith.index_cast %get3A_252 : i32 to index
      %get3A_254 = arith.constant 0 : index
      %get3A_255 = tpu.vector_load %arg5[%get3A_253, %get3A_254] {strides = array<i32>} : memref<64x16xf32, #tpu.memory_space<vmem>>, vector<1x16xf32>,
      %get3A_256 = vector.shape_cast %get3A_255 : vector<1x16xf32> to vector<16xf32>
      %get3A_257 = arith.constant 41 : i32
      %get3A_258 = arith.index_cast %get3A_257 : i32 to index
      %get3A_259 = arith.constant 0 : index
      %get3A_260 = tpu.vector_load %arg5[%get3A_258, %get3A_259] {strides = array<i32>} : memref<64x16xf32, #tpu.memory_space<vmem>>, vector<1x16xf32>,
      %get3A_261 = vector.shape_cast %get3A_260 : vector<1x16xf32> to vector<16xf32>
      %get3A_262 = arith.constant 42 : i32
      %get3A_263 = arith.index_cast %get3A_262 : i32 to index
      %get3A_264 = arith.constant 0 : index
      %get3A_265 = tpu.vector_load %arg5[%get3A_263, %get3A_264] {strides = array<i32>} : memref<64x16xf32, #tpu.memory_space<vmem>>, vector<1x16xf32>,
      %get3A_266 = vector.shape_cast %get3A_265 : vector<1x16xf32> to vector<16xf32>
      %get3A_267 = arith.constant 43 : i32
      %get3A_268 = arith.index_cast %get3A_267 : i32 to index
      %get3A_269 = arith.constant 0 : index
      %get3A_270 = tpu.vector_load %arg5[%get3A_268, %get3A_269] {strides = array<i32>} : memref<64x16xf32, #tpu.memory_space<vmem>>, vector<1x16xf32>,
      %get3A_271 = vector.shape_cast %get3A_270 : vector<1x16xf32> to vector<16xf32>
      %get3A_272 = arith.constant 44 : i32
      %get3A_273 = arith.index_cast %get3A_272 : i32 to index
      %get3A_274 = arith.constant 0 : index
      %get3A_275 = tpu.vector_load %arg5[%get3A_273, %get3A_274] {strides = array<i32>} : memref<64x16xf32, #tpu.memory_space<vmem>>, vector<1x16xf32>,
      %get3A_276 = vector.shape_cast %get3A_275 : vector<1x16xf32> to vector<16xf32>
      %get3A_277 = arith.constant 45 : i32
      %get3A_278 = arith.index_cast %get3A_277 : i32 to index
      %get3A_279 = arith.constant 0 : index
      %get3A_280 = tpu.vector_load %arg5[%get3A_278, %get3A_279] {strides = array<i32>} : memref<64x16xf32, #tpu.memory_space<vmem>>, vector<1x16xf32>,
      %get3A_281 = vector.shape_cast %get3A_280 : vector<1x16xf32> to vector<16xf32>
      %get3A_282 = arith.constant 46 : i32
      %get3A_283 = arith.index_cast %get3A_282 : i32 to index
      %get3A_284 = arith.constant 0 : index
      %get3A_285 = tpu.vector_load %arg5[%get3A_283, %get3A_284] {strides = array<i32>} : memref<64x16xf32, #tpu.memory_space<vmem>>, vector<1x16xf32>,
      %get3A_286 = vector.shape_cast %get3A_285 : vector<1x16xf32> to vector<16xf32>
      %get3A_287 = arith.constant 47 : i32
      %get3A_288 = arith.index_cast %get3A_287 : i32 to index
      %get3A_289 = arith.constant 0 : index
      %get3A_290 = tpu.vector_load %arg5[%get3A_288, %get3A_289] {strides = array<i32>} : memref<64x16xf32, #tpu.memory_space<vmem>>, vector<1x16xf32>,
      %get3A_291 = vector.shape_cast %get3A_290 : vector<1x16xf32> to vector<16xf32>
      %get3A_292 = arith.constant 48 : i32
      %get3A_293 = arith.index_cast %get3A_292 : i32 to index
      %get3A_294 = arith.constant 0 : index
      %get3A_295 = tpu.vector_load %arg5[%get3A_293, %get3A_294] {strides = array<i32>} : memref<64x16xf32, #tpu.memory_space<vmem>>, vector<1x16xf32>,
      %get3A_296 = vector.shape_cast %get3A_295 : vector<1x16xf32> to vector<16xf32>
      %get3A_297 = arith.constant 49 : i32
      %get3A_298 = arith.index_cast %get3A_297 : i32 to index
      %get3A_299 = arith.constant 0 : index
      %get3A_300 = tpu.vector_load %arg5[%get3A_298, %get3A_299] {strides = array<i32>} : memref<64x16xf32, #tpu.memory_space<vmem>>, vector<1x16xf32>,
      %get3A_301 = vector.shape_cast %get3A_300 : vector<1x16xf32> to vector<16xf32>
      %get3A_302 = arith.constant 50 : i32
      %get3A_303 = arith.index_cast %get3A_302 : i32 to index
      %get3A_304 = arith.constant 0 : index
      %get3A_305 = tpu.vector_load %arg5[%get3A_303, %get3A_304] {strides = array<i32>} : memref<64x16xf32, #tpu.memory_space<vmem>>, vector<1x16xf32>,
      %get3A_306 = vector.shape_cast %get3A_305 : vector<1x16xf32> to vector<16xf32>
      %get3A_307 = arith.constant 51 : i32
      %get3A_308 = arith.index_cast %get3A_307 : i32 to index
      %get3A_309 = arith.constant 0 : index
      %get3A_310 = tpu.vector_load %arg5[%get3A_308, %get3A_309] {strides = array<i32>} : memref<64x16xf32, #tpu.memory_space<vmem>>, vector<1x16xf32>,
      %get3A_311 = vector.shape_cast %get3A_310 : vector<1x16xf32> to vector<16xf32>
      %get3A_312 = arith.constant 52 : i32
      %get3A_313 = arith.index_cast %get3A_312 : i32 to index
      %get3A_314 = arith.constant 0 : index
      %get3A_315 = tpu.vector_load %arg5[%get3A_313, %get3A_314] {strides = array<i32>} : memref<64x16xf32, #tpu.memory_space<vmem>>, vector<1x16xf32>,
      %get3A_316 = vector.shape_cast %get3A_315 : vector<1x16xf32> to vector<16xf32>
      %get3A_317 = arith.constant 53 : i32
      %get3A_318 = arith.index_cast %get3A_317 : i32 to index
      %get3A_319 = arith.constant 0 : index
      %get3A_320 = tpu.vector_load %arg5[%get3A_318, %get3A_319] {strides = array<i32>} : memref<64x16xf32, #tpu.memory_space<vmem>>, vector<1x16xf32>,
      %get3A_321 = vector.shape_cast %get3A_320 : vector<1x16xf32> to vector<16xf32>
      %get3A_322 = arith.constant 54 : i32
      %get3A_323 = arith.index_cast %get3A_322 : i32 to index
      %get3A_324 = arith.constant 0 : index
      %get3A_325 = tpu.vector_load %arg5[%get3A_323, %get3A_324] {strides = array<i32>} : memref<64x16xf32, #tpu.memory_space<vmem>>, vector<1x16xf32>,
      %get3A_326 = vector.shape_cast %get3A_325 : vector<1x16xf32> to vector<16xf32>
      %get3A_327 = arith.constant 55 : i32
      %get3A_328 = arith.index_cast %get3A_327 : i32 to index
      %get3A_329 = arith.constant 0 : index
      %get3A_330 = tpu.vector_load %arg5[%get3A_328, %get3A_329] {strides = array<i32>} : memref<64x16xf32, #tpu.memory_space<vmem>>, vector<1x16xf32>,
      %get3A_331 = vector.shape_cast %get3A_330 : vector<1x16xf32> to vector<16xf32>
      %get3A_332 = arith.constant 56 : i32
      %get3A_333 = arith.index_cast %get3A_332 : i32 to index
      %get3A_334 = arith.constant 0 : index
      %get3A_335 = tpu.vector_load %arg5[%get3A_333, %get3A_334] {strides = array<i32>} : memref<64x16xf32, #tpu.memory_space<vmem>>, vector<1x16xf32>,
      %get3A_336 = vector.shape_cast %get3A_335 : vector<1x16xf32> to vector<16xf32>
      %get3A_337 = arith.constant 57 : i32
      %get3A_338 = arith.index_cast %get3A_337 : i32 to index
      %get3A_339 = arith.constant 0 : index
      %get3A_340 = tpu.vector_load %arg5[%get3A_338, %get3A_339] {strides = array<i32>} : memref<64x16xf32, #tpu.memory_space<vmem>>, vector<1x16xf32>,
      %get3A_341 = vector.shape_cast %get3A_340 : vector<1x16xf32> to vector<16xf32>
      %get3A_342 = arith.constant 58 : i32
      %get3A_343 = arith.index_cast %get3A_342 : i32 to index
      %get3A_344 = arith.constant 0 : index
      %get3A_345 = tpu.vector_load %arg5[%get3A_343, %get3A_344] {strides = array<i32>} : memref<64x16xf32, #tpu.memory_space<vmem>>, vector<1x16xf32>,
      %get3A_346 = vector.shape_cast %get3A_345 : vector<1x16xf32> to vector<16xf32>
      %get3A_347 = arith.constant 59 : i32
      %get3A_348 = arith.index_cast %get3A_347 : i32 to index
      %get3A_349 = arith.constant 0 : index
      %get3A_350 = tpu.vector_load %arg5[%get3A_348, %get3A_349] {strides = array<i32>} : memref<64x16xf32, #tpu.memory_space<vmem>>, vector<1x16xf32>,
      %get3A_351 = vector.shape_cast %get3A_350 : vector<1x16xf32> to vector<16xf32>
      %get3A_352 = arith.constant 60 : i32
      %get3A_353 = arith.index_cast %get3A_352 : i32 to index
      %get3A_354 = arith.constant 0 : index
      %get3A_355 = tpu.vector_load %arg5[%get3A_353, %get3A_354] {strides = array<i32>} : memref<64x16xf32, #tpu.memory_space<vmem>>, vector<1x16xf32>,
      %get3A_356 = vector.shape_cast %get3A_355 : vector<1x16xf32> to vector<16xf32>
      %get3A_357 = arith.constant 61 : i32
      %get3A_358 = arith.index_cast %get3A_357 : i32 to index
      %get3A_359 = arith.constant 0 : index
      %get3A_360 = tpu.vector_load %arg5[%get3A_358, %get3A_359] {strides = array<i32>} : memref<64x16xf32, #tpu.memory_space<vmem>>, vector<1x16xf32>,
      %get3A_361 = vector.shape_cast %get3A_360 : vector<1x16xf32> to vector<16xf32>
      %get3A_362 = arith.constant 62 : i32
      %get3A_363 = arith.index_cast %get3A_362 : i32 to index
      %get3A_364 = arith.constant 0 : index
      %get3A_365 = tpu.vector_load %arg5[%get3A_363, %get3A_364] {strides = array<i32>} : memref<64x16xf32, #tpu.memory_space<vmem>>, vector<1x16xf32>,
      %get3A_366 = vector.shape_cast %get3A_365 : vector<1x16xf32> to vector<16xf32>
      %get3A_367 = arith.constant 63 : i32
      %get3A_368 = arith.index_cast %get3A_367 : i32 to index
      %get3A_369 = arith.constant 0 : index
      %get3A_370 = tpu.vector_load %arg5[%get3A_368, %get3A_369] {strides = array<i32>} : memref<64x16xf32, #tpu.memory_space<vmem>>, vector<1x16xf32>,
      %get3A_371 = vector.shape_cast %get3A_370 : vector<1x16xf32> to vector<16xf32>
      %parallel_loop3A_372 = arith.constant 0 : i32
      %parallel_loop3A_373 = arith.constant 32 : i32
      %parallel_loop3A_374 = arith.constant 1 : i32
      scf.for %parallel_loop3A_741 = %parallel_loop3A_372 to %parallel_loop3A_373 step %parallel_loop3A_374  : i32 {
        %parallel_loop3A_742 = arith.constant 16 : i32
        %parallel_loop3A_743 = arith.muli %parallel_loop3A_741, %parallel_loop3A_742 : i32
        %parallel_loop3A_744 = tpu.assume_multiple %parallel_loop3A_743, 16 : i32
        %parallel_loop3A_745 = arith.index_cast %parallel_loop3A_744 : i32 to index
        %parallel_loop3A_746 = tpu.vector_load %arg6[%parallel_loop3A_745] {strides = array<i32>} : memref<512xi32, #tpu.memory_space<vmem>>, vector<16xi32>,
        %parallel_loop3A_747 = vector.shape_cast %parallel_loop3A_746 : vector<16xi32> to vector<16xi32>
        %parallel_loop3A_748 = arith.constant 0 : i32
        %parallel_loop3A_749 = vector.broadcast %parallel_loop3A_748 : i32 to vector<16xi32>
        %parallel_loop3A_750 = arith.cmpi slt, %parallel_loop3A_747, %parallel_loop3A_749 : vector<16xi32>
        %parallel_loop3A_751 = arith.constant 16 : i32
        %parallel_loop3A_752 = vector.broadcast %parallel_loop3A_751 : i32 to vector<16xi32>
        %parallel_loop3A_753 = arith.addi %parallel_loop3A_747, %parallel_loop3A_752 : vector<16xi32>
        %parallel_loop3A_754 = arith.select %parallel_loop3A_750, %parallel_loop3A_753, %parallel_loop3A_747 : vector<16xi1>, vector<16xi32>
        %parallel_loop3A_755 = vector.shape_cast %parallel_loop3A_754 : vector<16xi32> to vector<16x1xi32>
        %parallel_loop3A_756 = vector.shape_cast %parallel_loop3A_755 : vector<16x1xi32> to vector<16xi32>
        %parallel_loop3A_757 = tpu.dynamic_gather %get3A_216[%parallel_loop3A_756] in [0] : vector<16xf32>, vector<16xi32> -> vector<16xf32>
        %parallel_loop3A_758 = arith.constant 0 : i32
        %parallel_loop3A_759 = arith.index_cast %parallel_loop3A_758 : i32 to index
        %parallel_loop3A_760 = arith.index_cast %parallel_loop3A_744 : i32 to index
        %parallel_loop3A_761 = tpu.vector_load %arg9[%parallel_loop3A_759, %parallel_loop3A_760] {strides = array<i32>} : memref<32x512xf32, #tpu.memory_space<vmem>>, vector<1x16xf32>,
        %parallel_loop3A_762 = vector.shape_cast %parallel_loop3A_761 : vector<1x16xf32> to vector<16xf32>
        %parallel_loop3A_763 = vector.shape_cast %parallel_loop3A_757 : vector<16xf32> to vector<1x16xf32>
        tpu.vector_store %arg9[%parallel_loop3A_759, %parallel_loop3A_760], %parallel_loop3A_763 {strides = array<i32>} : memref<32x512xf32, #tpu.memory_space<vmem>>, vector<1x16xf32>,
        %parallel_loop3A_764 = arith.constant 0 : i32
        %parallel_loop3A_765 = vector.broadcast %parallel_loop3A_764 : i32 to vector<16xi32>
        %parallel_loop3A_766 = arith.cmpi slt, %parallel_loop3A_747, %parallel_loop3A_765 : vector<16xi32>
        %parallel_loop3A_767 = arith.constant 16 : i32
        %parallel_loop3A_768 = vector.broadcast %parallel_loop3A_767 : i32 to vector<16xi32>
        %parallel_loop3A_769 = arith.addi %parallel_loop3A_747, %parallel_loop3A_768 : vector<16xi32>
        %parallel_loop3A_770 = arith.select %parallel_loop3A_766, %parallel_loop3A_769, %parallel_loop3A_747 : vector<16xi1>, vector<16xi32>
        %parallel_loop3A_771 = vector.shape_cast %parallel_loop3A_770 : vector<16xi32> to vector<16x1xi32>
        %parallel_loop3A_772 = vector.shape_cast %parallel_loop3A_771 : vector<16x1xi32> to vector<16xi32>
        %parallel_loop3A_773 = tpu.dynamic_gather %get3A_221[%parallel_loop3A_772] in [0] : vector<16xf32>, vector<16xi32> -> vector<16xf32>
        %parallel_loop3A_774 = arith.constant 1 : i32
        %parallel_loop3A_775 = arith.index_cast %parallel_loop3A_774 : i32 to index
        %parallel_loop3A_776 = arith.index_cast %parallel_loop3A_744 : i32 to index
        %parallel_loop3A_777 = tpu.vector_load %arg9[%parallel_loop3A_775, %parallel_loop3A_776] {strides = array<i32>} : memref<32x512xf32, #tpu.memory_space<vmem>>, vector<1x16xf32>,
        %parallel_loop3A_778 = vector.shape_cast %parallel_loop3A_777 : vector<1x16xf32> to vector<16xf32>
        %parallel_loop3A_779 = vector.shape_cast %parallel_loop3A_773 : vector<16xf32> to vector<1x16xf32>
        tpu.vector_store %arg9[%parallel_loop3A_775, %parallel_loop3A_776], %parallel_loop3A_779 {strides = array<i32>} : memref<32x512xf32, #tpu.memory_space<vmem>>, vector<1x16xf32>,
        %parallel_loop3A_780 = arith.constant 0 : i32
        %parallel_loop3A_781 = vector.broadcast %parallel_loop3A_780 : i32 to vector<16xi32>
        %parallel_loop3A_782 = arith.cmpi slt, %parallel_loop3A_747, %parallel_loop3A_781 : vector<16xi32>
        %parallel_loop3A_783 = arith.constant 16 : i32
        %parallel_loop3A_784 = vector.broadcast %parallel_loop3A_783 : i32 to vector<16xi32>
        %parallel_loop3A_785 = arith.addi %parallel_loop3A_747, %parallel_loop3A_784 : vector<16xi32>
        %parallel_loop3A_786 = arith.select %parallel_loop3A_782, %parallel_loop3A_785, %parallel_loop3A_747 : vector<16xi1>, vector<16xi32>
        %parallel_loop3A_787 = vector.shape_cast %parallel_loop3A_786 : vector<16xi32> to vector<16x1xi32>
        %parallel_loop3A_788 = vector.shape_cast %parallel_loop3A_787 : vector<16x1xi32> to vector<16xi32>
        %parallel_loop3A_789 = tpu.dynamic_gather %get3A_226[%parallel_loop3A_788] in [0] : vector<16xf32>, vector<16xi32> -> vector<16xf32>
        %parallel_loop3A_790 = arith.constant 2 : i32
        %parallel_loop3A_791 = arith.index_cast %parallel_loop3A_790 : i32 to index
        %parallel_loop3A_792 = arith.index_cast %parallel_loop3A_744 : i32 to index
        %parallel_loop3A_793 = tpu.vector_load %arg9[%parallel_loop3A_791, %parallel_loop3A_792] {strides = array<i32>} : memref<32x512xf32, #tpu.memory_space<vmem>>, vector<1x16xf32>,
        %parallel_loop3A_794 = vector.shape_cast %parallel_loop3A_793 : vector<1x16xf32> to vector<16xf32>
        %parallel_loop3A_795 = vector.shape_cast %parallel_loop3A_789 : vector<16xf32> to vector<1x16xf32>
        tpu.vector_store %arg9[%parallel_loop3A_791, %parallel_loop3A_792], %parallel_loop3A_795 {strides = array<i32>} : memref<32x512xf32, #tpu.memory_space<vmem>>, vector<1x16xf32>,
        %parallel_loop3A_796 = arith.constant 0 : i32
        %parallel_loop3A_797 = vector.broadcast %parallel_loop3A_796 : i32 to vector<16xi32>
        %parallel_loop3A_798 = arith.cmpi slt, %parallel_loop3A_747, %parallel_loop3A_797 : vector<16xi32>
        %parallel_loop3A_799 = arith.constant 16 : i32
        %parallel_loop3A_800 = vector.broadcast %parallel_loop3A_799 : i32 to vector<16xi32>
        %parallel_loop3A_801 = arith.addi %parallel_loop3A_747, %parallel_loop3A_800 : vector<16xi32>
        %parallel_loop3A_802 = arith.select %parallel_loop3A_798, %parallel_loop3A_801, %parallel_loop3A_747 : vector<16xi1>, vector<16xi32>
        %parallel_loop3A_803 = vector.shape_cast %parallel_loop3A_802 : vector<16xi32> to vector<16x1xi32>
        %parallel_loop3A_804 = vector.shape_cast %parallel_loop3A_803 : vector<16x1xi32> to vector<16xi32>
        %parallel_loop3A_805 = tpu.dynamic_gather %get3A_231[%parallel_loop3A_804] in [0] : vector<16xf32>, vector<16xi32> -> vector<16xf32>
        %parallel_loop3A_806 = arith.constant 3 : i32
        %parallel_loop3A_807 = arith.index_cast %parallel_loop3A_806 : i32 to index
        %parallel_loop3A_808 = arith.index_cast %parallel_loop3A_744 : i32 to index
        %parallel_loop3A_809 = tpu.vector_load %arg9[%parallel_loop3A_807, %parallel_loop3A_808] {strides = array<i32>} : memref<32x512xf32, #tpu.memory_space<vmem>>, vector<1x16xf32>,
        %parallel_loop3A_810 = vector.shape_cast %parallel_loop3A_809 : vector<1x16xf32> to vector<16xf32>
        %parallel_loop3A_811 = vector.shape_cast %parallel_loop3A_805 : vector<16xf32> to vector<1x16xf32>
        tpu.vector_store %arg9[%parallel_loop3A_807, %parallel_loop3A_808], %parallel_loop3A_811 {strides = array<i32>} : memref<32x512xf32, #tpu.memory_space<vmem>>, vector<1x16xf32>,
        %parallel_loop3A_812 = arith.constant 0 : i32
        %parallel_loop3A_813 = vector.broadcast %parallel_loop3A_812 : i32 to vector<16xi32>
        %parallel_loop3A_814 = arith.cmpi slt, %parallel_loop3A_747, %parallel_loop3A_813 : vector<16xi32>
        %parallel_loop3A_815 = arith.constant 16 : i32
        %parallel_loop3A_816 = vector.broadcast %parallel_loop3A_815 : i32 to vector<16xi32>
        %parallel_loop3A_817 = arith.addi %parallel_loop3A_747, %parallel_loop3A_816 : vector<16xi32>
        %parallel_loop3A_818 = arith.select %parallel_loop3A_814, %parallel_loop3A_817, %parallel_loop3A_747 : vector<16xi1>, vector<16xi32>
        %parallel_loop3A_819 = vector.shape_cast %parallel_loop3A_818 : vector<16xi32> to vector<16x1xi32>
        %parallel_loop3A_820 = vector.shape_cast %parallel_loop3A_819 : vector<16x1xi32> to vector<16xi32>
        %parallel_loop3A_821 = tpu.dynamic_gather %get3A_236[%parallel_loop3A_820] in [0] : vector<16xf32>, vector<16xi32> -> vector<16xf32>
        %parallel_loop3A_822 = arith.constant 4 : i32
        %parallel_loop3A_823 = arith.index_cast %parallel_loop3A_822 : i32 to index
        %parallel_loop3A_824 = arith.index_cast %parallel_loop3A_744 : i32 to index
        %parallel_loop3A_825 = tpu.vector_load %arg9[%parallel_loop3A_823, %parallel_loop3A_824] {strides = array<i32>} : memref<32x512xf32, #tpu.memory_space<vmem>>, vector<1x16xf32>,
        %parallel_loop3A_826 = vector.shape_cast %parallel_loop3A_825 : vector<1x16xf32> to vector<16xf32>
        %parallel_loop3A_827 = vector.shape_cast %parallel_loop3A_821 : vector<16xf32> to vector<1x16xf32>
        tpu.vector_store %arg9[%parallel_loop3A_823, %parallel_loop3A_824], %parallel_loop3A_827 {strides = array<i32>} : memref<32x512xf32, #tpu.memory_space<vmem>>, vector<1x16xf32>,
        %parallel_loop3A_828 = arith.constant 0 : i32
        %parallel_loop3A_829 = vector.broadcast %parallel_loop3A_828 : i32 to vector<16xi32>
        %parallel_loop3A_830 = arith.cmpi slt, %parallel_loop3A_747, %parallel_loop3A_829 : vector<16xi32>
        %parallel_loop3A_831 = arith.constant 16 : i32
        %parallel_loop3A_832 = vector.broadcast %parallel_loop3A_831 : i32 to vector<16xi32>
        %parallel_loop3A_833 = arith.addi %parallel_loop3A_747, %parallel_loop3A_832 : vector<16xi32>
        %parallel_loop3A_834 = arith.select %parallel_loop3A_830, %parallel_loop3A_833, %parallel_loop3A_747 : vector<16xi1>, vector<16xi32>
        %parallel_loop3A_835 = vector.shape_cast %parallel_loop3A_834 : vector<16xi32> to vector<16x1xi32>
        %parallel_loop3A_836 = vector.shape_cast %parallel_loop3A_835 : vector<16x1xi32> to vector<16xi32>
        %parallel_loop3A_837 = tpu.dynamic_gather %get3A_241[%parallel_loop3A_836] in [0] : vector<16xf32>, vector<16xi32> -> vector<16xf32>
        %parallel_loop3A_838 = arith.constant 5 : i32
        %parallel_loop3A_839 = arith.index_cast %parallel_loop3A_838 : i32 to index
        %parallel_loop3A_840 = arith.index_cast %parallel_loop3A_744 : i32 to index
        %parallel_loop3A_841 = tpu.vector_load %arg9[%parallel_loop3A_839, %parallel_loop3A_840] {strides = array<i32>} : memref<32x512xf32, #tpu.memory_space<vmem>>, vector<1x16xf32>,
        %parallel_loop3A_842 = vector.shape_cast %parallel_loop3A_841 : vector<1x16xf32> to vector<16xf32>
        %parallel_loop3A_843 = vector.shape_cast %parallel_loop3A_837 : vector<16xf32> to vector<1x16xf32>
        tpu.vector_store %arg9[%parallel_loop3A_839, %parallel_loop3A_840], %parallel_loop3A_843 {strides = array<i32>} : memref<32x512xf32, #tpu.memory_space<vmem>>, vector<1x16xf32>,
        %parallel_loop3A_844 = arith.constant 0 : i32
        %parallel_loop3A_845 = vector.broadcast %parallel_loop3A_844 : i32 to vector<16xi32>
        %parallel_loop3A_846 = arith.cmpi slt, %parallel_loop3A_747, %parallel_loop3A_845 : vector<16xi32>
        %parallel_loop3A_847 = arith.constant 16 : i32
        %parallel_loop3A_848 = vector.broadcast %parallel_loop3A_847 : i32 to vector<16xi32>
        %parallel_loop3A_849 = arith.addi %parallel_loop3A_747, %parallel_loop3A_848 : vector<16xi32>
        %parallel_loop3A_850 = arith.select %parallel_loop3A_846, %parallel_loop3A_849, %parallel_loop3A_747 : vector<16xi1>, vector<16xi32>
        %parallel_loop3A_851 = vector.shape_cast %parallel_loop3A_850 : vector<16xi32> to vector<16x1xi32>
        %parallel_loop3A_852 = vector.shape_cast %parallel_loop3A_851 : vector<16x1xi32> to vector<16xi32>
        %parallel_loop3A_853 = tpu.dynamic_gather %get3A_246[%parallel_loop3A_852] in [0] : vector<16xf32>, vector<16xi32> -> vector<16xf32>
        %parallel_loop3A_854 = arith.constant 6 : i32
        %parallel_loop3A_855 = arith.index_cast %parallel_loop3A_854 : i32 to index
        %parallel_loop3A_856 = arith.index_cast %parallel_loop3A_744 : i32 to index
        %parallel_loop3A_857 = tpu.vector_load %arg9[%parallel_loop3A_855, %parallel_loop3A_856] {strides = array<i32>} : memref<32x512xf32, #tpu.memory_space<vmem>>, vector<1x16xf32>,
        %parallel_loop3A_858 = vector.shape_cast %parallel_loop3A_857 : vector<1x16xf32> to vector<16xf32>
        %parallel_loop3A_859 = vector.shape_cast %parallel_loop3A_853 : vector<16xf32> to vector<1x16xf32>
        tpu.vector_store %arg9[%parallel_loop3A_855, %parallel_loop3A_856], %parallel_loop3A_859 {strides = array<i32>} : memref<32x512xf32, #tpu.memory_space<vmem>>, vector<1x16xf32>,
        %parallel_loop3A_860 = arith.constant 0 : i32
        %parallel_loop3A_861 = vector.broadcast %parallel_loop3A_860 : i32 to vector<16xi32>
        %parallel_loop3A_862 = arith.cmpi slt, %parallel_loop3A_747, %parallel_loop3A_861 : vector<16xi32>
        %parallel_loop3A_863 = arith.constant 16 : i32
        %parallel_loop3A_864 = vector.broadcast %parallel_loop3A_863 : i32 to vector<16xi32>
        %parallel_loop3A_865 = arith.addi %parallel_loop3A_747, %parallel_loop3A_864 : vector<16xi32>
        %parallel_loop3A_866 = arith.select %parallel_loop3A_862, %parallel_loop3A_865, %parallel_loop3A_747 : vector<16xi1>, vector<16xi32>
        %parallel_loop3A_867 = vector.shape_cast %parallel_loop3A_866 : vector<16xi32> to vector<16x1xi32>
        %parallel_loop3A_868 = vector.shape_cast %parallel_loop3A_867 : vector<16x1xi32> to vector<16xi32>
        %parallel_loop3A_869 = tpu.dynamic_gather %get3A_251[%parallel_loop3A_868] in [0] : vector<16xf32>, vector<16xi32> -> vector<16xf32>
        %parallel_loop3A_870 = arith.constant 7 : i32
        %parallel_loop3A_871 = arith.index_cast %parallel_loop3A_870 : i32 to index
        %parallel_loop3A_872 = arith.index_cast %parallel_loop3A_744 : i32 to index
        %parallel_loop3A_873 = tpu.vector_load %arg9[%parallel_loop3A_871, %parallel_loop3A_872] {strides = array<i32>} : memref<32x512xf32, #tpu.memory_space<vmem>>, vector<1x16xf32>,
        %parallel_loop3A_874 = vector.shape_cast %parallel_loop3A_873 : vector<1x16xf32> to vector<16xf32>
        %parallel_loop3A_875 = vector.shape_cast %parallel_loop3A_869 : vector<16xf32> to vector<1x16xf32>
        tpu.vector_store %arg9[%parallel_loop3A_871, %parallel_loop3A_872], %parallel_loop3A_875 {strides = array<i32>} : memref<32x512xf32, #tpu.memory_space<vmem>>, vector<1x16xf32>,
        %parallel_loop3A_876 = arith.constant 0 : i32
        %parallel_loop3A_877 = vector.broadcast %parallel_loop3A_876 : i32 to vector<16xi32>
        %parallel_loop3A_878 = arith.cmpi slt, %parallel_loop3A_747, %parallel_loop3A_877 : vector<16xi32>
        %parallel_loop3A_879 = arith.constant 16 : i32
        %parallel_loop3A_880 = vector.broadcast %parallel_loop3A_879 : i32 to vector<16xi32>
        %parallel_loop3A_881 = arith.addi %parallel_loop3A_747, %parallel_loop3A_880 : vector<16xi32>
        %parallel_loop3A_882 = arith.select %parallel_loop3A_878, %parallel_loop3A_881, %parallel_loop3A_747 : vector<16xi1>, vector<16xi32>
        %parallel_loop3A_883 = vector.shape_cast %parallel_loop3A_882 : vector<16xi32> to vector<16x1xi32>
        %parallel_loop3A_884 = vector.shape_cast %parallel_loop3A_883 : vector<16x1xi32> to vector<16xi32>
        %parallel_loop3A_885 = tpu.dynamic_gather %get3A_256[%parallel_loop3A_884] in [0] : vector<16xf32>, vector<16xi32> -> vector<16xf32>
        %parallel_loop3A_886 = arith.constant 8 : i32
        %parallel_loop3A_887 = arith.index_cast %parallel_loop3A_886 : i32 to index
        %parallel_loop3A_888 = arith.index_cast %parallel_loop3A_744 : i32 to index
        %parallel_loop3A_889 = tpu.vector_load %arg9[%parallel_loop3A_887, %parallel_loop3A_888] {strides = array<i32>} : memref<32x512xf32, #tpu.memory_space<vmem>>, vector<1x16xf32>,
        %parallel_loop3A_890 = vector.shape_cast %parallel_loop3A_889 : vector<1x16xf32> to vector<16xf32>
        %parallel_loop3A_891 = vector.shape_cast %parallel_loop3A_885 : vector<16xf32> to vector<1x16xf32>
        tpu.vector_store %arg9[%parallel_loop3A_887, %parallel_loop3A_888], %parallel_loop3A_891 {strides = array<i32>} : memref<32x512xf32, #tpu.memory_space<vmem>>, vector<1x16xf32>,
        %parallel_loop3A_892 = arith.constant 0 : i32
        %parallel_loop3A_893 = vector.broadcast %parallel_loop3A_892 : i32 to vector<16xi32>
        %parallel_loop3A_894 = arith.cmpi slt, %parallel_loop3A_747, %parallel_loop3A_893 : vector<16xi32>
        %parallel_loop3A_895 = arith.constant 16 : i32
        %parallel_loop3A_896 = vector.broadcast %parallel_loop3A_895 : i32 to vector<16xi32>
        %parallel_loop3A_897 = arith.addi %parallel_loop3A_747, %parallel_loop3A_896 : vector<16xi32>
        %parallel_loop3A_898 = arith.select %parallel_loop3A_894, %parallel_loop3A_897, %parallel_loop3A_747 : vector<16xi1>, vector<16xi32>
        %parallel_loop3A_899 = vector.shape_cast %parallel_loop3A_898 : vector<16xi32> to vector<16x1xi32>
        %parallel_loop3A_900 = vector.shape_cast %parallel_loop3A_899 : vector<16x1xi32> to vector<16xi32>
        %parallel_loop3A_901 = tpu.dynamic_gather %get3A_261[%parallel_loop3A_900] in [0] : vector<16xf32>, vector<16xi32> -> vector<16xf32>
        %parallel_loop3A_902 = arith.constant 9 : i32
        %parallel_loop3A_903 = arith.index_cast %parallel_loop3A_902 : i32 to index
        %parallel_loop3A_904 = arith.index_cast %parallel_loop3A_744 : i32 to index
        %parallel_loop3A_905 = tpu.vector_load %arg9[%parallel_loop3A_903, %parallel_loop3A_904] {strides = array<i32>} : memref<32x512xf32, #tpu.memory_space<vmem>>, vector<1x16xf32>,
        %parallel_loop3A_906 = vector.shape_cast %parallel_loop3A_905 : vector<1x16xf32> to vector<16xf32>
        %parallel_loop3A_907 = vector.shape_cast %parallel_loop3A_901 : vector<16xf32> to vector<1x16xf32>
        tpu.vector_store %arg9[%parallel_loop3A_903, %parallel_loop3A_904], %parallel_loop3A_907 {strides = array<i32>} : memref<32x512xf32, #tpu.memory_space<vmem>>, vector<1x16xf32>,
        %parallel_loop3A_908 = arith.constant 0 : i32
        %parallel_loop3A_909 = vector.broadcast %parallel_loop3A_908 : i32 to vector<16xi32>
        %parallel_loop3A_910 = arith.cmpi slt, %parallel_loop3A_747, %parallel_loop3A_909 : vector<16xi32>
        %parallel_loop3A_911 = arith.constant 16 : i32
        %parallel_loop3A_912 = vector.broadcast %parallel_loop3A_911 : i32 to vector<16xi32>
        %parallel_loop3A_913 = arith.addi %parallel_loop3A_747, %parallel_loop3A_912 : vector<16xi32>
        %parallel_loop3A_914 = arith.select %parallel_loop3A_910, %parallel_loop3A_913, %parallel_loop3A_747 : vector<16xi1>, vector<16xi32>
        %parallel_loop3A_915 = vector.shape_cast %parallel_loop3A_914 : vector<16xi32> to vector<16x1xi32>
        %parallel_loop3A_916 = vector.shape_cast %parallel_loop3A_915 : vector<16x1xi32> to vector<16xi32>
        %parallel_loop3A_917 = tpu.dynamic_gather %get3A_266[%parallel_loop3A_916] in [0] : vector<16xf32>, vector<16xi32> -> vector<16xf32>
        %parallel_loop3A_918 = arith.constant 10 : i32
        %parallel_loop3A_919 = arith.index_cast %parallel_loop3A_918 : i32 to index
        %parallel_loop3A_920 = arith.index_cast %parallel_loop3A_744 : i32 to index
        %parallel_loop3A_921 = tpu.vector_load %arg9[%parallel_loop3A_919, %parallel_loop3A_920] {strides = array<i32>} : memref<32x512xf32, #tpu.memory_space<vmem>>, vector<1x16xf32>,
        %parallel_loop3A_922 = vector.shape_cast %parallel_loop3A_921 : vector<1x16xf32> to vector<16xf32>
        %parallel_loop3A_923 = vector.shape_cast %parallel_loop3A_917 : vector<16xf32> to vector<1x16xf32>
        tpu.vector_store %arg9[%parallel_loop3A_919, %parallel_loop3A_920], %parallel_loop3A_923 {strides = array<i32>} : memref<32x512xf32, #tpu.memory_space<vmem>>, vector<1x16xf32>,
        %parallel_loop3A_924 = arith.constant 0 : i32
        %parallel_loop3A_925 = vector.broadcast %parallel_loop3A_924 : i32 to vector<16xi32>
        %parallel_loop3A_926 = arith.cmpi slt, %parallel_loop3A_747, %parallel_loop3A_925 : vector<16xi32>
        %parallel_loop3A_927 = arith.constant 16 : i32
        %parallel_loop3A_928 = vector.broadcast %parallel_loop3A_927 : i32 to vector<16xi32>
        %parallel_loop3A_929 = arith.addi %parallel_loop3A_747, %parallel_loop3A_928 : vector<16xi32>
        %parallel_loop3A_930 = arith.select %parallel_loop3A_926, %parallel_loop3A_929, %parallel_loop3A_747 : vector<16xi1>, vector<16xi32>
        %parallel_loop3A_931 = vector.shape_cast %parallel_loop3A_930 : vector<16xi32> to vector<16x1xi32>
        %parallel_loop3A_932 = vector.shape_cast %parallel_loop3A_931 : vector<16x1xi32> to vector<16xi32>
        %parallel_loop3A_933 = tpu.dynamic_gather %get3A_271[%parallel_loop3A_932] in [0] : vector<16xf32>, vector<16xi32> -> vector<16xf32>
        %parallel_loop3A_934 = arith.constant 11 : i32
        %parallel_loop3A_935 = arith.index_cast %parallel_loop3A_934 : i32 to index
        %parallel_loop3A_936 = arith.index_cast %parallel_loop3A_744 : i32 to index
        %parallel_loop3A_937 = tpu.vector_load %arg9[%parallel_loop3A_935, %parallel_loop3A_936] {strides = array<i32>} : memref<32x512xf32, #tpu.memory_space<vmem>>, vector<1x16xf32>,
        %parallel_loop3A_938 = vector.shape_cast %parallel_loop3A_937 : vector<1x16xf32> to vector<16xf32>
        %parallel_loop3A_939 = vector.shape_cast %parallel_loop3A_933 : vector<16xf32> to vector<1x16xf32>
        tpu.vector_store %arg9[%parallel_loop3A_935, %parallel_loop3A_936], %parallel_loop3A_939 {strides = array<i32>} : memref<32x512xf32, #tpu.memory_space<vmem>>, vector<1x16xf32>,
        %parallel_loop3A_940 = arith.constant 0 : i32
        %parallel_loop3A_941 = vector.broadcast %parallel_loop3A_940 : i32 to vector<16xi32>
        %parallel_loop3A_942 = arith.cmpi slt, %parallel_loop3A_747, %parallel_loop3A_941 : vector<16xi32>
        %parallel_loop3A_943 = arith.constant 16 : i32
        %parallel_loop3A_944 = vector.broadcast %parallel_loop3A_943 : i32 to vector<16xi32>
        %parallel_loop3A_945 = arith.addi %parallel_loop3A_747, %parallel_loop3A_944 : vector<16xi32>
        %parallel_loop3A_946 = arith.select %parallel_loop3A_942, %parallel_loop3A_945, %parallel_loop3A_747 : vector<16xi1>, vector<16xi32>
        %parallel_loop3A_947 = vector.shape_cast %parallel_loop3A_946 : vector<16xi32> to vector<16x1xi32>
        %parallel_loop3A_948 = vector.shape_cast %parallel_loop3A_947 : vector<16x1xi32> to vector<16xi32>
        %parallel_loop3A_949 = tpu.dynamic_gather %get3A_276[%parallel_loop3A_948] in [0] : vector<16xf32>, vector<16xi32> -> vector<16xf32>
        %parallel_loop3A_950 = arith.constant 12 : i32
        %parallel_loop3A_951 = arith.index_cast %parallel_loop3A_950 : i32 to index
        %parallel_loop3A_952 = arith.index_cast %parallel_loop3A_744 : i32 to index
        %parallel_loop3A_953 = tpu.vector_load %arg9[%parallel_loop3A_951, %parallel_loop3A_952] {strides = array<i32>} : memref<32x512xf32, #tpu.memory_space<vmem>>, vector<1x16xf32>,
        %parallel_loop3A_954 = vector.shape_cast %parallel_loop3A_953 : vector<1x16xf32> to vector<16xf32>
        %parallel_loop3A_955 = vector.shape_cast %parallel_loop3A_949 : vector<16xf32> to vector<1x16xf32>
        tpu.vector_store %arg9[%parallel_loop3A_951, %parallel_loop3A_952], %parallel_loop3A_955 {strides = array<i32>} : memref<32x512xf32, #tpu.memory_space<vmem>>, vector<1x16xf32>,
        %parallel_loop3A_956 = arith.constant 0 : i32
        %parallel_loop3A_957 = vector.broadcast %parallel_loop3A_956 : i32 to vector<16xi32>
        %parallel_loop3A_958 = arith.cmpi slt, %parallel_loop3A_747, %parallel_loop3A_957 : vector<16xi32>
        %parallel_loop3A_959 = arith.constant 16 : i32
        %parallel_loop3A_960 = vector.broadcast %parallel_loop3A_959 : i32 to vector<16xi32>
        %parallel_loop3A_961 = arith.addi %parallel_loop3A_747, %parallel_loop3A_960 : vector<16xi32>
        %parallel_loop3A_962 = arith.select %parallel_loop3A_958, %parallel_loop3A_961, %parallel_loop3A_747 : vector<16xi1>, vector<16xi32>
        %parallel_loop3A_963 = vector.shape_cast %parallel_loop3A_962 : vector<16xi32> to vector<16x1xi32>
        %parallel_loop3A_964 = vector.shape_cast %parallel_loop3A_963 : vector<16x1xi32> to vector<16xi32>
        %parallel_loop3A_965 = tpu.dynamic_gather %get3A_281[%parallel_loop3A_964] in [0] : vector<16xf32>, vector<16xi32> -> vector<16xf32>
        %parallel_loop3A_966 = arith.constant 13 : i32
        %parallel_loop3A_967 = arith.index_cast %parallel_loop3A_966 : i32 to index
        %parallel_loop3A_968 = arith.index_cast %parallel_loop3A_744 : i32 to index
        %parallel_loop3A_969 = tpu.vector_load %arg9[%parallel_loop3A_967, %parallel_loop3A_968] {strides = array<i32>} : memref<32x512xf32, #tpu.memory_space<vmem>>, vector<1x16xf32>,
        %parallel_loop3A_970 = vector.shape_cast %parallel_loop3A_969 : vector<1x16xf32> to vector<16xf32>
        %parallel_loop3A_971 = vector.shape_cast %parallel_loop3A_965 : vector<16xf32> to vector<1x16xf32>
        tpu.vector_store %arg9[%parallel_loop3A_967, %parallel_loop3A_968], %parallel_loop3A_971 {strides = array<i32>} : memref<32x512xf32, #tpu.memory_space<vmem>>, vector<1x16xf32>,
        %parallel_loop3A_972 = arith.constant 0 : i32
        %parallel_loop3A_973 = vector.broadcast %parallel_loop3A_972 : i32 to vector<16xi32>
        %parallel_loop3A_974 = arith.cmpi slt, %parallel_loop3A_747, %parallel_loop3A_973 : vector<16xi32>
        %parallel_loop3A_975 = arith.constant 16 : i32
        %parallel_loop3A_976 = vector.broadcast %parallel_loop3A_975 : i32 to vector<16xi32>
        %parallel_loop3A_977 = arith.addi %parallel_loop3A_747, %parallel_loop3A_976 : vector<16xi32>
        %parallel_loop3A_978 = arith.select %parallel_loop3A_974, %parallel_loop3A_977, %parallel_loop3A_747 : vector<16xi1>, vector<16xi32>
        %parallel_loop3A_979 = vector.shape_cast %parallel_loop3A_978 : vector<16xi32> to vector<16x1xi32>
        %parallel_loop3A_980 = vector.shape_cast %parallel_loop3A_979 : vector<16x1xi32> to vector<16xi32>
        %parallel_loop3A_981 = tpu.dynamic_gather %get3A_286[%parallel_loop3A_980] in [0] : vector<16xf32>, vector<16xi32> -> vector<16xf32>
        %parallel_loop3A_982 = arith.constant 14 : i32
        %parallel_loop3A_983 = arith.index_cast %parallel_loop3A_982 : i32 to index
        %parallel_loop3A_984 = arith.index_cast %parallel_loop3A_744 : i32 to index
        %parallel_loop3A_985 = tpu.vector_load %arg9[%parallel_loop3A_983, %parallel_loop3A_984] {strides = array<i32>} : memref<32x512xf32, #tpu.memory_space<vmem>>, vector<1x16xf32>,
        %parallel_loop3A_986 = vector.shape_cast %parallel_loop3A_985 : vector<1x16xf32> to vector<16xf32>
        %parallel_loop3A_987 = vector.shape_cast %parallel_loop3A_981 : vector<16xf32> to vector<1x16xf32>
        tpu.vector_store %arg9[%parallel_loop3A_983, %parallel_loop3A_984], %parallel_loop3A_987 {strides = array<i32>} : memref<32x512xf32, #tpu.memory_space<vmem>>, vector<1x16xf32>,
        %parallel_loop3A_988 = arith.constant 0 : i32
        %parallel_loop3A_989 = vector.broadcast %parallel_loop3A_988 : i32 to vector<16xi32>
        %parallel_loop3A_990 = arith.cmpi slt, %parallel_loop3A_747, %parallel_loop3A_989 : vector<16xi32>
        %parallel_loop3A_991 = arith.constant 16 : i32
        %parallel_loop3A_992 = vector.broadcast %parallel_loop3A_991 : i32 to vector<16xi32>
        %parallel_loop3A_993 = arith.addi %parallel_loop3A_747, %parallel_loop3A_992 : vector<16xi32>
        %parallel_loop3A_994 = arith.select %parallel_loop3A_990, %parallel_loop3A_993, %parallel_loop3A_747 : vector<16xi1>, vector<16xi32>
        %parallel_loop3A_995 = vector.shape_cast %parallel_loop3A_994 : vector<16xi32> to vector<16x1xi32>
        %parallel_loop3A_996 = vector.shape_cast %parallel_loop3A_995 : vector<16x1xi32> to vector<16xi32>
        %parallel_loop3A_997 = tpu.dynamic_gather %get3A_291[%parallel_loop3A_996] in [0] : vector<16xf32>, vector<16xi32> -> vector<16xf32>
        %parallel_loop3A_998 = arith.constant 15 : i32
        %parallel_loop3A_999 = arith.index_cast %parallel_loop3A_998 : i32 to index
        %parallel_loop3A_1000 = arith.index_cast %parallel_loop3A_744 : i32 to index
        %parallel_loop3A_1001 = tpu.vector_load %arg9[%parallel_loop3A_999, %parallel_loop3A_1000] {strides = array<i32>} : memref<32x512xf32, #tpu.memory_space<vmem>>, vector<1x16xf32>,
        %parallel_loop3A_1002 = vector.shape_cast %parallel_loop3A_1001 : vector<1x16xf32> to vector<16xf32>
        %parallel_loop3A_1003 = vector.shape_cast %parallel_loop3A_997 : vector<16xf32> to vector<1x16xf32>
        tpu.vector_store %arg9[%parallel_loop3A_999, %parallel_loop3A_1000], %parallel_loop3A_1003 {strides = array<i32>} : memref<32x512xf32, #tpu.memory_space<vmem>>, vector<1x16xf32>,
        %parallel_loop3A_1004 = arith.constant 0 : i32
        %parallel_loop3A_1005 = vector.broadcast %parallel_loop3A_1004 : i32 to vector<16xi32>
        %parallel_loop3A_1006 = arith.cmpi slt, %parallel_loop3A_747, %parallel_loop3A_1005 : vector<16xi32>
        %parallel_loop3A_1007 = arith.constant 16 : i32
        %parallel_loop3A_1008 = vector.broadcast %parallel_loop3A_1007 : i32 to vector<16xi32>
        %parallel_loop3A_1009 = arith.addi %parallel_loop3A_747, %parallel_loop3A_1008 : vector<16xi32>
        %parallel_loop3A_1010 = arith.select %parallel_loop3A_1006, %parallel_loop3A_1009, %parallel_loop3A_747 : vector<16xi1>, vector<16xi32>
        %parallel_loop3A_1011 = vector.shape_cast %parallel_loop3A_1010 : vector<16xi32> to vector<16x1xi32>
        %parallel_loop3A_1012 = vector.shape_cast %parallel_loop3A_1011 : vector<16x1xi32> to vector<16xi32>
        %parallel_loop3A_1013 = tpu.dynamic_gather %get3A_296[%parallel_loop3A_1012] in [0] : vector<16xf32>, vector<16xi32> -> vector<16xf32>
        %parallel_loop3A_1014 = arith.constant 16 : i32
        %parallel_loop3A_1015 = arith.index_cast %parallel_loop3A_1014 : i32 to index
        %parallel_loop3A_1016 = arith.index_cast %parallel_loop3A_744 : i32 to index
        %parallel_loop3A_1017 = tpu.vector_load %arg9[%parallel_loop3A_1015, %parallel_loop3A_1016] {strides = array<i32>} : memref<32x512xf32, #tpu.memory_space<vmem>>, vector<1x16xf32>,
        %parallel_loop3A_1018 = vector.shape_cast %parallel_loop3A_1017 : vector<1x16xf32> to vector<16xf32>
        %parallel_loop3A_1019 = vector.shape_cast %parallel_loop3A_1013 : vector<16xf32> to vector<1x16xf32>
        tpu.vector_store %arg9[%parallel_loop3A_1015, %parallel_loop3A_1016], %parallel_loop3A_1019 {strides = array<i32>} : memref<32x512xf32, #tpu.memory_space<vmem>>, vector<1x16xf32>,
        %parallel_loop3A_1020 = arith.constant 0 : i32
        %parallel_loop3A_1021 = vector.broadcast %parallel_loop3A_1020 : i32 to vector<16xi32>
        %parallel_loop3A_1022 = arith.cmpi slt, %parallel_loop3A_747, %parallel_loop3A_1021 : vector<16xi32>
        %parallel_loop3A_1023 = arith.constant 16 : i32
        %parallel_loop3A_1024 = vector.broadcast %parallel_loop3A_1023 : i32 to vector<16xi32>
        %parallel_loop3A_1025 = arith.addi %parallel_loop3A_747, %parallel_loop3A_1024 : vector<16xi32>
        %parallel_loop3A_1026 = arith.select %parallel_loop3A_1022, %parallel_loop3A_1025, %parallel_loop3A_747 : vector<16xi1>, vector<16xi32>
        %parallel_loop3A_1027 = vector.shape_cast %parallel_loop3A_1026 : vector<16xi32> to vector<16x1xi32>
        %parallel_loop3A_1028 = vector.shape_cast %parallel_loop3A_1027 : vector<16x1xi32> to vector<16xi32>
        %parallel_loop3A_1029 = tpu.dynamic_gather %get3A_301[%parallel_loop3A_1028] in [0] : vector<16xf32>, vector<16xi32> -> vector<16xf32>
        %parallel_loop3A_1030 = arith.constant 17 : i32
        %parallel_loop3A_1031 = arith.index_cast %parallel_loop3A_1030 : i32 to index
        %parallel_loop3A_1032 = arith.index_cast %parallel_loop3A_744 : i32 to index
        %parallel_loop3A_1033 = tpu.vector_load %arg9[%parallel_loop3A_1031, %parallel_loop3A_1032] {strides = array<i32>} : memref<32x512xf32, #tpu.memory_space<vmem>>, vector<1x16xf32>,
        %parallel_loop3A_1034 = vector.shape_cast %parallel_loop3A_1033 : vector<1x16xf32> to vector<16xf32>
        %parallel_loop3A_1035 = vector.shape_cast %parallel_loop3A_1029 : vector<16xf32> to vector<1x16xf32>
        tpu.vector_store %arg9[%parallel_loop3A_1031, %parallel_loop3A_1032], %parallel_loop3A_1035 {strides = array<i32>} : memref<32x512xf32, #tpu.memory_space<vmem>>, vector<1x16xf32>,
        %parallel_loop3A_1036 = arith.constant 0 : i32
        %parallel_loop3A_1037 = vector.broadcast %parallel_loop3A_1036 : i32 to vector<16xi32>
        %parallel_loop3A_1038 = arith.cmpi slt, %parallel_loop3A_747, %parallel_loop3A_1037 : vector<16xi32>
        %parallel_loop3A_1039 = arith.constant 16 : i32
        %parallel_loop3A_1040 = vector.broadcast %parallel_loop3A_1039 : i32 to vector<16xi32>
        %parallel_loop3A_1041 = arith.addi %parallel_loop3A_747, %parallel_loop3A_1040 : vector<16xi32>
        %parallel_loop3A_1042 = arith.select %parallel_loop3A_1038, %parallel_loop3A_1041, %parallel_loop3A_747 : vector<16xi1>, vector<16xi32>
        %parallel_loop3A_1043 = vector.shape_cast %parallel_loop3A_1042 : vector<16xi32> to vector<16x1xi32>
        %parallel_loop3A_1044 = vector.shape_cast %parallel_loop3A_1043 : vector<16x1xi32> to vector<16xi32>
        %parallel_loop3A_1045 = tpu.dynamic_gather %get3A_306[%parallel_loop3A_1044] in [0] : vector<16xf32>, vector<16xi32> -> vector<16xf32>
        %parallel_loop3A_1046 = arith.constant 18 : i32
        %parallel_loop3A_1047 = arith.index_cast %parallel_loop3A_1046 : i32 to index
        %parallel_loop3A_1048 = arith.index_cast %parallel_loop3A_744 : i32 to index
        %parallel_loop3A_1049 = tpu.vector_load %arg9[%parallel_loop3A_1047, %parallel_loop3A_1048] {strides = array<i32>} : memref<32x512xf32, #tpu.memory_space<vmem>>, vector<1x16xf32>,
        %parallel_loop3A_1050 = vector.shape_cast %parallel_loop3A_1049 : vector<1x16xf32> to vector<16xf32>
        %parallel_loop3A_1051 = vector.shape_cast %parallel_loop3A_1045 : vector<16xf32> to vector<1x16xf32>
        tpu.vector_store %arg9[%parallel_loop3A_1047, %parallel_loop3A_1048], %parallel_loop3A_1051 {strides = array<i32>} : memref<32x512xf32, #tpu.memory_space<vmem>>, vector<1x16xf32>,
        %parallel_loop3A_1052 = arith.constant 0 : i32
        %parallel_loop3A_1053 = vector.broadcast %parallel_loop3A_1052 : i32 to vector<16xi32>
        %parallel_loop3A_1054 = arith.cmpi slt, %parallel_loop3A_747, %parallel_loop3A_1053 : vector<16xi32>
        %parallel_loop3A_1055 = arith.constant 16 : i32
        %parallel_loop3A_1056 = vector.broadcast %parallel_loop3A_1055 : i32 to vector<16xi32>
        %parallel_loop3A_1057 = arith.addi %parallel_loop3A_747, %parallel_loop3A_1056 : vector<16xi32>
        %parallel_loop3A_1058 = arith.select %parallel_loop3A_1054, %parallel_loop3A_1057, %parallel_loop3A_747 : vector<16xi1>, vector<16xi32>
        %parallel_loop3A_1059 = vector.shape_cast %parallel_loop3A_1058 : vector<16xi32> to vector<16x1xi32>
        %parallel_loop3A_1060 = vector.shape_cast %parallel_loop3A_1059 : vector<16x1xi32> to vector<16xi32>
        %parallel_loop3A_1061 = tpu.dynamic_gather %get3A_311[%parallel_loop3A_1060] in [0] : vector<16xf32>, vector<16xi32> -> vector<16xf32>
        %parallel_loop3A_1062 = arith.constant 19 : i32
        %parallel_loop3A_1063 = arith.index_cast %parallel_loop3A_1062 : i32 to index
        %parallel_loop3A_1064 = arith.index_cast %parallel_loop3A_744 : i32 to index
        %parallel_loop3A_1065 = tpu.vector_load %arg9[%parallel_loop3A_1063, %parallel_loop3A_1064] {strides = array<i32>} : memref<32x512xf32, #tpu.memory_space<vmem>>, vector<1x16xf32>,
        %parallel_loop3A_1066 = vector.shape_cast %parallel_loop3A_1065 : vector<1x16xf32> to vector<16xf32>
        %parallel_loop3A_1067 = vector.shape_cast %parallel_loop3A_1061 : vector<16xf32> to vector<1x16xf32>
        tpu.vector_store %arg9[%parallel_loop3A_1063, %parallel_loop3A_1064], %parallel_loop3A_1067 {strides = array<i32>} : memref<32x512xf32, #tpu.memory_space<vmem>>, vector<1x16xf32>,
        %parallel_loop3A_1068 = arith.constant 0 : i32
        %parallel_loop3A_1069 = vector.broadcast %parallel_loop3A_1068 : i32 to vector<16xi32>
        %parallel_loop3A_1070 = arith.cmpi slt, %parallel_loop3A_747, %parallel_loop3A_1069 : vector<16xi32>
        %parallel_loop3A_1071 = arith.constant 16 : i32
        %parallel_loop3A_1072 = vector.broadcast %parallel_loop3A_1071 : i32 to vector<16xi32>
        %parallel_loop3A_1073 = arith.addi %parallel_loop3A_747, %parallel_loop3A_1072 : vector<16xi32>
        %parallel_loop3A_1074 = arith.select %parallel_loop3A_1070, %parallel_loop3A_1073, %parallel_loop3A_747 : vector<16xi1>, vector<16xi32>
        %parallel_loop3A_1075 = vector.shape_cast %parallel_loop3A_1074 : vector<16xi32> to vector<16x1xi32>
        %parallel_loop3A_1076 = vector.shape_cast %parallel_loop3A_1075 : vector<16x1xi32> to vector<16xi32>
        %parallel_loop3A_1077 = tpu.dynamic_gather %get3A_316[%parallel_loop3A_1076] in [0] : vector<16xf32>, vector<16xi32> -> vector<16xf32>
        %parallel_loop3A_1078 = arith.constant 20 : i32
        %parallel_loop3A_1079 = arith.index_cast %parallel_loop3A_1078 : i32 to index
        %parallel_loop3A_1080 = arith.index_cast %parallel_loop3A_744 : i32 to index
        %parallel_loop3A_1081 = tpu.vector_load %arg9[%parallel_loop3A_1079, %parallel_loop3A_1080] {strides = array<i32>} : memref<32x512xf32, #tpu.memory_space<vmem>>, vector<1x16xf32>,
        %parallel_loop3A_1082 = vector.shape_cast %parallel_loop3A_1081 : vector<1x16xf32> to vector<16xf32>
        %parallel_loop3A_1083 = vector.shape_cast %parallel_loop3A_1077 : vector<16xf32> to vector<1x16xf32>
        tpu.vector_store %arg9[%parallel_loop3A_1079, %parallel_loop3A_1080], %parallel_loop3A_1083 {strides = array<i32>} : memref<32x512xf32, #tpu.memory_space<vmem>>, vector<1x16xf32>,
        %parallel_loop3A_1084 = arith.constant 0 : i32
        %parallel_loop3A_1085 = vector.broadcast %parallel_loop3A_1084 : i32 to vector<16xi32>
        %parallel_loop3A_1086 = arith.cmpi slt, %parallel_loop3A_747, %parallel_loop3A_1085 : vector<16xi32>
        %parallel_loop3A_1087 = arith.constant 16 : i32
        %parallel_loop3A_1088 = vector.broadcast %parallel_loop3A_1087 : i32 to vector<16xi32>
        %parallel_loop3A_1089 = arith.addi %parallel_loop3A_747, %parallel_loop3A_1088 : vector<16xi32>
        %parallel_loop3A_1090 = arith.select %parallel_loop3A_1086, %parallel_loop3A_1089, %parallel_loop3A_747 : vector<16xi1>, vector<16xi32>
        %parallel_loop3A_1091 = vector.shape_cast %parallel_loop3A_1090 : vector<16xi32> to vector<16x1xi32>
        %parallel_loop3A_1092 = vector.shape_cast %parallel_loop3A_1091 : vector<16x1xi32> to vector<16xi32>
        %parallel_loop3A_1093 = tpu.dynamic_gather %get3A_321[%parallel_loop3A_1092] in [0] : vector<16xf32>, vector<16xi32> -> vector<16xf32>
        %parallel_loop3A_1094 = arith.constant 21 : i32
        %parallel_loop3A_1095 = arith.index_cast %parallel_loop3A_1094 : i32 to index
        %parallel_loop3A_1096 = arith.index_cast %parallel_loop3A_744 : i32 to index
        %parallel_loop3A_1097 = tpu.vector_load %arg9[%parallel_loop3A_1095, %parallel_loop3A_1096] {strides = array<i32>} : memref<32x512xf32, #tpu.memory_space<vmem>>, vector<1x16xf32>,
        %parallel_loop3A_1098 = vector.shape_cast %parallel_loop3A_1097 : vector<1x16xf32> to vector<16xf32>
        %parallel_loop3A_1099 = vector.shape_cast %parallel_loop3A_1093 : vector<16xf32> to vector<1x16xf32>
        tpu.vector_store %arg9[%parallel_loop3A_1095, %parallel_loop3A_1096], %parallel_loop3A_1099 {strides = array<i32>} : memref<32x512xf32, #tpu.memory_space<vmem>>, vector<1x16xf32>,
        %parallel_loop3A_1100 = arith.constant 0 : i32
        %parallel_loop3A_1101 = vector.broadcast %parallel_loop3A_1100 : i32 to vector<16xi32>
        %parallel_loop3A_1102 = arith.cmpi slt, %parallel_loop3A_747, %parallel_loop3A_1101 : vector<16xi32>
        %parallel_loop3A_1103 = arith.constant 16 : i32
        %parallel_loop3A_1104 = vector.broadcast %parallel_loop3A_1103 : i32 to vector<16xi32>
        %parallel_loop3A_1105 = arith.addi %parallel_loop3A_747, %parallel_loop3A_1104 : vector<16xi32>
        %parallel_loop3A_1106 = arith.select %parallel_loop3A_1102, %parallel_loop3A_1105, %parallel_loop3A_747 : vector<16xi1>, vector<16xi32>
        %parallel_loop3A_1107 = vector.shape_cast %parallel_loop3A_1106 : vector<16xi32> to vector<16x1xi32>
        %parallel_loop3A_1108 = vector.shape_cast %parallel_loop3A_1107 : vector<16x1xi32> to vector<16xi32>
        %parallel_loop3A_1109 = tpu.dynamic_gather %get3A_326[%parallel_loop3A_1108] in [0] : vector<16xf32>, vector<16xi32> -> vector<16xf32>
        %parallel_loop3A_1110 = arith.constant 22 : i32
        %parallel_loop3A_1111 = arith.index_cast %parallel_loop3A_1110 : i32 to index
        %parallel_loop3A_1112 = arith.index_cast %parallel_loop3A_744 : i32 to index
        %parallel_loop3A_1113 = tpu.vector_load %arg9[%parallel_loop3A_1111, %parallel_loop3A_1112] {strides = array<i32>} : memref<32x512xf32, #tpu.memory_space<vmem>>, vector<1x16xf32>,
        %parallel_loop3A_1114 = vector.shape_cast %parallel_loop3A_1113 : vector<1x16xf32> to vector<16xf32>
        %parallel_loop3A_1115 = vector.shape_cast %parallel_loop3A_1109 : vector<16xf32> to vector<1x16xf32>
        tpu.vector_store %arg9[%parallel_loop3A_1111, %parallel_loop3A_1112], %parallel_loop3A_1115 {strides = array<i32>} : memref<32x512xf32, #tpu.memory_space<vmem>>, vector<1x16xf32>,
        %parallel_loop3A_1116 = arith.constant 0 : i32
        %parallel_loop3A_1117 = vector.broadcast %parallel_loop3A_1116 : i32 to vector<16xi32>
        %parallel_loop3A_1118 = arith.cmpi slt, %parallel_loop3A_747, %parallel_loop3A_1117 : vector<16xi32>
        %parallel_loop3A_1119 = arith.constant 16 : i32
        %parallel_loop3A_1120 = vector.broadcast %parallel_loop3A_1119 : i32 to vector<16xi32>
        %parallel_loop3A_1121 = arith.addi %parallel_loop3A_747, %parallel_loop3A_1120 : vector<16xi32>
        %parallel_loop3A_1122 = arith.select %parallel_loop3A_1118, %parallel_loop3A_1121, %parallel_loop3A_747 : vector<16xi1>, vector<16xi32>
        %parallel_loop3A_1123 = vector.shape_cast %parallel_loop3A_1122 : vector<16xi32> to vector<16x1xi32>
        %parallel_loop3A_1124 = vector.shape_cast %parallel_loop3A_1123 : vector<16x1xi32> to vector<16xi32>
        %parallel_loop3A_1125 = tpu.dynamic_gather %get3A_331[%parallel_loop3A_1124] in [0] : vector<16xf32>, vector<16xi32> -> vector<16xf32>
        %parallel_loop3A_1126 = arith.constant 23 : i32
        %parallel_loop3A_1127 = arith.index_cast %parallel_loop3A_1126 : i32 to index
        %parallel_loop3A_1128 = arith.index_cast %parallel_loop3A_744 : i32 to index
        %parallel_loop3A_1129 = tpu.vector_load %arg9[%parallel_loop3A_1127, %parallel_loop3A_1128] {strides = array<i32>} : memref<32x512xf32, #tpu.memory_space<vmem>>, vector<1x16xf32>,
        %parallel_loop3A_1130 = vector.shape_cast %parallel_loop3A_1129 : vector<1x16xf32> to vector<16xf32>
        %parallel_loop3A_1131 = vector.shape_cast %parallel_loop3A_1125 : vector<16xf32> to vector<1x16xf32>
        tpu.vector_store %arg9[%parallel_loop3A_1127, %parallel_loop3A_1128], %parallel_loop3A_1131 {strides = array<i32>} : memref<32x512xf32, #tpu.memory_space<vmem>>, vector<1x16xf32>,
        %parallel_loop3A_1132 = arith.constant 0 : i32
        %parallel_loop3A_1133 = vector.broadcast %parallel_loop3A_1132 : i32 to vector<16xi32>
        %parallel_loop3A_1134 = arith.cmpi slt, %parallel_loop3A_747, %parallel_loop3A_1133 : vector<16xi32>
        %parallel_loop3A_1135 = arith.constant 16 : i32
        %parallel_loop3A_1136 = vector.broadcast %parallel_loop3A_1135 : i32 to vector<16xi32>
        %parallel_loop3A_1137 = arith.addi %parallel_loop3A_747, %parallel_loop3A_1136 : vector<16xi32>
        %parallel_loop3A_1138 = arith.select %parallel_loop3A_1134, %parallel_loop3A_1137, %parallel_loop3A_747 : vector<16xi1>, vector<16xi32>
        %parallel_loop3A_1139 = vector.shape_cast %parallel_loop3A_1138 : vector<16xi32> to vector<16x1xi32>
        %parallel_loop3A_1140 = vector.shape_cast %parallel_loop3A_1139 : vector<16x1xi32> to vector<16xi32>
        %parallel_loop3A_1141 = tpu.dynamic_gather %get3A_336[%parallel_loop3A_1140] in [0] : vector<16xf32>, vector<16xi32> -> vector<16xf32>
        %parallel_loop3A_1142 = arith.constant 24 : i32
        %parallel_loop3A_1143 = arith.index_cast %parallel_loop3A_1142 : i32 to index
        %parallel_loop3A_1144 = arith.index_cast %parallel_loop3A_744 : i32 to index
        %parallel_loop3A_1145 = tpu.vector_load %arg9[%parallel_loop3A_1143, %parallel_loop3A_1144] {strides = array<i32>} : memref<32x512xf32, #tpu.memory_space<vmem>>, vector<1x16xf32>,
        %parallel_loop3A_1146 = vector.shape_cast %parallel_loop3A_1145 : vector<1x16xf32> to vector<16xf32>
        %parallel_loop3A_1147 = vector.shape_cast %parallel_loop3A_1141 : vector<16xf32> to vector<1x16xf32>
        tpu.vector_store %arg9[%parallel_loop3A_1143, %parallel_loop3A_1144], %parallel_loop3A_1147 {strides = array<i32>} : memref<32x512xf32, #tpu.memory_space<vmem>>, vector<1x16xf32>,
        %parallel_loop3A_1148 = arith.constant 0 : i32
        %parallel_loop3A_1149 = vector.broadcast %parallel_loop3A_1148 : i32 to vector<16xi32>
        %parallel_loop3A_1150 = arith.cmpi slt, %parallel_loop3A_747, %parallel_loop3A_1149 : vector<16xi32>
        %parallel_loop3A_1151 = arith.constant 16 : i32
        %parallel_loop3A_1152 = vector.broadcast %parallel_loop3A_1151 : i32 to vector<16xi32>
        %parallel_loop3A_1153 = arith.addi %parallel_loop3A_747, %parallel_loop3A_1152 : vector<16xi32>
        %parallel_loop3A_1154 = arith.select %parallel_loop3A_1150, %parallel_loop3A_1153, %parallel_loop3A_747 : vector<16xi1>, vector<16xi32>
        %parallel_loop3A_1155 = vector.shape_cast %parallel_loop3A_1154 : vector<16xi32> to vector<16x1xi32>
        %parallel_loop3A_1156 = vector.shape_cast %parallel_loop3A_1155 : vector<16x1xi32> to vector<16xi32>
        %parallel_loop3A_1157 = tpu.dynamic_gather %get3A_341[%parallel_loop3A_1156] in [0] : vector<16xf32>, vector<16xi32> -> vector<16xf32>
        %parallel_loop3A_1158 = arith.constant 25 : i32
        %parallel_loop3A_1159 = arith.index_cast %parallel_loop3A_1158 : i32 to index
        %parallel_loop3A_1160 = arith.index_cast %parallel_loop3A_744 : i32 to index
        %parallel_loop3A_1161 = tpu.vector_load %arg9[%parallel_loop3A_1159, %parallel_loop3A_1160] {strides = array<i32>} : memref<32x512xf32, #tpu.memory_space<vmem>>, vector<1x16xf32>,
        %parallel_loop3A_1162 = vector.shape_cast %parallel_loop3A_1161 : vector<1x16xf32> to vector<16xf32>
        %parallel_loop3A_1163 = vector.shape_cast %parallel_loop3A_1157 : vector<16xf32> to vector<1x16xf32>
        tpu.vector_store %arg9[%parallel_loop3A_1159, %parallel_loop3A_1160], %parallel_loop3A_1163 {strides = array<i32>} : memref<32x512xf32, #tpu.memory_space<vmem>>, vector<1x16xf32>,
        %parallel_loop3A_1164 = arith.constant 0 : i32
        %parallel_loop3A_1165 = vector.broadcast %parallel_loop3A_1164 : i32 to vector<16xi32>
        %parallel_loop3A_1166 = arith.cmpi slt, %parallel_loop3A_747, %parallel_loop3A_1165 : vector<16xi32>
        %parallel_loop3A_1167 = arith.constant 16 : i32
        %parallel_loop3A_1168 = vector.broadcast %parallel_loop3A_1167 : i32 to vector<16xi32>
        %parallel_loop3A_1169 = arith.addi %parallel_loop3A_747, %parallel_loop3A_1168 : vector<16xi32>
        %parallel_loop3A_1170 = arith.select %parallel_loop3A_1166, %parallel_loop3A_1169, %parallel_loop3A_747 : vector<16xi1>, vector<16xi32>
        %parallel_loop3A_1171 = vector.shape_cast %parallel_loop3A_1170 : vector<16xi32> to vector<16x1xi32>
        %parallel_loop3A_1172 = vector.shape_cast %parallel_loop3A_1171 : vector<16x1xi32> to vector<16xi32>
        %parallel_loop3A_1173 = tpu.dynamic_gather %get3A_346[%parallel_loop3A_1172] in [0] : vector<16xf32>, vector<16xi32> -> vector<16xf32>
        %parallel_loop3A_1174 = arith.constant 26 : i32
        %parallel_loop3A_1175 = arith.index_cast %parallel_loop3A_1174 : i32 to index
        %parallel_loop3A_1176 = arith.index_cast %parallel_loop3A_744 : i32 to index
        %parallel_loop3A_1177 = tpu.vector_load %arg9[%parallel_loop3A_1175, %parallel_loop3A_1176] {strides = array<i32>} : memref<32x512xf32, #tpu.memory_space<vmem>>, vector<1x16xf32>,
        %parallel_loop3A_1178 = vector.shape_cast %parallel_loop3A_1177 : vector<1x16xf32> to vector<16xf32>
        %parallel_loop3A_1179 = vector.shape_cast %parallel_loop3A_1173 : vector<16xf32> to vector<1x16xf32>
        tpu.vector_store %arg9[%parallel_loop3A_1175, %parallel_loop3A_1176], %parallel_loop3A_1179 {strides = array<i32>} : memref<32x512xf32, #tpu.memory_space<vmem>>, vector<1x16xf32>,
        %parallel_loop3A_1180 = arith.constant 0 : i32
        %parallel_loop3A_1181 = vector.broadcast %parallel_loop3A_1180 : i32 to vector<16xi32>
        %parallel_loop3A_1182 = arith.cmpi slt, %parallel_loop3A_747, %parallel_loop3A_1181 : vector<16xi32>
        %parallel_loop3A_1183 = arith.constant 16 : i32
        %parallel_loop3A_1184 = vector.broadcast %parallel_loop3A_1183 : i32 to vector<16xi32>
        %parallel_loop3A_1185 = arith.addi %parallel_loop3A_747, %parallel_loop3A_1184 : vector<16xi32>
        %parallel_loop3A_1186 = arith.select %parallel_loop3A_1182, %parallel_loop3A_1185, %parallel_loop3A_747 : vector<16xi1>, vector<16xi32>
        %parallel_loop3A_1187 = vector.shape_cast %parallel_loop3A_1186 : vector<16xi32> to vector<16x1xi32>
        %parallel_loop3A_1188 = vector.shape_cast %parallel_loop3A_1187 : vector<16x1xi32> to vector<16xi32>
        %parallel_loop3A_1189 = tpu.dynamic_gather %get3A_351[%parallel_loop3A_1188] in [0] : vector<16xf32>, vector<16xi32> -> vector<16xf32>
        %parallel_loop3A_1190 = arith.constant 27 : i32
        %parallel_loop3A_1191 = arith.index_cast %parallel_loop3A_1190 : i32 to index
        %parallel_loop3A_1192 = arith.index_cast %parallel_loop3A_744 : i32 to index
        %parallel_loop3A_1193 = tpu.vector_load %arg9[%parallel_loop3A_1191, %parallel_loop3A_1192] {strides = array<i32>} : memref<32x512xf32, #tpu.memory_space<vmem>>, vector<1x16xf32>,
        %parallel_loop3A_1194 = vector.shape_cast %parallel_loop3A_1193 : vector<1x16xf32> to vector<16xf32>
        %parallel_loop3A_1195 = vector.shape_cast %parallel_loop3A_1189 : vector<16xf32> to vector<1x16xf32>
        tpu.vector_store %arg9[%parallel_loop3A_1191, %parallel_loop3A_1192], %parallel_loop3A_1195 {strides = array<i32>} : memref<32x512xf32, #tpu.memory_space<vmem>>, vector<1x16xf32>,
        %parallel_loop3A_1196 = arith.constant 0 : i32
        %parallel_loop3A_1197 = vector.broadcast %parallel_loop3A_1196 : i32 to vector<16xi32>
        %parallel_loop3A_1198 = arith.cmpi slt, %parallel_loop3A_747, %parallel_loop3A_1197 : vector<16xi32>
        %parallel_loop3A_1199 = arith.constant 16 : i32
        %parallel_loop3A_1200 = vector.broadcast %parallel_loop3A_1199 : i32 to vector<16xi32>
        %parallel_loop3A_1201 = arith.addi %parallel_loop3A_747, %parallel_loop3A_1200 : vector<16xi32>
        %parallel_loop3A_1202 = arith.select %parallel_loop3A_1198, %parallel_loop3A_1201, %parallel_loop3A_747 : vector<16xi1>, vector<16xi32>
        %parallel_loop3A_1203 = vector.shape_cast %parallel_loop3A_1202 : vector<16xi32> to vector<16x1xi32>
        %parallel_loop3A_1204 = vector.shape_cast %parallel_loop3A_1203 : vector<16x1xi32> to vector<16xi32>
        %parallel_loop3A_1205 = tpu.dynamic_gather %get3A_356[%parallel_loop3A_1204] in [0] : vector<16xf32>, vector<16xi32> -> vector<16xf32>
        %parallel_loop3A_1206 = arith.constant 28 : i32
        %parallel_loop3A_1207 = arith.index_cast %parallel_loop3A_1206 : i32 to index
        %parallel_loop3A_1208 = arith.index_cast %parallel_loop3A_744 : i32 to index
        %parallel_loop3A_1209 = tpu.vector_load %arg9[%parallel_loop3A_1207, %parallel_loop3A_1208] {strides = array<i32>} : memref<32x512xf32, #tpu.memory_space<vmem>>, vector<1x16xf32>,
        %parallel_loop3A_1210 = vector.shape_cast %parallel_loop3A_1209 : vector<1x16xf32> to vector<16xf32>
        %parallel_loop3A_1211 = vector.shape_cast %parallel_loop3A_1205 : vector<16xf32> to vector<1x16xf32>
        tpu.vector_store %arg9[%parallel_loop3A_1207, %parallel_loop3A_1208], %parallel_loop3A_1211 {strides = array<i32>} : memref<32x512xf32, #tpu.memory_space<vmem>>, vector<1x16xf32>,
        %parallel_loop3A_1212 = arith.constant 0 : i32
        %parallel_loop3A_1213 = vector.broadcast %parallel_loop3A_1212 : i32 to vector<16xi32>
        %parallel_loop3A_1214 = arith.cmpi slt, %parallel_loop3A_747, %parallel_loop3A_1213 : vector<16xi32>
        %parallel_loop3A_1215 = arith.constant 16 : i32
        %parallel_loop3A_1216 = vector.broadcast %parallel_loop3A_1215 : i32 to vector<16xi32>
        %parallel_loop3A_1217 = arith.addi %parallel_loop3A_747, %parallel_loop3A_1216 : vector<16xi32>
        %parallel_loop3A_1218 = arith.select %parallel_loop3A_1214, %parallel_loop3A_1217, %parallel_loop3A_747 : vector<16xi1>, vector<16xi32>
        %parallel_loop3A_1219 = vector.shape_cast %parallel_loop3A_1218 : vector<16xi32> to vector<16x1xi32>
        %parallel_loop3A_1220 = vector.shape_cast %parallel_loop3A_1219 : vector<16x1xi32> to vector<16xi32>
        %parallel_loop3A_1221 = tpu.dynamic_gather %get3A_361[%parallel_loop3A_1220] in [0] : vector<16xf32>, vector<16xi32> -> vector<16xf32>
        %parallel_loop3A_1222 = arith.constant 29 : i32
        %parallel_loop3A_1223 = arith.index_cast %parallel_loop3A_1222 : i32 to index
        %parallel_loop3A_1224 = arith.index_cast %parallel_loop3A_744 : i32 to index
        %parallel_loop3A_1225 = tpu.vector_load %arg9[%parallel_loop3A_1223, %parallel_loop3A_1224] {strides = array<i32>} : memref<32x512xf32, #tpu.memory_space<vmem>>, vector<1x16xf32>,
        %parallel_loop3A_1226 = vector.shape_cast %parallel_loop3A_1225 : vector<1x16xf32> to vector<16xf32>
        %parallel_loop3A_1227 = vector.shape_cast %parallel_loop3A_1221 : vector<16xf32> to vector<1x16xf32>
        tpu.vector_store %arg9[%parallel_loop3A_1223, %parallel_loop3A_1224], %parallel_loop3A_1227 {strides = array<i32>} : memref<32x512xf32, #tpu.memory_space<vmem>>, vector<1x16xf32>,
        %parallel_loop3A_1228 = arith.constant 0 : i32
        %parallel_loop3A_1229 = vector.broadcast %parallel_loop3A_1228 : i32 to vector<16xi32>
        %parallel_loop3A_1230 = arith.cmpi slt, %parallel_loop3A_747, %parallel_loop3A_1229 : vector<16xi32>
        %parallel_loop3A_1231 = arith.constant 16 : i32
        %parallel_loop3A_1232 = vector.broadcast %parallel_loop3A_1231 : i32 to vector<16xi32>
        %parallel_loop3A_1233 = arith.addi %parallel_loop3A_747, %parallel_loop3A_1232 : vector<16xi32>
        %parallel_loop3A_1234 = arith.select %parallel_loop3A_1230, %parallel_loop3A_1233, %parallel_loop3A_747 : vector<16xi1>, vector<16xi32>
        %parallel_loop3A_1235 = vector.shape_cast %parallel_loop3A_1234 : vector<16xi32> to vector<16x1xi32>
        %parallel_loop3A_1236 = vector.shape_cast %parallel_loop3A_1235 : vector<16x1xi32> to vector<16xi32>
        %parallel_loop3A_1237 = tpu.dynamic_gather %get3A_366[%parallel_loop3A_1236] in [0] : vector<16xf32>, vector<16xi32> -> vector<16xf32>
        %parallel_loop3A_1238 = arith.constant 30 : i32
        %parallel_loop3A_1239 = arith.index_cast %parallel_loop3A_1238 : i32 to index
        %parallel_loop3A_1240 = arith.index_cast %parallel_loop3A_744 : i32 to index
        %parallel_loop3A_1241 = tpu.vector_load %arg9[%parallel_loop3A_1239, %parallel_loop3A_1240] {strides = array<i32>} : memref<32x512xf32, #tpu.memory_space<vmem>>, vector<1x16xf32>,
        %parallel_loop3A_1242 = vector.shape_cast %parallel_loop3A_1241 : vector<1x16xf32> to vector<16xf32>
        %parallel_loop3A_1243 = vector.shape_cast %parallel_loop3A_1237 : vector<16xf32> to vector<1x16xf32>
        tpu.vector_store %arg9[%parallel_loop3A_1239, %parallel_loop3A_1240], %parallel_loop3A_1243 {strides = array<i32>} : memref<32x512xf32, #tpu.memory_space<vmem>>, vector<1x16xf32>,
        %parallel_loop3A_1244 = arith.constant 0 : i32
        %parallel_loop3A_1245 = vector.broadcast %parallel_loop3A_1244 : i32 to vector<16xi32>
        %parallel_loop3A_1246 = arith.cmpi slt, %parallel_loop3A_747, %parallel_loop3A_1245 : vector<16xi32>
        %parallel_loop3A_1247 = arith.constant 16 : i32
        %parallel_loop3A_1248 = vector.broadcast %parallel_loop3A_1247 : i32 to vector<16xi32>
        %parallel_loop3A_1249 = arith.addi %parallel_loop3A_747, %parallel_loop3A_1248 : vector<16xi32>
        %parallel_loop3A_1250 = arith.select %parallel_loop3A_1246, %parallel_loop3A_1249, %parallel_loop3A_747 : vector<16xi1>, vector<16xi32>
        %parallel_loop3A_1251 = vector.shape_cast %parallel_loop3A_1250 : vector<16xi32> to vector<16x1xi32>
        %parallel_loop3A_1252 = vector.shape_cast %parallel_loop3A_1251 : vector<16x1xi32> to vector<16xi32>
        %parallel_loop3A_1253 = tpu.dynamic_gather %get3A_371[%parallel_loop3A_1252] in [0] : vector<16xf32>, vector<16xi32> -> vector<16xf32>
        %parallel_loop3A_1254 = arith.constant 31 : i32
        %parallel_loop3A_1255 = arith.index_cast %parallel_loop3A_1254 : i32 to index
        %parallel_loop3A_1256 = arith.index_cast %parallel_loop3A_744 : i32 to index
        %parallel_loop3A_1257 = tpu.vector_load %arg9[%parallel_loop3A_1255, %parallel_loop3A_1256] {strides = array<i32>} : memref<32x512xf32, #tpu.memory_space<vmem>>, vector<1x16xf32>,
        %parallel_loop3A_1258 = vector.shape_cast %parallel_loop3A_1257 : vector<1x16xf32> to vector<16xf32>
        %parallel_loop3A_1259 = vector.shape_cast %parallel_loop3A_1253 : vector<16xf32> to vector<1x16xf32>
        tpu.vector_store %arg9[%parallel_loop3A_1255, %parallel_loop3A_1256], %parallel_loop3A_1259 {strides = array<i32>} : memref<32x512xf32, #tpu.memory_space<vmem>>, vector<1x16xf32>,
      } {sc.loop_unroll_factor = 4 : i64, sc.parallel_access}
      %dma_start3A_375 = arith.constant 32 : i32
      %dma_start3A_376 = tpu.memref_slice %arg4[%mul3A_27, %dma_start3A_375, %multiple_of3A] : memref<200x64x16384xf32, #tpu.memory_space<hbm>> -> memref<1x32x512xf32, #tpu.memory_space<hbm>>
      %dma_start3A_377 = tpu.memref_squeeze %dma_start3A_376 : memref<1x32x512xf32, #tpu.memory_space<hbm>> -> memref<32x512xf32, #tpu.memory_space<hbm>>
      %dma_start3A_378 = arith.constant 32 : i32
      %dma_start3A_379 = tpu.memref_slice %arg4[%mul3A_27, %dma_start3A_378, %multiple_of3A] : memref<200x64x16384xf32, #tpu.memory_space<hbm>> -> memref<1x32x512xf32, #tpu.memory_space<hbm>>
      %dma_start3A_380 = tpu.memref_squeeze %dma_start3A_379 : memref<1x32x512xf32, #tpu.memory_space<hbm>> -> memref<32x512xf32, #tpu.memory_space<hbm>>
      tpu.enqueue_dma source(%arg9 : memref<32x512xf32, #tpu.memory_space<vmem>>) target(%dma_start3A_380 : memref<32x512xf32, #tpu.memory_space<hbm>>) target_semaphore(%arg11 : memref<!tpu.dma_semaphore, #tpu.memory_space<semaphore_mem>>)
      %add3A_381 = arith.constant 2 : i32
      %add3A_382 = arith.addi %mul3A_27, %add3A_381 : i32
      %lt3A = arith.constant 200 : i32
      %lt3A_383 = arith.cmpi slt, %add3A_382, %lt3A : i32
      %convert_element_type3A_384 = arith.extui %lt3A_383 : i1 to i32
      %cond3A_385 = arith.constant 0 : i32
      %cond3A_386 = arith.cmpi ne, %convert_element_type3A_384, %cond3A_385 : i32
      scf.if %cond3A_386 {
        %add3A_741 = arith.constant 2 : i32
        %add3A_742 = arith.addi %mul3A_27, %add3A_741 : i32
        %dma_start3A_743 = tpu.memref_slice %arg3[%add3A_742, %multiple_of3A] : memref<200x16384xi32, #tpu.memory_space<hbm>> -> memref<1x512xi32, #tpu.memory_space<hbm>>
        %dma_start3A_744 = tpu.memref_squeeze %dma_start3A_743 : memref<1x512xi32, #tpu.memory_space<hbm>> -> memref<512xi32, #tpu.memory_space<hbm>>
        %dma_start3A_745 = tpu.memref_slice %arg3[%add3A_742, %multiple_of3A] : memref<200x16384xi32, #tpu.memory_space<hbm>> -> memref<1x512xi32, #tpu.memory_space<hbm>>
        %dma_start3A_746 = tpu.memref_squeeze %dma_start3A_745 : memref<1x512xi32, #tpu.memory_space<hbm>> -> memref<512xi32, #tpu.memory_space<hbm>>
        tpu.enqueue_dma source(%dma_start3A_746 : memref<512xi32, #tpu.memory_space<hbm>>) target(%arg6 : memref<512xi32, #tpu.memory_space<vmem>>) target_semaphore(%arg12 : memref<!tpu.dma_semaphore, #tpu.memory_space<semaphore_mem>>)
      } else {
      }
      %add3A_387 = arith.constant 1 : i32
      %add3A_388 = arith.addi %mul3A_27, %add3A_387 : i32
      %dma_wait3A_389 = tpu.memref_slice %arg3[%add3A_388, %multiple_of3A] : memref<200x16384xi32, #tpu.memory_space<hbm>> -> memref<1x512xi32, #tpu.memory_space<hbm>>
      %dma_wait3A_390 = tpu.memref_squeeze %dma_wait3A_389 : memref<1x512xi32, #tpu.memory_space<hbm>> -> memref<512xi32, #tpu.memory_space<hbm>>
      %dma_wait3A_391 = tpu.memref_slice %arg3[%add3A_388, %multiple_of3A] : memref<200x16384xi32, #tpu.memory_space<hbm>> -> memref<1x512xi32, #tpu.memory_space<hbm>>
      %dma_wait3A_392 = tpu.memref_squeeze %dma_wait3A_391 : memref<1x512xi32, #tpu.memory_space<hbm>> -> memref<512xi32, #tpu.memory_space<hbm>>
      tpu.wait_dma2 semaphore(%arg13 : memref<!tpu.dma_semaphore, #tpu.memory_space<semaphore_mem>>) src(%dma_wait3A_392 : memref<512xi32, #tpu.memory_space<hbm>>) dst(%arg7 : memref<512xi32, #tpu.memory_space<vmem>>)
      %ge3A_393 = arith.constant 1 : i32
      %ge3A_394 = arith.cmpi sge, %add3A_388, %ge3A_393 : i32
      %convert_element_type3A_395 = arith.extui %ge3A_394 : i1 to i32
      %cond3A_396 = arith.constant 0 : i32
      %cond3A_397 = arith.cmpi ne, %convert_element_type3A_395, %cond3A_396 : i32
      scf.if %cond3A_397 {
        %dma_wait3A_741 = arith.constant 0 : i32
        %dma_wait3A_742 = tpu.memref_slice %arg4[%add3A_388, %dma_wait3A_741, %multiple_of3A] : memref<200x64x16384xf32, #tpu.memory_space<hbm>> -> memref<1x32x512xf32, #tpu.memory_space<hbm>>
        %dma_wait3A_743 = tpu.memref_squeeze %dma_wait3A_742 : memref<1x32x512xf32, #tpu.memory_space<hbm>> -> memref<32x512xf32, #tpu.memory_space<hbm>>
        %dma_wait3A_744 = arith.constant 0 : i32
        %dma_wait3A_745 = tpu.memref_slice %arg4[%add3A_388, %dma_wait3A_744, %multiple_of3A] : memref<200x64x16384xf32, #tpu.memory_space<hbm>> -> memref<1x32x512xf32, #tpu.memory_space<hbm>>
        %dma_wait3A_746 = tpu.memref_squeeze %dma_wait3A_745 : memref<1x32x512xf32, #tpu.memory_space<hbm>> -> memref<32x512xf32, #tpu.memory_space<hbm>>
        tpu.wait_dma2 semaphore(%arg10 : memref<!tpu.dma_semaphore, #tpu.memory_space<semaphore_mem>>) src(%arg8 : memref<32x512xf32, #tpu.memory_space<vmem>>) dst(%dma_wait3A_746 : memref<32x512xf32, #tpu.memory_space<hbm>>)
      } else {
      }
      %get3A_398 = arith.constant 0 : i32
      %get3A_399 = arith.index_cast %get3A_398 : i32 to index
      %get3A_400 = arith.constant 0 : index
      %get3A_401 = tpu.vector_load %arg5[%get3A_399, %get3A_400] {strides = array<i32>} : memref<64x16xf32, #tpu.memory_space<vmem>>, vector<1x16xf32>,
      %get3A_402 = vector.shape_cast %get3A_401 : vector<1x16xf32> to vector<16xf32>
      %get3A_403 = arith.constant 1 : i32
      %get3A_404 = arith.index_cast %get3A_403 : i32 to index
      %get3A_405 = arith.constant 0 : index
      %get3A_406 = tpu.vector_load %arg5[%get3A_404, %get3A_405] {strides = array<i32>} : memref<64x16xf32, #tpu.memory_space<vmem>>, vector<1x16xf32>,
      %get3A_407 = vector.shape_cast %get3A_406 : vector<1x16xf32> to vector<16xf32>
      %get3A_408 = arith.constant 2 : i32
      %get3A_409 = arith.index_cast %get3A_408 : i32 to index
      %get3A_410 = arith.constant 0 : index
      %get3A_411 = tpu.vector_load %arg5[%get3A_409, %get3A_410] {strides = array<i32>} : memref<64x16xf32, #tpu.memory_space<vmem>>, vector<1x16xf32>,
      %get3A_412 = vector.shape_cast %get3A_411 : vector<1x16xf32> to vector<16xf32>
      %get3A_413 = arith.constant 3 : i32
      %get3A_414 = arith.index_cast %get3A_413 : i32 to index
      %get3A_415 = arith.constant 0 : index
      %get3A_416 = tpu.vector_load %arg5[%get3A_414, %get3A_415] {strides = array<i32>} : memref<64x16xf32, #tpu.memory_space<vmem>>, vector<1x16xf32>,
      %get3A_417 = vector.shape_cast %get3A_416 : vector<1x16xf32> to vector<16xf32>
      %get3A_418 = arith.constant 4 : i32
      %get3A_419 = arith.index_cast %get3A_418 : i32 to index
      %get3A_420 = arith.constant 0 : index
      %get3A_421 = tpu.vector_load %arg5[%get3A_419, %get3A_420] {strides = array<i32>} : memref<64x16xf32, #tpu.memory_space<vmem>>, vector<1x16xf32>,
      %get3A_422 = vector.shape_cast %get3A_421 : vector<1x16xf32> to vector<16xf32>
      %get3A_423 = arith.constant 5 : i32
      %get3A_424 = arith.index_cast %get3A_423 : i32 to index
      %get3A_425 = arith.constant 0 : index
      %get3A_426 = tpu.vector_load %arg5[%get3A_424, %get3A_425] {strides = array<i32>} : memref<64x16xf32, #tpu.memory_space<vmem>>, vector<1x16xf32>,
      %get3A_427 = vector.shape_cast %get3A_426 : vector<1x16xf32> to vector<16xf32>
      %get3A_428 = arith.constant 6 : i32
      %get3A_429 = arith.index_cast %get3A_428 : i32 to index
      %get3A_430 = arith.constant 0 : index
      %get3A_431 = tpu.vector_load %arg5[%get3A_429, %get3A_430] {strides = array<i32>} : memref<64x16xf32, #tpu.memory_space<vmem>>, vector<1x16xf32>,
      %get3A_432 = vector.shape_cast %get3A_431 : vector<1x16xf32> to vector<16xf32>
      %get3A_433 = arith.constant 7 : i32
      %get3A_434 = arith.index_cast %get3A_433 : i32 to index
      %get3A_435 = arith.constant 0 : index
      %get3A_436 = tpu.vector_load %arg5[%get3A_434, %get3A_435] {strides = array<i32>} : memref<64x16xf32, #tpu.memory_space<vmem>>, vector<1x16xf32>,
      %get3A_437 = vector.shape_cast %get3A_436 : vector<1x16xf32> to vector<16xf32>
      %get3A_438 = arith.constant 8 : i32
      %get3A_439 = arith.index_cast %get3A_438 : i32 to index
      %get3A_440 = arith.constant 0 : index
      %get3A_441 = tpu.vector_load %arg5[%get3A_439, %get3A_440] {strides = array<i32>} : memref<64x16xf32, #tpu.memory_space<vmem>>, vector<1x16xf32>,
      %get3A_442 = vector.shape_cast %get3A_441 : vector<1x16xf32> to vector<16xf32>
      %get3A_443 = arith.constant 9 : i32
      %get3A_444 = arith.index_cast %get3A_443 : i32 to index
      %get3A_445 = arith.constant 0 : index
      %get3A_446 = tpu.vector_load %arg5[%get3A_444, %get3A_445] {strides = array<i32>} : memref<64x16xf32, #tpu.memory_space<vmem>>, vector<1x16xf32>,
      %get3A_447 = vector.shape_cast %get3A_446 : vector<1x16xf32> to vector<16xf32>
      %get3A_448 = arith.constant 10 : i32
      %get3A_449 = arith.index_cast %get3A_448 : i32 to index
      %get3A_450 = arith.constant 0 : index
      %get3A_451 = tpu.vector_load %arg5[%get3A_449, %get3A_450] {strides = array<i32>} : memref<64x16xf32, #tpu.memory_space<vmem>>, vector<1x16xf32>,
      %get3A_452 = vector.shape_cast %get3A_451 : vector<1x16xf32> to vector<16xf32>
      %get3A_453 = arith.constant 11 : i32
      %get3A_454 = arith.index_cast %get3A_453 : i32 to index
      %get3A_455 = arith.constant 0 : index
      %get3A_456 = tpu.vector_load %arg5[%get3A_454, %get3A_455] {strides = array<i32>} : memref<64x16xf32, #tpu.memory_space<vmem>>, vector<1x16xf32>,
      %get3A_457 = vector.shape_cast %get3A_456 : vector<1x16xf32> to vector<16xf32>
      %get3A_458 = arith.constant 12 : i32
      %get3A_459 = arith.index_cast %get3A_458 : i32 to index
      %get3A_460 = arith.constant 0 : index
      %get3A_461 = tpu.vector_load %arg5[%get3A_459, %get3A_460] {strides = array<i32>} : memref<64x16xf32, #tpu.memory_space<vmem>>, vector<1x16xf32>,
      %get3A_462 = vector.shape_cast %get3A_461 : vector<1x16xf32> to vector<16xf32>
      %get3A_463 = arith.constant 13 : i32
      %get3A_464 = arith.index_cast %get3A_463 : i32 to index
      %get3A_465 = arith.constant 0 : index
      %get3A_466 = tpu.vector_load %arg5[%get3A_464, %get3A_465] {strides = array<i32>} : memref<64x16xf32, #tpu.memory_space<vmem>>, vector<1x16xf32>,
      %get3A_467 = vector.shape_cast %get3A_466 : vector<1x16xf32> to vector<16xf32>
      %get3A_468 = arith.constant 14 : i32
      %get3A_469 = arith.index_cast %get3A_468 : i32 to index
      %get3A_470 = arith.constant 0 : index
      %get3A_471 = tpu.vector_load %arg5[%get3A_469, %get3A_470] {strides = array<i32>} : memref<64x16xf32, #tpu.memory_space<vmem>>, vector<1x16xf32>,
      %get3A_472 = vector.shape_cast %get3A_471 : vector<1x16xf32> to vector<16xf32>
      %get3A_473 = arith.constant 15 : i32
      %get3A_474 = arith.index_cast %get3A_473 : i32 to index
      %get3A_475 = arith.constant 0 : index
      %get3A_476 = tpu.vector_load %arg5[%get3A_474, %get3A_475] {strides = array<i32>} : memref<64x16xf32, #tpu.memory_space<vmem>>, vector<1x16xf32>,
      %get3A_477 = vector.shape_cast %get3A_476 : vector<1x16xf32> to vector<16xf32>
      %get3A_478 = arith.constant 16 : i32
      %get3A_479 = arith.index_cast %get3A_478 : i32 to index
      %get3A_480 = arith.constant 0 : index
      %get3A_481 = tpu.vector_load %arg5[%get3A_479, %get3A_480] {strides = array<i32>} : memref<64x16xf32, #tpu.memory_space<vmem>>, vector<1x16xf32>,
      %get3A_482 = vector.shape_cast %get3A_481 : vector<1x16xf32> to vector<16xf32>
      %get3A_483 = arith.constant 17 : i32
      %get3A_484 = arith.index_cast %get3A_483 : i32 to index
      %get3A_485 = arith.constant 0 : index
      %get3A_486 = tpu.vector_load %arg5[%get3A_484, %get3A_485] {strides = array<i32>} : memref<64x16xf32, #tpu.memory_space<vmem>>, vector<1x16xf32>,
      %get3A_487 = vector.shape_cast %get3A_486 : vector<1x16xf32> to vector<16xf32>
      %get3A_488 = arith.constant 18 : i32
      %get3A_489 = arith.index_cast %get3A_488 : i32 to index
      %get3A_490 = arith.constant 0 : index
      %get3A_491 = tpu.vector_load %arg5[%get3A_489, %get3A_490] {strides = array<i32>} : memref<64x16xf32, #tpu.memory_space<vmem>>, vector<1x16xf32>,
      %get3A_492 = vector.shape_cast %get3A_491 : vector<1x16xf32> to vector<16xf32>
      %get3A_493 = arith.constant 19 : i32
      %get3A_494 = arith.index_cast %get3A_493 : i32 to index
      %get3A_495 = arith.constant 0 : index
      %get3A_496 = tpu.vector_load %arg5[%get3A_494, %get3A_495] {strides = array<i32>} : memref<64x16xf32, #tpu.memory_space<vmem>>, vector<1x16xf32>,
      %get3A_497 = vector.shape_cast %get3A_496 : vector<1x16xf32> to vector<16xf32>
      %get3A_498 = arith.constant 20 : i32
      %get3A_499 = arith.index_cast %get3A_498 : i32 to index
      %get3A_500 = arith.constant 0 : index
      %get3A_501 = tpu.vector_load %arg5[%get3A_499, %get3A_500] {strides = array<i32>} : memref<64x16xf32, #tpu.memory_space<vmem>>, vector<1x16xf32>,
      %get3A_502 = vector.shape_cast %get3A_501 : vector<1x16xf32> to vector<16xf32>
      %get3A_503 = arith.constant 21 : i32
      %get3A_504 = arith.index_cast %get3A_503 : i32 to index
      %get3A_505 = arith.constant 0 : index
      %get3A_506 = tpu.vector_load %arg5[%get3A_504, %get3A_505] {strides = array<i32>} : memref<64x16xf32, #tpu.memory_space<vmem>>, vector<1x16xf32>,
      %get3A_507 = vector.shape_cast %get3A_506 : vector<1x16xf32> to vector<16xf32>
      %get3A_508 = arith.constant 22 : i32
      %get3A_509 = arith.index_cast %get3A_508 : i32 to index
      %get3A_510 = arith.constant 0 : index
      %get3A_511 = tpu.vector_load %arg5[%get3A_509, %get3A_510] {strides = array<i32>} : memref<64x16xf32, #tpu.memory_space<vmem>>, vector<1x16xf32>,
      %get3A_512 = vector.shape_cast %get3A_511 : vector<1x16xf32> to vector<16xf32>
      %get3A_513 = arith.constant 23 : i32
      %get3A_514 = arith.index_cast %get3A_513 : i32 to index
      %get3A_515 = arith.constant 0 : index
      %get3A_516 = tpu.vector_load %arg5[%get3A_514, %get3A_515] {strides = array<i32>} : memref<64x16xf32, #tpu.memory_space<vmem>>, vector<1x16xf32>,
      %get3A_517 = vector.shape_cast %get3A_516 : vector<1x16xf32> to vector<16xf32>
      %get3A_518 = arith.constant 24 : i32
      %get3A_519 = arith.index_cast %get3A_518 : i32 to index
      %get3A_520 = arith.constant 0 : index
      %get3A_521 = tpu.vector_load %arg5[%get3A_519, %get3A_520] {strides = array<i32>} : memref<64x16xf32, #tpu.memory_space<vmem>>, vector<1x16xf32>,
      %get3A_522 = vector.shape_cast %get3A_521 : vector<1x16xf32> to vector<16xf32>
      %get3A_523 = arith.constant 25 : i32
      %get3A_524 = arith.index_cast %get3A_523 : i32 to index
      %get3A_525 = arith.constant 0 : index
      %get3A_526 = tpu.vector_load %arg5[%get3A_524, %get3A_525] {strides = array<i32>} : memref<64x16xf32, #tpu.memory_space<vmem>>, vector<1x16xf32>,
      %get3A_527 = vector.shape_cast %get3A_526 : vector<1x16xf32> to vector<16xf32>
      %get3A_528 = arith.constant 26 : i32
      %get3A_529 = arith.index_cast %get3A_528 : i32 to index
      %get3A_530 = arith.constant 0 : index
      %get3A_531 = tpu.vector_load %arg5[%get3A_529, %get3A_530] {strides = array<i32>} : memref<64x16xf32, #tpu.memory_space<vmem>>, vector<1x16xf32>,
      %get3A_532 = vector.shape_cast %get3A_531 : vector<1x16xf32> to vector<16xf32>
      %get3A_533 = arith.constant 27 : i32
      %get3A_534 = arith.index_cast %get3A_533 : i32 to index
      %get3A_535 = arith.constant 0 : index
      %get3A_536 = tpu.vector_load %arg5[%get3A_534, %get3A_535] {strides = array<i32>} : memref<64x16xf32, #tpu.memory_space<vmem>>, vector<1x16xf32>,
      %get3A_537 = vector.shape_cast %get3A_536 : vector<1x16xf32> to vector<16xf32>
      %get3A_538 = arith.constant 28 : i32
      %get3A_539 = arith.index_cast %get3A_538 : i32 to index
      %get3A_540 = arith.constant 0 : index
      %get3A_541 = tpu.vector_load %arg5[%get3A_539, %get3A_540] {strides = array<i32>} : memref<64x16xf32, #tpu.memory_space<vmem>>, vector<1x16xf32>,
      %get3A_542 = vector.shape_cast %get3A_541 : vector<1x16xf32> to vector<16xf32>
      %get3A_543 = arith.constant 29 : i32
      %get3A_544 = arith.index_cast %get3A_543 : i32 to index
      %get3A_545 = arith.constant 0 : index
      %get3A_546 = tpu.vector_load %arg5[%get3A_544, %get3A_545] {strides = array<i32>} : memref<64x16xf32, #tpu.memory_space<vmem>>, vector<1x16xf32>,
      %get3A_547 = vector.shape_cast %get3A_546 : vector<1x16xf32> to vector<16xf32>
      %get3A_548 = arith.constant 30 : i32
      %get3A_549 = arith.index_cast %get3A_548 : i32 to index
      %get3A_550 = arith.constant 0 : index
      %get3A_551 = tpu.vector_load %arg5[%get3A_549, %get3A_550] {strides = array<i32>} : memref<64x16xf32, #tpu.memory_space<vmem>>, vector<1x16xf32>,
      %get3A_552 = vector.shape_cast %get3A_551 : vector<1x16xf32> to vector<16xf32>
      %get3A_553 = arith.constant 31 : i32
      %get3A_554 = arith.index_cast %get3A_553 : i32 to index
      %get3A_555 = arith.constant 0 : index
      %get3A_556 = tpu.vector_load %arg5[%get3A_554, %get3A_555] {strides = array<i32>} : memref<64x16xf32, #tpu.memory_space<vmem>>, vector<1x16xf32>,
      %get3A_557 = vector.shape_cast %get3A_556 : vector<1x16xf32> to vector<16xf32>
      %parallel_loop3A_558 = arith.constant 0 : i32
      %parallel_loop3A_559 = arith.constant 32 : i32
      %parallel_loop3A_560 = arith.constant 1 : i32
      scf.for %parallel_loop3A_741 = %parallel_loop3A_558 to %parallel_loop3A_559 step %parallel_loop3A_560  : i32 {
        %parallel_loop3A_742 = arith.constant 16 : i32
        %parallel_loop3A_743 = arith.muli %parallel_loop3A_741, %parallel_loop3A_742 : i32
        %parallel_loop3A_744 = tpu.assume_multiple %parallel_loop3A_743, 16 : i32
        %parallel_loop3A_745 = arith.index_cast %parallel_loop3A_744 : i32 to index
        %parallel_loop3A_746 = tpu.vector_load %arg7[%parallel_loop3A_745] {strides = array<i32>} : memref<512xi32, #tpu.memory_space<vmem>>, vector<16xi32>,
        %parallel_loop3A_747 = vector.shape_cast %parallel_loop3A_746 : vector<16xi32> to vector<16xi32>
        %parallel_loop3A_748 = arith.constant 0 : i32
        %parallel_loop3A_749 = vector.broadcast %parallel_loop3A_748 : i32 to vector<16xi32>
        %parallel_loop3A_750 = arith.cmpi slt, %parallel_loop3A_747, %parallel_loop3A_749 : vector<16xi32>
        %parallel_loop3A_751 = arith.constant 16 : i32
        %parallel_loop3A_752 = vector.broadcast %parallel_loop3A_751 : i32 to vector<16xi32>
        %parallel_loop3A_753 = arith.addi %parallel_loop3A_747, %parallel_loop3A_752 : vector<16xi32>
        %parallel_loop3A_754 = arith.select %parallel_loop3A_750, %parallel_loop3A_753, %parallel_loop3A_747 : vector<16xi1>, vector<16xi32>
        %parallel_loop3A_755 = vector.shape_cast %parallel_loop3A_754 : vector<16xi32> to vector<16x1xi32>
        %parallel_loop3A_756 = vector.shape_cast %parallel_loop3A_755 : vector<16x1xi32> to vector<16xi32>
        %parallel_loop3A_757 = tpu.dynamic_gather %get3A_402[%parallel_loop3A_756] in [0] : vector<16xf32>, vector<16xi32> -> vector<16xf32>
        %parallel_loop3A_758 = arith.constant 0 : i32
        %parallel_loop3A_759 = arith.index_cast %parallel_loop3A_758 : i32 to index
        %parallel_loop3A_760 = arith.index_cast %parallel_loop3A_744 : i32 to index
        %parallel_loop3A_761 = tpu.vector_load %arg8[%parallel_loop3A_759, %parallel_loop3A_760] {strides = array<i32>} : memref<32x512xf32, #tpu.memory_space<vmem>>, vector<1x16xf32>,
        %parallel_loop3A_762 = vector.shape_cast %parallel_loop3A_761 : vector<1x16xf32> to vector<16xf32>
        %parallel_loop3A_763 = vector.shape_cast %parallel_loop3A_757 : vector<16xf32> to vector<1x16xf32>
        tpu.vector_store %arg8[%parallel_loop3A_759, %parallel_loop3A_760], %parallel_loop3A_763 {strides = array<i32>} : memref<32x512xf32, #tpu.memory_space<vmem>>, vector<1x16xf32>,
        %parallel_loop3A_764 = arith.constant 0 : i32
        %parallel_loop3A_765 = vector.broadcast %parallel_loop3A_764 : i32 to vector<16xi32>
        %parallel_loop3A_766 = arith.cmpi slt, %parallel_loop3A_747, %parallel_loop3A_765 : vector<16xi32>
        %parallel_loop3A_767 = arith.constant 16 : i32
        %parallel_loop3A_768 = vector.broadcast %parallel_loop3A_767 : i32 to vector<16xi32>
        %parallel_loop3A_769 = arith.addi %parallel_loop3A_747, %parallel_loop3A_768 : vector<16xi32>
        %parallel_loop3A_770 = arith.select %parallel_loop3A_766, %parallel_loop3A_769, %parallel_loop3A_747 : vector<16xi1>, vector<16xi32>
        %parallel_loop3A_771 = vector.shape_cast %parallel_loop3A_770 : vector<16xi32> to vector<16x1xi32>
        %parallel_loop3A_772 = vector.shape_cast %parallel_loop3A_771 : vector<16x1xi32> to vector<16xi32>
        %parallel_loop3A_773 = tpu.dynamic_gather %get3A_407[%parallel_loop3A_772] in [0] : vector<16xf32>, vector<16xi32> -> vector<16xf32>
        %parallel_loop3A_774 = arith.constant 1 : i32
        %parallel_loop3A_775 = arith.index_cast %parallel_loop3A_774 : i32 to index
        %parallel_loop3A_776 = arith.index_cast %parallel_loop3A_744 : i32 to index
        %parallel_loop3A_777 = tpu.vector_load %arg8[%parallel_loop3A_775, %parallel_loop3A_776] {strides = array<i32>} : memref<32x512xf32, #tpu.memory_space<vmem>>, vector<1x16xf32>,
        %parallel_loop3A_778 = vector.shape_cast %parallel_loop3A_777 : vector<1x16xf32> to vector<16xf32>
        %parallel_loop3A_779 = vector.shape_cast %parallel_loop3A_773 : vector<16xf32> to vector<1x16xf32>
        tpu.vector_store %arg8[%parallel_loop3A_775, %parallel_loop3A_776], %parallel_loop3A_779 {strides = array<i32>} : memref<32x512xf32, #tpu.memory_space<vmem>>, vector<1x16xf32>,
        %parallel_loop3A_780 = arith.constant 0 : i32
        %parallel_loop3A_781 = vector.broadcast %parallel_loop3A_780 : i32 to vector<16xi32>
        %parallel_loop3A_782 = arith.cmpi slt, %parallel_loop3A_747, %parallel_loop3A_781 : vector<16xi32>
        %parallel_loop3A_783 = arith.constant 16 : i32
        %parallel_loop3A_784 = vector.broadcast %parallel_loop3A_783 : i32 to vector<16xi32>
        %parallel_loop3A_785 = arith.addi %parallel_loop3A_747, %parallel_loop3A_784 : vector<16xi32>
        %parallel_loop3A_786 = arith.select %parallel_loop3A_782, %parallel_loop3A_785, %parallel_loop3A_747 : vector<16xi1>, vector<16xi32>
        %parallel_loop3A_787 = vector.shape_cast %parallel_loop3A_786 : vector<16xi32> to vector<16x1xi32>
        %parallel_loop3A_788 = vector.shape_cast %parallel_loop3A_787 : vector<16x1xi32> to vector<16xi32>
        %parallel_loop3A_789 = tpu.dynamic_gather %get3A_412[%parallel_loop3A_788] in [0] : vector<16xf32>, vector<16xi32> -> vector<16xf32>
        %parallel_loop3A_790 = arith.constant 2 : i32
        %parallel_loop3A_791 = arith.index_cast %parallel_loop3A_790 : i32 to index
        %parallel_loop3A_792 = arith.index_cast %parallel_loop3A_744 : i32 to index
        %parallel_loop3A_793 = tpu.vector_load %arg8[%parallel_loop3A_791, %parallel_loop3A_792] {strides = array<i32>} : memref<32x512xf32, #tpu.memory_space<vmem>>, vector<1x16xf32>,
        %parallel_loop3A_794 = vector.shape_cast %parallel_loop3A_793 : vector<1x16xf32> to vector<16xf32>
        %parallel_loop3A_795 = vector.shape_cast %parallel_loop3A_789 : vector<16xf32> to vector<1x16xf32>
        tpu.vector_store %arg8[%parallel_loop3A_791, %parallel_loop3A_792], %parallel_loop3A_795 {strides = array<i32>} : memref<32x512xf32, #tpu.memory_space<vmem>>, vector<1x16xf32>,
        %parallel_loop3A_796 = arith.constant 0 : i32
        %parallel_loop3A_797 = vector.broadcast %parallel_loop3A_796 : i32 to vector<16xi32>
        %parallel_loop3A_798 = arith.cmpi slt, %parallel_loop3A_747, %parallel_loop3A_797 : vector<16xi32>
        %parallel_loop3A_799 = arith.constant 16 : i32
        %parallel_loop3A_800 = vector.broadcast %parallel_loop3A_799 : i32 to vector<16xi32>
        %parallel_loop3A_801 = arith.addi %parallel_loop3A_747, %parallel_loop3A_800 : vector<16xi32>
        %parallel_loop3A_802 = arith.select %parallel_loop3A_798, %parallel_loop3A_801, %parallel_loop3A_747 : vector<16xi1>, vector<16xi32>
        %parallel_loop3A_803 = vector.shape_cast %parallel_loop3A_802 : vector<16xi32> to vector<16x1xi32>
        %parallel_loop3A_804 = vector.shape_cast %parallel_loop3A_803 : vector<16x1xi32> to vector<16xi32>
        %parallel_loop3A_805 = tpu.dynamic_gather %get3A_417[%parallel_loop3A_804] in [0] : vector<16xf32>, vector<16xi32> -> vector<16xf32>
        %parallel_loop3A_806 = arith.constant 3 : i32
        %parallel_loop3A_807 = arith.index_cast %parallel_loop3A_806 : i32 to index
        %parallel_loop3A_808 = arith.index_cast %parallel_loop3A_744 : i32 to index
        %parallel_loop3A_809 = tpu.vector_load %arg8[%parallel_loop3A_807, %parallel_loop3A_808] {strides = array<i32>} : memref<32x512xf32, #tpu.memory_space<vmem>>, vector<1x16xf32>,
        %parallel_loop3A_810 = vector.shape_cast %parallel_loop3A_809 : vector<1x16xf32> to vector<16xf32>
        %parallel_loop3A_811 = vector.shape_cast %parallel_loop3A_805 : vector<16xf32> to vector<1x16xf32>
        tpu.vector_store %arg8[%parallel_loop3A_807, %parallel_loop3A_808], %parallel_loop3A_811 {strides = array<i32>} : memref<32x512xf32, #tpu.memory_space<vmem>>, vector<1x16xf32>,
        %parallel_loop3A_812 = arith.constant 0 : i32
        %parallel_loop3A_813 = vector.broadcast %parallel_loop3A_812 : i32 to vector<16xi32>
        %parallel_loop3A_814 = arith.cmpi slt, %parallel_loop3A_747, %parallel_loop3A_813 : vector<16xi32>
        %parallel_loop3A_815 = arith.constant 16 : i32
        %parallel_loop3A_816 = vector.broadcast %parallel_loop3A_815 : i32 to vector<16xi32>
        %parallel_loop3A_817 = arith.addi %parallel_loop3A_747, %parallel_loop3A_816 : vector<16xi32>
        %parallel_loop3A_818 = arith.select %parallel_loop3A_814, %parallel_loop3A_817, %parallel_loop3A_747 : vector<16xi1>, vector<16xi32>
        %parallel_loop3A_819 = vector.shape_cast %parallel_loop3A_818 : vector<16xi32> to vector<16x1xi32>
        %parallel_loop3A_820 = vector.shape_cast %parallel_loop3A_819 : vector<16x1xi32> to vector<16xi32>
        %parallel_loop3A_821 = tpu.dynamic_gather %get3A_422[%parallel_loop3A_820] in [0] : vector<16xf32>, vector<16xi32> -> vector<16xf32>
        %parallel_loop3A_822 = arith.constant 4 : i32
        %parallel_loop3A_823 = arith.index_cast %parallel_loop3A_822 : i32 to index
        %parallel_loop3A_824 = arith.index_cast %parallel_loop3A_744 : i32 to index
        %parallel_loop3A_825 = tpu.vector_load %arg8[%parallel_loop3A_823, %parallel_loop3A_824] {strides = array<i32>} : memref<32x512xf32, #tpu.memory_space<vmem>>, vector<1x16xf32>,
        %parallel_loop3A_826 = vector.shape_cast %parallel_loop3A_825 : vector<1x16xf32> to vector<16xf32>
        %parallel_loop3A_827 = vector.shape_cast %parallel_loop3A_821 : vector<16xf32> to vector<1x16xf32>
        tpu.vector_store %arg8[%parallel_loop3A_823, %parallel_loop3A_824], %parallel_loop3A_827 {strides = array<i32>} : memref<32x512xf32, #tpu.memory_space<vmem>>, vector<1x16xf32>,
        %parallel_loop3A_828 = arith.constant 0 : i32
        %parallel_loop3A_829 = vector.broadcast %parallel_loop3A_828 : i32 to vector<16xi32>
        %parallel_loop3A_830 = arith.cmpi slt, %parallel_loop3A_747, %parallel_loop3A_829 : vector<16xi32>
        %parallel_loop3A_831 = arith.constant 16 : i32
        %parallel_loop3A_832 = vector.broadcast %parallel_loop3A_831 : i32 to vector<16xi32>
        %parallel_loop3A_833 = arith.addi %parallel_loop3A_747, %parallel_loop3A_832 : vector<16xi32>
        %parallel_loop3A_834 = arith.select %parallel_loop3A_830, %parallel_loop3A_833, %parallel_loop3A_747 : vector<16xi1>, vector<16xi32>
        %parallel_loop3A_835 = vector.shape_cast %parallel_loop3A_834 : vector<16xi32> to vector<16x1xi32>
        %parallel_loop3A_836 = vector.shape_cast %parallel_loop3A_835 : vector<16x1xi32> to vector<16xi32>
        %parallel_loop3A_837 = tpu.dynamic_gather %get3A_427[%parallel_loop3A_836] in [0] : vector<16xf32>, vector<16xi32> -> vector<16xf32>
        %parallel_loop3A_838 = arith.constant 5 : i32
        %parallel_loop3A_839 = arith.index_cast %parallel_loop3A_838 : i32 to index
        %parallel_loop3A_840 = arith.index_cast %parallel_loop3A_744 : i32 to index
        %parallel_loop3A_841 = tpu.vector_load %arg8[%parallel_loop3A_839, %parallel_loop3A_840] {strides = array<i32>} : memref<32x512xf32, #tpu.memory_space<vmem>>, vector<1x16xf32>,
        %parallel_loop3A_842 = vector.shape_cast %parallel_loop3A_841 : vector<1x16xf32> to vector<16xf32>
        %parallel_loop3A_843 = vector.shape_cast %parallel_loop3A_837 : vector<16xf32> to vector<1x16xf32>
        tpu.vector_store %arg8[%parallel_loop3A_839, %parallel_loop3A_840], %parallel_loop3A_843 {strides = array<i32>} : memref<32x512xf32, #tpu.memory_space<vmem>>, vector<1x16xf32>,
        %parallel_loop3A_844 = arith.constant 0 : i32
        %parallel_loop3A_845 = vector.broadcast %parallel_loop3A_844 : i32 to vector<16xi32>
        %parallel_loop3A_846 = arith.cmpi slt, %parallel_loop3A_747, %parallel_loop3A_845 : vector<16xi32>
        %parallel_loop3A_847 = arith.constant 16 : i32
        %parallel_loop3A_848 = vector.broadcast %parallel_loop3A_847 : i32 to vector<16xi32>
        %parallel_loop3A_849 = arith.addi %parallel_loop3A_747, %parallel_loop3A_848 : vector<16xi32>
        %parallel_loop3A_850 = arith.select %parallel_loop3A_846, %parallel_loop3A_849, %parallel_loop3A_747 : vector<16xi1>, vector<16xi32>
        %parallel_loop3A_851 = vector.shape_cast %parallel_loop3A_850 : vector<16xi32> to vector<16x1xi32>
        %parallel_loop3A_852 = vector.shape_cast %parallel_loop3A_851 : vector<16x1xi32> to vector<16xi32>
        %parallel_loop3A_853 = tpu.dynamic_gather %get3A_432[%parallel_loop3A_852] in [0] : vector<16xf32>, vector<16xi32> -> vector<16xf32>
        %parallel_loop3A_854 = arith.constant 6 : i32
        %parallel_loop3A_855 = arith.index_cast %parallel_loop3A_854 : i32 to index
        %parallel_loop3A_856 = arith.index_cast %parallel_loop3A_744 : i32 to index
        %parallel_loop3A_857 = tpu.vector_load %arg8[%parallel_loop3A_855, %parallel_loop3A_856] {strides = array<i32>} : memref<32x512xf32, #tpu.memory_space<vmem>>, vector<1x16xf32>,
        %parallel_loop3A_858 = vector.shape_cast %parallel_loop3A_857 : vector<1x16xf32> to vector<16xf32>
        %parallel_loop3A_859 = vector.shape_cast %parallel_loop3A_853 : vector<16xf32> to vector<1x16xf32>
        tpu.vector_store %arg8[%parallel_loop3A_855, %parallel_loop3A_856], %parallel_loop3A_859 {strides = array<i32>} : memref<32x512xf32, #tpu.memory_space<vmem>>, vector<1x16xf32>,
        %parallel_loop3A_860 = arith.constant 0 : i32
        %parallel_loop3A_861 = vector.broadcast %parallel_loop3A_860 : i32 to vector<16xi32>
        %parallel_loop3A_862 = arith.cmpi slt, %parallel_loop3A_747, %parallel_loop3A_861 : vector<16xi32>
        %parallel_loop3A_863 = arith.constant 16 : i32
        %parallel_loop3A_864 = vector.broadcast %parallel_loop3A_863 : i32 to vector<16xi32>
        %parallel_loop3A_865 = arith.addi %parallel_loop3A_747, %parallel_loop3A_864 : vector<16xi32>
        %parallel_loop3A_866 = arith.select %parallel_loop3A_862, %parallel_loop3A_865, %parallel_loop3A_747 : vector<16xi1>, vector<16xi32>
        %parallel_loop3A_867 = vector.shape_cast %parallel_loop3A_866 : vector<16xi32> to vector<16x1xi32>
        %parallel_loop3A_868 = vector.shape_cast %parallel_loop3A_867 : vector<16x1xi32> to vector<16xi32>
        %parallel_loop3A_869 = tpu.dynamic_gather %get3A_437[%parallel_loop3A_868] in [0] : vector<16xf32>, vector<16xi32> -> vector<16xf32>
        %parallel_loop3A_870 = arith.constant 7 : i32
        %parallel_loop3A_871 = arith.index_cast %parallel_loop3A_870 : i32 to index
        %parallel_loop3A_872 = arith.index_cast %parallel_loop3A_744 : i32 to index
        %parallel_loop3A_873 = tpu.vector_load %arg8[%parallel_loop3A_871, %parallel_loop3A_872] {strides = array<i32>} : memref<32x512xf32, #tpu.memory_space<vmem>>, vector<1x16xf32>,
        %parallel_loop3A_874 = vector.shape_cast %parallel_loop3A_873 : vector<1x16xf32> to vector<16xf32>
        %parallel_loop3A_875 = vector.shape_cast %parallel_loop3A_869 : vector<16xf32> to vector<1x16xf32>
        tpu.vector_store %arg8[%parallel_loop3A_871, %parallel_loop3A_872], %parallel_loop3A_875 {strides = array<i32>} : memref<32x512xf32, #tpu.memory_space<vmem>>, vector<1x16xf32>,
        %parallel_loop3A_876 = arith.constant 0 : i32
        %parallel_loop3A_877 = vector.broadcast %parallel_loop3A_876 : i32 to vector<16xi32>
        %parallel_loop3A_878 = arith.cmpi slt, %parallel_loop3A_747, %parallel_loop3A_877 : vector<16xi32>
        %parallel_loop3A_879 = arith.constant 16 : i32
        %parallel_loop3A_880 = vector.broadcast %parallel_loop3A_879 : i32 to vector<16xi32>
        %parallel_loop3A_881 = arith.addi %parallel_loop3A_747, %parallel_loop3A_880 : vector<16xi32>
        %parallel_loop3A_882 = arith.select %parallel_loop3A_878, %parallel_loop3A_881, %parallel_loop3A_747 : vector<16xi1>, vector<16xi32>
        %parallel_loop3A_883 = vector.shape_cast %parallel_loop3A_882 : vector<16xi32> to vector<16x1xi32>
        %parallel_loop3A_884 = vector.shape_cast %parallel_loop3A_883 : vector<16x1xi32> to vector<16xi32>
        %parallel_loop3A_885 = tpu.dynamic_gather %get3A_442[%parallel_loop3A_884] in [0] : vector<16xf32>, vector<16xi32> -> vector<16xf32>
        %parallel_loop3A_886 = arith.constant 8 : i32
        %parallel_loop3A_887 = arith.index_cast %parallel_loop3A_886 : i32 to index
        %parallel_loop3A_888 = arith.index_cast %parallel_loop3A_744 : i32 to index
        %parallel_loop3A_889 = tpu.vector_load %arg8[%parallel_loop3A_887, %parallel_loop3A_888] {strides = array<i32>} : memref<32x512xf32, #tpu.memory_space<vmem>>, vector<1x16xf32>,
        %parallel_loop3A_890 = vector.shape_cast %parallel_loop3A_889 : vector<1x16xf32> to vector<16xf32>
        %parallel_loop3A_891 = vector.shape_cast %parallel_loop3A_885 : vector<16xf32> to vector<1x16xf32>
        tpu.vector_store %arg8[%parallel_loop3A_887, %parallel_loop3A_888], %parallel_loop3A_891 {strides = array<i32>} : memref<32x512xf32, #tpu.memory_space<vmem>>, vector<1x16xf32>,
        %parallel_loop3A_892 = arith.constant 0 : i32
        %parallel_loop3A_893 = vector.broadcast %parallel_loop3A_892 : i32 to vector<16xi32>
        %parallel_loop3A_894 = arith.cmpi slt, %parallel_loop3A_747, %parallel_loop3A_893 : vector<16xi32>
        %parallel_loop3A_895 = arith.constant 16 : i32
        %parallel_loop3A_896 = vector.broadcast %parallel_loop3A_895 : i32 to vector<16xi32>
        %parallel_loop3A_897 = arith.addi %parallel_loop3A_747, %parallel_loop3A_896 : vector<16xi32>
        %parallel_loop3A_898 = arith.select %parallel_loop3A_894, %parallel_loop3A_897, %parallel_loop3A_747 : vector<16xi1>, vector<16xi32>
        %parallel_loop3A_899 = vector.shape_cast %parallel_loop3A_898 : vector<16xi32> to vector<16x1xi32>
        %parallel_loop3A_900 = vector.shape_cast %parallel_loop3A_899 : vector<16x1xi32> to vector<16xi32>
        %parallel_loop3A_901 = tpu.dynamic_gather %get3A_447[%parallel_loop3A_900] in [0] : vector<16xf32>, vector<16xi32> -> vector<16xf32>
        %parallel_loop3A_902 = arith.constant 9 : i32
        %parallel_loop3A_903 = arith.index_cast %parallel_loop3A_902 : i32 to index
        %parallel_loop3A_904 = arith.index_cast %parallel_loop3A_744 : i32 to index
        %parallel_loop3A_905 = tpu.vector_load %arg8[%parallel_loop3A_903, %parallel_loop3A_904] {strides = array<i32>} : memref<32x512xf32, #tpu.memory_space<vmem>>, vector<1x16xf32>,
        %parallel_loop3A_906 = vector.shape_cast %parallel_loop3A_905 : vector<1x16xf32> to vector<16xf32>
        %parallel_loop3A_907 = vector.shape_cast %parallel_loop3A_901 : vector<16xf32> to vector<1x16xf32>
        tpu.vector_store %arg8[%parallel_loop3A_903, %parallel_loop3A_904], %parallel_loop3A_907 {strides = array<i32>} : memref<32x512xf32, #tpu.memory_space<vmem>>, vector<1x16xf32>,
        %parallel_loop3A_908 = arith.constant 0 : i32
        %parallel_loop3A_909 = vector.broadcast %parallel_loop3A_908 : i32 to vector<16xi32>
        %parallel_loop3A_910 = arith.cmpi slt, %parallel_loop3A_747, %parallel_loop3A_909 : vector<16xi32>
        %parallel_loop3A_911 = arith.constant 16 : i32
        %parallel_loop3A_912 = vector.broadcast %parallel_loop3A_911 : i32 to vector<16xi32>
        %parallel_loop3A_913 = arith.addi %parallel_loop3A_747, %parallel_loop3A_912 : vector<16xi32>
        %parallel_loop3A_914 = arith.select %parallel_loop3A_910, %parallel_loop3A_913, %parallel_loop3A_747 : vector<16xi1>, vector<16xi32>
        %parallel_loop3A_915 = vector.shape_cast %parallel_loop3A_914 : vector<16xi32> to vector<16x1xi32>
        %parallel_loop3A_916 = vector.shape_cast %parallel_loop3A_915 : vector<16x1xi32> to vector<16xi32>
        %parallel_loop3A_917 = tpu.dynamic_gather %get3A_452[%parallel_loop3A_916] in [0] : vector<16xf32>, vector<16xi32> -> vector<16xf32>
        %parallel_loop3A_918 = arith.constant 10 : i32
        %parallel_loop3A_919 = arith.index_cast %parallel_loop3A_918 : i32 to index
        %parallel_loop3A_920 = arith.index_cast %parallel_loop3A_744 : i32 to index
        %parallel_loop3A_921 = tpu.vector_load %arg8[%parallel_loop3A_919, %parallel_loop3A_920] {strides = array<i32>} : memref<32x512xf32, #tpu.memory_space<vmem>>, vector<1x16xf32>,
        %parallel_loop3A_922 = vector.shape_cast %parallel_loop3A_921 : vector<1x16xf32> to vector<16xf32>
        %parallel_loop3A_923 = vector.shape_cast %parallel_loop3A_917 : vector<16xf32> to vector<1x16xf32>
        tpu.vector_store %arg8[%parallel_loop3A_919, %parallel_loop3A_920], %parallel_loop3A_923 {strides = array<i32>} : memref<32x512xf32, #tpu.memory_space<vmem>>, vector<1x16xf32>,
        %parallel_loop3A_924 = arith.constant 0 : i32
        %parallel_loop3A_925 = vector.broadcast %parallel_loop3A_924 : i32 to vector<16xi32>
        %parallel_loop3A_926 = arith.cmpi slt, %parallel_loop3A_747, %parallel_loop3A_925 : vector<16xi32>
        %parallel_loop3A_927 = arith.constant 16 : i32
        %parallel_loop3A_928 = vector.broadcast %parallel_loop3A_927 : i32 to vector<16xi32>
        %parallel_loop3A_929 = arith.addi %parallel_loop3A_747, %parallel_loop3A_928 : vector<16xi32>
        %parallel_loop3A_930 = arith.select %parallel_loop3A_926, %parallel_loop3A_929, %parallel_loop3A_747 : vector<16xi1>, vector<16xi32>
        %parallel_loop3A_931 = vector.shape_cast %parallel_loop3A_930 : vector<16xi32> to vector<16x1xi32>
        %parallel_loop3A_932 = vector.shape_cast %parallel_loop3A_931 : vector<16x1xi32> to vector<16xi32>
        %parallel_loop3A_933 = tpu.dynamic_gather %get3A_457[%parallel_loop3A_932] in [0] : vector<16xf32>, vector<16xi32> -> vector<16xf32>
        %parallel_loop3A_934 = arith.constant 11 : i32
        %parallel_loop3A_935 = arith.index_cast %parallel_loop3A_934 : i32 to index
        %parallel_loop3A_936 = arith.index_cast %parallel_loop3A_744 : i32 to index
        %parallel_loop3A_937 = tpu.vector_load %arg8[%parallel_loop3A_935, %parallel_loop3A_936] {strides = array<i32>} : memref<32x512xf32, #tpu.memory_space<vmem>>, vector<1x16xf32>,
        %parallel_loop3A_938 = vector.shape_cast %parallel_loop3A_937 : vector<1x16xf32> to vector<16xf32>
        %parallel_loop3A_939 = vector.shape_cast %parallel_loop3A_933 : vector<16xf32> to vector<1x16xf32>
        tpu.vector_store %arg8[%parallel_loop3A_935, %parallel_loop3A_936], %parallel_loop3A_939 {strides = array<i32>} : memref<32x512xf32, #tpu.memory_space<vmem>>, vector<1x16xf32>,
        %parallel_loop3A_940 = arith.constant 0 : i32
        %parallel_loop3A_941 = vector.broadcast %parallel_loop3A_940 : i32 to vector<16xi32>
        %parallel_loop3A_942 = arith.cmpi slt, %parallel_loop3A_747, %parallel_loop3A_941 : vector<16xi32>
        %parallel_loop3A_943 = arith.constant 16 : i32
        %parallel_loop3A_944 = vector.broadcast %parallel_loop3A_943 : i32 to vector<16xi32>
        %parallel_loop3A_945 = arith.addi %parallel_loop3A_747, %parallel_loop3A_944 : vector<16xi32>
        %parallel_loop3A_946 = arith.select %parallel_loop3A_942, %parallel_loop3A_945, %parallel_loop3A_747 : vector<16xi1>, vector<16xi32>
        %parallel_loop3A_947 = vector.shape_cast %parallel_loop3A_946 : vector<16xi32> to vector<16x1xi32>
        %parallel_loop3A_948 = vector.shape_cast %parallel_loop3A_947 : vector<16x1xi32> to vector<16xi32>
        %parallel_loop3A_949 = tpu.dynamic_gather %get3A_462[%parallel_loop3A_948] in [0] : vector<16xf32>, vector<16xi32> -> vector<16xf32>
        %parallel_loop3A_950 = arith.constant 12 : i32
        %parallel_loop3A_951 = arith.index_cast %parallel_loop3A_950 : i32 to index
        %parallel_loop3A_952 = arith.index_cast %parallel_loop3A_744 : i32 to index
        %parallel_loop3A_953 = tpu.vector_load %arg8[%parallel_loop3A_951, %parallel_loop3A_952] {strides = array<i32>} : memref<32x512xf32, #tpu.memory_space<vmem>>, vector<1x16xf32>,
        %parallel_loop3A_954 = vector.shape_cast %parallel_loop3A_953 : vector<1x16xf32> to vector<16xf32>
        %parallel_loop3A_955 = vector.shape_cast %parallel_loop3A_949 : vector<16xf32> to vector<1x16xf32>
        tpu.vector_store %arg8[%parallel_loop3A_951, %parallel_loop3A_952], %parallel_loop3A_955 {strides = array<i32>} : memref<32x512xf32, #tpu.memory_space<vmem>>, vector<1x16xf32>,
        %parallel_loop3A_956 = arith.constant 0 : i32
        %parallel_loop3A_957 = vector.broadcast %parallel_loop3A_956 : i32 to vector<16xi32>
        %parallel_loop3A_958 = arith.cmpi slt, %parallel_loop3A_747, %parallel_loop3A_957 : vector<16xi32>
        %parallel_loop3A_959 = arith.constant 16 : i32
        %parallel_loop3A_960 = vector.broadcast %parallel_loop3A_959 : i32 to vector<16xi32>
        %parallel_loop3A_961 = arith.addi %parallel_loop3A_747, %parallel_loop3A_960 : vector<16xi32>
        %parallel_loop3A_962 = arith.select %parallel_loop3A_958, %parallel_loop3A_961, %parallel_loop3A_747 : vector<16xi1>, vector<16xi32>
        %parallel_loop3A_963 = vector.shape_cast %parallel_loop3A_962 : vector<16xi32> to vector<16x1xi32>
        %parallel_loop3A_964 = vector.shape_cast %parallel_loop3A_963 : vector<16x1xi32> to vector<16xi32>
        %parallel_loop3A_965 = tpu.dynamic_gather %get3A_467[%parallel_loop3A_964] in [0] : vector<16xf32>, vector<16xi32> -> vector<16xf32>
        %parallel_loop3A_966 = arith.constant 13 : i32
        %parallel_loop3A_967 = arith.index_cast %parallel_loop3A_966 : i32 to index
        %parallel_loop3A_968 = arith.index_cast %parallel_loop3A_744 : i32 to index
        %parallel_loop3A_969 = tpu.vector_load %arg8[%parallel_loop3A_967, %parallel_loop3A_968] {strides = array<i32>} : memref<32x512xf32, #tpu.memory_space<vmem>>, vector<1x16xf32>,
        %parallel_loop3A_970 = vector.shape_cast %parallel_loop3A_969 : vector<1x16xf32> to vector<16xf32>
        %parallel_loop3A_971 = vector.shape_cast %parallel_loop3A_965 : vector<16xf32> to vector<1x16xf32>
        tpu.vector_store %arg8[%parallel_loop3A_967, %parallel_loop3A_968], %parallel_loop3A_971 {strides = array<i32>} : memref<32x512xf32, #tpu.memory_space<vmem>>, vector<1x16xf32>,
        %parallel_loop3A_972 = arith.constant 0 : i32
        %parallel_loop3A_973 = vector.broadcast %parallel_loop3A_972 : i32 to vector<16xi32>
        %parallel_loop3A_974 = arith.cmpi slt, %parallel_loop3A_747, %parallel_loop3A_973 : vector<16xi32>
        %parallel_loop3A_975 = arith.constant 16 : i32
        %parallel_loop3A_976 = vector.broadcast %parallel_loop3A_975 : i32 to vector<16xi32>
        %parallel_loop3A_977 = arith.addi %parallel_loop3A_747, %parallel_loop3A_976 : vector<16xi32>
        %parallel_loop3A_978 = arith.select %parallel_loop3A_974, %parallel_loop3A_977, %parallel_loop3A_747 : vector<16xi1>, vector<16xi32>
        %parallel_loop3A_979 = vector.shape_cast %parallel_loop3A_978 : vector<16xi32> to vector<16x1xi32>
        %parallel_loop3A_980 = vector.shape_cast %parallel_loop3A_979 : vector<16x1xi32> to vector<16xi32>
        %parallel_loop3A_981 = tpu.dynamic_gather %get3A_472[%parallel_loop3A_980] in [0] : vector<16xf32>, vector<16xi32> -> vector<16xf32>
        %parallel_loop3A_982 = arith.constant 14 : i32
        %parallel_loop3A_983 = arith.index_cast %parallel_loop3A_982 : i32 to index
        %parallel_loop3A_984 = arith.index_cast %parallel_loop3A_744 : i32 to index
        %parallel_loop3A_985 = tpu.vector_load %arg8[%parallel_loop3A_983, %parallel_loop3A_984] {strides = array<i32>} : memref<32x512xf32, #tpu.memory_space<vmem>>, vector<1x16xf32>,
        %parallel_loop3A_986 = vector.shape_cast %parallel_loop3A_985 : vector<1x16xf32> to vector<16xf32>
        %parallel_loop3A_987 = vector.shape_cast %parallel_loop3A_981 : vector<16xf32> to vector<1x16xf32>
        tpu.vector_store %arg8[%parallel_loop3A_983, %parallel_loop3A_984], %parallel_loop3A_987 {strides = array<i32>} : memref<32x512xf32, #tpu.memory_space<vmem>>, vector<1x16xf32>,
        %parallel_loop3A_988 = arith.constant 0 : i32
        %parallel_loop3A_989 = vector.broadcast %parallel_loop3A_988 : i32 to vector<16xi32>
        %parallel_loop3A_990 = arith.cmpi slt, %parallel_loop3A_747, %parallel_loop3A_989 : vector<16xi32>
        %parallel_loop3A_991 = arith.constant 16 : i32
        %parallel_loop3A_992 = vector.broadcast %parallel_loop3A_991 : i32 to vector<16xi32>
        %parallel_loop3A_993 = arith.addi %parallel_loop3A_747, %parallel_loop3A_992 : vector<16xi32>
        %parallel_loop3A_994 = arith.select %parallel_loop3A_990, %parallel_loop3A_993, %parallel_loop3A_747 : vector<16xi1>, vector<16xi32>
        %parallel_loop3A_995 = vector.shape_cast %parallel_loop3A_994 : vector<16xi32> to vector<16x1xi32>
        %parallel_loop3A_996 = vector.shape_cast %parallel_loop3A_995 : vector<16x1xi32> to vector<16xi32>
        %parallel_loop3A_997 = tpu.dynamic_gather %get3A_477[%parallel_loop3A_996] in [0] : vector<16xf32>, vector<16xi32> -> vector<16xf32>
        %parallel_loop3A_998 = arith.constant 15 : i32
        %parallel_loop3A_999 = arith.index_cast %parallel_loop3A_998 : i32 to index
        %parallel_loop3A_1000 = arith.index_cast %parallel_loop3A_744 : i32 to index
        %parallel_loop3A_1001 = tpu.vector_load %arg8[%parallel_loop3A_999, %parallel_loop3A_1000] {strides = array<i32>} : memref<32x512xf32, #tpu.memory_space<vmem>>, vector<1x16xf32>,
        %parallel_loop3A_1002 = vector.shape_cast %parallel_loop3A_1001 : vector<1x16xf32> to vector<16xf32>
        %parallel_loop3A_1003 = vector.shape_cast %parallel_loop3A_997 : vector<16xf32> to vector<1x16xf32>
        tpu.vector_store %arg8[%parallel_loop3A_999, %parallel_loop3A_1000], %parallel_loop3A_1003 {strides = array<i32>} : memref<32x512xf32, #tpu.memory_space<vmem>>, vector<1x16xf32>,
        %parallel_loop3A_1004 = arith.constant 0 : i32
        %parallel_loop3A_1005 = vector.broadcast %parallel_loop3A_1004 : i32 to vector<16xi32>
        %parallel_loop3A_1006 = arith.cmpi slt, %parallel_loop3A_747, %parallel_loop3A_1005 : vector<16xi32>
        %parallel_loop3A_1007 = arith.constant 16 : i32
        %parallel_loop3A_1008 = vector.broadcast %parallel_loop3A_1007 : i32 to vector<16xi32>
        %parallel_loop3A_1009 = arith.addi %parallel_loop3A_747, %parallel_loop3A_1008 : vector<16xi32>
        %parallel_loop3A_1010 = arith.select %parallel_loop3A_1006, %parallel_loop3A_1009, %parallel_loop3A_747 : vector<16xi1>, vector<16xi32>
        %parallel_loop3A_1011 = vector.shape_cast %parallel_loop3A_1010 : vector<16xi32> to vector<16x1xi32>
        %parallel_loop3A_1012 = vector.shape_cast %parallel_loop3A_1011 : vector<16x1xi32> to vector<16xi32>
        %parallel_loop3A_1013 = tpu.dynamic_gather %get3A_482[%parallel_loop3A_1012] in [0] : vector<16xf32>, vector<16xi32> -> vector<16xf32>
        %parallel_loop3A_1014 = arith.constant 16 : i32
        %parallel_loop3A_1015 = arith.index_cast %parallel_loop3A_1014 : i32 to index
        %parallel_loop3A_1016 = arith.index_cast %parallel_loop3A_744 : i32 to index
        %parallel_loop3A_1017 = tpu.vector_load %arg8[%parallel_loop3A_1015, %parallel_loop3A_1016] {strides = array<i32>} : memref<32x512xf32, #tpu.memory_space<vmem>>, vector<1x16xf32>,
        %parallel_loop3A_1018 = vector.shape_cast %parallel_loop3A_1017 : vector<1x16xf32> to vector<16xf32>
        %parallel_loop3A_1019 = vector.shape_cast %parallel_loop3A_1013 : vector<16xf32> to vector<1x16xf32>
        tpu.vector_store %arg8[%parallel_loop3A_1015, %parallel_loop3A_1016], %parallel_loop3A_1019 {strides = array<i32>} : memref<32x512xf32, #tpu.memory_space<vmem>>, vector<1x16xf32>,
        %parallel_loop3A_1020 = arith.constant 0 : i32
        %parallel_loop3A_1021 = vector.broadcast %parallel_loop3A_1020 : i32 to vector<16xi32>
        %parallel_loop3A_1022 = arith.cmpi slt, %parallel_loop3A_747, %parallel_loop3A_1021 : vector<16xi32>
        %parallel_loop3A_1023 = arith.constant 16 : i32
        %parallel_loop3A_1024 = vector.broadcast %parallel_loop3A_1023 : i32 to vector<16xi32>
        %parallel_loop3A_1025 = arith.addi %parallel_loop3A_747, %parallel_loop3A_1024 : vector<16xi32>
        %parallel_loop3A_1026 = arith.select %parallel_loop3A_1022, %parallel_loop3A_1025, %parallel_loop3A_747 : vector<16xi1>, vector<16xi32>
        %parallel_loop3A_1027 = vector.shape_cast %parallel_loop3A_1026 : vector<16xi32> to vector<16x1xi32>
        %parallel_loop3A_1028 = vector.shape_cast %parallel_loop3A_1027 : vector<16x1xi32> to vector<16xi32>
        %parallel_loop3A_1029 = tpu.dynamic_gather %get3A_487[%parallel_loop3A_1028] in [0] : vector<16xf32>, vector<16xi32> -> vector<16xf32>
        %parallel_loop3A_1030 = arith.constant 17 : i32
        %parallel_loop3A_1031 = arith.index_cast %parallel_loop3A_1030 : i32 to index
        %parallel_loop3A_1032 = arith.index_cast %parallel_loop3A_744 : i32 to index
        %parallel_loop3A_1033 = tpu.vector_load %arg8[%parallel_loop3A_1031, %parallel_loop3A_1032] {strides = array<i32>} : memref<32x512xf32, #tpu.memory_space<vmem>>, vector<1x16xf32>,
        %parallel_loop3A_1034 = vector.shape_cast %parallel_loop3A_1033 : vector<1x16xf32> to vector<16xf32>
        %parallel_loop3A_1035 = vector.shape_cast %parallel_loop3A_1029 : vector<16xf32> to vector<1x16xf32>
        tpu.vector_store %arg8[%parallel_loop3A_1031, %parallel_loop3A_1032], %parallel_loop3A_1035 {strides = array<i32>} : memref<32x512xf32, #tpu.memory_space<vmem>>, vector<1x16xf32>,
        %parallel_loop3A_1036 = arith.constant 0 : i32
        %parallel_loop3A_1037 = vector.broadcast %parallel_loop3A_1036 : i32 to vector<16xi32>
        %parallel_loop3A_1038 = arith.cmpi slt, %parallel_loop3A_747, %parallel_loop3A_1037 : vector<16xi32>
        %parallel_loop3A_1039 = arith.constant 16 : i32
        %parallel_loop3A_1040 = vector.broadcast %parallel_loop3A_1039 : i32 to vector<16xi32>
        %parallel_loop3A_1041 = arith.addi %parallel_loop3A_747, %parallel_loop3A_1040 : vector<16xi32>
        %parallel_loop3A_1042 = arith.select %parallel_loop3A_1038, %parallel_loop3A_1041, %parallel_loop3A_747 : vector<16xi1>, vector<16xi32>
        %parallel_loop3A_1043 = vector.shape_cast %parallel_loop3A_1042 : vector<16xi32> to vector<16x1xi32>
        %parallel_loop3A_1044 = vector.shape_cast %parallel_loop3A_1043 : vector<16x1xi32> to vector<16xi32>
        %parallel_loop3A_1045 = tpu.dynamic_gather %get3A_492[%parallel_loop3A_1044] in [0] : vector<16xf32>, vector<16xi32> -> vector<16xf32>
        %parallel_loop3A_1046 = arith.constant 18 : i32
        %parallel_loop3A_1047 = arith.index_cast %parallel_loop3A_1046 : i32 to index
        %parallel_loop3A_1048 = arith.index_cast %parallel_loop3A_744 : i32 to index
        %parallel_loop3A_1049 = tpu.vector_load %arg8[%parallel_loop3A_1047, %parallel_loop3A_1048] {strides = array<i32>} : memref<32x512xf32, #tpu.memory_space<vmem>>, vector<1x16xf32>,
        %parallel_loop3A_1050 = vector.shape_cast %parallel_loop3A_1049 : vector<1x16xf32> to vector<16xf32>
        %parallel_loop3A_1051 = vector.shape_cast %parallel_loop3A_1045 : vector<16xf32> to vector<1x16xf32>
        tpu.vector_store %arg8[%parallel_loop3A_1047, %parallel_loop3A_1048], %parallel_loop3A_1051 {strides = array<i32>} : memref<32x512xf32, #tpu.memory_space<vmem>>, vector<1x16xf32>,
        %parallel_loop3A_1052 = arith.constant 0 : i32
        %parallel_loop3A_1053 = vector.broadcast %parallel_loop3A_1052 : i32 to vector<16xi32>
        %parallel_loop3A_1054 = arith.cmpi slt, %parallel_loop3A_747, %parallel_loop3A_1053 : vector<16xi32>
        %parallel_loop3A_1055 = arith.constant 16 : i32
        %parallel_loop3A_1056 = vector.broadcast %parallel_loop3A_1055 : i32 to vector<16xi32>
        %parallel_loop3A_1057 = arith.addi %parallel_loop3A_747, %parallel_loop3A_1056 : vector<16xi32>
        %parallel_loop3A_1058 = arith.select %parallel_loop3A_1054, %parallel_loop3A_1057, %parallel_loop3A_747 : vector<16xi1>, vector<16xi32>
        %parallel_loop3A_1059 = vector.shape_cast %parallel_loop3A_1058 : vector<16xi32> to vector<16x1xi32>
        %parallel_loop3A_1060 = vector.shape_cast %parallel_loop3A_1059 : vector<16x1xi32> to vector<16xi32>
        %parallel_loop3A_1061 = tpu.dynamic_gather %get3A_497[%parallel_loop3A_1060] in [0] : vector<16xf32>, vector<16xi32> -> vector<16xf32>
        %parallel_loop3A_1062 = arith.constant 19 : i32
        %parallel_loop3A_1063 = arith.index_cast %parallel_loop3A_1062 : i32 to index
        %parallel_loop3A_1064 = arith.index_cast %parallel_loop3A_744 : i32 to index
        %parallel_loop3A_1065 = tpu.vector_load %arg8[%parallel_loop3A_1063, %parallel_loop3A_1064] {strides = array<i32>} : memref<32x512xf32, #tpu.memory_space<vmem>>, vector<1x16xf32>,
        %parallel_loop3A_1066 = vector.shape_cast %parallel_loop3A_1065 : vector<1x16xf32> to vector<16xf32>
        %parallel_loop3A_1067 = vector.shape_cast %parallel_loop3A_1061 : vector<16xf32> to vector<1x16xf32>
        tpu.vector_store %arg8[%parallel_loop3A_1063, %parallel_loop3A_1064], %parallel_loop3A_1067 {strides = array<i32>} : memref<32x512xf32, #tpu.memory_space<vmem>>, vector<1x16xf32>,
        %parallel_loop3A_1068 = arith.constant 0 : i32
        %parallel_loop3A_1069 = vector.broadcast %parallel_loop3A_1068 : i32 to vector<16xi32>
        %parallel_loop3A_1070 = arith.cmpi slt, %parallel_loop3A_747, %parallel_loop3A_1069 : vector<16xi32>
        %parallel_loop3A_1071 = arith.constant 16 : i32
        %parallel_loop3A_1072 = vector.broadcast %parallel_loop3A_1071 : i32 to vector<16xi32>
        %parallel_loop3A_1073 = arith.addi %parallel_loop3A_747, %parallel_loop3A_1072 : vector<16xi32>
        %parallel_loop3A_1074 = arith.select %parallel_loop3A_1070, %parallel_loop3A_1073, %parallel_loop3A_747 : vector<16xi1>, vector<16xi32>
        %parallel_loop3A_1075 = vector.shape_cast %parallel_loop3A_1074 : vector<16xi32> to vector<16x1xi32>
        %parallel_loop3A_1076 = vector.shape_cast %parallel_loop3A_1075 : vector<16x1xi32> to vector<16xi32>
        %parallel_loop3A_1077 = tpu.dynamic_gather %get3A_502[%parallel_loop3A_1076] in [0] : vector<16xf32>, vector<16xi32> -> vector<16xf32>
        %parallel_loop3A_1078 = arith.constant 20 : i32
        %parallel_loop3A_1079 = arith.index_cast %parallel_loop3A_1078 : i32 to index
        %parallel_loop3A_1080 = arith.index_cast %parallel_loop3A_744 : i32 to index
        %parallel_loop3A_1081 = tpu.vector_load %arg8[%parallel_loop3A_1079, %parallel_loop3A_1080] {strides = array<i32>} : memref<32x512xf32, #tpu.memory_space<vmem>>, vector<1x16xf32>,
        %parallel_loop3A_1082 = vector.shape_cast %parallel_loop3A_1081 : vector<1x16xf32> to vector<16xf32>
        %parallel_loop3A_1083 = vector.shape_cast %parallel_loop3A_1077 : vector<16xf32> to vector<1x16xf32>
        tpu.vector_store %arg8[%parallel_loop3A_1079, %parallel_loop3A_1080], %parallel_loop3A_1083 {strides = array<i32>} : memref<32x512xf32, #tpu.memory_space<vmem>>, vector<1x16xf32>,
        %parallel_loop3A_1084 = arith.constant 0 : i32
        %parallel_loop3A_1085 = vector.broadcast %parallel_loop3A_1084 : i32 to vector<16xi32>
        %parallel_loop3A_1086 = arith.cmpi slt, %parallel_loop3A_747, %parallel_loop3A_1085 : vector<16xi32>
        %parallel_loop3A_1087 = arith.constant 16 : i32
        %parallel_loop3A_1088 = vector.broadcast %parallel_loop3A_1087 : i32 to vector<16xi32>
        %parallel_loop3A_1089 = arith.addi %parallel_loop3A_747, %parallel_loop3A_1088 : vector<16xi32>
        %parallel_loop3A_1090 = arith.select %parallel_loop3A_1086, %parallel_loop3A_1089, %parallel_loop3A_747 : vector<16xi1>, vector<16xi32>
        %parallel_loop3A_1091 = vector.shape_cast %parallel_loop3A_1090 : vector<16xi32> to vector<16x1xi32>
        %parallel_loop3A_1092 = vector.shape_cast %parallel_loop3A_1091 : vector<16x1xi32> to vector<16xi32>
        %parallel_loop3A_1093 = tpu.dynamic_gather %get3A_507[%parallel_loop3A_1092] in [0] : vector<16xf32>, vector<16xi32> -> vector<16xf32>
        %parallel_loop3A_1094 = arith.constant 21 : i32
        %parallel_loop3A_1095 = arith.index_cast %parallel_loop3A_1094 : i32 to index
        %parallel_loop3A_1096 = arith.index_cast %parallel_loop3A_744 : i32 to index
        %parallel_loop3A_1097 = tpu.vector_load %arg8[%parallel_loop3A_1095, %parallel_loop3A_1096] {strides = array<i32>} : memref<32x512xf32, #tpu.memory_space<vmem>>, vector<1x16xf32>,
        %parallel_loop3A_1098 = vector.shape_cast %parallel_loop3A_1097 : vector<1x16xf32> to vector<16xf32>
        %parallel_loop3A_1099 = vector.shape_cast %parallel_loop3A_1093 : vector<16xf32> to vector<1x16xf32>
        tpu.vector_store %arg8[%parallel_loop3A_1095, %parallel_loop3A_1096], %parallel_loop3A_1099 {strides = array<i32>} : memref<32x512xf32, #tpu.memory_space<vmem>>, vector<1x16xf32>,
        %parallel_loop3A_1100 = arith.constant 0 : i32
        %parallel_loop3A_1101 = vector.broadcast %parallel_loop3A_1100 : i32 to vector<16xi32>
        %parallel_loop3A_1102 = arith.cmpi slt, %parallel_loop3A_747, %parallel_loop3A_1101 : vector<16xi32>
        %parallel_loop3A_1103 = arith.constant 16 : i32
        %parallel_loop3A_1104 = vector.broadcast %parallel_loop3A_1103 : i32 to vector<16xi32>
        %parallel_loop3A_1105 = arith.addi %parallel_loop3A_747, %parallel_loop3A_1104 : vector<16xi32>
        %parallel_loop3A_1106 = arith.select %parallel_loop3A_1102, %parallel_loop3A_1105, %parallel_loop3A_747 : vector<16xi1>, vector<16xi32>
        %parallel_loop3A_1107 = vector.shape_cast %parallel_loop3A_1106 : vector<16xi32> to vector<16x1xi32>
        %parallel_loop3A_1108 = vector.shape_cast %parallel_loop3A_1107 : vector<16x1xi32> to vector<16xi32>
        %parallel_loop3A_1109 = tpu.dynamic_gather %get3A_512[%parallel_loop3A_1108] in [0] : vector<16xf32>, vector<16xi32> -> vector<16xf32>
        %parallel_loop3A_1110 = arith.constant 22 : i32
        %parallel_loop3A_1111 = arith.index_cast %parallel_loop3A_1110 : i32 to index
        %parallel_loop3A_1112 = arith.index_cast %parallel_loop3A_744 : i32 to index
        %parallel_loop3A_1113 = tpu.vector_load %arg8[%parallel_loop3A_1111, %parallel_loop3A_1112] {strides = array<i32>} : memref<32x512xf32, #tpu.memory_space<vmem>>, vector<1x16xf32>,
        %parallel_loop3A_1114 = vector.shape_cast %parallel_loop3A_1113 : vector<1x16xf32> to vector<16xf32>
        %parallel_loop3A_1115 = vector.shape_cast %parallel_loop3A_1109 : vector<16xf32> to vector<1x16xf32>
        tpu.vector_store %arg8[%parallel_loop3A_1111, %parallel_loop3A_1112], %parallel_loop3A_1115 {strides = array<i32>} : memref<32x512xf32, #tpu.memory_space<vmem>>, vector<1x16xf32>,
        %parallel_loop3A_1116 = arith.constant 0 : i32
        %parallel_loop3A_1117 = vector.broadcast %parallel_loop3A_1116 : i32 to vector<16xi32>
        %parallel_loop3A_1118 = arith.cmpi slt, %parallel_loop3A_747, %parallel_loop3A_1117 : vector<16xi32>
        %parallel_loop3A_1119 = arith.constant 16 : i32
        %parallel_loop3A_1120 = vector.broadcast %parallel_loop3A_1119 : i32 to vector<16xi32>
        %parallel_loop3A_1121 = arith.addi %parallel_loop3A_747, %parallel_loop3A_1120 : vector<16xi32>
        %parallel_loop3A_1122 = arith.select %parallel_loop3A_1118, %parallel_loop3A_1121, %parallel_loop3A_747 : vector<16xi1>, vector<16xi32>
        %parallel_loop3A_1123 = vector.shape_cast %parallel_loop3A_1122 : vector<16xi32> to vector<16x1xi32>
        %parallel_loop3A_1124 = vector.shape_cast %parallel_loop3A_1123 : vector<16x1xi32> to vector<16xi32>
        %parallel_loop3A_1125 = tpu.dynamic_gather %get3A_517[%parallel_loop3A_1124] in [0] : vector<16xf32>, vector<16xi32> -> vector<16xf32>
        %parallel_loop3A_1126 = arith.constant 23 : i32
        %parallel_loop3A_1127 = arith.index_cast %parallel_loop3A_1126 : i32 to index
        %parallel_loop3A_1128 = arith.index_cast %parallel_loop3A_744 : i32 to index
        %parallel_loop3A_1129 = tpu.vector_load %arg8[%parallel_loop3A_1127, %parallel_loop3A_1128] {strides = array<i32>} : memref<32x512xf32, #tpu.memory_space<vmem>>, vector<1x16xf32>,
        %parallel_loop3A_1130 = vector.shape_cast %parallel_loop3A_1129 : vector<1x16xf32> to vector<16xf32>
        %parallel_loop3A_1131 = vector.shape_cast %parallel_loop3A_1125 : vector<16xf32> to vector<1x16xf32>
        tpu.vector_store %arg8[%parallel_loop3A_1127, %parallel_loop3A_1128], %parallel_loop3A_1131 {strides = array<i32>} : memref<32x512xf32, #tpu.memory_space<vmem>>, vector<1x16xf32>,
        %parallel_loop3A_1132 = arith.constant 0 : i32
        %parallel_loop3A_1133 = vector.broadcast %parallel_loop3A_1132 : i32 to vector<16xi32>
        %parallel_loop3A_1134 = arith.cmpi slt, %parallel_loop3A_747, %parallel_loop3A_1133 : vector<16xi32>
        %parallel_loop3A_1135 = arith.constant 16 : i32
        %parallel_loop3A_1136 = vector.broadcast %parallel_loop3A_1135 : i32 to vector<16xi32>
        %parallel_loop3A_1137 = arith.addi %parallel_loop3A_747, %parallel_loop3A_1136 : vector<16xi32>
        %parallel_loop3A_1138 = arith.select %parallel_loop3A_1134, %parallel_loop3A_1137, %parallel_loop3A_747 : vector<16xi1>, vector<16xi32>
        %parallel_loop3A_1139 = vector.shape_cast %parallel_loop3A_1138 : vector<16xi32> to vector<16x1xi32>
        %parallel_loop3A_1140 = vector.shape_cast %parallel_loop3A_1139 : vector<16x1xi32> to vector<16xi32>
        %parallel_loop3A_1141 = tpu.dynamic_gather %get3A_522[%parallel_loop3A_1140] in [0] : vector<16xf32>, vector<16xi32> -> vector<16xf32>
        %parallel_loop3A_1142 = arith.constant 24 : i32
        %parallel_loop3A_1143 = arith.index_cast %parallel_loop3A_1142 : i32 to index
        %parallel_loop3A_1144 = arith.index_cast %parallel_loop3A_744 : i32 to index
        %parallel_loop3A_1145 = tpu.vector_load %arg8[%parallel_loop3A_1143, %parallel_loop3A_1144] {strides = array<i32>} : memref<32x512xf32, #tpu.memory_space<vmem>>, vector<1x16xf32>,
        %parallel_loop3A_1146 = vector.shape_cast %parallel_loop3A_1145 : vector<1x16xf32> to vector<16xf32>
        %parallel_loop3A_1147 = vector.shape_cast %parallel_loop3A_1141 : vector<16xf32> to vector<1x16xf32>
        tpu.vector_store %arg8[%parallel_loop3A_1143, %parallel_loop3A_1144], %parallel_loop3A_1147 {strides = array<i32>} : memref<32x512xf32, #tpu.memory_space<vmem>>, vector<1x16xf32>,
        %parallel_loop3A_1148 = arith.constant 0 : i32
        %parallel_loop3A_1149 = vector.broadcast %parallel_loop3A_1148 : i32 to vector<16xi32>
        %parallel_loop3A_1150 = arith.cmpi slt, %parallel_loop3A_747, %parallel_loop3A_1149 : vector<16xi32>
        %parallel_loop3A_1151 = arith.constant 16 : i32
        %parallel_loop3A_1152 = vector.broadcast %parallel_loop3A_1151 : i32 to vector<16xi32>
        %parallel_loop3A_1153 = arith.addi %parallel_loop3A_747, %parallel_loop3A_1152 : vector<16xi32>
        %parallel_loop3A_1154 = arith.select %parallel_loop3A_1150, %parallel_loop3A_1153, %parallel_loop3A_747 : vector<16xi1>, vector<16xi32>
        %parallel_loop3A_1155 = vector.shape_cast %parallel_loop3A_1154 : vector<16xi32> to vector<16x1xi32>
        %parallel_loop3A_1156 = vector.shape_cast %parallel_loop3A_1155 : vector<16x1xi32> to vector<16xi32>
        %parallel_loop3A_1157 = tpu.dynamic_gather %get3A_527[%parallel_loop3A_1156] in [0] : vector<16xf32>, vector<16xi32> -> vector<16xf32>
        %parallel_loop3A_1158 = arith.constant 25 : i32
        %parallel_loop3A_1159 = arith.index_cast %parallel_loop3A_1158 : i32 to index
        %parallel_loop3A_1160 = arith.index_cast %parallel_loop3A_744 : i32 to index
        %parallel_loop3A_1161 = tpu.vector_load %arg8[%parallel_loop3A_1159, %parallel_loop3A_1160] {strides = array<i32>} : memref<32x512xf32, #tpu.memory_space<vmem>>, vector<1x16xf32>,
        %parallel_loop3A_1162 = vector.shape_cast %parallel_loop3A_1161 : vector<1x16xf32> to vector<16xf32>
        %parallel_loop3A_1163 = vector.shape_cast %parallel_loop3A_1157 : vector<16xf32> to vector<1x16xf32>
        tpu.vector_store %arg8[%parallel_loop3A_1159, %parallel_loop3A_1160], %parallel_loop3A_1163 {strides = array<i32>} : memref<32x512xf32, #tpu.memory_space<vmem>>, vector<1x16xf32>,
        %parallel_loop3A_1164 = arith.constant 0 : i32
        %parallel_loop3A_1165 = vector.broadcast %parallel_loop3A_1164 : i32 to vector<16xi32>
        %parallel_loop3A_1166 = arith.cmpi slt, %parallel_loop3A_747, %parallel_loop3A_1165 : vector<16xi32>
        %parallel_loop3A_1167 = arith.constant 16 : i32
        %parallel_loop3A_1168 = vector.broadcast %parallel_loop3A_1167 : i32 to vector<16xi32>
        %parallel_loop3A_1169 = arith.addi %parallel_loop3A_747, %parallel_loop3A_1168 : vector<16xi32>
        %parallel_loop3A_1170 = arith.select %parallel_loop3A_1166, %parallel_loop3A_1169, %parallel_loop3A_747 : vector<16xi1>, vector<16xi32>
        %parallel_loop3A_1171 = vector.shape_cast %parallel_loop3A_1170 : vector<16xi32> to vector<16x1xi32>
        %parallel_loop3A_1172 = vector.shape_cast %parallel_loop3A_1171 : vector<16x1xi32> to vector<16xi32>
        %parallel_loop3A_1173 = tpu.dynamic_gather %get3A_532[%parallel_loop3A_1172] in [0] : vector<16xf32>, vector<16xi32> -> vector<16xf32>
        %parallel_loop3A_1174 = arith.constant 26 : i32
        %parallel_loop3A_1175 = arith.index_cast %parallel_loop3A_1174 : i32 to index
        %parallel_loop3A_1176 = arith.index_cast %parallel_loop3A_744 : i32 to index
        %parallel_loop3A_1177 = tpu.vector_load %arg8[%parallel_loop3A_1175, %parallel_loop3A_1176] {strides = array<i32>} : memref<32x512xf32, #tpu.memory_space<vmem>>, vector<1x16xf32>,
        %parallel_loop3A_1178 = vector.shape_cast %parallel_loop3A_1177 : vector<1x16xf32> to vector<16xf32>
        %parallel_loop3A_1179 = vector.shape_cast %parallel_loop3A_1173 : vector<16xf32> to vector<1x16xf32>
        tpu.vector_store %arg8[%parallel_loop3A_1175, %parallel_loop3A_1176], %parallel_loop3A_1179 {strides = array<i32>} : memref<32x512xf32, #tpu.memory_space<vmem>>, vector<1x16xf32>,
        %parallel_loop3A_1180 = arith.constant 0 : i32
        %parallel_loop3A_1181 = vector.broadcast %parallel_loop3A_1180 : i32 to vector<16xi32>
        %parallel_loop3A_1182 = arith.cmpi slt, %parallel_loop3A_747, %parallel_loop3A_1181 : vector<16xi32>
        %parallel_loop3A_1183 = arith.constant 16 : i32
        %parallel_loop3A_1184 = vector.broadcast %parallel_loop3A_1183 : i32 to vector<16xi32>
        %parallel_loop3A_1185 = arith.addi %parallel_loop3A_747, %parallel_loop3A_1184 : vector<16xi32>
        %parallel_loop3A_1186 = arith.select %parallel_loop3A_1182, %parallel_loop3A_1185, %parallel_loop3A_747 : vector<16xi1>, vector<16xi32>
        %parallel_loop3A_1187 = vector.shape_cast %parallel_loop3A_1186 : vector<16xi32> to vector<16x1xi32>
        %parallel_loop3A_1188 = vector.shape_cast %parallel_loop3A_1187 : vector<16x1xi32> to vector<16xi32>
        %parallel_loop3A_1189 = tpu.dynamic_gather %get3A_537[%parallel_loop3A_1188] in [0] : vector<16xf32>, vector<16xi32> -> vector<16xf32>
        %parallel_loop3A_1190 = arith.constant 27 : i32
        %parallel_loop3A_1191 = arith.index_cast %parallel_loop3A_1190 : i32 to index
        %parallel_loop3A_1192 = arith.index_cast %parallel_loop3A_744 : i32 to index
        %parallel_loop3A_1193 = tpu.vector_load %arg8[%parallel_loop3A_1191, %parallel_loop3A_1192] {strides = array<i32>} : memref<32x512xf32, #tpu.memory_space<vmem>>, vector<1x16xf32>,
        %parallel_loop3A_1194 = vector.shape_cast %parallel_loop3A_1193 : vector<1x16xf32> to vector<16xf32>
        %parallel_loop3A_1195 = vector.shape_cast %parallel_loop3A_1189 : vector<16xf32> to vector<1x16xf32>
        tpu.vector_store %arg8[%parallel_loop3A_1191, %parallel_loop3A_1192], %parallel_loop3A_1195 {strides = array<i32>} : memref<32x512xf32, #tpu.memory_space<vmem>>, vector<1x16xf32>,
        %parallel_loop3A_1196 = arith.constant 0 : i32
        %parallel_loop3A_1197 = vector.broadcast %parallel_loop3A_1196 : i32 to vector<16xi32>
        %parallel_loop3A_1198 = arith.cmpi slt, %parallel_loop3A_747, %parallel_loop3A_1197 : vector<16xi32>
        %parallel_loop3A_1199 = arith.constant 16 : i32
        %parallel_loop3A_1200 = vector.broadcast %parallel_loop3A_1199 : i32 to vector<16xi32>
        %parallel_loop3A_1201 = arith.addi %parallel_loop3A_747, %parallel_loop3A_1200 : vector<16xi32>
        %parallel_loop3A_1202 = arith.select %parallel_loop3A_1198, %parallel_loop3A_1201, %parallel_loop3A_747 : vector<16xi1>, vector<16xi32>
        %parallel_loop3A_1203 = vector.shape_cast %parallel_loop3A_1202 : vector<16xi32> to vector<16x1xi32>
        %parallel_loop3A_1204 = vector.shape_cast %parallel_loop3A_1203 : vector<16x1xi32> to vector<16xi32>
        %parallel_loop3A_1205 = tpu.dynamic_gather %get3A_542[%parallel_loop3A_1204] in [0] : vector<16xf32>, vector<16xi32> -> vector<16xf32>
        %parallel_loop3A_1206 = arith.constant 28 : i32
        %parallel_loop3A_1207 = arith.index_cast %parallel_loop3A_1206 : i32 to index
        %parallel_loop3A_1208 = arith.index_cast %parallel_loop3A_744 : i32 to index
        %parallel_loop3A_1209 = tpu.vector_load %arg8[%parallel_loop3A_1207, %parallel_loop3A_1208] {strides = array<i32>} : memref<32x512xf32, #tpu.memory_space<vmem>>, vector<1x16xf32>,
        %parallel_loop3A_1210 = vector.shape_cast %parallel_loop3A_1209 : vector<1x16xf32> to vector<16xf32>
        %parallel_loop3A_1211 = vector.shape_cast %parallel_loop3A_1205 : vector<16xf32> to vector<1x16xf32>
        tpu.vector_store %arg8[%parallel_loop3A_1207, %parallel_loop3A_1208], %parallel_loop3A_1211 {strides = array<i32>} : memref<32x512xf32, #tpu.memory_space<vmem>>, vector<1x16xf32>,
        %parallel_loop3A_1212 = arith.constant 0 : i32
        %parallel_loop3A_1213 = vector.broadcast %parallel_loop3A_1212 : i32 to vector<16xi32>
        %parallel_loop3A_1214 = arith.cmpi slt, %parallel_loop3A_747, %parallel_loop3A_1213 : vector<16xi32>
        %parallel_loop3A_1215 = arith.constant 16 : i32
        %parallel_loop3A_1216 = vector.broadcast %parallel_loop3A_1215 : i32 to vector<16xi32>
        %parallel_loop3A_1217 = arith.addi %parallel_loop3A_747, %parallel_loop3A_1216 : vector<16xi32>
        %parallel_loop3A_1218 = arith.select %parallel_loop3A_1214, %parallel_loop3A_1217, %parallel_loop3A_747 : vector<16xi1>, vector<16xi32>
        %parallel_loop3A_1219 = vector.shape_cast %parallel_loop3A_1218 : vector<16xi32> to vector<16x1xi32>
        %parallel_loop3A_1220 = vector.shape_cast %parallel_loop3A_1219 : vector<16x1xi32> to vector<16xi32>
        %parallel_loop3A_1221 = tpu.dynamic_gather %get3A_547[%parallel_loop3A_1220] in [0] : vector<16xf32>, vector<16xi32> -> vector<16xf32>
        %parallel_loop3A_1222 = arith.constant 29 : i32
        %parallel_loop3A_1223 = arith.index_cast %parallel_loop3A_1222 : i32 to index
        %parallel_loop3A_1224 = arith.index_cast %parallel_loop3A_744 : i32 to index
        %parallel_loop3A_1225 = tpu.vector_load %arg8[%parallel_loop3A_1223, %parallel_loop3A_1224] {strides = array<i32>} : memref<32x512xf32, #tpu.memory_space<vmem>>, vector<1x16xf32>,
        %parallel_loop3A_1226 = vector.shape_cast %parallel_loop3A_1225 : vector<1x16xf32> to vector<16xf32>
        %parallel_loop3A_1227 = vector.shape_cast %parallel_loop3A_1221 : vector<16xf32> to vector<1x16xf32>
        tpu.vector_store %arg8[%parallel_loop3A_1223, %parallel_loop3A_1224], %parallel_loop3A_1227 {strides = array<i32>} : memref<32x512xf32, #tpu.memory_space<vmem>>, vector<1x16xf32>,
        %parallel_loop3A_1228 = arith.constant 0 : i32
        %parallel_loop3A_1229 = vector.broadcast %parallel_loop3A_1228 : i32 to vector<16xi32>
        %parallel_loop3A_1230 = arith.cmpi slt, %parallel_loop3A_747, %parallel_loop3A_1229 : vector<16xi32>
        %parallel_loop3A_1231 = arith.constant 16 : i32
        %parallel_loop3A_1232 = vector.broadcast %parallel_loop3A_1231 : i32 to vector<16xi32>
        %parallel_loop3A_1233 = arith.addi %parallel_loop3A_747, %parallel_loop3A_1232 : vector<16xi32>
        %parallel_loop3A_1234 = arith.select %parallel_loop3A_1230, %parallel_loop3A_1233, %parallel_loop3A_747 : vector<16xi1>, vector<16xi32>
        %parallel_loop3A_1235 = vector.shape_cast %parallel_loop3A_1234 : vector<16xi32> to vector<16x1xi32>
        %parallel_loop3A_1236 = vector.shape_cast %parallel_loop3A_1235 : vector<16x1xi32> to vector<16xi32>
        %parallel_loop3A_1237 = tpu.dynamic_gather %get3A_552[%parallel_loop3A_1236] in [0] : vector<16xf32>, vector<16xi32> -> vector<16xf32>
        %parallel_loop3A_1238 = arith.constant 30 : i32
        %parallel_loop3A_1239 = arith.index_cast %parallel_loop3A_1238 : i32 to index
        %parallel_loop3A_1240 = arith.index_cast %parallel_loop3A_744 : i32 to index
        %parallel_loop3A_1241 = tpu.vector_load %arg8[%parallel_loop3A_1239, %parallel_loop3A_1240] {strides = array<i32>} : memref<32x512xf32, #tpu.memory_space<vmem>>, vector<1x16xf32>,
        %parallel_loop3A_1242 = vector.shape_cast %parallel_loop3A_1241 : vector<1x16xf32> to vector<16xf32>
        %parallel_loop3A_1243 = vector.shape_cast %parallel_loop3A_1237 : vector<16xf32> to vector<1x16xf32>
        tpu.vector_store %arg8[%parallel_loop3A_1239, %parallel_loop3A_1240], %parallel_loop3A_1243 {strides = array<i32>} : memref<32x512xf32, #tpu.memory_space<vmem>>, vector<1x16xf32>,
        %parallel_loop3A_1244 = arith.constant 0 : i32
        %parallel_loop3A_1245 = vector.broadcast %parallel_loop3A_1244 : i32 to vector<16xi32>
        %parallel_loop3A_1246 = arith.cmpi slt, %parallel_loop3A_747, %parallel_loop3A_1245 : vector<16xi32>
        %parallel_loop3A_1247 = arith.constant 16 : i32
        %parallel_loop3A_1248 = vector.broadcast %parallel_loop3A_1247 : i32 to vector<16xi32>
        %parallel_loop3A_1249 = arith.addi %parallel_loop3A_747, %parallel_loop3A_1248 : vector<16xi32>
        %parallel_loop3A_1250 = arith.select %parallel_loop3A_1246, %parallel_loop3A_1249, %parallel_loop3A_747 : vector<16xi1>, vector<16xi32>
        %parallel_loop3A_1251 = vector.shape_cast %parallel_loop3A_1250 : vector<16xi32> to vector<16x1xi32>
        %parallel_loop3A_1252 = vector.shape_cast %parallel_loop3A_1251 : vector<16x1xi32> to vector<16xi32>
        %parallel_loop3A_1253 = tpu.dynamic_gather %get3A_557[%parallel_loop3A_1252] in [0] : vector<16xf32>, vector<16xi32> -> vector<16xf32>
        %parallel_loop3A_1254 = arith.constant 31 : i32
        %parallel_loop3A_1255 = arith.index_cast %parallel_loop3A_1254 : i32 to index
        %parallel_loop3A_1256 = arith.index_cast %parallel_loop3A_744 : i32 to index
        %parallel_loop3A_1257 = tpu.vector_load %arg8[%parallel_loop3A_1255, %parallel_loop3A_1256] {strides = array<i32>} : memref<32x512xf32, #tpu.memory_space<vmem>>, vector<1x16xf32>,
        %parallel_loop3A_1258 = vector.shape_cast %parallel_loop3A_1257 : vector<1x16xf32> to vector<16xf32>
        %parallel_loop3A_1259 = vector.shape_cast %parallel_loop3A_1253 : vector<16xf32> to vector<1x16xf32>
        tpu.vector_store %arg8[%parallel_loop3A_1255, %parallel_loop3A_1256], %parallel_loop3A_1259 {strides = array<i32>} : memref<32x512xf32, #tpu.memory_space<vmem>>, vector<1x16xf32>,
      } {sc.loop_unroll_factor = 4 : i64, sc.parallel_access}
      %dma_start3A_561 = arith.constant 0 : i32
      %dma_start3A_562 = tpu.memref_slice %arg4[%add3A_388, %dma_start3A_561, %multiple_of3A] : memref<200x64x16384xf32, #tpu.memory_space<hbm>> -> memref<1x32x512xf32, #tpu.memory_space<hbm>>
      %dma_start3A_563 = tpu.memref_squeeze %dma_start3A_562 : memref<1x32x512xf32, #tpu.memory_space<hbm>> -> memref<32x512xf32, #tpu.memory_space<hbm>>
      %dma_start3A_564 = arith.constant 0 : i32
      %dma_start3A_565 = tpu.memref_slice %arg4[%add3A_388, %dma_start3A_564, %multiple_of3A] : memref<200x64x16384xf32, #tpu.memory_space<hbm>> -> memref<1x32x512xf32, #tpu.memory_space<hbm>>
      %dma_start3A_566 = tpu.memref_squeeze %dma_start3A_565 : memref<1x32x512xf32, #tpu.memory_space<hbm>> -> memref<32x512xf32, #tpu.memory_space<hbm>>
      tpu.enqueue_dma source(%arg8 : memref<32x512xf32, #tpu.memory_space<vmem>>) target(%dma_start3A_566 : memref<32x512xf32, #tpu.memory_space<hbm>>) target_semaphore(%arg10 : memref<!tpu.dma_semaphore, #tpu.memory_space<semaphore_mem>>)
      %ge3A_567 = arith.constant 1 : i32
      %ge3A_568 = arith.cmpi sge, %add3A_388, %ge3A_567 : i32
      %convert_element_type3A_569 = arith.extui %ge3A_568 : i1 to i32
      %cond3A_570 = arith.constant 0 : i32
      %cond3A_571 = arith.cmpi ne, %convert_element_type3A_569, %cond3A_570 : i32
      scf.if %cond3A_571 {
        %dma_wait3A_741 = arith.constant 32 : i32
        %dma_wait3A_742 = tpu.memref_slice %arg4[%add3A_388, %dma_wait3A_741, %multiple_of3A] : memref<200x64x16384xf32, #tpu.memory_space<hbm>> -> memref<1x32x512xf32, #tpu.memory_space<hbm>>
        %dma_wait3A_743 = tpu.memref_squeeze %dma_wait3A_742 : memref<1x32x512xf32, #tpu.memory_space<hbm>> -> memref<32x512xf32, #tpu.memory_space<hbm>>
        %dma_wait3A_744 = arith.constant 32 : i32
        %dma_wait3A_745 = tpu.memref_slice %arg4[%add3A_388, %dma_wait3A_744, %multiple_of3A] : memref<200x64x16384xf32, #tpu.memory_space<hbm>> -> memref<1x32x512xf32, #tpu.memory_space<hbm>>
        %dma_wait3A_746 = tpu.memref_squeeze %dma_wait3A_745 : memref<1x32x512xf32, #tpu.memory_space<hbm>> -> memref<32x512xf32, #tpu.memory_space<hbm>>
        tpu.wait_dma2 semaphore(%arg11 : memref<!tpu.dma_semaphore, #tpu.memory_space<semaphore_mem>>) src(%arg9 : memref<32x512xf32, #tpu.memory_space<vmem>>) dst(%dma_wait3A_746 : memref<32x512xf32, #tpu.memory_space<hbm>>)
      } else {
      }
      %get3A_572 = arith.constant 32 : i32
      %get3A_573 = arith.index_cast %get3A_572 : i32 to index
      %get3A_574 = arith.constant 0 : index
      %get3A_575 = tpu.vector_load %arg5[%get3A_573, %get3A_574] {strides = array<i32>} : memref<64x16xf32, #tpu.memory_space<vmem>>, vector<1x16xf32>,
      %get3A_576 = vector.shape_cast %get3A_575 : vector<1x16xf32> to vector<16xf32>
      %get3A_577 = arith.constant 33 : i32
      %get3A_578 = arith.index_cast %get3A_577 : i32 to index
      %get3A_579 = arith.constant 0 : index
      %get3A_580 = tpu.vector_load %arg5[%get3A_578, %get3A_579] {strides = array<i32>} : memref<64x16xf32, #tpu.memory_space<vmem>>, vector<1x16xf32>,
      %get3A_581 = vector.shape_cast %get3A_580 : vector<1x16xf32> to vector<16xf32>
      %get3A_582 = arith.constant 34 : i32
      %get3A_583 = arith.index_cast %get3A_582 : i32 to index
      %get3A_584 = arith.constant 0 : index
      %get3A_585 = tpu.vector_load %arg5[%get3A_583, %get3A_584] {strides = array<i32>} : memref<64x16xf32, #tpu.memory_space<vmem>>, vector<1x16xf32>,
      %get3A_586 = vector.shape_cast %get3A_585 : vector<1x16xf32> to vector<16xf32>
      %get3A_587 = arith.constant 35 : i32
      %get3A_588 = arith.index_cast %get3A_587 : i32 to index
      %get3A_589 = arith.constant 0 : index
      %get3A_590 = tpu.vector_load %arg5[%get3A_588, %get3A_589] {strides = array<i32>} : memref<64x16xf32, #tpu.memory_space<vmem>>, vector<1x16xf32>,
      %get3A_591 = vector.shape_cast %get3A_590 : vector<1x16xf32> to vector<16xf32>
      %get3A_592 = arith.constant 36 : i32
      %get3A_593 = arith.index_cast %get3A_592 : i32 to index
      %get3A_594 = arith.constant 0 : index
      %get3A_595 = tpu.vector_load %arg5[%get3A_593, %get3A_594] {strides = array<i32>} : memref<64x16xf32, #tpu.memory_space<vmem>>, vector<1x16xf32>,
      %get3A_596 = vector.shape_cast %get3A_595 : vector<1x16xf32> to vector<16xf32>
      %get3A_597 = arith.constant 37 : i32
      %get3A_598 = arith.index_cast %get3A_597 : i32 to index
      %get3A_599 = arith.constant 0 : index
      %get3A_600 = tpu.vector_load %arg5[%get3A_598, %get3A_599] {strides = array<i32>} : memref<64x16xf32, #tpu.memory_space<vmem>>, vector<1x16xf32>,
      %get3A_601 = vector.shape_cast %get3A_600 : vector<1x16xf32> to vector<16xf32>
      %get3A_602 = arith.constant 38 : i32
      %get3A_603 = arith.index_cast %get3A_602 : i32 to index
      %get3A_604 = arith.constant 0 : index
      %get3A_605 = tpu.vector_load %arg5[%get3A_603, %get3A_604] {strides = array<i32>} : memref<64x16xf32, #tpu.memory_space<vmem>>, vector<1x16xf32>,
      %get3A_606 = vector.shape_cast %get3A_605 : vector<1x16xf32> to vector<16xf32>
      %get3A_607 = arith.constant 39 : i32
      %get3A_608 = arith.index_cast %get3A_607 : i32 to index
      %get3A_609 = arith.constant 0 : index
      %get3A_610 = tpu.vector_load %arg5[%get3A_608, %get3A_609] {strides = array<i32>} : memref<64x16xf32, #tpu.memory_space<vmem>>, vector<1x16xf32>,
      %get3A_611 = vector.shape_cast %get3A_610 : vector<1x16xf32> to vector<16xf32>
      %get3A_612 = arith.constant 40 : i32
      %get3A_613 = arith.index_cast %get3A_612 : i32 to index
      %get3A_614 = arith.constant 0 : index
      %get3A_615 = tpu.vector_load %arg5[%get3A_613, %get3A_614] {strides = array<i32>} : memref<64x16xf32, #tpu.memory_space<vmem>>, vector<1x16xf32>,
      %get3A_616 = vector.shape_cast %get3A_615 : vector<1x16xf32> to vector<16xf32>
      %get3A_617 = arith.constant 41 : i32
      %get3A_618 = arith.index_cast %get3A_617 : i32 to index
      %get3A_619 = arith.constant 0 : index
      %get3A_620 = tpu.vector_load %arg5[%get3A_618, %get3A_619] {strides = array<i32>} : memref<64x16xf32, #tpu.memory_space<vmem>>, vector<1x16xf32>,
      %get3A_621 = vector.shape_cast %get3A_620 : vector<1x16xf32> to vector<16xf32>
      %get3A_622 = arith.constant 42 : i32
      %get3A_623 = arith.index_cast %get3A_622 : i32 to index
      %get3A_624 = arith.constant 0 : index
      %get3A_625 = tpu.vector_load %arg5[%get3A_623, %get3A_624] {strides = array<i32>} : memref<64x16xf32, #tpu.memory_space<vmem>>, vector<1x16xf32>,
      %get3A_626 = vector.shape_cast %get3A_625 : vector<1x16xf32> to vector<16xf32>
      %get3A_627 = arith.constant 43 : i32
      %get3A_628 = arith.index_cast %get3A_627 : i32 to index
      %get3A_629 = arith.constant 0 : index
      %get3A_630 = tpu.vector_load %arg5[%get3A_628, %get3A_629] {strides = array<i32>} : memref<64x16xf32, #tpu.memory_space<vmem>>, vector<1x16xf32>,
      %get3A_631 = vector.shape_cast %get3A_630 : vector<1x16xf32> to vector<16xf32>
      %get3A_632 = arith.constant 44 : i32
      %get3A_633 = arith.index_cast %get3A_632 : i32 to index
      %get3A_634 = arith.constant 0 : index
      %get3A_635 = tpu.vector_load %arg5[%get3A_633, %get3A_634] {strides = array<i32>} : memref<64x16xf32, #tpu.memory_space<vmem>>, vector<1x16xf32>,
      %get3A_636 = vector.shape_cast %get3A_635 : vector<1x16xf32> to vector<16xf32>
      %get3A_637 = arith.constant 45 : i32
      %get3A_638 = arith.index_cast %get3A_637 : i32 to index
      %get3A_639 = arith.constant 0 : index
      %get3A_640 = tpu.vector_load %arg5[%get3A_638, %get3A_639] {strides = array<i32>} : memref<64x16xf32, #tpu.memory_space<vmem>>, vector<1x16xf32>,
      %get3A_641 = vector.shape_cast %get3A_640 : vector<1x16xf32> to vector<16xf32>
      %get3A_642 = arith.constant 46 : i32
      %get3A_643 = arith.index_cast %get3A_642 : i32 to index
      %get3A_644 = arith.constant 0 : index
      %get3A_645 = tpu.vector_load %arg5[%get3A_643, %get3A_644] {strides = array<i32>} : memref<64x16xf32, #tpu.memory_space<vmem>>, vector<1x16xf32>,
      %get3A_646 = vector.shape_cast %get3A_645 : vector<1x16xf32> to vector<16xf32>
      %get3A_647 = arith.constant 47 : i32
      %get3A_648 = arith.index_cast %get3A_647 : i32 to index
      %get3A_649 = arith.constant 0 : index
      %get3A_650 = tpu.vector_load %arg5[%get3A_648, %get3A_649] {strides = array<i32>} : memref<64x16xf32, #tpu.memory_space<vmem>>, vector<1x16xf32>,
      %get3A_651 = vector.shape_cast %get3A_650 : vector<1x16xf32> to vector<16xf32>
      %get3A_652 = arith.constant 48 : i32
      %get3A_653 = arith.index_cast %get3A_652 : i32 to index
      %get3A_654 = arith.constant 0 : index
      %get3A_655 = tpu.vector_load %arg5[%get3A_653, %get3A_654] {strides = array<i32>} : memref<64x16xf32, #tpu.memory_space<vmem>>, vector<1x16xf32>,
      %get3A_656 = vector.shape_cast %get3A_655 : vector<1x16xf32> to vector<16xf32>
      %get3A_657 = arith.constant 49 : i32
      %get3A_658 = arith.index_cast %get3A_657 : i32 to index
      %get3A_659 = arith.constant 0 : index
      %get3A_660 = tpu.vector_load %arg5[%get3A_658, %get3A_659] {strides = array<i32>} : memref<64x16xf32, #tpu.memory_space<vmem>>, vector<1x16xf32>,
      %get3A_661 = vector.shape_cast %get3A_660 : vector<1x16xf32> to vector<16xf32>
      %get3A_662 = arith.constant 50 : i32
      %get3A_663 = arith.index_cast %get3A_662 : i32 to index
      %get3A_664 = arith.constant 0 : index
      %get3A_665 = tpu.vector_load %arg5[%get3A_663, %get3A_664] {strides = array<i32>} : memref<64x16xf32, #tpu.memory_space<vmem>>, vector<1x16xf32>,
      %get3A_666 = vector.shape_cast %get3A_665 : vector<1x16xf32> to vector<16xf32>
      %get3A_667 = arith.constant 51 : i32
      %get3A_668 = arith.index_cast %get3A_667 : i32 to index
      %get3A_669 = arith.constant 0 : index
      %get3A_670 = tpu.vector_load %arg5[%get3A_668, %get3A_669] {strides = array<i32>} : memref<64x16xf32, #tpu.memory_space<vmem>>, vector<1x16xf32>,
      %get3A_671 = vector.shape_cast %get3A_670 : vector<1x16xf32> to vector<16xf32>
      %get3A_672 = arith.constant 52 : i32
      %get3A_673 = arith.index_cast %get3A_672 : i32 to index
      %get3A_674 = arith.constant 0 : index
      %get3A_675 = tpu.vector_load %arg5[%get3A_673, %get3A_674] {strides = array<i32>} : memref<64x16xf32, #tpu.memory_space<vmem>>, vector<1x16xf32>,
      %get3A_676 = vector.shape_cast %get3A_675 : vector<1x16xf32> to vector<16xf32>
      %get3A_677 = arith.constant 53 : i32
      %get3A_678 = arith.index_cast %get3A_677 : i32 to index
      %get3A_679 = arith.constant 0 : index
      %get3A_680 = tpu.vector_load %arg5[%get3A_678, %get3A_679] {strides = array<i32>} : memref<64x16xf32, #tpu.memory_space<vmem>>, vector<1x16xf32>,
      %get3A_681 = vector.shape_cast %get3A_680 : vector<1x16xf32> to vector<16xf32>
      %get3A_682 = arith.constant 54 : i32
      %get3A_683 = arith.index_cast %get3A_682 : i32 to index
      %get3A_684 = arith.constant 0 : index
      %get3A_685 = tpu.vector_load %arg5[%get3A_683, %get3A_684] {strides = array<i32>} : memref<64x16xf32, #tpu.memory_space<vmem>>, vector<1x16xf32>,
      %get3A_686 = vector.shape_cast %get3A_685 : vector<1x16xf32> to vector<16xf32>
      %get3A_687 = arith.constant 55 : i32
      %get3A_688 = arith.index_cast %get3A_687 : i32 to index
      %get3A_689 = arith.constant 0 : index
      %get3A_690 = tpu.vector_load %arg5[%get3A_688, %get3A_689] {strides = array<i32>} : memref<64x16xf32, #tpu.memory_space<vmem>>, vector<1x16xf32>,
      %get3A_691 = vector.shape_cast %get3A_690 : vector<1x16xf32> to vector<16xf32>
      %get3A_692 = arith.constant 56 : i32
      %get3A_693 = arith.index_cast %get3A_692 : i32 to index
      %get3A_694 = arith.constant 0 : index
      %get3A_695 = tpu.vector_load %arg5[%get3A_693, %get3A_694] {strides = array<i32>} : memref<64x16xf32, #tpu.memory_space<vmem>>, vector<1x16xf32>,
      %get3A_696 = vector.shape_cast %get3A_695 : vector<1x16xf32> to vector<16xf32>
      %get3A_697 = arith.constant 57 : i32
      %get3A_698 = arith.index_cast %get3A_697 : i32 to index
      %get3A_699 = arith.constant 0 : index
      %get3A_700 = tpu.vector_load %arg5[%get3A_698, %get3A_699] {strides = array<i32>} : memref<64x16xf32, #tpu.memory_space<vmem>>, vector<1x16xf32>,
      %get3A_701 = vector.shape_cast %get3A_700 : vector<1x16xf32> to vector<16xf32>
      %get3A_702 = arith.constant 58 : i32
      %get3A_703 = arith.index_cast %get3A_702 : i32 to index
      %get3A_704 = arith.constant 0 : index
      %get3A_705 = tpu.vector_load %arg5[%get3A_703, %get3A_704] {strides = array<i32>} : memref<64x16xf32, #tpu.memory_space<vmem>>, vector<1x16xf32>,
      %get3A_706 = vector.shape_cast %get3A_705 : vector<1x16xf32> to vector<16xf32>
      %get3A_707 = arith.constant 59 : i32
      %get3A_708 = arith.index_cast %get3A_707 : i32 to index
      %get3A_709 = arith.constant 0 : index
      %get3A_710 = tpu.vector_load %arg5[%get3A_708, %get3A_709] {strides = array<i32>} : memref<64x16xf32, #tpu.memory_space<vmem>>, vector<1x16xf32>,
      %get3A_711 = vector.shape_cast %get3A_710 : vector<1x16xf32> to vector<16xf32>
      %get3A_712 = arith.constant 60 : i32
      %get3A_713 = arith.index_cast %get3A_712 : i32 to index
      %get3A_714 = arith.constant 0 : index
      %get3A_715 = tpu.vector_load %arg5[%get3A_713, %get3A_714] {strides = array<i32>} : memref<64x16xf32, #tpu.memory_space<vmem>>, vector<1x16xf32>,
      %get3A_716 = vector.shape_cast %get3A_715 : vector<1x16xf32> to vector<16xf32>
      %get3A_717 = arith.constant 61 : i32
      %get3A_718 = arith.index_cast %get3A_717 : i32 to index
      %get3A_719 = arith.constant 0 : index
      %get3A_720 = tpu.vector_load %arg5[%get3A_718, %get3A_719] {strides = array<i32>} : memref<64x16xf32, #tpu.memory_space<vmem>>, vector<1x16xf32>,
      %get3A_721 = vector.shape_cast %get3A_720 : vector<1x16xf32> to vector<16xf32>
      %get3A_722 = arith.constant 62 : i32
      %get3A_723 = arith.index_cast %get3A_722 : i32 to index
      %get3A_724 = arith.constant 0 : index
      %get3A_725 = tpu.vector_load %arg5[%get3A_723, %get3A_724] {strides = array<i32>} : memref<64x16xf32, #tpu.memory_space<vmem>>, vector<1x16xf32>,
      %get3A_726 = vector.shape_cast %get3A_725 : vector<1x16xf32> to vector<16xf32>
      %get3A_727 = arith.constant 63 : i32
      %get3A_728 = arith.index_cast %get3A_727 : i32 to index
      %get3A_729 = arith.constant 0 : index
      %get3A_730 = tpu.vector_load %arg5[%get3A_728, %get3A_729] {strides = array<i32>} : memref<64x16xf32, #tpu.memory_space<vmem>>, vector<1x16xf32>,
      %get3A_731 = vector.shape_cast %get3A_730 : vector<1x16xf32> to vector<16xf32>
      %parallel_loop3A_732 = arith.constant 0 : i32
      %parallel_loop3A_733 = arith.constant 32 : i32
      %parallel_loop3A_734 = arith.constant 1 : i32
      scf.for %parallel_loop3A_741 = %parallel_loop3A_732 to %parallel_loop3A_733 step %parallel_loop3A_734  : i32 {
        %parallel_loop3A_742 = arith.constant 16 : i32
        %parallel_loop3A_743 = arith.muli %parallel_loop3A_741, %parallel_loop3A_742 : i32
        %parallel_loop3A_744 = tpu.assume_multiple %parallel_loop3A_743, 16 : i32
        %parallel_loop3A_745 = arith.index_cast %parallel_loop3A_744 : i32 to index
        %parallel_loop3A_746 = tpu.vector_load %arg7[%parallel_loop3A_745] {strides = array<i32>} : memref<512xi32, #tpu.memory_space<vmem>>, vector<16xi32>,
        %parallel_loop3A_747 = vector.shape_cast %parallel_loop3A_746 : vector<16xi32> to vector<16xi32>
        %parallel_loop3A_748 = arith.constant 0 : i32
        %parallel_loop3A_749 = vector.broadcast %parallel_loop3A_748 : i32 to vector<16xi32>
        %parallel_loop3A_750 = arith.cmpi slt, %parallel_loop3A_747, %parallel_loop3A_749 : vector<16xi32>
        %parallel_loop3A_751 = arith.constant 16 : i32
        %parallel_loop3A_752 = vector.broadcast %parallel_loop3A_751 : i32 to vector<16xi32>
        %parallel_loop3A_753 = arith.addi %parallel_loop3A_747, %parallel_loop3A_752 : vector<16xi32>
        %parallel_loop3A_754 = arith.select %parallel_loop3A_750, %parallel_loop3A_753, %parallel_loop3A_747 : vector<16xi1>, vector<16xi32>
        %parallel_loop3A_755 = vector.shape_cast %parallel_loop3A_754 : vector<16xi32> to vector<16x1xi32>
        %parallel_loop3A_756 = vector.shape_cast %parallel_loop3A_755 : vector<16x1xi32> to vector<16xi32>
        %parallel_loop3A_757 = tpu.dynamic_gather %get3A_576[%parallel_loop3A_756] in [0] : vector<16xf32>, vector<16xi32> -> vector<16xf32>
        %parallel_loop3A_758 = arith.constant 0 : i32
        %parallel_loop3A_759 = arith.index_cast %parallel_loop3A_758 : i32 to index
        %parallel_loop3A_760 = arith.index_cast %parallel_loop3A_744 : i32 to index
        %parallel_loop3A_761 = tpu.vector_load %arg9[%parallel_loop3A_759, %parallel_loop3A_760] {strides = array<i32>} : memref<32x512xf32, #tpu.memory_space<vmem>>, vector<1x16xf32>,
        %parallel_loop3A_762 = vector.shape_cast %parallel_loop3A_761 : vector<1x16xf32> to vector<16xf32>
        %parallel_loop3A_763 = vector.shape_cast %parallel_loop3A_757 : vector<16xf32> to vector<1x16xf32>
        tpu.vector_store %arg9[%parallel_loop3A_759, %parallel_loop3A_760], %parallel_loop3A_763 {strides = array<i32>} : memref<32x512xf32, #tpu.memory_space<vmem>>, vector<1x16xf32>,
        %parallel_loop3A_764 = arith.constant 0 : i32
        %parallel_loop3A_765 = vector.broadcast %parallel_loop3A_764 : i32 to vector<16xi32>
        %parallel_loop3A_766 = arith.cmpi slt, %parallel_loop3A_747, %parallel_loop3A_765 : vector<16xi32>
        %parallel_loop3A_767 = arith.constant 16 : i32
        %parallel_loop3A_768 = vector.broadcast %parallel_loop3A_767 : i32 to vector<16xi32>
        %parallel_loop3A_769 = arith.addi %parallel_loop3A_747, %parallel_loop3A_768 : vector<16xi32>
        %parallel_loop3A_770 = arith.select %parallel_loop3A_766, %parallel_loop3A_769, %parallel_loop3A_747 : vector<16xi1>, vector<16xi32>
        %parallel_loop3A_771 = vector.shape_cast %parallel_loop3A_770 : vector<16xi32> to vector<16x1xi32>
        %parallel_loop3A_772 = vector.shape_cast %parallel_loop3A_771 : vector<16x1xi32> to vector<16xi32>
        %parallel_loop3A_773 = tpu.dynamic_gather %get3A_581[%parallel_loop3A_772] in [0] : vector<16xf32>, vector<16xi32> -> vector<16xf32>
        %parallel_loop3A_774 = arith.constant 1 : i32
        %parallel_loop3A_775 = arith.index_cast %parallel_loop3A_774 : i32 to index
        %parallel_loop3A_776 = arith.index_cast %parallel_loop3A_744 : i32 to index
        %parallel_loop3A_777 = tpu.vector_load %arg9[%parallel_loop3A_775, %parallel_loop3A_776] {strides = array<i32>} : memref<32x512xf32, #tpu.memory_space<vmem>>, vector<1x16xf32>,
        %parallel_loop3A_778 = vector.shape_cast %parallel_loop3A_777 : vector<1x16xf32> to vector<16xf32>
        %parallel_loop3A_779 = vector.shape_cast %parallel_loop3A_773 : vector<16xf32> to vector<1x16xf32>
        tpu.vector_store %arg9[%parallel_loop3A_775, %parallel_loop3A_776], %parallel_loop3A_779 {strides = array<i32>} : memref<32x512xf32, #tpu.memory_space<vmem>>, vector<1x16xf32>,
        %parallel_loop3A_780 = arith.constant 0 : i32
        %parallel_loop3A_781 = vector.broadcast %parallel_loop3A_780 : i32 to vector<16xi32>
        %parallel_loop3A_782 = arith.cmpi slt, %parallel_loop3A_747, %parallel_loop3A_781 : vector<16xi32>
        %parallel_loop3A_783 = arith.constant 16 : i32
        %parallel_loop3A_784 = vector.broadcast %parallel_loop3A_783 : i32 to vector<16xi32>
        %parallel_loop3A_785 = arith.addi %parallel_loop3A_747, %parallel_loop3A_784 : vector<16xi32>
        %parallel_loop3A_786 = arith.select %parallel_loop3A_782, %parallel_loop3A_785, %parallel_loop3A_747 : vector<16xi1>, vector<16xi32>
        %parallel_loop3A_787 = vector.shape_cast %parallel_loop3A_786 : vector<16xi32> to vector<16x1xi32>
        %parallel_loop3A_788 = vector.shape_cast %parallel_loop3A_787 : vector<16x1xi32> to vector<16xi32>
        %parallel_loop3A_789 = tpu.dynamic_gather %get3A_586[%parallel_loop3A_788] in [0] : vector<16xf32>, vector<16xi32> -> vector<16xf32>
        %parallel_loop3A_790 = arith.constant 2 : i32
        %parallel_loop3A_791 = arith.index_cast %parallel_loop3A_790 : i32 to index
        %parallel_loop3A_792 = arith.index_cast %parallel_loop3A_744 : i32 to index
        %parallel_loop3A_793 = tpu.vector_load %arg9[%parallel_loop3A_791, %parallel_loop3A_792] {strides = array<i32>} : memref<32x512xf32, #tpu.memory_space<vmem>>, vector<1x16xf32>,
        %parallel_loop3A_794 = vector.shape_cast %parallel_loop3A_793 : vector<1x16xf32> to vector<16xf32>
        %parallel_loop3A_795 = vector.shape_cast %parallel_loop3A_789 : vector<16xf32> to vector<1x16xf32>
        tpu.vector_store %arg9[%parallel_loop3A_791, %parallel_loop3A_792], %parallel_loop3A_795 {strides = array<i32>} : memref<32x512xf32, #tpu.memory_space<vmem>>, vector<1x16xf32>,
        %parallel_loop3A_796 = arith.constant 0 : i32
        %parallel_loop3A_797 = vector.broadcast %parallel_loop3A_796 : i32 to vector<16xi32>
        %parallel_loop3A_798 = arith.cmpi slt, %parallel_loop3A_747, %parallel_loop3A_797 : vector<16xi32>
        %parallel_loop3A_799 = arith.constant 16 : i32
        %parallel_loop3A_800 = vector.broadcast %parallel_loop3A_799 : i32 to vector<16xi32>
        %parallel_loop3A_801 = arith.addi %parallel_loop3A_747, %parallel_loop3A_800 : vector<16xi32>
        %parallel_loop3A_802 = arith.select %parallel_loop3A_798, %parallel_loop3A_801, %parallel_loop3A_747 : vector<16xi1>, vector<16xi32>
        %parallel_loop3A_803 = vector.shape_cast %parallel_loop3A_802 : vector<16xi32> to vector<16x1xi32>
        %parallel_loop3A_804 = vector.shape_cast %parallel_loop3A_803 : vector<16x1xi32> to vector<16xi32>
        %parallel_loop3A_805 = tpu.dynamic_gather %get3A_591[%parallel_loop3A_804] in [0] : vector<16xf32>, vector<16xi32> -> vector<16xf32>
        %parallel_loop3A_806 = arith.constant 3 : i32
        %parallel_loop3A_807 = arith.index_cast %parallel_loop3A_806 : i32 to index
        %parallel_loop3A_808 = arith.index_cast %parallel_loop3A_744 : i32 to index
        %parallel_loop3A_809 = tpu.vector_load %arg9[%parallel_loop3A_807, %parallel_loop3A_808] {strides = array<i32>} : memref<32x512xf32, #tpu.memory_space<vmem>>, vector<1x16xf32>,
        %parallel_loop3A_810 = vector.shape_cast %parallel_loop3A_809 : vector<1x16xf32> to vector<16xf32>
        %parallel_loop3A_811 = vector.shape_cast %parallel_loop3A_805 : vector<16xf32> to vector<1x16xf32>
        tpu.vector_store %arg9[%parallel_loop3A_807, %parallel_loop3A_808], %parallel_loop3A_811 {strides = array<i32>} : memref<32x512xf32, #tpu.memory_space<vmem>>, vector<1x16xf32>,
        %parallel_loop3A_812 = arith.constant 0 : i32
        %parallel_loop3A_813 = vector.broadcast %parallel_loop3A_812 : i32 to vector<16xi32>
        %parallel_loop3A_814 = arith.cmpi slt, %parallel_loop3A_747, %parallel_loop3A_813 : vector<16xi32>
        %parallel_loop3A_815 = arith.constant 16 : i32
        %parallel_loop3A_816 = vector.broadcast %parallel_loop3A_815 : i32 to vector<16xi32>
        %parallel_loop3A_817 = arith.addi %parallel_loop3A_747, %parallel_loop3A_816 : vector<16xi32>
        %parallel_loop3A_818 = arith.select %parallel_loop3A_814, %parallel_loop3A_817, %parallel_loop3A_747 : vector<16xi1>, vector<16xi32>
        %parallel_loop3A_819 = vector.shape_cast %parallel_loop3A_818 : vector<16xi32> to vector<16x1xi32>
        %parallel_loop3A_820 = vector.shape_cast %parallel_loop3A_819 : vector<16x1xi32> to vector<16xi32>
        %parallel_loop3A_821 = tpu.dynamic_gather %get3A_596[%parallel_loop3A_820] in [0] : vector<16xf32>, vector<16xi32> -> vector<16xf32>
        %parallel_loop3A_822 = arith.constant 4 : i32
        %parallel_loop3A_823 = arith.index_cast %parallel_loop3A_822 : i32 to index
        %parallel_loop3A_824 = arith.index_cast %parallel_loop3A_744 : i32 to index
        %parallel_loop3A_825 = tpu.vector_load %arg9[%parallel_loop3A_823, %parallel_loop3A_824] {strides = array<i32>} : memref<32x512xf32, #tpu.memory_space<vmem>>, vector<1x16xf32>,
        %parallel_loop3A_826 = vector.shape_cast %parallel_loop3A_825 : vector<1x16xf32> to vector<16xf32>
        %parallel_loop3A_827 = vector.shape_cast %parallel_loop3A_821 : vector<16xf32> to vector<1x16xf32>
        tpu.vector_store %arg9[%parallel_loop3A_823, %parallel_loop3A_824], %parallel_loop3A_827 {strides = array<i32>} : memref<32x512xf32, #tpu.memory_space<vmem>>, vector<1x16xf32>,
        %parallel_loop3A_828 = arith.constant 0 : i32
        %parallel_loop3A_829 = vector.broadcast %parallel_loop3A_828 : i32 to vector<16xi32>
        %parallel_loop3A_830 = arith.cmpi slt, %parallel_loop3A_747, %parallel_loop3A_829 : vector<16xi32>
        %parallel_loop3A_831 = arith.constant 16 : i32
        %parallel_loop3A_832 = vector.broadcast %parallel_loop3A_831 : i32 to vector<16xi32>
        %parallel_loop3A_833 = arith.addi %parallel_loop3A_747, %parallel_loop3A_832 : vector<16xi32>
        %parallel_loop3A_834 = arith.select %parallel_loop3A_830, %parallel_loop3A_833, %parallel_loop3A_747 : vector<16xi1>, vector<16xi32>
        %parallel_loop3A_835 = vector.shape_cast %parallel_loop3A_834 : vector<16xi32> to vector<16x1xi32>
        %parallel_loop3A_836 = vector.shape_cast %parallel_loop3A_835 : vector<16x1xi32> to vector<16xi32>
        %parallel_loop3A_837 = tpu.dynamic_gather %get3A_601[%parallel_loop3A_836] in [0] : vector<16xf32>, vector<16xi32> -> vector<16xf32>
        %parallel_loop3A_838 = arith.constant 5 : i32
        %parallel_loop3A_839 = arith.index_cast %parallel_loop3A_838 : i32 to index
        %parallel_loop3A_840 = arith.index_cast %parallel_loop3A_744 : i32 to index
        %parallel_loop3A_841 = tpu.vector_load %arg9[%parallel_loop3A_839, %parallel_loop3A_840] {strides = array<i32>} : memref<32x512xf32, #tpu.memory_space<vmem>>, vector<1x16xf32>,
        %parallel_loop3A_842 = vector.shape_cast %parallel_loop3A_841 : vector<1x16xf32> to vector<16xf32>
        %parallel_loop3A_843 = vector.shape_cast %parallel_loop3A_837 : vector<16xf32> to vector<1x16xf32>
        tpu.vector_store %arg9[%parallel_loop3A_839, %parallel_loop3A_840], %parallel_loop3A_843 {strides = array<i32>} : memref<32x512xf32, #tpu.memory_space<vmem>>, vector<1x16xf32>,
        %parallel_loop3A_844 = arith.constant 0 : i32
        %parallel_loop3A_845 = vector.broadcast %parallel_loop3A_844 : i32 to vector<16xi32>
        %parallel_loop3A_846 = arith.cmpi slt, %parallel_loop3A_747, %parallel_loop3A_845 : vector<16xi32>
        %parallel_loop3A_847 = arith.constant 16 : i32
        %parallel_loop3A_848 = vector.broadcast %parallel_loop3A_847 : i32 to vector<16xi32>
        %parallel_loop3A_849 = arith.addi %parallel_loop3A_747, %parallel_loop3A_848 : vector<16xi32>
        %parallel_loop3A_850 = arith.select %parallel_loop3A_846, %parallel_loop3A_849, %parallel_loop3A_747 : vector<16xi1>, vector<16xi32>
        %parallel_loop3A_851 = vector.shape_cast %parallel_loop3A_850 : vector<16xi32> to vector<16x1xi32>
        %parallel_loop3A_852 = vector.shape_cast %parallel_loop3A_851 : vector<16x1xi32> to vector<16xi32>
        %parallel_loop3A_853 = tpu.dynamic_gather %get3A_606[%parallel_loop3A_852] in [0] : vector<16xf32>, vector<16xi32> -> vector<16xf32>
        %parallel_loop3A_854 = arith.constant 6 : i32
        %parallel_loop3A_855 = arith.index_cast %parallel_loop3A_854 : i32 to index
        %parallel_loop3A_856 = arith.index_cast %parallel_loop3A_744 : i32 to index
        %parallel_loop3A_857 = tpu.vector_load %arg9[%parallel_loop3A_855, %parallel_loop3A_856] {strides = array<i32>} : memref<32x512xf32, #tpu.memory_space<vmem>>, vector<1x16xf32>,
        %parallel_loop3A_858 = vector.shape_cast %parallel_loop3A_857 : vector<1x16xf32> to vector<16xf32>
        %parallel_loop3A_859 = vector.shape_cast %parallel_loop3A_853 : vector<16xf32> to vector<1x16xf32>
        tpu.vector_store %arg9[%parallel_loop3A_855, %parallel_loop3A_856], %parallel_loop3A_859 {strides = array<i32>} : memref<32x512xf32, #tpu.memory_space<vmem>>, vector<1x16xf32>,
        %parallel_loop3A_860 = arith.constant 0 : i32
        %parallel_loop3A_861 = vector.broadcast %parallel_loop3A_860 : i32 to vector<16xi32>
        %parallel_loop3A_862 = arith.cmpi slt, %parallel_loop3A_747, %parallel_loop3A_861 : vector<16xi32>
        %parallel_loop3A_863 = arith.constant 16 : i32
        %parallel_loop3A_864 = vector.broadcast %parallel_loop3A_863 : i32 to vector<16xi32>
        %parallel_loop3A_865 = arith.addi %parallel_loop3A_747, %parallel_loop3A_864 : vector<16xi32>
        %parallel_loop3A_866 = arith.select %parallel_loop3A_862, %parallel_loop3A_865, %parallel_loop3A_747 : vector<16xi1>, vector<16xi32>
        %parallel_loop3A_867 = vector.shape_cast %parallel_loop3A_866 : vector<16xi32> to vector<16x1xi32>
        %parallel_loop3A_868 = vector.shape_cast %parallel_loop3A_867 : vector<16x1xi32> to vector<16xi32>
        %parallel_loop3A_869 = tpu.dynamic_gather %get3A_611[%parallel_loop3A_868] in [0] : vector<16xf32>, vector<16xi32> -> vector<16xf32>
        %parallel_loop3A_870 = arith.constant 7 : i32
        %parallel_loop3A_871 = arith.index_cast %parallel_loop3A_870 : i32 to index
        %parallel_loop3A_872 = arith.index_cast %parallel_loop3A_744 : i32 to index
        %parallel_loop3A_873 = tpu.vector_load %arg9[%parallel_loop3A_871, %parallel_loop3A_872] {strides = array<i32>} : memref<32x512xf32, #tpu.memory_space<vmem>>, vector<1x16xf32>,
        %parallel_loop3A_874 = vector.shape_cast %parallel_loop3A_873 : vector<1x16xf32> to vector<16xf32>
        %parallel_loop3A_875 = vector.shape_cast %parallel_loop3A_869 : vector<16xf32> to vector<1x16xf32>
        tpu.vector_store %arg9[%parallel_loop3A_871, %parallel_loop3A_872], %parallel_loop3A_875 {strides = array<i32>} : memref<32x512xf32, #tpu.memory_space<vmem>>, vector<1x16xf32>,
        %parallel_loop3A_876 = arith.constant 0 : i32
        %parallel_loop3A_877 = vector.broadcast %parallel_loop3A_876 : i32 to vector<16xi32>
        %parallel_loop3A_878 = arith.cmpi slt, %parallel_loop3A_747, %parallel_loop3A_877 : vector<16xi32>
        %parallel_loop3A_879 = arith.constant 16 : i32
        %parallel_loop3A_880 = vector.broadcast %parallel_loop3A_879 : i32 to vector<16xi32>
        %parallel_loop3A_881 = arith.addi %parallel_loop3A_747, %parallel_loop3A_880 : vector<16xi32>
        %parallel_loop3A_882 = arith.select %parallel_loop3A_878, %parallel_loop3A_881, %parallel_loop3A_747 : vector<16xi1>, vector<16xi32>
        %parallel_loop3A_883 = vector.shape_cast %parallel_loop3A_882 : vector<16xi32> to vector<16x1xi32>
        %parallel_loop3A_884 = vector.shape_cast %parallel_loop3A_883 : vector<16x1xi32> to vector<16xi32>
        %parallel_loop3A_885 = tpu.dynamic_gather %get3A_616[%parallel_loop3A_884] in [0] : vector<16xf32>, vector<16xi32> -> vector<16xf32>
        %parallel_loop3A_886 = arith.constant 8 : i32
        %parallel_loop3A_887 = arith.index_cast %parallel_loop3A_886 : i32 to index
        %parallel_loop3A_888 = arith.index_cast %parallel_loop3A_744 : i32 to index
        %parallel_loop3A_889 = tpu.vector_load %arg9[%parallel_loop3A_887, %parallel_loop3A_888] {strides = array<i32>} : memref<32x512xf32, #tpu.memory_space<vmem>>, vector<1x16xf32>,
        %parallel_loop3A_890 = vector.shape_cast %parallel_loop3A_889 : vector<1x16xf32> to vector<16xf32>
        %parallel_loop3A_891 = vector.shape_cast %parallel_loop3A_885 : vector<16xf32> to vector<1x16xf32>
        tpu.vector_store %arg9[%parallel_loop3A_887, %parallel_loop3A_888], %parallel_loop3A_891 {strides = array<i32>} : memref<32x512xf32, #tpu.memory_space<vmem>>, vector<1x16xf32>,
        %parallel_loop3A_892 = arith.constant 0 : i32
        %parallel_loop3A_893 = vector.broadcast %parallel_loop3A_892 : i32 to vector<16xi32>
        %parallel_loop3A_894 = arith.cmpi slt, %parallel_loop3A_747, %parallel_loop3A_893 : vector<16xi32>
        %parallel_loop3A_895 = arith.constant 16 : i32
        %parallel_loop3A_896 = vector.broadcast %parallel_loop3A_895 : i32 to vector<16xi32>
        %parallel_loop3A_897 = arith.addi %parallel_loop3A_747, %parallel_loop3A_896 : vector<16xi32>
        %parallel_loop3A_898 = arith.select %parallel_loop3A_894, %parallel_loop3A_897, %parallel_loop3A_747 : vector<16xi1>, vector<16xi32>
        %parallel_loop3A_899 = vector.shape_cast %parallel_loop3A_898 : vector<16xi32> to vector<16x1xi32>
        %parallel_loop3A_900 = vector.shape_cast %parallel_loop3A_899 : vector<16x1xi32> to vector<16xi32>
        %parallel_loop3A_901 = tpu.dynamic_gather %get3A_621[%parallel_loop3A_900] in [0] : vector<16xf32>, vector<16xi32> -> vector<16xf32>
        %parallel_loop3A_902 = arith.constant 9 : i32
        %parallel_loop3A_903 = arith.index_cast %parallel_loop3A_902 : i32 to index
        %parallel_loop3A_904 = arith.index_cast %parallel_loop3A_744 : i32 to index
        %parallel_loop3A_905 = tpu.vector_load %arg9[%parallel_loop3A_903, %parallel_loop3A_904] {strides = array<i32>} : memref<32x512xf32, #tpu.memory_space<vmem>>, vector<1x16xf32>,
        %parallel_loop3A_906 = vector.shape_cast %parallel_loop3A_905 : vector<1x16xf32> to vector<16xf32>
        %parallel_loop3A_907 = vector.shape_cast %parallel_loop3A_901 : vector<16xf32> to vector<1x16xf32>
        tpu.vector_store %arg9[%parallel_loop3A_903, %parallel_loop3A_904], %parallel_loop3A_907 {strides = array<i32>} : memref<32x512xf32, #tpu.memory_space<vmem>>, vector<1x16xf32>,
        %parallel_loop3A_908 = arith.constant 0 : i32
        %parallel_loop3A_909 = vector.broadcast %parallel_loop3A_908 : i32 to vector<16xi32>
        %parallel_loop3A_910 = arith.cmpi slt, %parallel_loop3A_747, %parallel_loop3A_909 : vector<16xi32>
        %parallel_loop3A_911 = arith.constant 16 : i32
        %parallel_loop3A_912 = vector.broadcast %parallel_loop3A_911 : i32 to vector<16xi32>
        %parallel_loop3A_913 = arith.addi %parallel_loop3A_747, %parallel_loop3A_912 : vector<16xi32>
        %parallel_loop3A_914 = arith.select %parallel_loop3A_910, %parallel_loop3A_913, %parallel_loop3A_747 : vector<16xi1>, vector<16xi32>
        %parallel_loop3A_915 = vector.shape_cast %parallel_loop3A_914 : vector<16xi32> to vector<16x1xi32>
        %parallel_loop3A_916 = vector.shape_cast %parallel_loop3A_915 : vector<16x1xi32> to vector<16xi32>
        %parallel_loop3A_917 = tpu.dynamic_gather %get3A_626[%parallel_loop3A_916] in [0] : vector<16xf32>, vector<16xi32> -> vector<16xf32>
        %parallel_loop3A_918 = arith.constant 10 : i32
        %parallel_loop3A_919 = arith.index_cast %parallel_loop3A_918 : i32 to index
        %parallel_loop3A_920 = arith.index_cast %parallel_loop3A_744 : i32 to index
        %parallel_loop3A_921 = tpu.vector_load %arg9[%parallel_loop3A_919, %parallel_loop3A_920] {strides = array<i32>} : memref<32x512xf32, #tpu.memory_space<vmem>>, vector<1x16xf32>,
        %parallel_loop3A_922 = vector.shape_cast %parallel_loop3A_921 : vector<1x16xf32> to vector<16xf32>
        %parallel_loop3A_923 = vector.shape_cast %parallel_loop3A_917 : vector<16xf32> to vector<1x16xf32>
        tpu.vector_store %arg9[%parallel_loop3A_919, %parallel_loop3A_920], %parallel_loop3A_923 {strides = array<i32>} : memref<32x512xf32, #tpu.memory_space<vmem>>, vector<1x16xf32>,
        %parallel_loop3A_924 = arith.constant 0 : i32
        %parallel_loop3A_925 = vector.broadcast %parallel_loop3A_924 : i32 to vector<16xi32>
        %parallel_loop3A_926 = arith.cmpi slt, %parallel_loop3A_747, %parallel_loop3A_925 : vector<16xi32>
        %parallel_loop3A_927 = arith.constant 16 : i32
        %parallel_loop3A_928 = vector.broadcast %parallel_loop3A_927 : i32 to vector<16xi32>
        %parallel_loop3A_929 = arith.addi %parallel_loop3A_747, %parallel_loop3A_928 : vector<16xi32>
        %parallel_loop3A_930 = arith.select %parallel_loop3A_926, %parallel_loop3A_929, %parallel_loop3A_747 : vector<16xi1>, vector<16xi32>
        %parallel_loop3A_931 = vector.shape_cast %parallel_loop3A_930 : vector<16xi32> to vector<16x1xi32>
        %parallel_loop3A_932 = vector.shape_cast %parallel_loop3A_931 : vector<16x1xi32> to vector<16xi32>
        %parallel_loop3A_933 = tpu.dynamic_gather %get3A_631[%parallel_loop3A_932] in [0] : vector<16xf32>, vector<16xi32> -> vector<16xf32>
        %parallel_loop3A_934 = arith.constant 11 : i32
        %parallel_loop3A_935 = arith.index_cast %parallel_loop3A_934 : i32 to index
        %parallel_loop3A_936 = arith.index_cast %parallel_loop3A_744 : i32 to index
        %parallel_loop3A_937 = tpu.vector_load %arg9[%parallel_loop3A_935, %parallel_loop3A_936] {strides = array<i32>} : memref<32x512xf32, #tpu.memory_space<vmem>>, vector<1x16xf32>,
        %parallel_loop3A_938 = vector.shape_cast %parallel_loop3A_937 : vector<1x16xf32> to vector<16xf32>
        %parallel_loop3A_939 = vector.shape_cast %parallel_loop3A_933 : vector<16xf32> to vector<1x16xf32>
        tpu.vector_store %arg9[%parallel_loop3A_935, %parallel_loop3A_936], %parallel_loop3A_939 {strides = array<i32>} : memref<32x512xf32, #tpu.memory_space<vmem>>, vector<1x16xf32>,
        %parallel_loop3A_940 = arith.constant 0 : i32
        %parallel_loop3A_941 = vector.broadcast %parallel_loop3A_940 : i32 to vector<16xi32>
        %parallel_loop3A_942 = arith.cmpi slt, %parallel_loop3A_747, %parallel_loop3A_941 : vector<16xi32>
        %parallel_loop3A_943 = arith.constant 16 : i32
        %parallel_loop3A_944 = vector.broadcast %parallel_loop3A_943 : i32 to vector<16xi32>
        %parallel_loop3A_945 = arith.addi %parallel_loop3A_747, %parallel_loop3A_944 : vector<16xi32>
        %parallel_loop3A_946 = arith.select %parallel_loop3A_942, %parallel_loop3A_945, %parallel_loop3A_747 : vector<16xi1>, vector<16xi32>
        %parallel_loop3A_947 = vector.shape_cast %parallel_loop3A_946 : vector<16xi32> to vector<16x1xi32>
        %parallel_loop3A_948 = vector.shape_cast %parallel_loop3A_947 : vector<16x1xi32> to vector<16xi32>
        %parallel_loop3A_949 = tpu.dynamic_gather %get3A_636[%parallel_loop3A_948] in [0] : vector<16xf32>, vector<16xi32> -> vector<16xf32>
        %parallel_loop3A_950 = arith.constant 12 : i32
        %parallel_loop3A_951 = arith.index_cast %parallel_loop3A_950 : i32 to index
        %parallel_loop3A_952 = arith.index_cast %parallel_loop3A_744 : i32 to index
        %parallel_loop3A_953 = tpu.vector_load %arg9[%parallel_loop3A_951, %parallel_loop3A_952] {strides = array<i32>} : memref<32x512xf32, #tpu.memory_space<vmem>>, vector<1x16xf32>,
        %parallel_loop3A_954 = vector.shape_cast %parallel_loop3A_953 : vector<1x16xf32> to vector<16xf32>
        %parallel_loop3A_955 = vector.shape_cast %parallel_loop3A_949 : vector<16xf32> to vector<1x16xf32>
        tpu.vector_store %arg9[%parallel_loop3A_951, %parallel_loop3A_952], %parallel_loop3A_955 {strides = array<i32>} : memref<32x512xf32, #tpu.memory_space<vmem>>, vector<1x16xf32>,
        %parallel_loop3A_956 = arith.constant 0 : i32
        %parallel_loop3A_957 = vector.broadcast %parallel_loop3A_956 : i32 to vector<16xi32>
        %parallel_loop3A_958 = arith.cmpi slt, %parallel_loop3A_747, %parallel_loop3A_957 : vector<16xi32>
        %parallel_loop3A_959 = arith.constant 16 : i32
        %parallel_loop3A_960 = vector.broadcast %parallel_loop3A_959 : i32 to vector<16xi32>
        %parallel_loop3A_961 = arith.addi %parallel_loop3A_747, %parallel_loop3A_960 : vector<16xi32>
        %parallel_loop3A_962 = arith.select %parallel_loop3A_958, %parallel_loop3A_961, %parallel_loop3A_747 : vector<16xi1>, vector<16xi32>
        %parallel_loop3A_963 = vector.shape_cast %parallel_loop3A_962 : vector<16xi32> to vector<16x1xi32>
        %parallel_loop3A_964 = vector.shape_cast %parallel_loop3A_963 : vector<16x1xi32> to vector<16xi32>
        %parallel_loop3A_965 = tpu.dynamic_gather %get3A_641[%parallel_loop3A_964] in [0] : vector<16xf32>, vector<16xi32> -> vector<16xf32>
        %parallel_loop3A_966 = arith.constant 13 : i32
        %parallel_loop3A_967 = arith.index_cast %parallel_loop3A_966 : i32 to index
        %parallel_loop3A_968 = arith.index_cast %parallel_loop3A_744 : i32 to index
        %parallel_loop3A_969 = tpu.vector_load %arg9[%parallel_loop3A_967, %parallel_loop3A_968] {strides = array<i32>} : memref<32x512xf32, #tpu.memory_space<vmem>>, vector<1x16xf32>,
        %parallel_loop3A_970 = vector.shape_cast %parallel_loop3A_969 : vector<1x16xf32> to vector<16xf32>
        %parallel_loop3A_971 = vector.shape_cast %parallel_loop3A_965 : vector<16xf32> to vector<1x16xf32>
        tpu.vector_store %arg9[%parallel_loop3A_967, %parallel_loop3A_968], %parallel_loop3A_971 {strides = array<i32>} : memref<32x512xf32, #tpu.memory_space<vmem>>, vector<1x16xf32>,
        %parallel_loop3A_972 = arith.constant 0 : i32
        %parallel_loop3A_973 = vector.broadcast %parallel_loop3A_972 : i32 to vector<16xi32>
        %parallel_loop3A_974 = arith.cmpi slt, %parallel_loop3A_747, %parallel_loop3A_973 : vector<16xi32>
        %parallel_loop3A_975 = arith.constant 16 : i32
        %parallel_loop3A_976 = vector.broadcast %parallel_loop3A_975 : i32 to vector<16xi32>
        %parallel_loop3A_977 = arith.addi %parallel_loop3A_747, %parallel_loop3A_976 : vector<16xi32>
        %parallel_loop3A_978 = arith.select %parallel_loop3A_974, %parallel_loop3A_977, %parallel_loop3A_747 : vector<16xi1>, vector<16xi32>
        %parallel_loop3A_979 = vector.shape_cast %parallel_loop3A_978 : vector<16xi32> to vector<16x1xi32>
        %parallel_loop3A_980 = vector.shape_cast %parallel_loop3A_979 : vector<16x1xi32> to vector<16xi32>
        %parallel_loop3A_981 = tpu.dynamic_gather %get3A_646[%parallel_loop3A_980] in [0] : vector<16xf32>, vector<16xi32> -> vector<16xf32>
        %parallel_loop3A_982 = arith.constant 14 : i32
        %parallel_loop3A_983 = arith.index_cast %parallel_loop3A_982 : i32 to index
        %parallel_loop3A_984 = arith.index_cast %parallel_loop3A_744 : i32 to index
        %parallel_loop3A_985 = tpu.vector_load %arg9[%parallel_loop3A_983, %parallel_loop3A_984] {strides = array<i32>} : memref<32x512xf32, #tpu.memory_space<vmem>>, vector<1x16xf32>,
        %parallel_loop3A_986 = vector.shape_cast %parallel_loop3A_985 : vector<1x16xf32> to vector<16xf32>
        %parallel_loop3A_987 = vector.shape_cast %parallel_loop3A_981 : vector<16xf32> to vector<1x16xf32>
        tpu.vector_store %arg9[%parallel_loop3A_983, %parallel_loop3A_984], %parallel_loop3A_987 {strides = array<i32>} : memref<32x512xf32, #tpu.memory_space<vmem>>, vector<1x16xf32>,
        %parallel_loop3A_988 = arith.constant 0 : i32
        %parallel_loop3A_989 = vector.broadcast %parallel_loop3A_988 : i32 to vector<16xi32>
        %parallel_loop3A_990 = arith.cmpi slt, %parallel_loop3A_747, %parallel_loop3A_989 : vector<16xi32>
        %parallel_loop3A_991 = arith.constant 16 : i32
        %parallel_loop3A_992 = vector.broadcast %parallel_loop3A_991 : i32 to vector<16xi32>
        %parallel_loop3A_993 = arith.addi %parallel_loop3A_747, %parallel_loop3A_992 : vector<16xi32>
        %parallel_loop3A_994 = arith.select %parallel_loop3A_990, %parallel_loop3A_993, %parallel_loop3A_747 : vector<16xi1>, vector<16xi32>
        %parallel_loop3A_995 = vector.shape_cast %parallel_loop3A_994 : vector<16xi32> to vector<16x1xi32>
        %parallel_loop3A_996 = vector.shape_cast %parallel_loop3A_995 : vector<16x1xi32> to vector<16xi32>
        %parallel_loop3A_997 = tpu.dynamic_gather %get3A_651[%parallel_loop3A_996] in [0] : vector<16xf32>, vector<16xi32> -> vector<16xf32>
        %parallel_loop3A_998 = arith.constant 15 : i32
        %parallel_loop3A_999 = arith.index_cast %parallel_loop3A_998 : i32 to index
        %parallel_loop3A_1000 = arith.index_cast %parallel_loop3A_744 : i32 to index
        %parallel_loop3A_1001 = tpu.vector_load %arg9[%parallel_loop3A_999, %parallel_loop3A_1000] {strides = array<i32>} : memref<32x512xf32, #tpu.memory_space<vmem>>, vector<1x16xf32>,
        %parallel_loop3A_1002 = vector.shape_cast %parallel_loop3A_1001 : vector<1x16xf32> to vector<16xf32>
        %parallel_loop3A_1003 = vector.shape_cast %parallel_loop3A_997 : vector<16xf32> to vector<1x16xf32>
        tpu.vector_store %arg9[%parallel_loop3A_999, %parallel_loop3A_1000], %parallel_loop3A_1003 {strides = array<i32>} : memref<32x512xf32, #tpu.memory_space<vmem>>, vector<1x16xf32>,
        %parallel_loop3A_1004 = arith.constant 0 : i32
        %parallel_loop3A_1005 = vector.broadcast %parallel_loop3A_1004 : i32 to vector<16xi32>
        %parallel_loop3A_1006 = arith.cmpi slt, %parallel_loop3A_747, %parallel_loop3A_1005 : vector<16xi32>
        %parallel_loop3A_1007 = arith.constant 16 : i32
        %parallel_loop3A_1008 = vector.broadcast %parallel_loop3A_1007 : i32 to vector<16xi32>
        %parallel_loop3A_1009 = arith.addi %parallel_loop3A_747, %parallel_loop3A_1008 : vector<16xi32>
        %parallel_loop3A_1010 = arith.select %parallel_loop3A_1006, %parallel_loop3A_1009, %parallel_loop3A_747 : vector<16xi1>, vector<16xi32>
        %parallel_loop3A_1011 = vector.shape_cast %parallel_loop3A_1010 : vector<16xi32> to vector<16x1xi32>
        %parallel_loop3A_1012 = vector.shape_cast %parallel_loop3A_1011 : vector<16x1xi32> to vector<16xi32>
        %parallel_loop3A_1013 = tpu.dynamic_gather %get3A_656[%parallel_loop3A_1012] in [0] : vector<16xf32>, vector<16xi32> -> vector<16xf32>
        %parallel_loop3A_1014 = arith.constant 16 : i32
        %parallel_loop3A_1015 = arith.index_cast %parallel_loop3A_1014 : i32 to index
        %parallel_loop3A_1016 = arith.index_cast %parallel_loop3A_744 : i32 to index
        %parallel_loop3A_1017 = tpu.vector_load %arg9[%parallel_loop3A_1015, %parallel_loop3A_1016] {strides = array<i32>} : memref<32x512xf32, #tpu.memory_space<vmem>>, vector<1x16xf32>,
        %parallel_loop3A_1018 = vector.shape_cast %parallel_loop3A_1017 : vector<1x16xf32> to vector<16xf32>
        %parallel_loop3A_1019 = vector.shape_cast %parallel_loop3A_1013 : vector<16xf32> to vector<1x16xf32>
        tpu.vector_store %arg9[%parallel_loop3A_1015, %parallel_loop3A_1016], %parallel_loop3A_1019 {strides = array<i32>} : memref<32x512xf32, #tpu.memory_space<vmem>>, vector<1x16xf32>,
        %parallel_loop3A_1020 = arith.constant 0 : i32
        %parallel_loop3A_1021 = vector.broadcast %parallel_loop3A_1020 : i32 to vector<16xi32>
        %parallel_loop3A_1022 = arith.cmpi slt, %parallel_loop3A_747, %parallel_loop3A_1021 : vector<16xi32>
        %parallel_loop3A_1023 = arith.constant 16 : i32
        %parallel_loop3A_1024 = vector.broadcast %parallel_loop3A_1023 : i32 to vector<16xi32>
        %parallel_loop3A_1025 = arith.addi %parallel_loop3A_747, %parallel_loop3A_1024 : vector<16xi32>
        %parallel_loop3A_1026 = arith.select %parallel_loop3A_1022, %parallel_loop3A_1025, %parallel_loop3A_747 : vector<16xi1>, vector<16xi32>
        %parallel_loop3A_1027 = vector.shape_cast %parallel_loop3A_1026 : vector<16xi32> to vector<16x1xi32>
        %parallel_loop3A_1028 = vector.shape_cast %parallel_loop3A_1027 : vector<16x1xi32> to vector<16xi32>
        %parallel_loop3A_1029 = tpu.dynamic_gather %get3A_661[%parallel_loop3A_1028] in [0] : vector<16xf32>, vector<16xi32> -> vector<16xf32>
        %parallel_loop3A_1030 = arith.constant 17 : i32
        %parallel_loop3A_1031 = arith.index_cast %parallel_loop3A_1030 : i32 to index
        %parallel_loop3A_1032 = arith.index_cast %parallel_loop3A_744 : i32 to index
        %parallel_loop3A_1033 = tpu.vector_load %arg9[%parallel_loop3A_1031, %parallel_loop3A_1032] {strides = array<i32>} : memref<32x512xf32, #tpu.memory_space<vmem>>, vector<1x16xf32>,
        %parallel_loop3A_1034 = vector.shape_cast %parallel_loop3A_1033 : vector<1x16xf32> to vector<16xf32>
        %parallel_loop3A_1035 = vector.shape_cast %parallel_loop3A_1029 : vector<16xf32> to vector<1x16xf32>
        tpu.vector_store %arg9[%parallel_loop3A_1031, %parallel_loop3A_1032], %parallel_loop3A_1035 {strides = array<i32>} : memref<32x512xf32, #tpu.memory_space<vmem>>, vector<1x16xf32>,
        %parallel_loop3A_1036 = arith.constant 0 : i32
        %parallel_loop3A_1037 = vector.broadcast %parallel_loop3A_1036 : i32 to vector<16xi32>
        %parallel_loop3A_1038 = arith.cmpi slt, %parallel_loop3A_747, %parallel_loop3A_1037 : vector<16xi32>
        %parallel_loop3A_1039 = arith.constant 16 : i32
        %parallel_loop3A_1040 = vector.broadcast %parallel_loop3A_1039 : i32 to vector<16xi32>
        %parallel_loop3A_1041 = arith.addi %parallel_loop3A_747, %parallel_loop3A_1040 : vector<16xi32>
        %parallel_loop3A_1042 = arith.select %parallel_loop3A_1038, %parallel_loop3A_1041, %parallel_loop3A_747 : vector<16xi1>, vector<16xi32>
        %parallel_loop3A_1043 = vector.shape_cast %parallel_loop3A_1042 : vector<16xi32> to vector<16x1xi32>
        %parallel_loop3A_1044 = vector.shape_cast %parallel_loop3A_1043 : vector<16x1xi32> to vector<16xi32>
        %parallel_loop3A_1045 = tpu.dynamic_gather %get3A_666[%parallel_loop3A_1044] in [0] : vector<16xf32>, vector<16xi32> -> vector<16xf32>
        %parallel_loop3A_1046 = arith.constant 18 : i32
        %parallel_loop3A_1047 = arith.index_cast %parallel_loop3A_1046 : i32 to index
        %parallel_loop3A_1048 = arith.index_cast %parallel_loop3A_744 : i32 to index
        %parallel_loop3A_1049 = tpu.vector_load %arg9[%parallel_loop3A_1047, %parallel_loop3A_1048] {strides = array<i32>} : memref<32x512xf32, #tpu.memory_space<vmem>>, vector<1x16xf32>,
        %parallel_loop3A_1050 = vector.shape_cast %parallel_loop3A_1049 : vector<1x16xf32> to vector<16xf32>
        %parallel_loop3A_1051 = vector.shape_cast %parallel_loop3A_1045 : vector<16xf32> to vector<1x16xf32>
        tpu.vector_store %arg9[%parallel_loop3A_1047, %parallel_loop3A_1048], %parallel_loop3A_1051 {strides = array<i32>} : memref<32x512xf32, #tpu.memory_space<vmem>>, vector<1x16xf32>,
        %parallel_loop3A_1052 = arith.constant 0 : i32
        %parallel_loop3A_1053 = vector.broadcast %parallel_loop3A_1052 : i32 to vector<16xi32>
        %parallel_loop3A_1054 = arith.cmpi slt, %parallel_loop3A_747, %parallel_loop3A_1053 : vector<16xi32>
        %parallel_loop3A_1055 = arith.constant 16 : i32
        %parallel_loop3A_1056 = vector.broadcast %parallel_loop3A_1055 : i32 to vector<16xi32>
        %parallel_loop3A_1057 = arith.addi %parallel_loop3A_747, %parallel_loop3A_1056 : vector<16xi32>
        %parallel_loop3A_1058 = arith.select %parallel_loop3A_1054, %parallel_loop3A_1057, %parallel_loop3A_747 : vector<16xi1>, vector<16xi32>
        %parallel_loop3A_1059 = vector.shape_cast %parallel_loop3A_1058 : vector<16xi32> to vector<16x1xi32>
        %parallel_loop3A_1060 = vector.shape_cast %parallel_loop3A_1059 : vector<16x1xi32> to vector<16xi32>
        %parallel_loop3A_1061 = tpu.dynamic_gather %get3A_671[%parallel_loop3A_1060] in [0] : vector<16xf32>, vector<16xi32> -> vector<16xf32>
        %parallel_loop3A_1062 = arith.constant 19 : i32
        %parallel_loop3A_1063 = arith.index_cast %parallel_loop3A_1062 : i32 to index
        %parallel_loop3A_1064 = arith.index_cast %parallel_loop3A_744 : i32 to index
        %parallel_loop3A_1065 = tpu.vector_load %arg9[%parallel_loop3A_1063, %parallel_loop3A_1064] {strides = array<i32>} : memref<32x512xf32, #tpu.memory_space<vmem>>, vector<1x16xf32>,
        %parallel_loop3A_1066 = vector.shape_cast %parallel_loop3A_1065 : vector<1x16xf32> to vector<16xf32>
        %parallel_loop3A_1067 = vector.shape_cast %parallel_loop3A_1061 : vector<16xf32> to vector<1x16xf32>
        tpu.vector_store %arg9[%parallel_loop3A_1063, %parallel_loop3A_1064], %parallel_loop3A_1067 {strides = array<i32>} : memref<32x512xf32, #tpu.memory_space<vmem>>, vector<1x16xf32>,
        %parallel_loop3A_1068 = arith.constant 0 : i32
        %parallel_loop3A_1069 = vector.broadcast %parallel_loop3A_1068 : i32 to vector<16xi32>
        %parallel_loop3A_1070 = arith.cmpi slt, %parallel_loop3A_747, %parallel_loop3A_1069 : vector<16xi32>
        %parallel_loop3A_1071 = arith.constant 16 : i32
        %parallel_loop3A_1072 = vector.broadcast %parallel_loop3A_1071 : i32 to vector<16xi32>
        %parallel_loop3A_1073 = arith.addi %parallel_loop3A_747, %parallel_loop3A_1072 : vector<16xi32>
        %parallel_loop3A_1074 = arith.select %parallel_loop3A_1070, %parallel_loop3A_1073, %parallel_loop3A_747 : vector<16xi1>, vector<16xi32>
        %parallel_loop3A_1075 = vector.shape_cast %parallel_loop3A_1074 : vector<16xi32> to vector<16x1xi32>
        %parallel_loop3A_1076 = vector.shape_cast %parallel_loop3A_1075 : vector<16x1xi32> to vector<16xi32>
        %parallel_loop3A_1077 = tpu.dynamic_gather %get3A_676[%parallel_loop3A_1076] in [0] : vector<16xf32>, vector<16xi32> -> vector<16xf32>
        %parallel_loop3A_1078 = arith.constant 20 : i32
        %parallel_loop3A_1079 = arith.index_cast %parallel_loop3A_1078 : i32 to index
        %parallel_loop3A_1080 = arith.index_cast %parallel_loop3A_744 : i32 to index
        %parallel_loop3A_1081 = tpu.vector_load %arg9[%parallel_loop3A_1079, %parallel_loop3A_1080] {strides = array<i32>} : memref<32x512xf32, #tpu.memory_space<vmem>>, vector<1x16xf32>,
        %parallel_loop3A_1082 = vector.shape_cast %parallel_loop3A_1081 : vector<1x16xf32> to vector<16xf32>
        %parallel_loop3A_1083 = vector.shape_cast %parallel_loop3A_1077 : vector<16xf32> to vector<1x16xf32>
        tpu.vector_store %arg9[%parallel_loop3A_1079, %parallel_loop3A_1080], %parallel_loop3A_1083 {strides = array<i32>} : memref<32x512xf32, #tpu.memory_space<vmem>>, vector<1x16xf32>,
        %parallel_loop3A_1084 = arith.constant 0 : i32
        %parallel_loop3A_1085 = vector.broadcast %parallel_loop3A_1084 : i32 to vector<16xi32>
        %parallel_loop3A_1086 = arith.cmpi slt, %parallel_loop3A_747, %parallel_loop3A_1085 : vector<16xi32>
        %parallel_loop3A_1087 = arith.constant 16 : i32
        %parallel_loop3A_1088 = vector.broadcast %parallel_loop3A_1087 : i32 to vector<16xi32>
        %parallel_loop3A_1089 = arith.addi %parallel_loop3A_747, %parallel_loop3A_1088 : vector<16xi32>
        %parallel_loop3A_1090 = arith.select %parallel_loop3A_1086, %parallel_loop3A_1089, %parallel_loop3A_747 : vector<16xi1>, vector<16xi32>
        %parallel_loop3A_1091 = vector.shape_cast %parallel_loop3A_1090 : vector<16xi32> to vector<16x1xi32>
        %parallel_loop3A_1092 = vector.shape_cast %parallel_loop3A_1091 : vector<16x1xi32> to vector<16xi32>
        %parallel_loop3A_1093 = tpu.dynamic_gather %get3A_681[%parallel_loop3A_1092] in [0] : vector<16xf32>, vector<16xi32> -> vector<16xf32>
        %parallel_loop3A_1094 = arith.constant 21 : i32
        %parallel_loop3A_1095 = arith.index_cast %parallel_loop3A_1094 : i32 to index
        %parallel_loop3A_1096 = arith.index_cast %parallel_loop3A_744 : i32 to index
        %parallel_loop3A_1097 = tpu.vector_load %arg9[%parallel_loop3A_1095, %parallel_loop3A_1096] {strides = array<i32>} : memref<32x512xf32, #tpu.memory_space<vmem>>, vector<1x16xf32>,
        %parallel_loop3A_1098 = vector.shape_cast %parallel_loop3A_1097 : vector<1x16xf32> to vector<16xf32>
        %parallel_loop3A_1099 = vector.shape_cast %parallel_loop3A_1093 : vector<16xf32> to vector<1x16xf32>
        tpu.vector_store %arg9[%parallel_loop3A_1095, %parallel_loop3A_1096], %parallel_loop3A_1099 {strides = array<i32>} : memref<32x512xf32, #tpu.memory_space<vmem>>, vector<1x16xf32>,
        %parallel_loop3A_1100 = arith.constant 0 : i32
        %parallel_loop3A_1101 = vector.broadcast %parallel_loop3A_1100 : i32 to vector<16xi32>
        %parallel_loop3A_1102 = arith.cmpi slt, %parallel_loop3A_747, %parallel_loop3A_1101 : vector<16xi32>
        %parallel_loop3A_1103 = arith.constant 16 : i32
        %parallel_loop3A_1104 = vector.broadcast %parallel_loop3A_1103 : i32 to vector<16xi32>
        %parallel_loop3A_1105 = arith.addi %parallel_loop3A_747, %parallel_loop3A_1104 : vector<16xi32>
        %parallel_loop3A_1106 = arith.select %parallel_loop3A_1102, %parallel_loop3A_1105, %parallel_loop3A_747 : vector<16xi1>, vector<16xi32>
        %parallel_loop3A_1107 = vector.shape_cast %parallel_loop3A_1106 : vector<16xi32> to vector<16x1xi32>
        %parallel_loop3A_1108 = vector.shape_cast %parallel_loop3A_1107 : vector<16x1xi32> to vector<16xi32>
        %parallel_loop3A_1109 = tpu.dynamic_gather %get3A_686[%parallel_loop3A_1108] in [0] : vector<16xf32>, vector<16xi32> -> vector<16xf32>
        %parallel_loop3A_1110 = arith.constant 22 : i32
        %parallel_loop3A_1111 = arith.index_cast %parallel_loop3A_1110 : i32 to index
        %parallel_loop3A_1112 = arith.index_cast %parallel_loop3A_744 : i32 to index
        %parallel_loop3A_1113 = tpu.vector_load %arg9[%parallel_loop3A_1111, %parallel_loop3A_1112] {strides = array<i32>} : memref<32x512xf32, #tpu.memory_space<vmem>>, vector<1x16xf32>,
        %parallel_loop3A_1114 = vector.shape_cast %parallel_loop3A_1113 : vector<1x16xf32> to vector<16xf32>
        %parallel_loop3A_1115 = vector.shape_cast %parallel_loop3A_1109 : vector<16xf32> to vector<1x16xf32>
        tpu.vector_store %arg9[%parallel_loop3A_1111, %parallel_loop3A_1112], %parallel_loop3A_1115 {strides = array<i32>} : memref<32x512xf32, #tpu.memory_space<vmem>>, vector<1x16xf32>,
        %parallel_loop3A_1116 = arith.constant 0 : i32
        %parallel_loop3A_1117 = vector.broadcast %parallel_loop3A_1116 : i32 to vector<16xi32>
        %parallel_loop3A_1118 = arith.cmpi slt, %parallel_loop3A_747, %parallel_loop3A_1117 : vector<16xi32>
        %parallel_loop3A_1119 = arith.constant 16 : i32
        %parallel_loop3A_1120 = vector.broadcast %parallel_loop3A_1119 : i32 to vector<16xi32>
        %parallel_loop3A_1121 = arith.addi %parallel_loop3A_747, %parallel_loop3A_1120 : vector<16xi32>
        %parallel_loop3A_1122 = arith.select %parallel_loop3A_1118, %parallel_loop3A_1121, %parallel_loop3A_747 : vector<16xi1>, vector<16xi32>
        %parallel_loop3A_1123 = vector.shape_cast %parallel_loop3A_1122 : vector<16xi32> to vector<16x1xi32>
        %parallel_loop3A_1124 = vector.shape_cast %parallel_loop3A_1123 : vector<16x1xi32> to vector<16xi32>
        %parallel_loop3A_1125 = tpu.dynamic_gather %get3A_691[%parallel_loop3A_1124] in [0] : vector<16xf32>, vector<16xi32> -> vector<16xf32>
        %parallel_loop3A_1126 = arith.constant 23 : i32
        %parallel_loop3A_1127 = arith.index_cast %parallel_loop3A_1126 : i32 to index
        %parallel_loop3A_1128 = arith.index_cast %parallel_loop3A_744 : i32 to index
        %parallel_loop3A_1129 = tpu.vector_load %arg9[%parallel_loop3A_1127, %parallel_loop3A_1128] {strides = array<i32>} : memref<32x512xf32, #tpu.memory_space<vmem>>, vector<1x16xf32>,
        %parallel_loop3A_1130 = vector.shape_cast %parallel_loop3A_1129 : vector<1x16xf32> to vector<16xf32>
        %parallel_loop3A_1131 = vector.shape_cast %parallel_loop3A_1125 : vector<16xf32> to vector<1x16xf32>
        tpu.vector_store %arg9[%parallel_loop3A_1127, %parallel_loop3A_1128], %parallel_loop3A_1131 {strides = array<i32>} : memref<32x512xf32, #tpu.memory_space<vmem>>, vector<1x16xf32>,
        %parallel_loop3A_1132 = arith.constant 0 : i32
        %parallel_loop3A_1133 = vector.broadcast %parallel_loop3A_1132 : i32 to vector<16xi32>
        %parallel_loop3A_1134 = arith.cmpi slt, %parallel_loop3A_747, %parallel_loop3A_1133 : vector<16xi32>
        %parallel_loop3A_1135 = arith.constant 16 : i32
        %parallel_loop3A_1136 = vector.broadcast %parallel_loop3A_1135 : i32 to vector<16xi32>
        %parallel_loop3A_1137 = arith.addi %parallel_loop3A_747, %parallel_loop3A_1136 : vector<16xi32>
        %parallel_loop3A_1138 = arith.select %parallel_loop3A_1134, %parallel_loop3A_1137, %parallel_loop3A_747 : vector<16xi1>, vector<16xi32>
        %parallel_loop3A_1139 = vector.shape_cast %parallel_loop3A_1138 : vector<16xi32> to vector<16x1xi32>
        %parallel_loop3A_1140 = vector.shape_cast %parallel_loop3A_1139 : vector<16x1xi32> to vector<16xi32>
        %parallel_loop3A_1141 = tpu.dynamic_gather %get3A_696[%parallel_loop3A_1140] in [0] : vector<16xf32>, vector<16xi32> -> vector<16xf32>
        %parallel_loop3A_1142 = arith.constant 24 : i32
        %parallel_loop3A_1143 = arith.index_cast %parallel_loop3A_1142 : i32 to index
        %parallel_loop3A_1144 = arith.index_cast %parallel_loop3A_744 : i32 to index
        %parallel_loop3A_1145 = tpu.vector_load %arg9[%parallel_loop3A_1143, %parallel_loop3A_1144] {strides = array<i32>} : memref<32x512xf32, #tpu.memory_space<vmem>>, vector<1x16xf32>,
        %parallel_loop3A_1146 = vector.shape_cast %parallel_loop3A_1145 : vector<1x16xf32> to vector<16xf32>
        %parallel_loop3A_1147 = vector.shape_cast %parallel_loop3A_1141 : vector<16xf32> to vector<1x16xf32>
        tpu.vector_store %arg9[%parallel_loop3A_1143, %parallel_loop3A_1144], %parallel_loop3A_1147 {strides = array<i32>} : memref<32x512xf32, #tpu.memory_space<vmem>>, vector<1x16xf32>,
        %parallel_loop3A_1148 = arith.constant 0 : i32
        %parallel_loop3A_1149 = vector.broadcast %parallel_loop3A_1148 : i32 to vector<16xi32>
        %parallel_loop3A_1150 = arith.cmpi slt, %parallel_loop3A_747, %parallel_loop3A_1149 : vector<16xi32>
        %parallel_loop3A_1151 = arith.constant 16 : i32
        %parallel_loop3A_1152 = vector.broadcast %parallel_loop3A_1151 : i32 to vector<16xi32>
        %parallel_loop3A_1153 = arith.addi %parallel_loop3A_747, %parallel_loop3A_1152 : vector<16xi32>
        %parallel_loop3A_1154 = arith.select %parallel_loop3A_1150, %parallel_loop3A_1153, %parallel_loop3A_747 : vector<16xi1>, vector<16xi32>
        %parallel_loop3A_1155 = vector.shape_cast %parallel_loop3A_1154 : vector<16xi32> to vector<16x1xi32>
        %parallel_loop3A_1156 = vector.shape_cast %parallel_loop3A_1155 : vector<16x1xi32> to vector<16xi32>
        %parallel_loop3A_1157 = tpu.dynamic_gather %get3A_701[%parallel_loop3A_1156] in [0] : vector<16xf32>, vector<16xi32> -> vector<16xf32>
        %parallel_loop3A_1158 = arith.constant 25 : i32
        %parallel_loop3A_1159 = arith.index_cast %parallel_loop3A_1158 : i32 to index
        %parallel_loop3A_1160 = arith.index_cast %parallel_loop3A_744 : i32 to index
        %parallel_loop3A_1161 = tpu.vector_load %arg9[%parallel_loop3A_1159, %parallel_loop3A_1160] {strides = array<i32>} : memref<32x512xf32, #tpu.memory_space<vmem>>, vector<1x16xf32>,
        %parallel_loop3A_1162 = vector.shape_cast %parallel_loop3A_1161 : vector<1x16xf32> to vector<16xf32>
        %parallel_loop3A_1163 = vector.shape_cast %parallel_loop3A_1157 : vector<16xf32> to vector<1x16xf32>
        tpu.vector_store %arg9[%parallel_loop3A_1159, %parallel_loop3A_1160], %parallel_loop3A_1163 {strides = array<i32>} : memref<32x512xf32, #tpu.memory_space<vmem>>, vector<1x16xf32>,
        %parallel_loop3A_1164 = arith.constant 0 : i32
        %parallel_loop3A_1165 = vector.broadcast %parallel_loop3A_1164 : i32 to vector<16xi32>
        %parallel_loop3A_1166 = arith.cmpi slt, %parallel_loop3A_747, %parallel_loop3A_1165 : vector<16xi32>
        %parallel_loop3A_1167 = arith.constant 16 : i32
        %parallel_loop3A_1168 = vector.broadcast %parallel_loop3A_1167 : i32 to vector<16xi32>
        %parallel_loop3A_1169 = arith.addi %parallel_loop3A_747, %parallel_loop3A_1168 : vector<16xi32>
        %parallel_loop3A_1170 = arith.select %parallel_loop3A_1166, %parallel_loop3A_1169, %parallel_loop3A_747 : vector<16xi1>, vector<16xi32>
        %parallel_loop3A_1171 = vector.shape_cast %parallel_loop3A_1170 : vector<16xi32> to vector<16x1xi32>
        %parallel_loop3A_1172 = vector.shape_cast %parallel_loop3A_1171 : vector<16x1xi32> to vector<16xi32>
        %parallel_loop3A_1173 = tpu.dynamic_gather %get3A_706[%parallel_loop3A_1172] in [0] : vector<16xf32>, vector<16xi32> -> vector<16xf32>
        %parallel_loop3A_1174 = arith.constant 26 : i32
        %parallel_loop3A_1175 = arith.index_cast %parallel_loop3A_1174 : i32 to index
        %parallel_loop3A_1176 = arith.index_cast %parallel_loop3A_744 : i32 to index
        %parallel_loop3A_1177 = tpu.vector_load %arg9[%parallel_loop3A_1175, %parallel_loop3A_1176] {strides = array<i32>} : memref<32x512xf32, #tpu.memory_space<vmem>>, vector<1x16xf32>,
        %parallel_loop3A_1178 = vector.shape_cast %parallel_loop3A_1177 : vector<1x16xf32> to vector<16xf32>
        %parallel_loop3A_1179 = vector.shape_cast %parallel_loop3A_1173 : vector<16xf32> to vector<1x16xf32>
        tpu.vector_store %arg9[%parallel_loop3A_1175, %parallel_loop3A_1176], %parallel_loop3A_1179 {strides = array<i32>} : memref<32x512xf32, #tpu.memory_space<vmem>>, vector<1x16xf32>,
        %parallel_loop3A_1180 = arith.constant 0 : i32
        %parallel_loop3A_1181 = vector.broadcast %parallel_loop3A_1180 : i32 to vector<16xi32>
        %parallel_loop3A_1182 = arith.cmpi slt, %parallel_loop3A_747, %parallel_loop3A_1181 : vector<16xi32>
        %parallel_loop3A_1183 = arith.constant 16 : i32
        %parallel_loop3A_1184 = vector.broadcast %parallel_loop3A_1183 : i32 to vector<16xi32>
        %parallel_loop3A_1185 = arith.addi %parallel_loop3A_747, %parallel_loop3A_1184 : vector<16xi32>
        %parallel_loop3A_1186 = arith.select %parallel_loop3A_1182, %parallel_loop3A_1185, %parallel_loop3A_747 : vector<16xi1>, vector<16xi32>
        %parallel_loop3A_1187 = vector.shape_cast %parallel_loop3A_1186 : vector<16xi32> to vector<16x1xi32>
        %parallel_loop3A_1188 = vector.shape_cast %parallel_loop3A_1187 : vector<16x1xi32> to vector<16xi32>
        %parallel_loop3A_1189 = tpu.dynamic_gather %get3A_711[%parallel_loop3A_1188] in [0] : vector<16xf32>, vector<16xi32> -> vector<16xf32>
        %parallel_loop3A_1190 = arith.constant 27 : i32
        %parallel_loop3A_1191 = arith.index_cast %parallel_loop3A_1190 : i32 to index
        %parallel_loop3A_1192 = arith.index_cast %parallel_loop3A_744 : i32 to index
        %parallel_loop3A_1193 = tpu.vector_load %arg9[%parallel_loop3A_1191, %parallel_loop3A_1192] {strides = array<i32>} : memref<32x512xf32, #tpu.memory_space<vmem>>, vector<1x16xf32>,
        %parallel_loop3A_1194 = vector.shape_cast %parallel_loop3A_1193 : vector<1x16xf32> to vector<16xf32>
        %parallel_loop3A_1195 = vector.shape_cast %parallel_loop3A_1189 : vector<16xf32> to vector<1x16xf32>
        tpu.vector_store %arg9[%parallel_loop3A_1191, %parallel_loop3A_1192], %parallel_loop3A_1195 {strides = array<i32>} : memref<32x512xf32, #tpu.memory_space<vmem>>, vector<1x16xf32>,
        %parallel_loop3A_1196 = arith.constant 0 : i32
        %parallel_loop3A_1197 = vector.broadcast %parallel_loop3A_1196 : i32 to vector<16xi32>
        %parallel_loop3A_1198 = arith.cmpi slt, %parallel_loop3A_747, %parallel_loop3A_1197 : vector<16xi32>
        %parallel_loop3A_1199 = arith.constant 16 : i32
        %parallel_loop3A_1200 = vector.broadcast %parallel_loop3A_1199 : i32 to vector<16xi32>
        %parallel_loop3A_1201 = arith.addi %parallel_loop3A_747, %parallel_loop3A_1200 : vector<16xi32>
        %parallel_loop3A_1202 = arith.select %parallel_loop3A_1198, %parallel_loop3A_1201, %parallel_loop3A_747 : vector<16xi1>, vector<16xi32>
        %parallel_loop3A_1203 = vector.shape_cast %parallel_loop3A_1202 : vector<16xi32> to vector<16x1xi32>
        %parallel_loop3A_1204 = vector.shape_cast %parallel_loop3A_1203 : vector<16x1xi32> to vector<16xi32>
        %parallel_loop3A_1205 = tpu.dynamic_gather %get3A_716[%parallel_loop3A_1204] in [0] : vector<16xf32>, vector<16xi32> -> vector<16xf32>
        %parallel_loop3A_1206 = arith.constant 28 : i32
        %parallel_loop3A_1207 = arith.index_cast %parallel_loop3A_1206 : i32 to index
        %parallel_loop3A_1208 = arith.index_cast %parallel_loop3A_744 : i32 to index
        %parallel_loop3A_1209 = tpu.vector_load %arg9[%parallel_loop3A_1207, %parallel_loop3A_1208] {strides = array<i32>} : memref<32x512xf32, #tpu.memory_space<vmem>>, vector<1x16xf32>,
        %parallel_loop3A_1210 = vector.shape_cast %parallel_loop3A_1209 : vector<1x16xf32> to vector<16xf32>
        %parallel_loop3A_1211 = vector.shape_cast %parallel_loop3A_1205 : vector<16xf32> to vector<1x16xf32>
        tpu.vector_store %arg9[%parallel_loop3A_1207, %parallel_loop3A_1208], %parallel_loop3A_1211 {strides = array<i32>} : memref<32x512xf32, #tpu.memory_space<vmem>>, vector<1x16xf32>,
        %parallel_loop3A_1212 = arith.constant 0 : i32
        %parallel_loop3A_1213 = vector.broadcast %parallel_loop3A_1212 : i32 to vector<16xi32>
        %parallel_loop3A_1214 = arith.cmpi slt, %parallel_loop3A_747, %parallel_loop3A_1213 : vector<16xi32>
        %parallel_loop3A_1215 = arith.constant 16 : i32
        %parallel_loop3A_1216 = vector.broadcast %parallel_loop3A_1215 : i32 to vector<16xi32>
        %parallel_loop3A_1217 = arith.addi %parallel_loop3A_747, %parallel_loop3A_1216 : vector<16xi32>
        %parallel_loop3A_1218 = arith.select %parallel_loop3A_1214, %parallel_loop3A_1217, %parallel_loop3A_747 : vector<16xi1>, vector<16xi32>
        %parallel_loop3A_1219 = vector.shape_cast %parallel_loop3A_1218 : vector<16xi32> to vector<16x1xi32>
        %parallel_loop3A_1220 = vector.shape_cast %parallel_loop3A_1219 : vector<16x1xi32> to vector<16xi32>
        %parallel_loop3A_1221 = tpu.dynamic_gather %get3A_721[%parallel_loop3A_1220] in [0] : vector<16xf32>, vector<16xi32> -> vector<16xf32>
        %parallel_loop3A_1222 = arith.constant 29 : i32
        %parallel_loop3A_1223 = arith.index_cast %parallel_loop3A_1222 : i32 to index
        %parallel_loop3A_1224 = arith.index_cast %parallel_loop3A_744 : i32 to index
        %parallel_loop3A_1225 = tpu.vector_load %arg9[%parallel_loop3A_1223, %parallel_loop3A_1224] {strides = array<i32>} : memref<32x512xf32, #tpu.memory_space<vmem>>, vector<1x16xf32>,
        %parallel_loop3A_1226 = vector.shape_cast %parallel_loop3A_1225 : vector<1x16xf32> to vector<16xf32>
        %parallel_loop3A_1227 = vector.shape_cast %parallel_loop3A_1221 : vector<16xf32> to vector<1x16xf32>
        tpu.vector_store %arg9[%parallel_loop3A_1223, %parallel_loop3A_1224], %parallel_loop3A_1227 {strides = array<i32>} : memref<32x512xf32, #tpu.memory_space<vmem>>, vector<1x16xf32>,
        %parallel_loop3A_1228 = arith.constant 0 : i32
        %parallel_loop3A_1229 = vector.broadcast %parallel_loop3A_1228 : i32 to vector<16xi32>
        %parallel_loop3A_1230 = arith.cmpi slt, %parallel_loop3A_747, %parallel_loop3A_1229 : vector<16xi32>
        %parallel_loop3A_1231 = arith.constant 16 : i32
        %parallel_loop3A_1232 = vector.broadcast %parallel_loop3A_1231 : i32 to vector<16xi32>
        %parallel_loop3A_1233 = arith.addi %parallel_loop3A_747, %parallel_loop3A_1232 : vector<16xi32>
        %parallel_loop3A_1234 = arith.select %parallel_loop3A_1230, %parallel_loop3A_1233, %parallel_loop3A_747 : vector<16xi1>, vector<16xi32>
        %parallel_loop3A_1235 = vector.shape_cast %parallel_loop3A_1234 : vector<16xi32> to vector<16x1xi32>
        %parallel_loop3A_1236 = vector.shape_cast %parallel_loop3A_1235 : vector<16x1xi32> to vector<16xi32>
        %parallel_loop3A_1237 = tpu.dynamic_gather %get3A_726[%parallel_loop3A_1236] in [0] : vector<16xf32>, vector<16xi32> -> vector<16xf32>
        %parallel_loop3A_1238 = arith.constant 30 : i32
        %parallel_loop3A_1239 = arith.index_cast %parallel_loop3A_1238 : i32 to index
        %parallel_loop3A_1240 = arith.index_cast %parallel_loop3A_744 : i32 to index
        %parallel_loop3A_1241 = tpu.vector_load %arg9[%parallel_loop3A_1239, %parallel_loop3A_1240] {strides = array<i32>} : memref<32x512xf32, #tpu.memory_space<vmem>>, vector<1x16xf32>,
        %parallel_loop3A_1242 = vector.shape_cast %parallel_loop3A_1241 : vector<1x16xf32> to vector<16xf32>
        %parallel_loop3A_1243 = vector.shape_cast %parallel_loop3A_1237 : vector<16xf32> to vector<1x16xf32>
        tpu.vector_store %arg9[%parallel_loop3A_1239, %parallel_loop3A_1240], %parallel_loop3A_1243 {strides = array<i32>} : memref<32x512xf32, #tpu.memory_space<vmem>>, vector<1x16xf32>,
        %parallel_loop3A_1244 = arith.constant 0 : i32
        %parallel_loop3A_1245 = vector.broadcast %parallel_loop3A_1244 : i32 to vector<16xi32>
        %parallel_loop3A_1246 = arith.cmpi slt, %parallel_loop3A_747, %parallel_loop3A_1245 : vector<16xi32>
        %parallel_loop3A_1247 = arith.constant 16 : i32
        %parallel_loop3A_1248 = vector.broadcast %parallel_loop3A_1247 : i32 to vector<16xi32>
        %parallel_loop3A_1249 = arith.addi %parallel_loop3A_747, %parallel_loop3A_1248 : vector<16xi32>
        %parallel_loop3A_1250 = arith.select %parallel_loop3A_1246, %parallel_loop3A_1249, %parallel_loop3A_747 : vector<16xi1>, vector<16xi32>
        %parallel_loop3A_1251 = vector.shape_cast %parallel_loop3A_1250 : vector<16xi32> to vector<16x1xi32>
        %parallel_loop3A_1252 = vector.shape_cast %parallel_loop3A_1251 : vector<16x1xi32> to vector<16xi32>
        %parallel_loop3A_1253 = tpu.dynamic_gather %get3A_731[%parallel_loop3A_1252] in [0] : vector<16xf32>, vector<16xi32> -> vector<16xf32>
        %parallel_loop3A_1254 = arith.constant 31 : i32
        %parallel_loop3A_1255 = arith.index_cast %parallel_loop3A_1254 : i32 to index
        %parallel_loop3A_1256 = arith.index_cast %parallel_loop3A_744 : i32 to index
        %parallel_loop3A_1257 = tpu.vector_load %arg9[%parallel_loop3A_1255, %parallel_loop3A_1256] {strides = array<i32>} : memref<32x512xf32, #tpu.memory_space<vmem>>, vector<1x16xf32>,
        %parallel_loop3A_1258 = vector.shape_cast %parallel_loop3A_1257 : vector<1x16xf32> to vector<16xf32>
        %parallel_loop3A_1259 = vector.shape_cast %parallel_loop3A_1253 : vector<16xf32> to vector<1x16xf32>
        tpu.vector_store %arg9[%parallel_loop3A_1255, %parallel_loop3A_1256], %parallel_loop3A_1259 {strides = array<i32>} : memref<32x512xf32, #tpu.memory_space<vmem>>, vector<1x16xf32>,
      } {sc.loop_unroll_factor = 4 : i64, sc.parallel_access}
      %dma_start3A_735 = arith.constant 32 : i32
      %dma_start3A_736 = tpu.memref_slice %arg4[%add3A_388, %dma_start3A_735, %multiple_of3A] : memref<200x64x16384xf32, #tpu.memory_space<hbm>> -> memref<1x32x512xf32, #tpu.memory_space<hbm>>
      %dma_start3A_737 = tpu.memref_squeeze %dma_start3A_736 : memref<1x32x512xf32, #tpu.memory_space<hbm>> -> memref<32x512xf32, #tpu.memory_space<hbm>>
      %dma_start3A_738 = arith.constant 32 : i32
      %dma_start3A_739 = tpu.memref_slice %arg4[%add3A_388, %dma_start3A_738, %multiple_of3A] : memref<200x64x16384xf32, #tpu.memory_space<hbm>> -> memref<1x32x512xf32, #tpu.memory_space<hbm>>
      %dma_start3A_740 = tpu.memref_squeeze %dma_start3A_739 : memref<1x32x512xf32, #tpu.memory_space<hbm>> -> memref<32x512xf32, #tpu.memory_space<hbm>>
      tpu.enqueue_dma source(%arg9 : memref<32x512xf32, #tpu.memory_space<vmem>>) target(%dma_start3A_740 : memref<32x512xf32, #tpu.memory_space<hbm>>) target_semaphore(%arg11 : memref<!tpu.dma_semaphore, #tpu.memory_space<semaphore_mem>>)
    }
    %scan3A_11 = arith.constant 100 : i32
    %dma_wait3A = arith.constant 0 : i32
    %dma_wait3A_12 = arith.constant 0 : i32
    %dma_wait3A_13 = tpu.memref_slice %arg4[%dma_wait3A, %dma_wait3A_12, %multiple_of3A] : memref<200x64x16384xf32, #tpu.memory_space<hbm>> -> memref<1x32x512xf32, #tpu.memory_space<hbm>>
    %dma_wait3A_14 = tpu.memref_squeeze %dma_wait3A_13 : memref<1x32x512xf32, #tpu.memory_space<hbm>> -> memref<32x512xf32, #tpu.memory_space<hbm>>
    %dma_wait3A_15 = arith.constant 0 : i32
    %dma_wait3A_16 = tpu.memref_slice %arg4[%dma_wait3A, %dma_wait3A_15, %multiple_of3A] : memref<200x64x16384xf32, #tpu.memory_space<hbm>> -> memref<1x32x512xf32, #tpu.memory_space<hbm>>
    %dma_wait3A_17 = tpu.memref_squeeze %dma_wait3A_16 : memref<1x32x512xf32, #tpu.memory_space<hbm>> -> memref<32x512xf32, #tpu.memory_space<hbm>>
    tpu.wait_dma2 semaphore(%arg10 : memref<!tpu.dma_semaphore, #tpu.memory_space<semaphore_mem>>) src(%arg8 : memref<32x512xf32, #tpu.memory_space<vmem>>) dst(%dma_wait3A_17 : memref<32x512xf32, #tpu.memory_space<hbm>>)
    %dma_wait3A_18 = arith.constant 0 : i32
    %dma_wait3A_19 = arith.constant 32 : i32
    %dma_wait3A_20 = tpu.memref_slice %arg4[%dma_wait3A_18, %dma_wait3A_19, %multiple_of3A] : memref<200x64x16384xf32, #tpu.memory_space<hbm>> -> memref<1x32x512xf32, #tpu.memory_space<hbm>>
    %dma_wait3A_21 = tpu.memref_squeeze %dma_wait3A_20 : memref<1x32x512xf32, #tpu.memory_space<hbm>> -> memref<32x512xf32, #tpu.memory_space<hbm>>
    %dma_wait3A_22 = arith.constant 32 : i32
    %dma_wait3A_23 = tpu.memref_slice %arg4[%dma_wait3A_18, %dma_wait3A_22, %multiple_of3A] : memref<200x64x16384xf32, #tpu.memory_space<hbm>> -> memref<1x32x512xf32, #tpu.memory_space<hbm>>
    %dma_wait3A_24 = tpu.memref_squeeze %dma_wait3A_23 : memref<1x32x512xf32, #tpu.memory_space<hbm>> -> memref<32x512xf32, #tpu.memory_space<hbm>>
    tpu.wait_dma2 semaphore(%arg11 : memref<!tpu.dma_semaphore, #tpu.memory_space<semaphore_mem>>) src(%arg9 : memref<32x512xf32, #tpu.memory_space<vmem>>) dst(%dma_wait3A_24 : memref<32x512xf32, #tpu.memory_space<hbm>>)
    return
  }
}

</mosaic_0001>

<sc_bundles>
// kernel: kernel.3.cloned.1.call-start
scs
__scs_entry_jumppad:
0x0: {  	(pc) =	sbr.rel $0x88, $3  }
0x1: {  	(tag) =	ssettag $0x0;
	lr =	simm.s32 $0x1  }
0x2: {  	[smem:$0x3F9F] =	sst lr;
	_ =	strace $0xD0000000  }
0x3: {  	_ = 	snop  }
0x4: {  	_ = 	snop  }
0x5: {  	_ = 	snop  }
0x6: {  	_ = 	snop  }
0x7: {  	_ = 	snop  }
__scs_overlays_trampoline_lowered:
0x8: {  	[smem:$0x3FAE] =	sst s0  }
0x9: {  	[smem:$0x3FAF] =	sst s1  }
0xa: {  	[smem:$0x3FB0] =	sst s2  }
0xb: {  	[smem:$0x3FB1] =	sst s3  }
0xc: {  	[smem:$0x3FB2] =	sst s4  }
0xd: {  	[smem:$0x3FB3] =	sst s5  }
0xe: {  	[smem:$0x3FB4] =	sst s6  }
0xf: {  	[smem:$0x3FB5] =	sst s7  }
0x10: {  	[smem:$0x3FB6] =	sst s8  }
0x11: {  	[smem:$0x3FB7] =	sst s9;
	s0 =	simm.s32 @!p0 $0x0  }
0x12: {  	s1 =	sld [smem:$0x3F9D];
	s0 =	simm.s32 @p0 $0x1  }
0x13: {  	[smem:$0x3FB8] =	sst s0;
	s0 =	simm.s32 @!p1 $0x0  }
0x14: {  	s2 =	sld [smem:$0x3F9C];
	s0 =	simm.s32 @p1 $0x1  }
0x15: {  	[smem:$0x3FB9] =	sst s0;
	s0 =	simm.s32 @!p2 $0x0  }
0x16: {  	s3 =	sld [smem:$0x3FDB];
	s0 =	simm.s32 @p2 $0x1  }
0x17: {  	s4 =	simm.s32 $0x1BF5;
	[smem:$0x3FBB] =	sst s0  }
0x18: {  	s0 =	sld [smem:$0x3F9E];
	_ =	swait.ge [sflag:s4], $0x0  }
0x19: {  	s7 =	sld [smem:$0x3F9F]  }
0x1a: {  	s8 =	sadd.s32 $0xFFFFE003, lr  }
0x1b: {  	s9 =	sadd.s32 $0xFFFFFEF7, lr;
	s5 =	simm.s32 $0xFFFFFFFF;
	p2 =	slt.u32 s8, $0xFFFFF086  }
0x1c: {  	p1 =	slt.u32 s9, $0xF7A;
	s5 =	simm.s32 @!p2 $0x0  }
0x1d: {  	s5 =	simm.s32 @p1 $0x1;
	p0 =	seq.s32 s7, s2  }
0x1e: {  	s7 =	smul.u32 @!p0 $0xF7A, s2;
	p2 =	seq.s32 @!p0 s5, $0x0  }
0x1f: {  	s9 =	smul.u32 $0xF7A, s1;
	s8 =	simm.s32 @!p0 $0x1BF5;
	p2 =	por !p2, p0  }
0x20: {  	[sflag:s8] =	ssyncset.s32 @!p0 $0xFFFFF086;
	s6 =	sadd.s32 @!p0 s3, s7;
	s7 =	simm.s32 @!p0 $0x108  }
0x21: {  	s3 =	sadd.s32 s3, s9;
	s6 =	sadd.s32 @!p0 $0x88, s6;
	s7 =	simm.s32 @p2 $0x1082  }
0x22: {  	[simem:s7], [sflag:s8] =	dma.local @!p0 [hbm:s6], $0xF7A  }
0x23: {  	s9 =	sor.u32 $0xD0000000, s2;
	s6 =	simm.s32 $0x108;
	_ =	swait.ge @!p0 [sflag:s8], $0x0  }
0x24: {  	s3 =	sadd.s32 $0x88, s3;
	s6 =	simm.s32 @!p1 $0x1082;
	[sflag:s4] =	ssyncset.s32 $0xFFFFF086  }
0x25: {  	[simem:s6], [sflag:s4] =	dma.local [hbm:s3], $0xF7A  }
0x26: {  	[smem:$0x3F9F] =	sst s1;
	(tag) =	ssettag s2;
	_ =	strace s9  }
0x27: {  	s1 =	sld [smem:$0x3FAF]  }
0x28: {  	s2 =	sld [smem:$0x3FB0]  }
0x29: {  	s4 =	sld [smem:$0x3FB2]  }
0x2a: {  	p0 =	seq.s32 s5, $0x0;
	s5 =	sld [smem:$0x3FB3]  }
0x2b: {  	s6 =	sld [smem:$0x3FB4]  }
0x2c: {  	s7 =	sld [smem:$0x3FB5]  }
0x2d: {  	s3 =	simm.s32 $0x108;
	s8 =	sld [smem:$0x3FB6]  }
0x2e: {  	s3 =	simm.s32 @!p0 $0x1082;
	s9 =	sld [smem:$0x3FB7]  }
0x2f: {  	lr =	sadd.s32 s0, s3;
	s0 =	sld [smem:$0x3FAE]  }
0x30: {  	s3 =	sld [smem:$0x3FB1]  }
0x31: {  	[smem:$0x3FBA] =	sst s10  }
0x32: {  	s10 =	sld [smem:$0x3FB8];
	_ =	sdelay $0x3  }
0x33: {  	p0 =	seq.s32 s10, $0x1;
	s10 =	sld [smem:$0x3FBA];
	_ =	sdelay $0x3  }
0x34: {  	[smem:$0x3FBA] =	sst s10  }
0x35: {  	s10 =	sld [smem:$0x3FB9];
	_ =	sdelay $0x3  }
0x36: {  	p1 =	seq.s32 s10, $0x1;
	s10 =	sld [smem:$0x3FBA];
	_ =	sdelay $0x3  }
0x37: {  	[smem:$0x3FBA] =	sst s10  }
0x38: {  	s10 =	sld [smem:$0x3FBB]  }
0x39: {  	_ = 	snop;
	(pc) =	sbr.ind lr, $3  }
0x3a: {  	_ = 	snop  }
0x3b: {  	_ = 	snop  }
0x3c: {  	p2 =	seq.s32 s10, $0x1;
	s10 =	sld [smem:$0x3FBA]  }
0x3d: {  	_ =	shalt  }
0x3e: {  	_ =	shalt  }
0x3f: {  	_ =	shalt  }
0x40: {  	_ =	shalt  }
0x41: {  	_ =	shalt  }
0x42: {  	_ =	shalt  }
0x43: {  	_ =	shalt  }
0x44: {  	_ =	shalt  }
0x45: {  	_ =	shalt  }
0x46: {  	_ =	shalt  }
0x47: {  	_ =	shalt  }
0x48: {  	_ =	shalt  }
0x49: {  	_ =	shalt  }
0x4a: {  	_ =	shalt  }
0x4b: {  	_ =	shalt  }
0x4c: {  	_ =	shalt  }
0x4d: {  	_ =	shalt  }
0x4e: {  	_ =	shalt  }
0x4f: {  	_ =	shalt  }
0x50: {  	_ =	shalt  }
0x51: {  	_ =	shalt  }
0x52: {  	_ =	shalt  }
0x53: {  	_ =	shalt  }
0x54: {  	_ =	shalt  }
0x55: {  	_ =	shalt  }
0x56: {  	_ =	shalt  }
0x57: {  	_ =	shalt  }
0x58: {  	_ =	shalt  }
0x59: {  	_ =	shalt  }
0x5a: {  	_ =	shalt  }
0x5b: {  	_ =	shalt  }
0x5c: {  	_ =	shalt  }
0x5d: {  	_ =	shalt  }
0x5e: {  	_ =	shalt  }
0x5f: {  	_ =	shalt  }
0x60: {  	_ =	shalt  }
0x61: {  	_ =	shalt  }
0x62: {  	_ =	shalt  }
0x63: {  	_ =	shalt  }
0x64: {  	_ =	shalt  }
0x65: {  	_ =	shalt  }
0x66: {  	_ =	shalt  }
0x67: {  	_ =	shalt  }
0x68: {  	_ =	shalt  }
0x69: {  	_ =	shalt  }
0x6a: {  	_ =	shalt  }
0x6b: {  	_ =	shalt  }
0x6c: {  	_ =	shalt  }
0x6d: {  	_ =	shalt  }
0x6e: {  	_ =	shalt  }
0x6f: {  	_ =	shalt  }
0x70: {  	_ =	shalt  }
0x71: {  	_ =	shalt  }
0x72: {  	_ =	shalt  }
0x73: {  	_ =	shalt  }
0x74: {  	_ =	shalt  }
0x75: {  	_ =	shalt  }
0x76: {  	_ =	shalt  }
0x77: {  	_ =	shalt  }
0x78: {  	_ =	shalt  }
0x79: {  	_ =	shalt  }
0x7a: {  	_ =	shalt  }
0x7b: {  	_ =	shalt  }
0x7c: {  	_ =	shalt  }
0x7d: {  	_ =	shalt  }
0x7e: {  	_ =	shalt  }
0x7f: {  	_ =	shalt  }
0x80: {  	_ =	shalt  }
0x81: {  	_ =	shalt  }
0x82: {  	_ =	shalt  }
0x83: {  	_ =	shalt  }
0x84: {  	_ =	shalt  }
0x85: {  	_ =	shalt  }
0x86: {  	_ =	shalt  }
0x87: {  	_ =	shalt  }
.Lfunc_end0:
.L_simem_size_0:
called_computation_lowered:
.L_overlay_start_0:
0x88: {  	s2 =	sld [smem:$0x3FD9]  }
0x89: {  	s3 =	sld [smem:$0x3FFE];
	_ =	sdelay $0x1  }
0x8a: {  	s1 =	srdreg.scid  }
0x8b: {  	s0 =	sand.u32 $0x1, s1  }
0x8c: {  	s17 =	sshll.u32 s0, $0xA;
	s2 =	sadd.s32 s3, s2  }
0x8d: {  	s2 =	sadd.s32 s2, s17  }
0x8e: {  	[smem:$0x3FC6] =	sst s2  }
0x8f: {  	_ = 	snop  }
0x90: {  	s2 =	sld [smem:$0x3FC9]  }
0x91: {  	s18 =	sld [smem:$0x3FD0];
	(tm) =	ssettm $0x1  }
0x92: {  	s4 =	sld [smem:$0x3FFB];
	_ =	sdelay $0x3  }
0x93: {  	_ =	strace s4  }
0x94: {  	s4 =	sld [smem:$0x3FFC];
	_ =	sdelay $0x3  }
0x95: {  	_ =	strace s4  }
0x96: {  	s4 =	sld [smem:$0x3FFD];
	_ =	sdelay $0x3  }
0x97: {  	_ =	strace s4  }
0x98: {  	_ =	strace $0x8FFFFFFF  }
0x99: {  	s19 =	sld [smem:$0x3FDB];
	_ =	sdelay $0x1  }
0x9a: {  	s5 =	simm.s32 $_scs_section_size  }
0x9b: {  	s6 =	simm.s32 $_size__tile_overlayer_lowered;
	s7 =	simm.s32 $_tile_overlayer_lowered  }
0x9c: {  	s22 =	simm.s32 $0x1BFF;
	s21 =	sshll.u32 s7, $0x1;
	s4 =	sadd.s32 s5, s19  }
0x9d: {  	s8 =	simm.s32 $0x0;
	s20 =	sshll.u32 s6, $0x1;
	s6 =	sadd.s32 s21, s4  }
0x9e: {  	[timem:s8], [sflag:s22] =	dma.local [hbm:s6], s20  }
0x9f: {  	_ =	swait.ge [sflag:s22], s20  }
0xa0: {  	s5 =	ssub.s32 $0x0, s20;
	[sflag:s22] =	ssyncset.done $0x0  }
0xa1: {  	[sflag:s22] =	ssyncadd.s32 s5;
	_ =	sdelay $0x1  }
0xa2: {  	s23 =	simm.s32 $0x1B8B  }
0xa3: {  	_ =	swait.ge [sflag:s23], $0x1  }
0xa4: {  	[sflag:s23] =	ssyncset.done $0x0  }
0xa5: {  	s25 =	simm.s32 $0x1B8E;
	s24 =	sld [smem:$0x3FFE];
	[sflag:s23] =	ssyncadd.s32 $0xFFFFFFFF  }
0xa6: {  	s26 =	simm.s32 $execute0_lowered;
	[smem:$0x3FD2] =	sst s25  }
0xa7: {  	s6 =	sshll.u32 s26, $0x1;
	_ =	strace $0x80000046;
	[dreg:$0x1] =	wrdreg $0xFFFFFFFF  }
0xa8: {  	s28 =	simm.s32 $_size_execute0_lowered;
	s4 =	sadd.s32 s4, s6;
	[dreg:$0x0] =	wrdreg $0x0  }
0xa9: {  	s6 =	sshll.u32 s28, $0x1;
	[dreg:$0x2] =	wrdreg s4  }
0xaa: {  	[dreg:$0x3] =	wrdreg s6  }
0xab: {  	[dreg:$0x4] =	wrdreg $0xC0  }
0xac: {  	_ =	task [dreg:s8], $0x5FFFF  }
0xad: {  	[dreg:$0x1] =	wrdreg $0xFFFFFFFF  }
0xae: {  	[dreg:$0x0] =	wrdreg $0x60  }
0xaf: {  	[dreg:$0x2] =	wrdreg s24  }
0xb0: {  	[dreg:$0x3] =	wrdreg s2  }
0xb1: {  	[dreg:$0x4] =	wrdreg s18  }
0xb2: {  	[dreg:$0x5] =	wrdreg $0x9  }
0xb3: {  	_ =	task.clear_ibuf [dreg:s8], $0x6FFFF;
	_ =	strace $0x90000046  }
0xb4: {  	s29 =	simm.s32 $0x9;
	_ =	strace $0x80000048  }
0xb5: {  	_ =	swait.ge [sflag:s29], $0x1  }
0xb6: {  	[sflag:s29] =	ssyncadd.s32 $0xFFFFFFFF  }
0xb7: {  	_ =	strace $0x90000048  }
0xb8: {  	_ =	sfence  }
0xb9: {  	s30 =	sld [smem:$0x0];
	_ =	sdelay $0x2  }
0xba: {  	s31 =	sshll.u32 s1, $0xD;
	s1 =	sshrl.u32 s1, $0x2  }
0xbb: {  	s3 =	sand.u32 $0x4000, s31;
	s1 =	sadd.s32 s1, s30  }
0xbc: {  	s0 =	sor.u32 s3, s0;
	s1 =	sshll.u32 s1, $0x11  }
0xbd: {  	s0 =	sor.u32 s1, s0  }
0xbe: {  	s0 =	sadd.s32 $0x8F2B, s0  }
0xbf: {  	[sflag:s0] =	ssyncadd.remote.s32 $0x1  }
0xc0: {  	_ =	sfence.sel $0xFFFF  }
0xc1: {  	[dreg:$0x0] =	wrdreg $0xFFFFFFFF;
	(pc) =	sbr.abs _section_cstart, $3  }
0xc2: {  	[dreg:$0x1] =	wrdreg $0xFFFFFFFF  }
0xc3: {  	_ =	task.clear_ibuf [dreg:s8], $0x2FFFF;
	_ =	strace $0x9FFFFFFF  }
0xc4: {  	(tm) =	ssettm $0x7FFFFFFF  }
0xc5: {  	_ =	shalt  }
tec
execute0_lowered:
.L_overlay_start_1:
0x0: {  	(tag) =	ssettag $0x1  }
0x1: {  	s3 =	rddreg [dreg:$0x1]  }
0x2: {  	s4 =	rddreg [dreg:$0x2]  }
0x3: {  	s0 =	srdreg.scid;
	s1 =	stileid.u32  }
0x4: {  	s5 =	simm.s32 $0x0;
	s0 =	sand.u32 $0x1, s0;
	s1 =	sshll.u32 s1, $0xD  }
0x5: {  	[smem:$0x7FF] =	sst s5;
	s31 =	sadd.s32 $0x10000, s4;
	s2 =	sshll.u32 s0, $0xC  }
0x6: {  	s0 =	ssub.s32 $0x2, s0;
	_ =	strace $0x80000047;
	s2 =	sor.u32 s2, s1  }
0x7: {  	s29 =	sshrl.u32 s0, $0x1;
	[smem:$0x7FA] =	sst s2;
	s2 =	sshrl.u32 s2, $0x3  }
0x8: {  	[smem:$0x7FC] =	sst s31;
	s0 =	ssub.s32 s0, s29;
	s30 =	sadd.s32 s3, s2  }
0x9: {  	s0 =	smax.u32 s0, $0x1;
	[smem:$0x7FB] =	sst s30  }
0xa: {  	s2 =	simm.s32 $0x0;
	[smem:$0x7FD] =	sst s0  }
.LBB2_1:
0xb: {  	[smem:$0x7F9] =	sst s2  }
0xc: {  	s0 =	rddreg [dreg:$0x0];
	s1 =	simm.s32 $0x0;
	s28 =	simm.s32 $0x5  }
0xd: {  	[tilespmem:s1], [sflag:$0x5] =	stream.linear.gather [hbm4b:s0+s1], $0x2000, $0x38;
	[tilespmem:$0xA400] =	vst v63  }
0xe: {  	_ =	swait.ge [sflag:s28], $0x2000  }
0xf: {  	s29 =	sld [smem:$0x7FB]  }
0x10: {  	s30 =	simm.s32 $0x80;
	s31 =	simm.s32 $0x400;
	[sflag:s28] =	ssyncset.done $0x0  }
0x11: {  	s3 =	simm.s32 $0x2000;
	s0 =	simm.s32 $0x0;
	[sflag:s28] =	ssyncadd.s32 $0xFFFFE000  }
0x12: {  	[tilespmem:s3], [sflag:$0x3] =	stream.strided.gather [hbm4b:s29+s30], $0x200, s31, s30, $0x38;
	[tilespmem:$0xA400] =	vst v63  }
.LBB2_2:
0x13: {  	s1 =	sshllo.u32 s0, $0x1;
	s4 =	smov.u32 s0;
	[smem:$0x7F7] =	sst s0  }
0x14: {  	s8 =	sld [smem:$0x7FA];
	s6 =	sshll.u32 s1, $0x7;
	s7 =	sshll.u32 s4, $0xF  }
0x15: {  	[smem:$0x7F6] =	sst s1;
	s0 =	sand.u32 $0x380, s6;
	s1 =	sand.u32 $0x3E0000, s7  }
0x16: {  	s0 =	sor.u32 s0, s1  }
0x17: {  	s9 =	rddreg [dreg:$0x1];
	s0 =	sor.u32 s8, s0  }
0x18: {  	s10 =	simm.s32 $0x80;
	s2 =	simm.s32 $0x400;
	s0 =	sshrl.u32 s0, $0x3  }
0x19: {  	s3 =	simm.s32 $0x2200;
	s11 =	simm.s32 $0x3;
	s0 =	sadd.s32 s9, s0  }
0x1a: {  	[tilespmem:s3], [sflag:$0x4] =	stream.strided.gather [hbm4b:s0+s10], $0x200, s2, s10, $0x38;
	[tilespmem:$0xA400] =	vst v63  }
0x1b: {  	_ =	swait.ge [sflag:s11], $0x200  }
0x1c: {  	p0 =	seq.s32 s4, $0x0;
	[sflag:s11] =	ssyncset.done $0x0  }
0x1d: {  	s0 =	simm.s32 @!p0 $0x1;
	[sflag:s11] =	ssyncadd.s32 $0xFFFFFE00  }
0x1e: {  	_ =	swait.ge @!p0 [sflag:s0], $0x4000  }
0x1f: {  	[sflag:s0] =	ssyncset.done @!p0 $0x0  }
0x20: {  	[sflag:s0] =	ssyncadd.s32 @!p0 $0xFFFFC000  }
0x21: {  	v4 =	vld [tilespmem:$0x0]  }
0x22: {  	v5 =	vld [tilespmem:$0x80]  }
0x23: {  	v6 =	vld [tilespmem:$0x100]  }
0x24: {  	v7 =	vld [tilespmem:$0x180]  }
0x25: {  	v8 =	vld [tilespmem:$0x200]  }
0x26: {  	v9 =	vld [tilespmem:$0x280]  }
0x27: {  	v10 =	vld [tilespmem:$0x300]  }
0x28: {  	v11 =	vld [tilespmem:$0x380]  }
0x29: {  	v12 =	vld [tilespmem:$0x400]  }
0x2a: {  	v13 =	vld [tilespmem:$0x480]  }
0x2b: {  	v14 =	vld [tilespmem:$0x500]  }
0x2c: {  	v15 =	vld [tilespmem:$0x580]  }
0x2d: {  	v16 =	vld [tilespmem:$0x600]  }
0x2e: {  	v17 =	vld [tilespmem:$0x680]  }
0x2f: {  	v18 =	vld [tilespmem:$0x700]  }
0x30: {  	v19 =	vld [tilespmem:$0x780]  }
0x31: {  	v20 =	vld [tilespmem:$0x800]  }
0x32: {  	v21 =	vld [tilespmem:$0x880]  }
0x33: {  	v22 =	vld [tilespmem:$0x900]  }
0x34: {  	v23 =	vld [tilespmem:$0x980]  }
0x35: {  	s12 =	simm.s32 $0x0;
	v24 =	vld [tilespmem:$0xA00]  }
0x36: {  	s1 =	sand.u32 $0x180, s12;
	s0 =	sand.u32 $0x40, s12;
	v25 =	vld [tilespmem:$0xA80]  }
0x37: {  	s22 =	sor.u32 $0x2000, s1;
	v29 =	vld [tilespmem:$0xB00];
	s4 =	sor.u32 $0x30, s0  }
0x38: {  	v30 =	vld [tilespmem:$0xB80];
	s1 =	sor.u32 s4, s22  }
0x39: {  	v0 =	vld [tilespmem:s1+$0x0]  }
0x3a: {  	v32 =	vld [tilespmem:$0xC00]  }
0x3b: {  	v35 =	vld [tilespmem:$0xC80]  }
0x3c: {  	v33 =	vld [tilespmem:$0xD00]  }
0x3d: {  	s13 =	simm.s32 $0x0;
	v31 =	vld [tilespmem:$0xD80]  }
0x3e: {  	s29 =	sand.u32 $0xC00, s13;
	v27 =	vld [tilespmem:$0xE00];
	v0 =	vand.u32 $0xF, v0  }
0x3f: {  	p1 =	por $0x0, $0x0;
	s2 =	sadd.s32 $0x2400, s29;
	v26 =	vld [tilespmem:$0xE80];
	s1 =	simm.s32 $0x1;
	v1 =	vperm.xlane v4, v0  }
0x40: {  	v28 =	vld [tilespmem:$0xF00];
	s14 =	sor.u32 s4, s2;
	s1 =	simm.s32 @!p1 $0x0;
	v2 =	vperm.xlane v5, v0  }
0x41: {  	v34 =	vld [tilespmem:$0xF80];
	s1 =	sshll.u32 s1, $0x6;
	[tilespmem:s14+$0x0] =	vst v1;
	v1 =	vperm.xlane v6, v0  }
0x42: {  	s1 =	sadd.s32 $0x0, s1;
	[tilespmem:s14+$0x80] =	vst v2;
	v2 =	vperm.xlane v7, v0  }
0x43: {  	s5 =	sadd.s32 $0x30, s1;
	[tilespmem:s14+$0x100] =	vst v1;
	v1 =	vperm.xlane v8, v0  }
0x44: {  	s15 =	sor.u32 $0x200, s5;
	[tilespmem:s14+$0x180] =	vst v2;
	v2 =	vperm.xlane v9, v0  }
0x45: {  	s16 =	sor.u32 $0x280, s5;
	[tilespmem:s15+$0x2400] =	vst v1;
	v1 =	vperm.xlane v10, v0  }
0x46: {  	s6 =	sor.u32 $0x300, s5;
	[tilespmem:s16+$0x2400] =	vst v2;
	v2 =	vperm.xlane v11, v0  }
0x47: {  	s3 =	sadd.s32 $0x3400, s29;
	s17 =	sor.u32 $0x380, s5;
	[tilespmem:s6+$0x2400] =	vst v1;
	v1 =	vperm.xlane v12, v0  }
0x48: {  	s18 =	sor.u32 s4, s3;
	s5 =	sadd.s32 $0x3480, s29;
	[tilespmem:s17+$0x2400] =	vst v2;
	v2 =	vperm.xlane v13, v0  }
0x49: {  	s7 =	sadd.s32 $0x3500, s29;
	s8 =	sor.u32 s4, s5;
	[tilespmem:s18+$0x0] =	vst v1;
	v1 =	vperm.xlane v14, v0  }
0x4a: {  	s19 =	sor.u32 s4, s7;
	s6 =	sadd.s32 $0x3580, s29;
	[tilespmem:s8+$0x0] =	vst v2;
	v2 =	vperm.xlane v15, v0  }
0x4b: {  	s10 =	sadd.s32 $0x3600, s29;
	s9 =	sor.u32 s4, s6;
	[tilespmem:s19+$0x0] =	vst v1;
	v1 =	vperm.xlane v16, v0  }
0x4c: {  	s11 =	sor.u32 s4, s10;
	s8 =	sadd.s32 $0x3680, s29;
	[tilespmem:s9+$0x0] =	vst v2;
	v2 =	vperm.xlane v17, v0  }
0x4d: {  	s20 =	sor.u32 s4, s8;
	s9 =	sadd.s32 $0x3700, s29;
	[tilespmem:s11+$0x0] =	vst v1;
	v1 =	vperm.xlane v18, v0  }
0x4e: {  	s12 =	sadd.s32 $0x3780, s29;
	s13 =	sor.u32 s4, s9;
	[tilespmem:s20+$0x0] =	vst v2;
	v2 =	vperm.xlane v19, v0  }
0x4f: {  	s14 =	sor.u32 s4, s12;
	s11 =	sadd.s32 $0x4400, s29;
	[tilespmem:s13+$0x0] =	vst v1;
	v1 =	vperm.xlane v20, v0  }
0x50: {  	s15 =	sor.u32 s4, s11;
	s13 =	sadd.s32 $0x4480, s29;
	[tilespmem:s14+$0x0] =	vst v2;
	v2 =	vperm.xlane v21, v0  }
0x51: {  	s14 =	sadd.s32 $0x4500, s29;
	s21 =	sor.u32 s4, s13;
	[tilespmem:s15+$0x0] =	vst v1;
	v1 =	vperm.xlane v22, v0  }
0x52: {  	s20 =	sadd.s32 $0x4580, s29;
	s16 =	sor.u32 s4, s14;
	[tilespmem:s21+$0x0] =	vst v2;
	v2 =	vperm.xlane v23, v0  }
0x53: {  	s17 =	sor.u32 s4, s20;
	s15 =	sadd.s32 $0x4600, s29;
	[tilespmem:s16+$0x0] =	vst v1;
	v1 =	vperm.xlane v24, v0  }
0x54: {  	s18 =	sor.u32 s4, s15;
	s16 =	sadd.s32 $0x4680, s29;
	[tilespmem:s17+$0x0] =	vst v2;
	v2 =	vperm.xlane v25, v0  }
0x55: {  	s17 =	sadd.s32 $0x4700, s29;
	s19 =	sor.u32 s4, s16;
	[tilespmem:s18+$0x0] =	vst v1;
	v1 =	vperm.xlane v29, v0  }
0x56: {  	s18 =	sadd.s32 $0x4780, s29;
	s23 =	sor.u32 s4, s17;
	[tilespmem:s19+$0x0] =	vst v2;
	v2 =	vperm.xlane v30, v0  }
0x57: {  	s26 =	sor.u32 $0x10, s0;
	s24 =	sor.u32 s4, s18;
	[tilespmem:s23+$0x0] =	vst v1;
	s23 =	sadd.s32 $0x5400, s29;
	v1 =	vperm.xlane v32, v0  }
0x58: {  	s25 =	sor.u32 s26, s22;
	[tilespmem:s24+$0x0] =	vst v2;
	v2 =	vperm.xlane v35, v0;
	s24 =	sadd.s32 $0x5480, s29;
	s21 =	sor.u32 s4, s23  }
0x59: {  	v3 =	vld [tilespmem:s25+$0x0];
	s19 =	sadd.s32 $0x5500, s29;
	[tilespmem:s21+$0x0] =	vst v1;
	v1 =	vperm.xlane v33, v0;
	s28 =	sor.u32 s4, s24  }
0x5a: {  	s25 =	sor.u32 s4, s19;
	s21 =	sadd.s32 $0x5580, s29;
	[tilespmem:s28+$0x0] =	vst v2;
	v2 =	vperm.xlane v31, v0  }
0x5b: {  	s28 =	sor.u32 s4, s21;
	[tilespmem:s25+$0x0] =	vst v1;
	v1 =	vperm.xlane v27, v0;
	s25 =	sadd.s32 $0x5600, s29  }
0x5c: {  	[tilespmem:s28+$0x0] =	vst v2;
	v2 =	vperm.xlane v26, v0;
	s28 =	sadd.s32 $0x5680, s29;
	s30 =	sor.u32 s4, s25  }
0x5d: {  	[tilespmem:s30+$0x0] =	vst v1;
	v1 =	vperm.xlane v28, v0;
	s30 =	sadd.s32 $0x5700, s29;
	s31 =	sor.u32 s4, s28  }
0x5e: {  	v0 =	vperm.xlane v34, v0;
	[tilespmem:s31+$0x0] =	vst v2;
	v2 =	vand.u32 $0xF, v3;
	s31 =	sadd.s32 $0x5780, s29;
	s29 =	sor.u32 s4, s30  }
0x5f: {  	[tilespmem:s29+$0x0] =	vst v1;
	v1 =	vperm.xlane v4, v2;
	s4 =	sor.u32 s4, s31  }
0x60: {  	v3 =	vperm.xlane v6, v2;
	[tilespmem:s4+$0x0] =	vst v0;
	s4 =	sor.u32 s26, s2  }
0x61: {  	v0 =	vperm.xlane v5, v2;
	[tilespmem:s4+$0x0] =	vst v1  }
0x62: {  	v1 =	vperm.xlane v7, v2;
	[tilespmem:s4+$0x100] =	vst v3  }
0x63: {  	s29 =	sadd.s32 $0x10, s1;
	[tilespmem:s4+$0x80] =	vst v0;
	v0 =	vperm.xlane v8, v2  }
0x64: {  	[tilespmem:s4+$0x180] =	vst v1;
	v1 =	vperm.xlane v9, v2;
	s4 =	sor.u32 $0x200, s29  }
0x65: {  	[tilespmem:s4+$0x2400] =	vst v0;
	v0 =	vperm.xlane v10, v2;
	s4 =	sor.u32 $0x280, s29  }
0x66: {  	[tilespmem:s4+$0x2400] =	vst v1;
	v1 =	vperm.xlane v11, v2;
	s4 =	sor.u32 $0x300, s29  }
0x67: {  	s29 =	sor.u32 $0x380, s29;
	[tilespmem:s4+$0x2400] =	vst v0;
	v0 =	vperm.xlane v12, v2  }
0x68: {  	[tilespmem:s29+$0x2400] =	vst v1;
	v1 =	vperm.xlane v13, v2;
	s29 =	sor.u32 s26, s3  }
0x69: {  	[tilespmem:s29+$0x0] =	vst v0;
	v0 =	vperm.xlane v14, v2;
	s29 =	sor.u32 s26, s5  }
0x6a: {  	[tilespmem:s29+$0x0] =	vst v1;
	v1 =	vperm.xlane v15, v2;
	s29 =	sor.u32 s26, s7  }
0x6b: {  	[tilespmem:s29+$0x0] =	vst v0;
	v0 =	vperm.xlane v16, v2;
	s29 =	sor.u32 s26, s6  }
0x6c: {  	[tilespmem:s29+$0x0] =	vst v1;
	v1 =	vperm.xlane v17, v2;
	s29 =	sor.u32 s26, s10  }
0x6d: {  	[tilespmem:s29+$0x0] =	vst v0;
	v0 =	vperm.xlane v18, v2;
	s29 =	sor.u32 s26, s8  }
0x6e: {  	[tilespmem:s29+$0x0] =	vst v1;
	v1 =	vperm.xlane v19, v2;
	s29 =	sor.u32 s26, s9  }
0x6f: {  	[tilespmem:s29+$0x0] =	vst v0;
	v0 =	vperm.xlane v20, v2;
	s29 =	sor.u32 s26, s12  }
0x70: {  	[tilespmem:s29+$0x0] =	vst v1;
	v1 =	vperm.xlane v21, v2;
	s29 =	sor.u32 s26, s11  }
0x71: {  	[tilespmem:s29+$0x0] =	vst v0;
	v0 =	vperm.xlane v22, v2;
	s29 =	sor.u32 s26, s13  }
0x72: {  	[tilespmem:s29+$0x0] =	vst v1;
	v1 =	vperm.xlane v23, v2;
	s29 =	sor.u32 s26, s14  }
0x73: {  	[tilespmem:s29+$0x0] =	vst v0;
	v0 =	vperm.xlane v24, v2;
	s29 =	sor.u32 s26, s20  }
0x74: {  	[tilespmem:s29+$0x0] =	vst v1;
	v1 =	vperm.xlane v25, v2;
	s29 =	sor.u32 s26, s15  }
0x75: {  	[tilespmem:s29+$0x0] =	vst v0;
	v0 =	vperm.xlane v29, v2;
	s29 =	sor.u32 s26, s16  }
0x76: {  	[tilespmem:s29+$0x0] =	vst v1;
	v1 =	vperm.xlane v30, v2;
	s29 =	sor.u32 s26, s17  }
0x77: {  	s4 =	sor.u32 $0x20, s0;
	[tilespmem:s29+$0x0] =	vst v0;
	v0 =	vperm.xlane v32, v2;
	s29 =	sor.u32 s26, s18  }
0x78: {  	s22 =	sor.u32 s4, s22;
	[tilespmem:s29+$0x0] =	vst v1;
	v1 =	vperm.xlane v35, v2;
	s29 =	sor.u32 s26, s23  }
0x79: {  	v3 =	vld [tilespmem:s22+$0x0];
	[tilespmem:s29+$0x0] =	vst v0;
	v0 =	vperm.xlane v33, v2;
	s29 =	sor.u32 s26, s24  }
0x7a: {  	[tilespmem:s29+$0x0] =	vst v1;
	v1 =	vperm.xlane v31, v2;
	s29 =	sor.u32 s26, s19  }
0x7b: {  	[tilespmem:s29+$0x0] =	vst v0;
	v0 =	vperm.xlane v27, v2;
	s29 =	sor.u32 s26, s21  }
0x7c: {  	[tilespmem:s29+$0x0] =	vst v1;
	v1 =	vperm.xlane v26, v2;
	s29 =	sor.u32 s26, s25  }
0x7d: {  	[tilespmem:s29+$0x0] =	vst v0;
	v0 =	vperm.xlane v28, v2;
	s29 =	sor.u32 s26, s28  }
0x7e: {  	v2 =	vperm.xlane v34, v2;
	[tilespmem:s29+$0x0] =	vst v1;
	v1 =	vand.u32 $0xF, v3;
	s29 =	sor.u32 s26, s30  }
0x7f: {  	s26 =	sor.u32 s26, s31;
	[tilespmem:s29+$0x0] =	vst v0;
	v0 =	vperm.xlane v4, v1  }
0x80: {  	s29 =	sor.u32 s4, s2;
	v3 =	vperm.xlane v6, v1;
	[tilespmem:s26+$0x0] =	vst v2  }
0x81: {  	v2 =	vperm.xlane v5, v1;
	[tilespmem:s29+$0x0] =	vst v0  }
0x82: {  	v0 =	vperm.xlane v7, v1;
	[tilespmem:s29+$0x100] =	vst v3  }
0x83: {  	s26 =	sadd.s32 $0x20, s1;
	[tilespmem:s29+$0x80] =	vst v2;
	v2 =	vperm.xlane v8, v1  }
0x84: {  	[tilespmem:s29+$0x180] =	vst v0;
	v0 =	vperm.xlane v9, v1;
	s29 =	sor.u32 $0x200, s26  }
0x85: {  	[tilespmem:s29+$0x2400] =	vst v2;
	v2 =	vperm.xlane v10, v1;
	s29 =	sor.u32 $0x280, s26  }
0x86: {  	[tilespmem:s29+$0x2400] =	vst v0;
	v0 =	vperm.xlane v11, v1;
	s29 =	sor.u32 $0x300, s26  }
0x87: {  	s26 =	sor.u32 $0x380, s26;
	[tilespmem:s29+$0x2400] =	vst v2;
	v2 =	vperm.xlane v12, v1  }
0x88: {  	s29 =	sor.u32 s4, s3;
	[tilespmem:s26+$0x2400] =	vst v0;
	v0 =	vperm.xlane v13, v1  }
0x89: {  	s26 =	sor.u32 s4, s5;
	[tilespmem:s29+$0x0] =	vst v2;
	v2 =	vperm.xlane v14, v1  }
0x8a: {  	s29 =	sor.u32 s4, s7;
	[tilespmem:s26+$0x0] =	vst v0;
	v0 =	vperm.xlane v15, v1  }
0x8b: {  	s26 =	sor.u32 s4, s6;
	[tilespmem:s29+$0x0] =	vst v2;
	v2 =	vperm.xlane v16, v1  }
0x8c: {  	s29 =	sor.u32 s4, s10;
	[tilespmem:s26+$0x0] =	vst v0;
	v0 =	vperm.xlane v17, v1  }
0x8d: {  	s26 =	sor.u32 s4, s8;
	[tilespmem:s29+$0x0] =	vst v2;
	v2 =	vperm.xlane v18, v1  }
0x8e: {  	s29 =	sor.u32 s4, s9;
	[tilespmem:s26+$0x0] =	vst v0;
	v0 =	vperm.xlane v19, v1  }
0x8f: {  	s26 =	sor.u32 s4, s12;
	[tilespmem:s29+$0x0] =	vst v2;
	v2 =	vperm.xlane v20, v1  }
0x90: {  	s29 =	sor.u32 s4, s11;
	[tilespmem:s26+$0x0] =	vst v0;
	v0 =	vperm.xlane v21, v1  }
0x91: {  	s26 =	sor.u32 s4, s13;
	[tilespmem:s29+$0x0] =	vst v2;
	v2 =	vperm.xlane v22, v1  }
0x92: {  	s29 =	sor.u32 s4, s14;
	[tilespmem:s26+$0x0] =	vst v0;
	v0 =	vperm.xlane v23, v1  }
0x93: {  	s26 =	sor.u32 s4, s20;
	[tilespmem:s29+$0x0] =	vst v2;
	v2 =	vperm.xlane v24, v1  }
0x94: {  	s29 =	sor.u32 s4, s15;
	[tilespmem:s26+$0x0] =	vst v0;
	v0 =	vperm.xlane v25, v1  }
0x95: {  	s26 =	sor.u32 s4, s16;
	[tilespmem:s29+$0x0] =	vst v2  }
0x96: {  	v2 =	vperm.xlane v29, v1;
	[tilespmem:s26+$0x0] =	vst v0  }
0x97: {  	s29 =	sor.u32 s4, s17;
	[tilespmem:$0x1FE00] =	vst v30  }
0x98: {  	v0 =	vperm.xlane v30, v1;
	[tilespmem:s29+$0x0] =	vst v2  }
0x99: {  	s26 =	sor.u32 s4, s18;
	[tilespmem:$0x1FE10] =	vst v32  }
0x9a: {  	v2 =	vperm.xlane v32, v1;
	[tilespmem:s26+$0x0] =	vst v0  }
0x9b: {  	s29 =	sor.u32 s4, s23;
	[tilespmem:$0x1FE20] =	vst v35  }
0x9c: {  	v0 =	vperm.xlane v35, v1;
	[tilespmem:s29+$0x0] =	vst v2  }
0x9d: {  	s29 =	sor.u32 s4, s24;
	[tilespmem:$0x1FE30] =	vst v33  }
0x9e: {  	s26 =	simm.s32 $0x2000;
	v2 =	vperm.xlane v33, v1;
	[tilespmem:s29+$0x0] =	vst v0  }
0x9f: {  	v3 =	vld [tilespmem:s26+$0x0];
	s29 =	sor.u32 s4, s19;
	[tilespmem:$0x1FE40] =	vst v31  }
0xa0: {  	v0 =	vperm.xlane v31, v1;
	[tilespmem:s29+$0x0] =	vst v2  }
0xa1: {  	s29 =	sor.u32 s4, s21;
	[tilespmem:$0x1FE50] =	vst v27  }
0xa2: {  	v2 =	vperm.xlane v27, v1;
	[tilespmem:s29+$0x0] =	vst v0  }
0xa3: {  	s29 =	sor.u32 s4, s25;
	[tilespmem:$0x1FE60] =	vst v26  }
0xa4: {  	v0 =	vperm.xlane v26, v1;
	[tilespmem:s29+$0x0] =	vst v2  }
0xa5: {  	s29 =	sor.u32 s4, s28;
	[tilespmem:$0x1FE70] =	vst v28  }
0xa6: {  	v2 =	vperm.xlane v28, v1;
	[tilespmem:s29+$0x0] =	vst v0  }
0xa7: {  	s29 =	sor.u32 s4, s30;
	[tilespmem:$0x1FE80] =	vst v34  }
0xa8: {  	v0 =	vperm.xlane v34, v1;
	[tilespmem:s29+$0x0] =	vst v2  }
0xa9: {  	v32 =	vand.u32 $0xF, v3;
	s4 =	sor.u32 s4, s31;
	[tilespmem:$0x1FE90] =	vst v4  }
0xaa: {  	v1 =	vperm.xlane v4, v32;
	[tilespmem:s4+$0x0] =	vst v0  }
0xab: {  	s2 =	sor.u32 s0, s2;
	[tilespmem:$0x1FEA0] =	vst v5  }
0xac: {  	v0 =	vperm.xlane v5, v32;
	[tilespmem:s2+$0x0] =	vst v1  }
0xad: {  	[tilespmem:$0x1FEB0] =	vst v6  }
0xae: {  	v1 =	vperm.xlane v6, v32;
	[tilespmem:s2+$0x80] =	vst v0  }
0xaf: {  	[tilespmem:$0x1FEC0] =	vst v7  }
0xb0: {  	v0 =	vperm.xlane v7, v32;
	[tilespmem:s2+$0x100] =	vst v1  }
0xb1: {  	[tilespmem:$0x1FED0] =	vst v8  }
0xb2: {  	v1 =	vperm.xlane v8, v32;
	[tilespmem:s2+$0x180] =	vst v0  }
0xb3: {  	s29 =	sor.u32 $0x200, s1;
	[tilespmem:$0x1FEE0] =	vst v9  }
0xb4: {  	v0 =	vperm.xlane v9, v32;
	[tilespmem:s29+$0x2400] =	vst v1  }
0xb5: {  	s4 =	sor.u32 $0x280, s1;
	[tilespmem:$0x1FEF0] =	vst v10  }
0xb6: {  	s22 =	simm.s32 $0x0;
	v1 =	vperm.xlane v10, v32;
	[tilespmem:s4+$0x2400] =	vst v0  }
0xb7: {  	s1 =	sor.u32 $0x300, s1;
	s29 =	simm.s32 $0x0;
	[tilespmem:$0x1FF00] =	vst v11;
	[dreg:$0x4] =	wrdreg s22  }
0xb8: {  	s2 =	sor.u32 s29, s29;
	v0 =	vperm.xlane v11, v32;
	[tilespmem:s1+$0x2400] =	vst v1  }
0xb9: {  	s2 =	sor.u32 $0x380, s2;
	[tilespmem:$0x1FF10] =	vst v12  }
0xba: {  	v1 =	vperm.xlane v12, v32;
	[tilespmem:s2+$0x2400] =	vst v0  }
0xbb: {  	s3 =	sor.u32 s0, s3;
	[tilespmem:$0x1FF20] =	vst v13  }
0xbc: {  	v0 =	vperm.xlane v13, v32;
	[tilespmem:s3+$0x0] =	vst v1  }
0xbd: {  	s4 =	sor.u32 s0, s5;
	[tilespmem:$0x1FF30] =	vst v14  }
0xbe: {  	v1 =	vperm.xlane v14, v32;
	[tilespmem:s4+$0x0] =	vst v0  }
0xbf: {  	s5 =	sor.u32 s0, s7;
	[tilespmem:$0x1FF40] =	vst v15  }
0xc0: {  	v0 =	vperm.xlane v15, v32;
	[tilespmem:s5+$0x0] =	vst v1  }
0xc1: {  	s6 =	sor.u32 s0, s6;
	[tilespmem:$0x1FF50] =	vst v16  }
0xc2: {  	v1 =	vperm.xlane v16, v32;
	[tilespmem:s6+$0x0] =	vst v0  }
0xc3: {  	s7 =	sor.u32 s0, s10;
	[tilespmem:$0x1FF60] =	vst v17  }
0xc4: {  	v0 =	vperm.xlane v17, v32;
	[tilespmem:s7+$0x0] =	vst v1  }
0xc5: {  	s8 =	sor.u32 s0, s8;
	[tilespmem:$0x1FF70] =	vst v18  }
0xc6: {  	v1 =	vperm.xlane v18, v32;
	[tilespmem:s8+$0x0] =	vst v0  }
0xc7: {  	s9 =	sor.u32 s0, s9;
	[tilespmem:$0x1FF80] =	vst v19  }
0xc8: {  	[tilespmem:s9+$0x0] =	vst v1  }
0xc9: {  	s1 =	sld [smem:$0x7F7];
	_ =	sdelay $0x2  }
0xca: {  	v0 =	vperm.xlane v19, v32;
	s1 =	sshll.u32 s1, $0x1  }
0xcb: {  	s10 =	sor.u32 s0, s12;
	[tilespmem:$0x1FF90] =	vst v20;
	[smem:$0x7F8] =	sst s1  }
0xcc: {  	v1 =	vperm.xlane v20, v32;
	[tilespmem:s10+$0x0] =	vst v0  }
0xcd: {  	s12 =	sor.u32 s0, s11;
	[tilespmem:$0x1FFA0] =	vst v21  }
0xce: {  	v0 =	vperm.xlane v21, v32;
	[tilespmem:s12+$0x0] =	vst v1  }
0xcf: {  	s13 =	sor.u32 s0, s13;
	[tilespmem:$0x1FFB0] =	vst v22  }
0xd0: {  	v1 =	vperm.xlane v22, v32;
	[tilespmem:s13+$0x0] =	vst v0  }
0xd1: {  	s14 =	sor.u32 s0, s14;
	[tilespmem:$0x1FFC0] =	vst v23  }
0xd2: {  	v0 =	vperm.xlane v23, v32;
	[tilespmem:s14+$0x0] =	vst v1  }
0xd3: {  	s29 =	sor.u32 s0, s15;
	s15 =	sor.u32 s0, s21;
	s22 =	sor.u32 s0, s20;
	[tilespmem:$0x1FFD0] =	vst v24  }
0xd4: {  	v2 =	vperm.xlane v24, v32;
	s11 =	sor.u32 s0, s18;
	s20 =	sor.u32 s0, s28;
	s2 =	sor.u32 s0, s17;
	[tilespmem:s22+$0x0] =	vst v0  }
0xd5: {  	s5 =	sor.u32 s0, s16;
	s16 =	sor.u32 s0, s24;
	s6 =	sor.u32 s0, s31;
	[tilespmem:$0x1FFE0] =	vst v25  }
0xd6: {  	s7 =	simm.s32 $0x0;
	s8 =	sor.u32 s0, s30;
	s12 =	sor.u32 s0, s23;
	[tilespmem:s29+$0x0] =	vst v2  }
0xd7: {  	s13 =	sor.u32 s0, s19;
	s14 =	sor.u32 s0, s25;
	v1 =	vperm.xlane v25, v32;
	s0 =	simm.s32 $0x40;
	v0 =	vperm.xlane v29, v32;
	[tilespmem:$0x1FFF0] =	vst v29  }
.LBB2_3:
0xd8: {  	v14 =	vld [tilespmem:$0x1FE00]  }
0xd9: {  	v15 =	vld [tilespmem:$0x1FE10]  }
0xda: {  	v9 =	vld [tilespmem:$0x1FE20]  }
0xdb: {  	v6 =	vld [tilespmem:$0x1FE30]  }
0xdc: {  	v8 =	vld [tilespmem:$0x1FE40]  }
0xdd: {  	v16 =	vld [tilespmem:$0x1FE50]  }
0xde: {  	v17 =	vld [tilespmem:$0x1FE60]  }
0xdf: {  	s28 =	sand.u32 $0x40, s0;
	s1 =	sand.u32 $0x180, s0;
	v7 =	vld [tilespmem:$0x1FE70]  }
0xe0: {  	v5 =	vld [tilespmem:$0x1FE80];
	s1 =	sor.u32 $0x2000, s1;
	s23 =	sor.u32 $0x30, s28;
	[tilespmem:s5+$0x0] =	vst v1;
	v1 =	vperm.xlane v14, v32  }
0xe1: {  	v62 =	vld [tilespmem:$0x1FE90];
	s3 =	sor.u32 s23, s1;
	[tilespmem:s2+$0x0] =	vst v0;
	v0 =	vperm.xlane v15, v32  }
0xe2: {  	v2 =	vld [tilespmem:s3+$0x0];
	[tilespmem:s11+$0x0] =	vst v1;
	v1 =	vperm.xlane v9, v32  }
0xe3: {  	[dreg:$0x10] =	wrdreg s0;
	v60 =	vld [tilespmem:$0x1FEA0];
	s0 =	sor.u32 $0x10, s28;
	[tilespmem:s12+$0x0] =	vst v0;
	v0 =	vperm.xlane v6, v32  }
0xe4: {  	[dreg:$0x8] =	wrdreg s26;
	v59 =	vld [tilespmem:$0x1FEB0];
	s10 =	sor.u32 s0, s1;
	[tilespmem:s16+$0x0] =	vst v1;
	v1 =	vperm.xlane v8, v32  }
0xe5: {  	s17 =	rddreg [dreg:$0x4];
	s7 =	sadd.s32 $0x4, s7;
	s9 =	sor.u32 $0x20, s28;
	v3 =	vld [tilespmem:s10+$0x0];
	[tilespmem:s13+$0x0] =	vst v0;
	v0 =	vperm.xlane v16, v32  }
0xe6: {  	v24 =	vld [tilespmem:$0x1FF80];
	s18 =	rddreg [dreg:$0x10];
	s1 =	sor.u32 s9, s1;
	s5 =	sadd.s32 $0x200, s17;
	[tilespmem:s15+$0x0] =	vst v1;
	v1 =	vperm.xlane v17, v32  }
0xe7: {  	p1 =	por !p1, !p1;
	[dreg:$0xc] =	wrdreg s7;
	v4 =	vld [tilespmem:s1+$0x0];
	s1 =	sand.u32 $0xC00, s5;
	v50 =	vand.u32 $0xF, v2;
	[tilespmem:s14+$0x0] =	vst v0;
	v0 =	vperm.xlane v7, v32  }
0xe8: {  	v58 =	vld [tilespmem:$0x1FEC0];
	s2 =	sor.u32 s5, s18;
	[dreg:$0x4] =	wrdreg s5;
	s19 =	sadd.s32 $0x2400, s1;
	v2 =	vperm.xlane v62, v50;
	[tilespmem:s20+$0x0] =	vst v1  }
0xe9: {  	v23 =	vld [tilespmem:$0x1FF90];
	s2 =	sor.u32 $0x380, s2;
	s18 =	sadd.s32 $0x3500, s1;
	v1 =	vperm.xlane v5, v32;
	s20 =	sor.u32 s23, s19;
	[tilespmem:s8+$0x0] =	vst v0  }
0xea: {  	v56 =	vld [tilespmem:$0x1FED0];
	[dreg:$0x14] =	wrdreg s2;
	s2 =	simm.s32 $0x1;
	s4 =	sor.u32 s28, s19;
	v51 =	vand.u32 $0xF, v3;
	v0 =	vperm.xlane v60, v50;
	[tilespmem:s20+$0x0] =	vst v2  }
0xeb: {  	v54 =	vld [tilespmem:$0x1FEE0];
	s3 =	sor.u32 s9, s19;
	s2 =	simm.s32 @!p1 $0x0;
	[dreg:$0x18] =	wrdreg s4;
	v2 =	vperm.xlane v24, v51;
	[tilespmem:s6+$0x0] =	vst v1  }
0xec: {  	v22 =	vld [tilespmem:$0x1FFA0];
	[smem:$0x7D5] =	sst s3;
	s4 =	sadd.s32 $0x3780, s1;
	s2 =	sshll.u32 s2, $0x6;
	v1 =	vperm.xlane v59, v50;
	[tilespmem:s20+$0x80] =	vst v0  }
0xed: {  	v53 =	vld [tilespmem:$0x1FEF0];
	s11 =	sadd.s32 $0x3400, s1;
	s12 =	sor.u32 s0, s19;
	s2 =	sadd.s32 s2, s5;
	v0 =	vperm.xlane v58, v50;
	[tilespmem:$0x1FD20] =	vst v2  }
0xee: {  	v52 =	vld [tilespmem:$0x1FF00];
	s21 =	sadd.s32 $0x10, s2;
	s5 =	sadd.s32 $0x20, s2;
	s17 =	sor.u32 $0x200, s2;
	v2 =	vperm.xlane v23, v51;
	[tilespmem:s20+$0x100] =	vst v1  }
0xef: {  	v21 =	vld [tilespmem:$0x1FFB0];
	s22 =	sadd.s32 $0x30, s2;
	s24 =	sor.u32 $0x200, s21;
	[dreg:$0x1c] =	wrdreg s17;
	v1 =	vperm.xlane v56, v50;
	[tilespmem:s20+$0x180] =	vst v0  }
0xf0: {  	v49 =	vld [tilespmem:$0x1FF10];
	s25 =	sor.u32 $0x280, s21;
	s26 =	sor.u32 $0x200, s22;
	[smem:$0x7BC] =	sst s24;
	v0 =	vperm.xlane v54, v50;
	[tilespmem:$0x1FD30] =	vst v2  }
0xf1: {  	v37 =	vld [tilespmem:$0x1FF20];
	s29 =	sor.u32 $0x300, s21;
	s30 =	sor.u32 $0x280, s22;
	[smem:$0x7BD] =	sst s25;
	v2 =	vperm.xlane v22, v51;
	[tilespmem:s26+$0x2400] =	vst v1  }
0xf2: {  	v20 =	vld [tilespmem:$0x1FFC0];
	s16 =	sor.u32 s23, s11;
	s3 =	sor.u32 $0x380, s21;
	[smem:$0x7BE] =	sst s29;
	v1 =	vperm.xlane v53, v50;
	[tilespmem:s30+$0x2400] =	vst v0  }
0xf3: {  	v28 =	vld [tilespmem:$0x1FF30];
	s31 =	sor.u32 $0x200, s5;
	s10 =	sor.u32 $0x300, s22;
	[smem:$0x7BF] =	sst s3;
	v0 =	vperm.xlane v52, v50;
	[tilespmem:$0x1FD40] =	vst v2  }
0xf4: {  	v29 =	vld [tilespmem:$0x1FF40];
	s13 =	sor.u32 $0x300, s5;
	[smem:$0x7D6] =	sst s31;
	s14 =	sor.u32 $0x380, s22;
	v2 =	vperm.xlane v21, v51;
	[tilespmem:s10+$0x2400] =	vst v1  }
0xf5: {  	v19 =	vld [tilespmem:$0x1FFD0];
	s21 =	sor.u32 $0x280, s2;
	s2 =	sor.u32 $0x300, s2;
	[smem:$0x7D8] =	sst s13;
	v1 =	vperm.xlane v49, v50;
	[tilespmem:s14+$0x2400] =	vst v0  }
0xf6: {  	v30 =	vld [tilespmem:$0x1FF50];
	s13 =	sadd.s32 $0x3480, s1;
	s15 =	sor.u32 $0x380, s5;
	[smem:$0x7E7] =	sst s21;
	v0 =	vperm.xlane v37, v50;
	[tilespmem:$0x1FD50] =	vst v2  }
0xf7: {  	v31 =	vld [tilespmem:$0x1FF60];
	s24 =	smov.u32 s18;
	[smem:$0x7E8] =	sst s2;
	s20 =	sor.u32 s23, s13;
	v2 =	vperm.xlane v20, v51;
	[tilespmem:s16+$0x0] =	vst v1  }
0xf8: {  	v18 =	vld [tilespmem:$0x1FFE0];
	s25 =	sadd.s32 $0x3600, s1;
	s29 =	sor.u32 s28, s11;
	[smem:$0x7D9] =	sst s15;
	v1 =	vperm.xlane v28, v50;
	[tilespmem:s20+$0x0] =	vst v0  }
0xf9: {  	v25 =	vld [tilespmem:$0x1FF70];
	s22 =	sor.u32 s23, s18;
	[smem:$0x7E9] =	sst s29;
	s19 =	sadd.s32 $0x3580, s1;
	v0 =	vperm.xlane v29, v50;
	[tilespmem:$0x1FD60] =	vst v2  }
0xfa: {  	s31 =	sadd.s32 $0x4400, s1;
	[smem:$0x7B9] =	sst s25;
	s26 =	sor.u32 s23, s19;
	v2 =	vperm.xlane v19, v51;
	[tilespmem:s22+$0x0] =	vst v1  }
0xfb: {  	v10 =	vld [tilespmem:$0x1FFF0];
	s15 =	sor.u32 s28, s13;
	s18 =	sor.u32 s28, s24;
	s8 =	sor.u32 $0x280, s5;
	v1 =	vperm.xlane v30, v50;
	[tilespmem:s26+$0x0] =	vst v0  }
0xfc: {  	[smem:$0x7D7] =	sst s8;
	s8 =	sor.u32 s23, s25;
	s30 =	sadd.s32 $0x3680, s1;
	v0 =	vperm.xlane v31, v50;
	[tilespmem:$0x1FD70] =	vst v2  }
0xfd: {  	s29 =	sadd.s32 $0x4500, s1;
	[smem:$0x7EA] =	sst s15;
	s17 =	sor.u32 s23, s30;
	v2 =	vperm.xlane v18, v51;
	[tilespmem:s8+$0x0] =	vst v1  }
0xfe: {  	[smem:$0x7EB] =	sst s18;
	s15 =	sor.u32 s28, s4;
	s16 =	sadd.s32 $0x3700, s1;
	v1 =	vperm.xlane v25, v50;
	[tilespmem:s17+$0x0] =	vst v0  }
0xff: {  	s3 =	sor.u32 s28, s29;
	[smem:$0x7F0] =	sst s15;
	s20 =	sor.u32 s23, s16;
	v0 =	vperm.xlane v24, v50;
	[tilespmem:$0x1FD80] =	vst v2  }
0x100: {  	s21 =	sor.u32 s28, s19;
	[smem:$0x7F3] =	sst s3;
	s22 =	sor.u32 s23, s4;
	v2 =	vperm.xlane v10, v51;
	[tilespmem:s20+$0x0] =	vst v1  }
0x101: {  	s5 =	smov.u32 s11;
	s2 =	sor.u32 s0, s19;
	[smem:$0x7EC] =	sst s21;
	v1 =	vperm.xlane v23, v50;
	[tilespmem:s22+$0x0] =	vst v0  }
0x102: {  	s14 =	smov.u32 s24;
	s24 =	sadd.s32 $0x4480, s1;
	s26 =	sor.u32 s23, s31;
	v0 =	vperm.xlane v22, v50;
	[tilespmem:$0x1FD90] =	vst v2  }
0x103: {  	s21 =	sadd.s32 $0x4580, s1;
	[smem:$0x7C0] =	sst s2;
	s6 =	sor.u32 s23, s24;
	v2 =	vperm.xlane v14, v51;
	[tilespmem:s26+$0x0] =	vst v1  }
0x104: {  	s10 =	smov.u32 s25;
	[smem:$0x7BA] =	sst s30;
	s30 =	sor.u32 s28, s30;
	v1 =	vperm.xlane v21, v50;
	[tilespmem:s6+$0x0] =	vst v0  }
0x105: {  	s25 =	sor.u32 s28, s10;
	[smem:$0x7EE] =	sst s30;
	s10 =	sor.u32 s23, s29;
	v0 =	vperm.xlane v20, v50;
	[tilespmem:$0x1FDA0] =	vst v2  }
0x106: {  	[smem:$0x7BB] =	sst s16;
	s8 =	sor.u32 s28, s16;
	s16 =	sor.u32 s23, s21;
	v2 =	vperm.xlane v15, v51;
	[tilespmem:s10+$0x0] =	vst v1  }
0x107: {  	s11 =	sadd.s32 $0x4600, s1;
	s15 =	sadd.s32 $0x4680, s1;
	[smem:$0x7ED] =	sst s25;
	v1 =	vperm.xlane v19, v50;
	[tilespmem:s16+$0x0] =	vst v0  }
0x108: {  	s18 =	sor.u32 s23, s11;
	[smem:$0x7EF] =	sst s8;
	s17 =	sor.u32 s28, s31;
	v0 =	vperm.xlane v18, v50;
	[tilespmem:$0x1FDB0] =	vst v2  }
0x109: {  	s8 =	sadd.s32 $0x5500, s1;
	[smem:$0x7F1] =	sst s17;
	s20 =	sor.u32 s23, s15;
	v2 =	vperm.xlane v9, v51;
	[tilespmem:s18+$0x0] =	vst v1  }
0x10a: {  	s17 =	sadd.s32 $0x5480, s1;
	s22 =	sadd.s32 $0x4780, s1;
	s16 =	sadd.s32 $0x4700, s1;
	v1 =	vperm.xlane v10, v50;
	[tilespmem:s20+$0x0] =	vst v0  }
0x10b: {  	s26 =	sor.u32 s28, s24;
	s30 =	sor.u32 s23, s22;
	s25 =	sor.u32 s23, s16;
	v0 =	vperm.xlane v14, v50;
	[tilespmem:$0x1FDC0] =	vst v2  }
0x10c: {  	[smem:$0x7F2] =	sst s26;
	s26 =	sor.u32 s23, s8;
	s18 =	sor.u32 s28, s21;
	v2 =	vperm.xlane v6, v51;
	[tilespmem:s25+$0x0] =	vst v1  }
0x10d: {  	s10 =	sadd.s32 $0x5400, s1;
	[smem:$0x7F4] =	sst s18;
	v1 =	vperm.xlane v15, v50;
	s25 =	sor.u32 s28, s11;
	[tilespmem:s30+$0x0] =	vst v0  }
0x10e: {  	s6 =	sor.u32 s23, s10;
	v0 =	vperm.xlane v9, v50;
	[smem:$0x7F5] =	sst s25;
	[tilespmem:$0x1FDD0] =	vst v2;
	s30 =	sor.u32 s28, s15  }
0x10f: {  	s20 =	sor.u32 s23, s17;
	v2 =	vperm.xlane v8, v51;
	[tilespmem:s6+$0x0] =	vst v1;
	[smem:$0x7E1] =	sst s30;
	s6 =	sor.u32 s28, s16  }
0x110: {  	s18 =	sadd.s32 $0x5580, s1;
	v1 =	vperm.xlane v6, v50;
	s30 =	sor.u32 s28, s22;
	[tilespmem:s20+$0x0] =	vst v0;
	[smem:$0x7E2] =	sst s6  }
0x111: {  	s25 =	sadd.s32 $0x5600, s1;
	[tilespmem:$0x1FDE0] =	vst v2;
	v2 =	vperm.xlane v16, v51;
	[smem:$0x7E0] =	sst s30;
	s30 =	sadd.s32 $0x5700, s1  }
0x112: {  	v0 =	vperm.xlane v8, v50;
	s6 =	sadd.s32 $0x5780, s1;
	[tilespmem:s26+$0x0] =	vst v1;
	s26 =	sadd.s32 $0x5680, s1;
	s1 =	sor.u32 s28, s18  }
0x113: {  	s3 =	sor.u32 s23, s18;
	v1 =	vperm.xlane v16, v50;
	[tilespmem:$0x1FDF0] =	vst v2;
	[smem:$0x7E3] =	sst s1;
	s1 =	sor.u32 s28, s6  }
0x114: {  	s20 =	sor.u32 s23, s25;
	[tilespmem:s3+$0x0] =	vst v0;
	v2 =	vperm.xlane v17, v50;
	[smem:$0x7E5] =	sst s1  }
0x115: {  	s3 =	sor.u32 s23, s26;
	[tilespmem:s20+$0x0] =	vst v1;
	s1 =	sld [smem:$0x7B9]  }
0x116: {  	v11 =	vperm.xlane v62, v51;
	s2 =	sld [smem:$0x7BA];
	[tilespmem:s3+$0x0] =	vst v2;
	s3 =	sor.u32 s28, s17  }
0x117: {  	v48 =	vperm.xlane v60, v51;
	[smem:$0x7E6] =	sst s3;
	s3 =	sor.u32 s28, s25  }
0x118: {  	v3 =	vperm.xlane v7, v50;
	[tilespmem:s12+$0x0] =	vst v11;
	[smem:$0x7DE] =	sst s3;
	s3 =	sor.u32 s0, s1  }
0x119: {  	p2 =	slt.u32 s7, $0x1C;
	v47 =	vperm.xlane v5, v50;
	[tilespmem:s12+$0x80] =	vst v48;
	s7 =	sor.u32 s23, s30;
	[smem:$0x7C2] =	sst s3  }
0x11a: {  	v46 =	vperm.xlane v59, v51;
	s23 =	sor.u32 s23, s6;
	[tilespmem:s7+$0x0] =	vst v3;
	s3 =	sld [smem:$0x7BB]  }
0x11b: {  	[tilespmem:s23+$0x0] =	vst v47;
	s23 =	sor.u32 s28, s30  }
0x11c: {  	[tilespmem:s12+$0x100] =	vst v46;
	[smem:$0x7E4] =	sst s23;
	s23 =	smov.u32 s12;
	s12 =	sor.u32 s0, s2  }
0x11d: {  	[smem:$0x7C4] =	sst s12;
	s12 =	sor.u32 s0, s3  }
0x11e: {  	[smem:$0x7C5] =	sst s12;
	s12 =	sor.u32 s0, s4  }
0x11f: {  	[smem:$0x7C6] =	sst s12;
	s12 =	sor.u32 s0, s31  }
0x120: {  	[smem:$0x7C7] =	sst s12;
	s12 =	sor.u32 s0, s24  }
0x121: {  	[smem:$0x7C8] =	sst s12  }
0x122: {  	v33 =	vperm.xlane v58, v51;
	s12 =	sld [smem:$0x7BC]  }
0x123: {  	v34 =	vperm.xlane v56, v51  }
0x124: {  	[tilespmem:s23+$0x180] =	vst v33  }
0x125: {  	[tilespmem:s12+$0x2400] =	vst v34;
	s12 =	sor.u32 s0, s29  }
0x126: {  	[smem:$0x7C9] =	sst s12;
	s12 =	sor.u32 s0, s21  }
0x127: {  	[smem:$0x7CA] =	sst s12;
	s12 =	sor.u32 s0, s11  }
0x128: {  	[smem:$0x7CB] =	sst s12  }
0x129: {  	s12 =	sld [smem:$0x7BD]  }
0x12a: {  	v35 =	vperm.xlane v54, v51;
	_ =	sdelay $0x1  }
0x12b: {  	[tilespmem:s12+$0x2400] =	vst v35;
	s12 =	sor.u32 s0, s15  }
0x12c: {  	[smem:$0x7CC] =	sst s12;
	s12 =	sor.u32 s0, s16  }
0x12d: {  	v36 =	vperm.xlane v53, v51;
	v38 =	vperm.xlane v52, v51;
	[smem:$0x7CD] =	sst s12;
	s12 =	sor.u32 s0, s22  }
0x12e: {  	v39 =	vperm.xlane v49, v51;
	v40 =	vperm.xlane v37, v51;
	[smem:$0x7CE] =	sst s12  }
0x12f: {  	v41 =	vperm.xlane v28, v51;
	v42 =	vperm.xlane v29, v51;
	s12 =	sld [smem:$0x7BE]  }
0x130: {  	v43 =	vperm.xlane v30, v51;
	v44 =	vperm.xlane v31, v51  }
0x131: {  	v45 =	vperm.xlane v25, v51;
	v63 =	vperm.xlane v17, v51;
	s20 =	sor.u32 s28, s10  }
0x132: {  	v61 =	vperm.xlane v7, v51;
	v55 =	vperm.xlane v5, v51;
	v32 =	vand.u32 $0xF, v4;
	[smem:$0x7C3] =	sst s20;
	[tilespmem:s12+$0x2400] =	vst v36;
	s12 =	sor.u32 s0, s10  }
0x133: {  	v57 =	vperm.xlane v62, v32;
	v27 =	vperm.xlane v58, v32;
	[smem:$0x7CF] =	sst s12;
	s12 =	sor.u32 s0, s17  }
0x134: {  	v26 =	vperm.xlane v54, v32;
	v48 =	vperm.xlane v53, v32;
	[smem:$0x7D0] =	sst s12;
	s12 =	sor.u32 s0, s8  }
0x135: {  	v4 =	vperm.xlane v52, v32;
	v46 =	vperm.xlane v49, v32;
	[smem:$0x7D1] =	sst s12  }
0x136: {  	v11 =	vperm.xlane v21, v32;
	v12 =	vperm.xlane v19, v32;
	s20 =	sor.u32 s28, s8;
	s12 =	sld [smem:$0x7BF]  }
0x137: {  	v13 =	vperm.xlane v10, v32;
	v51 =	vperm.xlane v59, v32;
	[smem:$0x7DF] =	sst s20;
	s20 =	sor.u32 s28, s26  }
0x138: {  	v16 =	vperm.xlane v16, v32;
	v50 =	vperm.xlane v60, v32;
	[smem:$0x7C1] =	sst s20;
	s28 =	sor.u32 s0, s5;
	s5 =	sor.u32 s9, s5  }
0x139: {  	v0 =	vperm.xlane v23, v32;
	v1 =	vperm.xlane v31, v32;
	[smem:$0x7DA] =	sst s5;
	[tilespmem:s12+$0x2400] =	vst v38  }
0x13a: {  	v2 =	vperm.xlane v29, v32;
	s7 =	sor.u32 s0, s13;
	v3 =	vperm.xlane v37, v32;
	s5 =	sld [smem:$0x7C0];
	[tilespmem:s28+$0x0] =	vst v39  }
0x13b: {  	v47 =	vperm.xlane v56, v32;
	s20 =	sor.u32 s0, s14;
	v33 =	vperm.xlane v28, v32;
	[tilespmem:s7+$0x0] =	vst v40;
	s7 =	sld [smem:$0x7C2]  }
0x13c: {  	s13 =	sor.u32 s9, s13;
	v34 =	vperm.xlane v30, v32;
	v35 =	vperm.xlane v25, v32;
	[tilespmem:s20+$0x0] =	vst v41  }
0x13d: {  	[smem:$0x7DB] =	sst s13;
	s14 =	sor.u32 s9, s14;
	v36 =	vperm.xlane v24, v32;
	v38 =	vperm.xlane v22, v32;
	[tilespmem:s5+$0x0] =	vst v42  }
0x13e: {  	s23 =	sor.u32 s9, s19;
	v39 =	vperm.xlane v20, v32;
	v40 =	vperm.xlane v18, v32;
	[tilespmem:s7+$0x0] =	vst v43;
	s7 =	sor.u32 s9, s11;
	s11 =	sld [smem:$0x7C4]  }
0x13f: {  	s19 =	sor.u32 s9, s2;
	s2 =	sor.u32 s9, s16;
	s16 =	sld [smem:$0x7C5];
	v41 =	vperm.xlane v14, v32;
	v14 =	vperm.xlane v15, v32  }
0x140: {  	s13 =	sor.u32 s9, s4;
	[smem:$0x7DC] =	sst s14;
	s14 =	sor.u32 s9, s1;
	v15 =	vperm.xlane v6, v32;
	v42 =	vperm.xlane v9, v32  }
0x141: {  	[smem:$0x7DD] =	sst s23;
	s23 =	sor.u32 s9, s29;
	s12 =	sor.u32 s0, s18;
	v9 =	vld [tilespmem:$0x1FD20];
	v43 =	vperm.xlane v8, v32;
	[tilespmem:s11+$0x0] =	vst v44;
	v44 =	vperm.xlane v17, v32  }
0x142: {  	s1 =	sor.u32 s9, s3;
	s4 =	sor.u32 s9, s8;
	[smem:$0x7D2] =	sst s12;
	v17 =	vperm.xlane v7, v32;
	[tilespmem:s16+$0x0] =	vst v45;
	v45 =	vperm.xlane v5, v32;
	v32 =	vld [tilespmem:$0x1FD30]  }
0x143: {  	s5 =	sor.u32 s9, s24;
	s24 =	sor.u32 s9, s21;
	s21 =	sld [smem:$0x7C6]  }
0x144: {  	s12 =	sor.u32 s0, s25;
	s16 =	sor.u32 s9, s25;
	s25 =	sld [smem:$0x7C7]  }
0x145: {  	s31 =	sor.u32 s9, s31;
	s29 =	sor.u32 s9, s15;
	s15 =	sor.u32 s9, s22;
	v8 =	vld [tilespmem:$0x1FD40]  }
0x146: {  	s22 =	sor.u32 s9, s10;
	s10 =	sor.u32 s9, s17;
	s17 =	sor.u32 s9, s18;
	[tilespmem:s21+$0x0] =	vst v9  }
0x147: {  	s28 =	sor.u32 s0, s30;
	v9 =	vld [tilespmem:$0x1FD50];
	[tilespmem:s25+$0x0] =	vst v32;
	s25 =	sor.u32 s9, s30;
	s30 =	sld [smem:$0x7C8]  }
0x148: {  	s18 =	sor.u32 s9, s26;
	[smem:$0x7D3] =	sst s12;
	s12 =	sor.u32 s0, s26;
	v32 =	vld [tilespmem:$0x1FD60]  }
0x149: {  	s0 =	sor.u32 s0, s6;
	s9 =	sor.u32 s9, s6;
	s6 =	sld [smem:$0x7C9]  }
0x14a: {  	s8 =	sld [smem:$0x7CA];
	[tilespmem:s30+$0x0] =	vst v8;
	v8 =	vld [tilespmem:$0x1FD70];
	_ =	sdelay $0x1  }
0x14b: {  	s11 =	sld [smem:$0x7CB];
	[tilespmem:s6+$0x0] =	vst v9;
	v9 =	vld [tilespmem:$0x1FD80]  }
0x14c: {  	[tilespmem:s8+$0x0] =	vst v32;
	v32 =	vld [tilespmem:$0x1FD90]  }
0x14d: {  	s21 =	sld [smem:$0x7CC]  }
0x14e: {  	s30 =	sld [smem:$0x7CD];
	[tilespmem:s11+$0x0] =	vst v8;
	v8 =	vld [tilespmem:$0x1FDA0];
	_ =	sdelay $0x1  }
0x14f: {  	s6 =	sld [smem:$0x7CE];
	[tilespmem:s21+$0x0] =	vst v9;
	v9 =	vld [tilespmem:$0x1FDB0]  }
0x150: {  	[tilespmem:s30+$0x0] =	vst v32;
	v32 =	vld [tilespmem:$0x1FDC0]  }
0x151: {  	s8 =	sld [smem:$0x7CF]  }
0x152: {  	s11 =	sld [smem:$0x7D0];
	[tilespmem:s6+$0x0] =	vst v8;
	v8 =	vld [tilespmem:$0x1FDD0];
	_ =	sdelay $0x1  }
0x153: {  	s21 =	sld [smem:$0x7D1];
	[tilespmem:s8+$0x0] =	vst v9  }
0x154: {  	[tilespmem:s11+$0x0] =	vst v32;
	s11 =	sld [smem:$0x7D5];
	_ =	sdelay $0x1  }
0x155: {  	v9 =	vld [tilespmem:$0x1FDE0];
	[tilespmem:s21+$0x0] =	vst v8  }
0x156: {  	[smem:$0x7D4] =	sst s12;
	v32 =	vld [tilespmem:$0x1FDF0];
	[tilespmem:s11+$0x0] =	vst v57  }
0x157: {  	s30 =	sld [smem:$0x7D2];
	[tilespmem:s11+$0x80] =	vst v50  }
0x158: {  	s6 =	sld [smem:$0x7D3];
	[tilespmem:s11+$0x100] =	vst v51  }
0x159: {  	s8 =	sld [smem:$0x7D4];
	[tilespmem:s11+$0x180] =	vst v27  }
0x15a: {  	[tilespmem:s30+$0x0] =	vst v9  }
0x15b: {  	s21 =	sld [smem:$0x7D6];
	[tilespmem:s6+$0x0] =	vst v32  }
0x15c: {  	[tilespmem:s8+$0x0] =	vst v63  }
0x15d: {  	[tilespmem:s28+$0x0] =	vst v61;
	s28 =	sld [smem:$0x7D7]  }
0x15e: {  	s30 =	sld [smem:$0x7D8];
	[tilespmem:s21+$0x2400] =	vst v47  }
0x15f: {  	s6 =	sld [smem:$0x7D9];
	[tilespmem:s0+$0x0] =	vst v55  }
0x160: {  	s8 =	sld [smem:$0x7DA];
	[tilespmem:s28+$0x2400] =	vst v26  }
0x161: {  	s11 =	sld [smem:$0x7DB];
	[tilespmem:s30+$0x2400] =	vst v48  }
0x162: {  	s21 =	sld [smem:$0x7DC];
	[tilespmem:s6+$0x2400] =	vst v4  }
0x163: {  	s28 =	sld [smem:$0x7DD];
	[tilespmem:s8+$0x0] =	vst v46  }
0x164: {  	[tilespmem:s11+$0x0] =	vst v3  }
0x165: {  	[tilespmem:s21+$0x0] =	vst v33  }
0x166: {  	[tilespmem:s28+$0x0] =	vst v2  }
0x167: {  	[tilespmem:s14+$0x0] =	vst v34  }
0x168: {  	[tilespmem:s19+$0x0] =	vst v1  }
0x169: {  	[tilespmem:s1+$0x0] =	vst v35  }
0x16a: {  	s26 =	rddreg [dreg:$0x8];
	[tilespmem:s13+$0x0] =	vst v36  }
0x16b: {  	s26 =	sadd.s32 $0x40, s26;
	[tilespmem:s31+$0x0] =	vst v0  }
0x16c: {  	v0 =	vld [tilespmem:s26+$0x0];
	[tilespmem:s5+$0x0] =	vst v38  }
0x16d: {  	[tilespmem:s23+$0x0] =	vst v11  }
0x16e: {  	[tilespmem:s24+$0x0] =	vst v39  }
0x16f: {  	[tilespmem:s7+$0x0] =	vst v12  }
0x170: {  	[tilespmem:s29+$0x0] =	vst v40  }
0x171: {  	s3 =	sld [smem:$0x7E7];
	v32 =	vand.u32 $0xF, v0;
	[tilespmem:s2+$0x0] =	vst v13  }
0x172: {  	s20 =	sld [smem:$0x7C1];
	v0 =	vperm.xlane v62, v32;
	[tilespmem:s15+$0x0] =	vst v41  }
0x173: {  	s30 =	rddreg [dreg:$0x18];
	v1 =	vperm.xlane v60, v32;
	[tilespmem:s22+$0x0] =	vst v14  }
0x174: {  	s12 =	sld [smem:$0x7C3];
	[tilespmem:s30+$0x0] =	vst v0  }
0x175: {  	s0 =	rddreg [dreg:$0x10];
	[tilespmem:s30+$0x80] =	vst v1  }
0x176: {  	s6 =	sld [smem:$0x7E5];
	v0 =	vperm.xlane v59, v32;
	[tilespmem:s10+$0x0] =	vst v42  }
0x177: {  	s8 =	sld [smem:$0x7E4];
	v1 =	vperm.xlane v58, v32;
	[tilespmem:s4+$0x0] =	vst v15  }
0x178: {  	s11 =	sld [smem:$0x7E0];
	[tilespmem:s30+$0x100] =	vst v0  }
0x179: {  	s21 =	sld [smem:$0x7ED];
	[tilespmem:s30+$0x180] =	vst v1  }
0x17a: {  	s28 =	sld [smem:$0x7F2];
	v0 =	vperm.xlane v56, v32;
	[tilespmem:s17+$0x0] =	vst v43  }
0x17b: {  	s31 =	rddreg [dreg:$0x1c];
	[tilespmem:s16+$0x0] =	vst v16  }
0x17c: {  	s14 =	sld [smem:$0x7DE];
	v1 =	vperm.xlane v54, v32;
	[tilespmem:s31+$0x2400] =	vst v0  }
0x17d: {  	s4 =	sld [smem:$0x7E8];
	[tilespmem:s18+$0x0] =	vst v44  }
0x17e: {  	s19 =	sld [smem:$0x7EC];
	v0 =	vperm.xlane v53, v32;
	[tilespmem:s3+$0x2400] =	vst v1  }
0x17f: {  	s10 =	sld [smem:$0x7E9];
	[tilespmem:s25+$0x0] =	vst v17  }
0x180: {  	s17 =	sld [smem:$0x7EA];
	v1 =	vperm.xlane v52, v32;
	[tilespmem:s4+$0x2400] =	vst v0  }
0x181: {  	v0 =	vperm.xlane v49, v32;
	[tilespmem:s9+$0x0] =	vst v45;
	s9 =	rddreg [dreg:$0x14]  }
0x182: {  	s18 =	sld [smem:$0x7EB];
	[tilespmem:s9+$0x2400] =	vst v1;
	v1 =	vperm.xlane v37, v32  }
0x183: {  	s13 =	sld [smem:$0x7DF];
	[tilespmem:s10+$0x0] =	vst v0;
	v0 =	vperm.xlane v28, v32  }
0x184: {  	s5 =	sld [smem:$0x7E1];
	[tilespmem:s17+$0x0] =	vst v1;
	v1 =	vperm.xlane v29, v32  }
0x185: {  	s22 =	sld [smem:$0x7EE];
	[tilespmem:s18+$0x0] =	vst v0;
	v0 =	vperm.xlane v30, v32  }
0x186: {  	s23 =	sld [smem:$0x7EF];
	[tilespmem:s19+$0x0] =	vst v1;
	v1 =	vperm.xlane v31, v32  }
0x187: {  	s24 =	sld [smem:$0x7F0];
	[tilespmem:s21+$0x0] =	vst v0;
	v0 =	vperm.xlane v25, v32  }
0x188: {  	s25 =	sld [smem:$0x7F1];
	[tilespmem:s22+$0x0] =	vst v1;
	v1 =	vperm.xlane v24, v32  }
0x189: {  	s7 =	rddreg [dreg:$0xc];
	[tilespmem:s23+$0x0] =	vst v0;
	v0 =	vperm.xlane v23, v32  }
0x18a: {  	s29 =	sld [smem:$0x7F3];
	[tilespmem:s24+$0x0] =	vst v1;
	v1 =	vperm.xlane v22, v32  }
.Ltmp0:
0x18b: {  	s30 =	sld [smem:$0x7F4];
	[tilespmem:s25+$0x0] =	vst v0;
	v0 =	vperm.xlane v21, v32;
	(pc) =	sbr.rel @p2 .LBB2_3-.Ltmp0, $4  }
0x18c: {  	s31 =	sld [smem:$0x7F5];
	[tilespmem:s28+$0x0] =	vst v1;
	v1 =	vperm.xlane v20, v32  }
0x18d: {  	s2 =	sld [smem:$0x7E2];
	[tilespmem:s29+$0x0] =	vst v0;
	v0 =	vperm.xlane v19, v32  }
0x18e: {  	s15 =	sld [smem:$0x7E3];
	[tilespmem:s30+$0x0] =	vst v1  }
0x18f: {  	s0 =	sadd.s32 $0x40, s0;
	s16 =	sld [smem:$0x7E6];
	v1 =	vperm.xlane v18, v32;
	[tilespmem:s31+$0x0] =	vst v0;
	v0 =	vperm.xlane v10, v32  }
0x190: {  	_ = 	snop  }
0x191: {  	[tilespmem:s5+$0x0] =	vst v1  }
0x192: {  	v1 =	vld [tilespmem:$0x1FE00];
	_ =	sdelay $0x4  }
0x193: {  	v1 =	vperm.xlane v1, v32  }
0x194: {  	[tilespmem:s2+$0x0] =	vst v0  }
0x195: {  	v0 =	vld [tilespmem:$0x1FE10];
	[tilespmem:s11+$0x0] =	vst v1  }
0x196: {  	v1 =	vld [tilespmem:$0x1FE20];
	_ =	sdelay $0x3  }
0x197: {  	v0 =	vperm.xlane v0, v32  }
0x198: {  	v1 =	vperm.xlane v1, v32  }
0x199: {  	[tilespmem:s12+$0x0] =	vst v0  }
0x19a: {  	v0 =	vld [tilespmem:$0x1FE30];
	[tilespmem:s16+$0x0] =	vst v1  }
0x19b: {  	v1 =	vld [tilespmem:$0x1FE40];
	_ =	sdelay $0x3  }
0x19c: {  	v0 =	vperm.xlane v0, v32  }
0x19d: {  	v1 =	vperm.xlane v1, v32  }
0x19e: {  	[tilespmem:s13+$0x0] =	vst v0  }
0x19f: {  	v0 =	vld [tilespmem:$0x1FE50];
	[tilespmem:s15+$0x0] =	vst v1  }
0x1a0: {  	v1 =	vld [tilespmem:$0x1FE60];
	_ =	sdelay $0x3  }
0x1a1: {  	v0 =	vperm.xlane v0, v32  }
0x1a2: {  	v1 =	vperm.xlane v1, v32  }
0x1a3: {  	[tilespmem:s14+$0x0] =	vst v0  }
0x1a4: {  	v0 =	vld [tilespmem:$0x1FE70];
	s0 =	sld [smem:$0x7F7];
	[tilespmem:s20+$0x0] =	vst v1  }
0x1a5: {  	v1 =	vld [tilespmem:$0x1FE80];
	_ =	sdelay $0x1  }
0x1a6: {  	s1 =	sld [smem:$0x7FA];
	_ =	sdelay $0x1  }
0x1a7: {  	s0 =	sshll.u32 s0, $0x15;
	v0 =	vperm.xlane v0, v32  }
0x1a8: {  	s0 =	sor.u32 s1, s0;
	v1 =	vperm.xlane v1, v32  }
0x1a9: {  	s31 =	rddreg [dreg:$0x2];
	s4 =	simm.s32 $0x20000;
	[tilespmem:s8+$0x0] =	vst v0;
	s1 =	sshrl.u32 s0, $0x3  }
0x1aa: {  	s3 =	simm.s32 $0x2400;
	s2 =	simm.s32 $0x1000;
	s0 =	sadd.s32 s31, s1;
	[tilespmem:s6+$0x0] =	vst v1  }
0x1ab: {  	[hbm4b:s0+s2] =	stream.strided.scatter [tilespmem:s3], [sflag:$0x1], $0x4000, s4, s2, $0x38;
	[tilespmem:$0xA400] =	vst v63  }
0x1ac: {  	[smem:$0x7B6] =	sst s1;
	s0 =	simm.s32 @!p0 $0x2  }
0x1ad: {  	_ =	swait.ge @!p0 [sflag:s0], $0x4000  }
0x1ae: {  	[sflag:s0] =	ssyncset.done @!p0 $0x0  }
0x1af: {  	[sflag:s0] =	ssyncadd.s32 @!p0 $0xFFFFC000  }
0x1b0: {  	v4 =	vld [tilespmem:$0x1000]  }
0x1b1: {  	v5 =	vld [tilespmem:$0x1080]  }
0x1b2: {  	v6 =	vld [tilespmem:$0x1100]  }
0x1b3: {  	v7 =	vld [tilespmem:$0x1180]  }
0x1b4: {  	v8 =	vld [tilespmem:$0x1200]  }
0x1b5: {  	v9 =	vld [tilespmem:$0x1280]  }
0x1b6: {  	v10 =	vld [tilespmem:$0x1300]  }
0x1b7: {  	v11 =	vld [tilespmem:$0x1380]  }
0x1b8: {  	v12 =	vld [tilespmem:$0x1400]  }
0x1b9: {  	v13 =	vld [tilespmem:$0x1480]  }
0x1ba: {  	v14 =	vld [tilespmem:$0x1500]  }
0x1bb: {  	v15 =	vld [tilespmem:$0x1580]  }
0x1bc: {  	v16 =	vld [tilespmem:$0x1600]  }
0x1bd: {  	v17 =	vld [tilespmem:$0x1680]  }
0x1be: {  	v18 =	vld [tilespmem:$0x1700]  }
0x1bf: {  	v19 =	vld [tilespmem:$0x1780]  }
0x1c0: {  	v20 =	vld [tilespmem:$0x1800]  }
0x1c1: {  	v21 =	vld [tilespmem:$0x1880]  }
0x1c2: {  	v22 =	vld [tilespmem:$0x1900]  }
0x1c3: {  	v23 =	vld [tilespmem:$0x1980]  }
0x1c4: {  	s5 =	simm.s32 $0x0;
	v24 =	vld [tilespmem:$0x1A00]  }
0x1c5: {  	s1 =	sand.u32 $0x180, s5;
	s0 =	sand.u32 $0x40, s5;
	v25 =	vld [tilespmem:$0x1A80]  }
0x1c6: {  	s26 =	sor.u32 $0x2000, s1;
	v29 =	vld [tilespmem:$0x1B00];
	s2 =	sor.u32 $0x30, s0  }
0x1c7: {  	v30 =	vld [tilespmem:$0x1B80];
	s1 =	sor.u32 s2, s26  }
0x1c8: {  	v0 =	vld [tilespmem:s1+$0x0]  }
0x1c9: {  	v63 =	vld [tilespmem:$0x1C00]  }
0x1ca: {  	v34 =	vld [tilespmem:$0x1C80]  }
0x1cb: {  	v33 =	vld [tilespmem:$0x1D00]  }
0x1cc: {  	s6 =	simm.s32 $0x0;
	v31 =	vld [tilespmem:$0x1D80]  }
0x1cd: {  	s3 =	sand.u32 $0xC00, s6;
	v27 =	vld [tilespmem:$0x1E00];
	v0 =	vand.u32 $0xF, v0  }
0x1ce: {  	s25 =	sadd.s32 $0x6400, s3;
	p0 =	por $0x0, $0x0;
	v26 =	vld [tilespmem:$0x1E80];
	s1 =	simm.s32 $0x1;
	v1 =	vperm.xlane v4, v0  }
0x1cf: {  	v28 =	vld [tilespmem:$0x1F00];
	s4 =	sor.u32 s2, s25;
	s1 =	simm.s32 @!p0 $0x0;
	v2 =	vperm.xlane v5, v0  }
0x1d0: {  	v35 =	vld [tilespmem:$0x1F80];
	s1 =	sshll.u32 s1, $0x6;
	[tilespmem:s4+$0x0] =	vst v1;
	v1 =	vperm.xlane v6, v0  }
0x1d1: {  	s1 =	sadd.s32 $0x0, s1;
	[tilespmem:s4+$0x80] =	vst v2;
	v2 =	vperm.xlane v7, v0  }
0x1d2: {  	s7 =	sadd.s32 $0x30, s1;
	[tilespmem:s4+$0x100] =	vst v1;
	v1 =	vperm.xlane v8, v0  }
0x1d3: {  	s8 =	sor.u32 $0x200, s7;
	[tilespmem:s4+$0x180] =	vst v2;
	v2 =	vperm.xlane v9, v0  }
0x1d4: {  	s9 =	sor.u32 $0x280, s7;
	[tilespmem:s8+$0x6400] =	vst v1;
	v1 =	vperm.xlane v10, v0  }
0x1d5: {  	s10 =	sor.u32 $0x300, s7;
	[tilespmem:s9+$0x6400] =	vst v2;
	v2 =	vperm.xlane v11, v0  }
0x1d6: {  	s11 =	sor.u32 $0x380, s7;
	s4 =	sadd.s32 $0x7400, s3;
	[tilespmem:s10+$0x6400] =	vst v1;
	v1 =	vperm.xlane v12, v0  }
0x1d7: {  	s5 =	sadd.s32 $0x7480, s3;
	s12 =	sor.u32 s2, s4;
	[tilespmem:s11+$0x6400] =	vst v2;
	v2 =	vperm.xlane v13, v0  }
0x1d8: {  	s7 =	sor.u32 s2, s5;
	s9 =	sadd.s32 $0x7500, s3;
	[tilespmem:s12+$0x0] =	vst v1;
	v1 =	vperm.xlane v14, v0  }
0x1d9: {  	s6 =	sadd.s32 $0x7580, s3;
	s13 =	sor.u32 s2, s9;
	[tilespmem:s7+$0x0] =	vst v2;
	v2 =	vperm.xlane v15, v0  }
0x1da: {  	s14 =	sor.u32 s2, s6;
	s8 =	sadd.s32 $0x7600, s3;
	[tilespmem:s13+$0x0] =	vst v1;
	v1 =	vperm.xlane v16, v0  }
0x1db: {  	s15 =	sor.u32 s2, s8;
	s11 =	sadd.s32 $0x7680, s3;
	[tilespmem:s14+$0x0] =	vst v2;
	v2 =	vperm.xlane v17, v0  }
0x1dc: {  	s10 =	sadd.s32 $0x7700, s3;
	s16 =	sor.u32 s2, s11;
	[tilespmem:s15+$0x0] =	vst v1;
	v1 =	vperm.xlane v18, v0  }
0x1dd: {  	s17 =	sor.u32 s2, s10;
	s14 =	sadd.s32 $0x7780, s3;
	[tilespmem:s16+$0x0] =	vst v2;
	v2 =	vperm.xlane v19, v0  }
0x1de: {  	s12 =	sadd.s32 $0x8400, s3;
	s18 =	sor.u32 s2, s14;
	[tilespmem:s17+$0x0] =	vst v1;
	v1 =	vperm.xlane v20, v0  }
0x1df: {  	s19 =	sor.u32 s2, s12;
	s13 =	sadd.s32 $0x8480, s3;
	[tilespmem:s18+$0x0] =	vst v2;
	v2 =	vperm.xlane v21, v0  }
0x1e0: {  	s20 =	sor.u32 s2, s13;
	s15 =	sadd.s32 $0x8500, s3;
	[tilespmem:s19+$0x0] =	vst v1;
	v1 =	vperm.xlane v22, v0  }
0x1e1: {  	s24 =	sadd.s32 $0x8580, s3;
	s21 =	sor.u32 s2, s15;
	[tilespmem:s20+$0x0] =	vst v2;
	v2 =	vperm.xlane v23, v0  }
0x1e2: {  	s22 =	sor.u32 s2, s24;
	s20 =	sadd.s32 $0x8600, s3;
	[tilespmem:s21+$0x0] =	vst v1;
	v1 =	vperm.xlane v24, v0  }
0x1e3: {  	s17 =	sadd.s32 $0x8680, s3;
	s23 =	sor.u32 s2, s20;
	[tilespmem:s22+$0x0] =	vst v2;
	v2 =	vperm.xlane v25, v0  }
0x1e4: {  	s18 =	sadd.s32 $0x8700, s3;
	s28 =	sor.u32 s2, s17;
	[tilespmem:s23+$0x0] =	vst v1;
	v1 =	vperm.xlane v29, v0  }
0x1e5: {  	s19 =	sadd.s32 $0x8780, s3;
	s29 =	sor.u32 s2, s18;
	[tilespmem:s28+$0x0] =	vst v2;
	v2 =	vperm.xlane v30, v0  }
0x1e6: {  	s31 =	sor.u32 s2, s19;
	s23 =	sadd.s32 $0x9400, s3;
	s28 =	sor.u32 $0x10, s0;
	[tilespmem:s29+$0x0] =	vst v1;
	v1 =	vperm.xlane v63, v0  }
0x1e7: {  	s21 =	sadd.s32 $0x9480, s3;
	s22 =	sor.u32 s2, s23;
	s16 =	sor.u32 s28, s26;
	[tilespmem:s31+$0x0] =	vst v2;
	v2 =	vperm.xlane v34, v0  }
0x1e8: {  	s29 =	sor.u32 s2, s21;
	v3 =	vld [tilespmem:s16+$0x0];
	[tilespmem:s22+$0x0] =	vst v1;
	v1 =	vperm.xlane v33, v0;
	s22 =	sadd.s32 $0x9500, s3  }
0x1e9: {  	s7 =	sadd.s32 $0x9580, s3;
	[tilespmem:s29+$0x0] =	vst v2;
	v2 =	vperm.xlane v31, v0;
	s31 =	sor.u32 s2, s22  }
0x1ea: {  	s16 =	sadd.s32 $0x9600, s3;
	s29 =	sor.u32 s2, s7;
	[tilespmem:s31+$0x0] =	vst v1;
	v1 =	vperm.xlane v27, v0  }
0x1eb: {  	s30 =	sor.u32 s2, s16;
	[tilespmem:s29+$0x0] =	vst v2;
	v2 =	vperm.xlane v26, v0;
	s29 =	sadd.s32 $0x9680, s3  }
0x1ec: {  	s31 =	sadd.s32 $0x9700, s3;
	[tilespmem:s30+$0x0] =	vst v1;
	v1 =	vperm.xlane v28, v0;
	s30 =	sor.u32 s2, s29  }
0x1ed: {  	s3 =	sadd.s32 $0x9780, s3;
	v0 =	vperm.xlane v35, v0;
	[tilespmem:s30+$0x0] =	vst v2;
	v2 =	vand.u32 $0xF, v3;
	s30 =	sor.u32 s2, s31  }
0x1ee: {  	s2 =	sor.u32 s2, s3;
	[tilespmem:s30+$0x0] =	vst v1;
	v1 =	vperm.xlane v4, v2  }
0x1ef: {  	v3 =	vperm.xlane v6, v2;
	[tilespmem:s2+$0x0] =	vst v0;
	s2 =	sor.u32 s28, s25  }
0x1f0: {  	v0 =	vperm.xlane v5, v2;
	[tilespmem:s2+$0x0] =	vst v1  }
0x1f1: {  	v1 =	vperm.xlane v7, v2;
	[tilespmem:s2+$0x100] =	vst v3  }
0x1f2: {  	s30 =	sadd.s32 $0x10, s1;
	[tilespmem:s2+$0x80] =	vst v0;
	v0 =	vperm.xlane v8, v2  }
0x1f3: {  	[tilespmem:s2+$0x180] =	vst v1;
	v1 =	vperm.xlane v9, v2;
	s2 =	sor.u32 $0x200, s30  }
0x1f4: {  	[tilespmem:s2+$0x6400] =	vst v0;
	v0 =	vperm.xlane v10, v2;
	s2 =	sor.u32 $0x280, s30  }
0x1f5: {  	[tilespmem:s2+$0x6400] =	vst v1;
	v1 =	vperm.xlane v11, v2;
	s2 =	sor.u32 $0x300, s30  }
0x1f6: {  	[tilespmem:s2+$0x6400] =	vst v0;
	s2 =	sor.u32 $0x380, s30;
	v0 =	vperm.xlane v12, v2  }
0x1f7: {  	[tilespmem:s2+$0x6400] =	vst v1;
	v1 =	vperm.xlane v13, v2;
	s2 =	sor.u32 s28, s4  }
0x1f8: {  	[tilespmem:s2+$0x0] =	vst v0;
	v0 =	vperm.xlane v14, v2;
	s2 =	sor.u32 s28, s5  }
0x1f9: {  	[tilespmem:s2+$0x0] =	vst v1;
	v1 =	vperm.xlane v15, v2;
	s2 =	sor.u32 s28, s9  }
0x1fa: {  	[tilespmem:s2+$0x0] =	vst v0;
	v0 =	vperm.xlane v16, v2;
	s2 =	sor.u32 s28, s6  }
0x1fb: {  	[tilespmem:s2+$0x0] =	vst v1;
	v1 =	vperm.xlane v17, v2;
	s2 =	sor.u32 s28, s8  }
0x1fc: {  	[tilespmem:s2+$0x0] =	vst v0;
	v0 =	vperm.xlane v18, v2;
	s2 =	sor.u32 s28, s11  }
0x1fd: {  	[tilespmem:s2+$0x0] =	vst v1;
	v1 =	vperm.xlane v19, v2;
	s2 =	sor.u32 s28, s10  }
0x1fe: {  	[tilespmem:s2+$0x0] =	vst v0;
	v0 =	vperm.xlane v20, v2;
	s2 =	sor.u32 s28, s14  }
0x1ff: {  	[tilespmem:s2+$0x0] =	vst v1;
	v1 =	vperm.xlane v21, v2;
	s2 =	sor.u32 s28, s12  }
0x200: {  	[tilespmem:s2+$0x0] =	vst v0;
	v0 =	vperm.xlane v22, v2;
	s2 =	sor.u32 s28, s13  }
0x201: {  	[tilespmem:s2+$0x0] =	vst v1;
	v1 =	vperm.xlane v23, v2;
	s2 =	sor.u32 s28, s15  }
0x202: {  	[tilespmem:s2+$0x0] =	vst v0;
	v0 =	vperm.xlane v24, v2;
	s2 =	sor.u32 s28, s24  }
0x203: {  	[tilespmem:s2+$0x0] =	vst v1;
	v1 =	vperm.xlane v25, v2;
	s2 =	sor.u32 s28, s20  }
0x204: {  	[tilespmem:s2+$0x0] =	vst v0;
	v0 =	vperm.xlane v29, v2;
	s2 =	sor.u32 s28, s17  }
0x205: {  	[tilespmem:s2+$0x0] =	vst v1;
	v1 =	vperm.xlane v30, v2;
	s2 =	sor.u32 s28, s18  }
0x206: {  	s30 =	sor.u32 s28, s19;
	[tilespmem:s2+$0x0] =	vst v0;
	v0 =	vperm.xlane v63, v2;
	s2 =	sor.u32 $0x20, s0  }
0x207: {  	[tilespmem:s30+$0x0] =	vst v1;
	s26 =	sor.u32 s2, s26;
	v1 =	vperm.xlane v34, v2;
	s30 =	sor.u32 s28, s23  }
0x208: {  	v3 =	vld [tilespmem:s26+$0x0];
	[tilespmem:s30+$0x0] =	vst v0;
	v0 =	vperm.xlane v33, v2;
	s26 =	sor.u32 s28, s21  }
0x209: {  	[tilespmem:s26+$0x0] =	vst v1;
	v1 =	vperm.xlane v31, v2;
	s26 =	sor.u32 s28, s22  }
0x20a: {  	[tilespmem:s26+$0x0] =	vst v0;
	v0 =	vperm.xlane v27, v2;
	s26 =	sor.u32 s28, s7  }
0x20b: {  	[tilespmem:s26+$0x0] =	vst v1;
	v1 =	vperm.xlane v26, v2;
	s26 =	sor.u32 s28, s16  }
0x20c: {  	[tilespmem:s26+$0x0] =	vst v0;
	v0 =	vperm.xlane v28, v2;
	s26 =	sor.u32 s28, s29  }
0x20d: {  	v2 =	vperm.xlane v35, v2;
	[tilespmem:s26+$0x0] =	vst v1;
	v1 =	vand.u32 $0xF, v3;
	s26 =	sor.u32 s28, s31  }
0x20e: {  	s28 =	sor.u32 s28, s3;
	[tilespmem:s26+$0x0] =	vst v0;
	v0 =	vperm.xlane v4, v1  }
0x20f: {  	s26 =	sor.u32 s2, s25;
	v3 =	vperm.xlane v6, v1;
	[tilespmem:s28+$0x0] =	vst v2  }
0x210: {  	v2 =	vperm.xlane v5, v1;
	[tilespmem:s26+$0x0] =	vst v0  }
0x211: {  	v0 =	vperm.xlane v7, v1;
	[tilespmem:s26+$0x100] =	vst v3  }
0x212: {  	s28 =	sadd.s32 $0x20, s1;
	[tilespmem:s26+$0x80] =	vst v2;
	v2 =	vperm.xlane v8, v1  }
0x213: {  	[tilespmem:s26+$0x180] =	vst v0;
	v0 =	vperm.xlane v9, v1;
	s26 =	sor.u32 $0x200, s28  }
0x214: {  	[tilespmem:s26+$0x6400] =	vst v2;
	v2 =	vperm.xlane v10, v1;
	s26 =	sor.u32 $0x280, s28  }
0x215: {  	[tilespmem:s26+$0x6400] =	vst v0;
	v0 =	vperm.xlane v11, v1;
	s26 =	sor.u32 $0x300, s28  }
0x216: {  	s28 =	sor.u32 $0x380, s28;
	[tilespmem:s26+$0x6400] =	vst v2;
	v2 =	vperm.xlane v12, v1  }
0x217: {  	[tilespmem:s28+$0x6400] =	vst v0;
	v0 =	vperm.xlane v13, v1;
	s28 =	sor.u32 s2, s4  }
0x218: {  	[tilespmem:s28+$0x0] =	vst v2;
	v2 =	vperm.xlane v14, v1;
	s28 =	sor.u32 s2, s5  }
0x219: {  	[tilespmem:s28+$0x0] =	vst v0;
	v0 =	vperm.xlane v15, v1;
	s28 =	sor.u32 s2, s9  }
0x21a: {  	[tilespmem:s28+$0x0] =	vst v2;
	v2 =	vperm.xlane v16, v1;
	s28 =	sor.u32 s2, s6  }
0x21b: {  	[tilespmem:s28+$0x0] =	vst v0;
	v0 =	vperm.xlane v17, v1;
	s28 =	sor.u32 s2, s8  }
0x21c: {  	[tilespmem:s28+$0x0] =	vst v2;
	v2 =	vperm.xlane v18, v1;
	s28 =	sor.u32 s2, s11  }
0x21d: {  	[tilespmem:s28+$0x0] =	vst v0;
	v0 =	vperm.xlane v19, v1;
	s28 =	sor.u32 s2, s10  }
0x21e: {  	[tilespmem:s28+$0x0] =	vst v2;
	v2 =	vperm.xlane v20, v1;
	s28 =	sor.u32 s2, s14  }
0x21f: {  	[tilespmem:s28+$0x0] =	vst v0;
	v0 =	vperm.xlane v21, v1;
	s28 =	sor.u32 s2, s12  }
0x220: {  	[tilespmem:s28+$0x0] =	vst v2;
	v2 =	vperm.xlane v22, v1;
	s28 =	sor.u32 s2, s13  }
0x221: {  	[tilespmem:s28+$0x0] =	vst v0;
	v0 =	vperm.xlane v23, v1;
	s28 =	sor.u32 s2, s15  }
0x222: {  	[tilespmem:s28+$0x0] =	vst v2;
	v2 =	vperm.xlane v24, v1;
	s28 =	sor.u32 s2, s24  }
0x223: {  	[tilespmem:s28+$0x0] =	vst v0;
	v0 =	vperm.xlane v25, v1;
	s28 =	sor.u32 s2, s20  }
0x224: {  	[tilespmem:s28+$0x0] =	vst v2;
	s28 =	sor.u32 s2, s17  }
0x225: {  	v2 =	vperm.xlane v29, v1;
	[tilespmem:s28+$0x0] =	vst v0  }
0x226: {  	s28 =	sor.u32 s2, s18;
	[tilespmem:$0x1FB20] =	vst v30  }
0x227: {  	v0 =	vperm.xlane v30, v1;
	[tilespmem:s28+$0x0] =	vst v2  }
0x228: {  	s28 =	sor.u32 s2, s19;
	[tilespmem:$0x1FB30] =	vst v63  }
0x229: {  	v2 =	vperm.xlane v63, v1;
	[tilespmem:s28+$0x0] =	vst v0  }
0x22a: {  	s28 =	sor.u32 s2, s23;
	[tilespmem:$0x1FB40] =	vst v34  }
0x22b: {  	v0 =	vperm.xlane v34, v1;
	[tilespmem:s28+$0x0] =	vst v2  }
0x22c: {  	s28 =	sor.u32 s2, s21;
	[tilespmem:$0x1FB50] =	vst v33  }
0x22d: {  	s30 =	simm.s32 $0x2000;
	v2 =	vperm.xlane v33, v1;
	[tilespmem:s28+$0x0] =	vst v0  }
0x22e: {  	v3 =	vld [tilespmem:s30+$0x0];
	s28 =	sor.u32 s2, s22;
	[tilespmem:$0x1FB60] =	vst v31  }
0x22f: {  	v0 =	vperm.xlane v31, v1;
	[tilespmem:s28+$0x0] =	vst v2  }
0x230: {  	s28 =	sor.u32 s2, s7;
	[tilespmem:$0x1FB70] =	vst v27  }
0x231: {  	v2 =	vperm.xlane v27, v1;
	[tilespmem:s28+$0x0] =	vst v0  }
0x232: {  	s28 =	sor.u32 s2, s16;
	[tilespmem:$0x1FB80] =	vst v26  }
0x233: {  	v0 =	vperm.xlane v26, v1;
	[tilespmem:s28+$0x0] =	vst v2  }
0x234: {  	s28 =	sor.u32 s2, s29;
	[tilespmem:$0x1FB90] =	vst v28  }
0x235: {  	v2 =	vperm.xlane v28, v1;
	[tilespmem:s28+$0x0] =	vst v0  }
0x236: {  	s28 =	sor.u32 s2, s31;
	[tilespmem:$0x1FBA0] =	vst v35  }
0x237: {  	v0 =	vperm.xlane v35, v1;
	[tilespmem:s28+$0x0] =	vst v2  }
0x238: {  	v32 =	vand.u32 $0xF, v3;
	s2 =	sor.u32 s2, s3;
	[tilespmem:$0x1FBB0] =	vst v4  }
0x239: {  	v1 =	vperm.xlane v4, v32;
	[tilespmem:s2+$0x0] =	vst v0  }
0x23a: {  	s25 =	sor.u32 s0, s25;
	[tilespmem:$0x1FBC0] =	vst v5  }
0x23b: {  	v0 =	vperm.xlane v5, v32;
	[tilespmem:s25+$0x0] =	vst v1  }
0x23c: {  	[tilespmem:$0x1FBD0] =	vst v6  }
0x23d: {  	v1 =	vperm.xlane v6, v32;
	[tilespmem:s25+$0x80] =	vst v0  }
0x23e: {  	[tilespmem:$0x1FBE0] =	vst v7  }
0x23f: {  	v0 =	vperm.xlane v7, v32;
	[tilespmem:s25+$0x100] =	vst v1  }
0x240: {  	[tilespmem:$0x1FBF0] =	vst v8  }
0x241: {  	v1 =	vperm.xlane v8, v32;
	[tilespmem:s25+$0x180] =	vst v0  }
0x242: {  	s26 =	sor.u32 $0x200, s1;
	[tilespmem:$0x1FC00] =	vst v9  }
0x243: {  	v0 =	vperm.xlane v9, v32;
	[tilespmem:s26+$0x6400] =	vst v1  }
0x244: {  	s28 =	sor.u32 $0x280, s1;
	[tilespmem:$0x1FC10] =	vst v10  }
0x245: {  	s25 =	simm.s32 $0x0;
	v1 =	vperm.xlane v10, v32;
	[tilespmem:s28+$0x6400] =	vst v0  }
0x246: {  	s1 =	sor.u32 $0x300, s1;
	s26 =	simm.s32 $0x0;
	[tilespmem:$0x1FC20] =	vst v11;
	[dreg:$0x5] =	wrdreg s25  }
0x247: {  	s2 =	sor.u32 s26, s26;
	v0 =	vperm.xlane v11, v32;
	[tilespmem:s1+$0x6400] =	vst v1  }
0x248: {  	s28 =	sor.u32 $0x380, s2;
	[tilespmem:$0x1FC30] =	vst v12  }
0x249: {  	v1 =	vperm.xlane v12, v32;
	[tilespmem:s28+$0x6400] =	vst v0  }
0x24a: {  	s2 =	sor.u32 s0, s4;
	[tilespmem:$0x1FC40] =	vst v13  }
0x24b: {  	v0 =	vperm.xlane v13, v32;
	[tilespmem:s2+$0x0] =	vst v1  }
0x24c: {  	s4 =	sor.u32 s0, s5;
	[tilespmem:$0x1FC50] =	vst v14  }
0x24d: {  	v1 =	vperm.xlane v14, v32;
	[tilespmem:s4+$0x0] =	vst v0  }
0x24e: {  	s5 =	sor.u32 s0, s9;
	[tilespmem:$0x1FC60] =	vst v15  }
0x24f: {  	v0 =	vperm.xlane v15, v32;
	[tilespmem:s5+$0x0] =	vst v1  }
0x250: {  	s6 =	sor.u32 s0, s6;
	[tilespmem:$0x1FC70] =	vst v16  }
0x251: {  	v1 =	vperm.xlane v16, v32;
	[tilespmem:s6+$0x0] =	vst v0  }
0x252: {  	s8 =	sor.u32 s0, s8;
	[tilespmem:$0x1FC80] =	vst v17  }
0x253: {  	v0 =	vperm.xlane v17, v32;
	[tilespmem:s8+$0x0] =	vst v1  }
0x254: {  	s9 =	sor.u32 s0, s11;
	[tilespmem:$0x1FC90] =	vst v18  }
0x255: {  	v1 =	vperm.xlane v18, v32;
	[tilespmem:s9+$0x0] =	vst v0  }
0x256: {  	s10 =	sor.u32 s0, s10;
	[tilespmem:$0x1FCA0] =	vst v19  }
0x257: {  	v0 =	vperm.xlane v19, v32;
	[tilespmem:s10+$0x0] =	vst v1  }
0x258: {  	s11 =	sor.u32 s0, s14;
	[tilespmem:$0x1FCB0] =	vst v20  }
0x259: {  	v1 =	vperm.xlane v20, v32;
	[tilespmem:s11+$0x0] =	vst v0  }
0x25a: {  	s12 =	sor.u32 s0, s12;
	[tilespmem:$0x1FCC0] =	vst v21  }
0x25b: {  	v0 =	vperm.xlane v21, v32;
	[tilespmem:s12+$0x0] =	vst v1  }
0x25c: {  	s14 =	sor.u32 s0, s13;
	[tilespmem:$0x1FCD0] =	vst v22  }
0x25d: {  	s26 =	sor.u32 s0, s19;
	[tilespmem:s14+$0x0] =	vst v0  }
0x25e: {  	s28 =	sor.u32 s0, s23;
	v1 =	vperm.xlane v22, v32;
	[smem:$0x7B7] =	sst s26  }
0x25f: {  	s15 =	sor.u32 s0, s15;
	[smem:$0x7B8] =	sst s28;
	[tilespmem:$0x1FCE0] =	vst v23  }
0x260: {  	v0 =	vperm.xlane v23, v32;
	[tilespmem:s15+$0x0] =	vst v1  }
0x261: {  	s24 =	sor.u32 s0, s24;
	[tilespmem:$0x1FCF0] =	vst v24  }
0x262: {  	v2 =	vperm.xlane v24, v32;
	s13 =	sor.u32 s0, s22;
	s25 =	sor.u32 s0, s20;
	s2 =	sor.u32 s0, s18;
	[tilespmem:s24+$0x0] =	vst v0  }
0x263: {  	s4 =	sor.u32 s0, s3;
	s6 =	simm.s32 $0x0;
	s8 =	sor.u32 s0, s31;
	[tilespmem:$0x1FD00] =	vst v25  }
0x264: {  	s9 =	sor.u32 s0, s29;
	s10 =	sor.u32 s0, s17;
	s17 =	sor.u32 s0, s21;
	[tilespmem:s25+$0x0] =	vst v2  }
0x265: {  	s14 =	sor.u32 s0, s16;
	s15 =	sor.u32 s0, s7;
	v1 =	vperm.xlane v25, v32;
	s0 =	simm.s32 $0x40;
	v0 =	vperm.xlane v29, v32;
	[tilespmem:$0x1FD10] =	vst v29  }
.LBB2_5:
0x266: {  	v14 =	vld [tilespmem:$0x1FB20]  }
0x267: {  	v15 =	vld [tilespmem:$0x1FB30]  }
0x268: {  	v9 =	vld [tilespmem:$0x1FB40]  }
0x269: {  	v6 =	vld [tilespmem:$0x1FB50]  }
0x26a: {  	v8 =	vld [tilespmem:$0x1FB60]  }
0x26b: {  	[dreg:$0x11] =	wrdreg s0;
	v16 =	vld [tilespmem:$0x1FB70]  }
0x26c: {  	s3 =	sld [smem:$0x7B7];
	v17 =	vld [tilespmem:$0x1FB80]  }
0x26d: {  	v7 =	vld [tilespmem:$0x1FB90];
	s5 =	rddreg [dreg:$0x11]  }
0x26e: {  	s7 =	sand.u32 $0x40, s0;
	s12 =	sld [smem:$0x7B8];
	v5 =	vld [tilespmem:$0x1FBA0];
	s0 =	sand.u32 $0x180, s5;
	[tilespmem:s10+$0x0] =	vst v1;
	v1 =	vperm.xlane v14, v32  }
0x26f: {  	v62 =	vld [tilespmem:$0x1FBB0];
	s23 =	sor.u32 $0x30, s7;
	s0 =	sor.u32 $0x2000, s0;
	[tilespmem:s2+$0x0] =	vst v0;
	v0 =	vperm.xlane v15, v32  }
0x270: {  	v60 =	vld [tilespmem:$0x1FBC0];
	s11 =	sor.u32 s23, s0;
	[tilespmem:s3+$0x0] =	vst v1;
	v1 =	vperm.xlane v9, v32  }
0x271: {  	v2 =	vld [tilespmem:s11+$0x0];
	[tilespmem:s12+$0x0] =	vst v0;
	v0 =	vperm.xlane v6, v32  }
0x272: {  	v59 =	vld [tilespmem:$0x1FBD0];
	s29 =	sor.u32 $0x10, s7;
	[tilespmem:s17+$0x0] =	vst v1;
	v1 =	vperm.xlane v8, v32  }
0x273: {  	v58 =	vld [tilespmem:$0x1FBE0];
	s1 =	sor.u32 s29, s0;
	[tilespmem:s13+$0x0] =	vst v0;
	v0 =	vperm.xlane v16, v32  }
0x274: {  	v3 =	vld [tilespmem:s1+$0x0];
	[tilespmem:s15+$0x0] =	vst v1;
	v1 =	vperm.xlane v17, v32;
	s15 =	rddreg [dreg:$0x5]  }
0x275: {  	v24 =	vld [tilespmem:$0x1FCA0];
	s10 =	sor.u32 $0x20, s7;
	[tilespmem:s14+$0x0] =	vst v0;
	v0 =	vperm.xlane v7, v32;
	s3 =	sadd.s32 $0x200, s15  }
0x276: {  	v23 =	vld [tilespmem:$0x1FCB0];
	s16 =	rddreg [dreg:$0x11];
	s0 =	sor.u32 s10, s0;
	v50 =	vand.u32 $0xF, v2;
	s13 =	sand.u32 $0xC00, s3;
	[tilespmem:s9+$0x0] =	vst v1;
	v1 =	vperm.xlane v5, v32  }
0x277: {  	v4 =	vld [tilespmem:s0+$0x0];
	v2 =	vperm.xlane v62, v50;
	s0 =	sor.u32 s3, s16;
	s17 =	sadd.s32 $0x6400, s13;
	[tilespmem:s8+$0x0] =	vst v0  }
0x278: {  	v56 =	vld [tilespmem:$0x1FBF0];
	s0 =	sor.u32 $0x380, s0;
	v0 =	vperm.xlane v60, v50;
	s19 =	sor.u32 s23, s17;
	[tilespmem:s4+$0x0] =	vst v1  }
0x279: {  	p0 =	por !p0, !p0;
	v54 =	vld [tilespmem:$0x1FC00];
	v51 =	vand.u32 $0xF, v3;
	[dreg:$0x15] =	wrdreg s0;
	s0 =	simm.s32 $0x1;
	v1 =	vperm.xlane v59, v50;
	[tilespmem:s19+$0x0] =	vst v2  }
0x27a: {  	[dreg:$0x9] =	wrdreg s30;
	v22 =	vld [tilespmem:$0x1FCC0];
	s6 =	sadd.s32 $0x4, s6;
	s0 =	simm.s32 @!p0 $0x0;
	[tilespmem:s19+$0x80] =	vst v0;
	v2 =	vperm.xlane v24, v51  }
0x27b: {  	v53 =	vld [tilespmem:$0x1FC10];
	[dreg:$0xd] =	wrdreg s6;
	v0 =	vperm.xlane v58, v50;
	s0 =	sshll.u32 s0, $0x6;
	[tilespmem:s19+$0x100] =	vst v1  }
0x27c: {  	v52 =	vld [tilespmem:$0x1FC20];
	[dreg:$0x5] =	wrdreg s3;
	s0 =	sadd.s32 s0, s3;
	[tilespmem:$0x1FA40] =	vst v2;
	v2 =	vperm.xlane v23, v51  }
0x27d: {  	v21 =	vld [tilespmem:$0x1FCD0];
	s8 =	sadd.s32 $0x7400, s13;
	s15 =	sadd.s32 $0x7480, s13;
	v1 =	vperm.xlane v56, v50;
	[tilespmem:s19+$0x180] =	vst v0;
	s21 =	sadd.s32 $0x30, s0  }
0x27e: {  	v49 =	vld [tilespmem:$0x1FC30];
	s18 =	sor.u32 s7, s17;
	s11 =	sor.u32 s29, s17;
	v0 =	vperm.xlane v54, v50;
	s24 =	sor.u32 $0x200, s21;
	[tilespmem:$0x1FA50] =	vst v2  }
0x27f: {  	v37 =	vld [tilespmem:$0x1FC40];
	s1 =	sor.u32 s10, s17;
	s20 =	sadd.s32 $0x10, s0;
	s26 =	sor.u32 $0x280, s21;
	v2 =	vperm.xlane v22, v51;
	[tilespmem:s24+$0x6400] =	vst v1  }
0x280: {  	v20 =	vld [tilespmem:$0x1FCE0];
	s16 =	sor.u32 s23, s8;
	[dreg:$0x19] =	wrdreg s18;
	s5 =	sor.u32 $0x200, s20;
	v1 =	vperm.xlane v53, v50;
	[tilespmem:s26+$0x6400] =	vst v0  }
0x281: {  	v28 =	vld [tilespmem:$0x1FC50];
	s4 =	sadd.s32 $0x7700, s13;
	[smem:$0x780] =	sst s5;
	s5 =	sor.u32 $0x300, s21;
	v0 =	vperm.xlane v52, v50;
	[tilespmem:$0x1FA60] =	vst v2  }
0x282: {  	v29 =	vld [tilespmem:$0x1FC60];
	[smem:$0x798] =	sst s1;
	s18 =	sor.u32 s23, s15;
	s12 =	sor.u32 $0x380, s21;
	v2 =	vperm.xlane v21, v51;
	[tilespmem:s5+$0x6400] =	vst v1  }
0x283: {  	v19 =	vld [tilespmem:$0x1FCF0];
	s3 =	sadd.s32 $0x20, s0;
	s17 =	sor.u32 $0x200, s0;
	s19 =	sor.u32 $0x280, s0;
	v1 =	vperm.xlane v49, v50;
	[tilespmem:s12+$0x6400] =	vst v0  }
0x284: {  	v30 =	vld [tilespmem:$0x1FC70];
	s0 =	sor.u32 $0x300, s0;
	s22 =	sor.u32 $0x280, s20;
	[dreg:$0x1d] =	wrdreg s17;
	v0 =	vperm.xlane v37, v50;
	[tilespmem:$0x1FA70] =	vst v2  }
0x285: {  	v31 =	vld [tilespmem:$0x1FC80];
	s25 =	sor.u32 $0x300, s20;
	s1 =	sor.u32 $0x380, s20;
	[smem:$0x7A7] =	sst s19;
	v2 =	vperm.xlane v20, v51;
	[tilespmem:s16+$0x0] =	vst v1  }
0x286: {  	v18 =	vld [tilespmem:$0x1FD00];
	s28 =	sor.u32 $0x200, s3;
	[smem:$0x7A8] =	sst s0;
	s24 =	sadd.s32 $0x7500, s13;
	v1 =	vperm.xlane v28, v50;
	[tilespmem:s18+$0x0] =	vst v0  }
0x287: {  	v25 =	vld [tilespmem:$0x1FC90];
	s20 =	sadd.s32 $0x7580, s13;
	[smem:$0x781] =	sst s22;
	s21 =	sor.u32 s23, s24;
	v0 =	vperm.xlane v29, v50;
	[tilespmem:$0x1FA80] =	vst v2  }
0x288: {  	s31 =	sor.u32 $0x280, s3;
	[smem:$0x782] =	sst s25;
	s25 =	sor.u32 s23, s20;
	v2 =	vperm.xlane v19, v51;
	[tilespmem:s21+$0x0] =	vst v1  }
0x289: {  	v10 =	vld [tilespmem:$0x1FD10];
	s9 =	sor.u32 $0x300, s3;
	[smem:$0x79A] =	sst s28;
	s22 =	sadd.s32 $0x7600, s13;
	v1 =	vperm.xlane v30, v50;
	[tilespmem:s25+$0x0] =	vst v0  }
0x28a: {  	[smem:$0x79B] =	sst s31;
	s28 =	sor.u32 s23, s22;
	s5 =	sadd.s32 $0x7680, s13;
	v0 =	vperm.xlane v31, v50;
	[tilespmem:$0x1FA90] =	vst v2  }
0x28b: {  	s14 =	sor.u32 $0x380, s3;
	[smem:$0x79C] =	sst s9;
	s2 =	sor.u32 s23, s5;
	v2 =	vperm.xlane v18, v51;
	[tilespmem:s28+$0x0] =	vst v1  }
0x28c: {  	s17 =	sor.u32 s23, s4;
	[smem:$0x79D] =	sst s14;
	v1 =	vperm.xlane v25, v50;
	[tilespmem:s2+$0x0] =	vst v0  }
0x28d: {  	[smem:$0x77D] =	sst s20;
	s31 =	sor.u32 s7, s15;
	s14 =	sadd.s32 $0x7780, s13;
	v0 =	vperm.xlane v24, v50;
	[tilespmem:$0x1FAA0] =	vst v2  }
0x28e: {  	s26 =	sor.u32 s7, s8;
	[smem:$0x77E] =	sst s22;
	s19 =	sor.u32 s23, s14;
	v2 =	vperm.xlane v10, v51;
	[tilespmem:s17+$0x0] =	vst v1  }
0x28f: {  	[smem:$0x7AA] =	sst s31;
	s18 =	sor.u32 s7, s20;
	s20 =	sadd.s32 $0x8400, s13;
	v1 =	vperm.xlane v23, v50;
	[tilespmem:s19+$0x0] =	vst v0  }
0x290: {  	s16 =	sadd.s32 $0x8480, s13;
	s21 =	sor.u32 s7, s22;
	s22 =	sor.u32 s23, s20;
	v0 =	vperm.xlane v22, v50;
	[tilespmem:$0x1FAB0] =	vst v2  }
0x291: {  	s30 =	sadd.s32 $0x8500, s13;
	[smem:$0x7A9] =	sst s26;
	s26 =	sor.u32 s23, s16;
	v2 =	vperm.xlane v14, v51;
	[tilespmem:s22+$0x0] =	vst v1  }
0x292: {  	s3 =	smov.u32 s8;
	[smem:$0x77F] =	sst s14;
	s31 =	sor.u32 s23, s30;
	v1 =	vperm.xlane v21, v50;
	[tilespmem:s26+$0x0] =	vst v0  }
0x293: {  	s8 =	sor.u32 s7, s14;
	s0 =	sld [smem:$0x77D];
	s19 =	sadd.s32 $0x8580, s13;
	v0 =	vperm.xlane v20, v50;
	[tilespmem:$0x1FAC0] =	vst v2  }
0x294: {  	[smem:$0x7B0] =	sst s8;
	s9 =	sor.u32 s23, s19;
	v2 =	vperm.xlane v15, v51;
	[tilespmem:s31+$0x0] =	vst v1  }
0x295: {  	s12 =	sor.u32 s7, s24;
	[smem:$0x7AD] =	sst s21;
	s21 =	sadd.s32 $0x8600, s13;
	v1 =	vperm.xlane v19, v50;
	[tilespmem:s9+$0x0] =	vst v0  }
0x296: {  	[smem:$0x7AB] =	sst s12;
	s12 =	sadd.s32 $0x8680, s13;
	s17 =	sor.u32 s23, s21;
	v0 =	vperm.xlane v18, v50;
	[tilespmem:$0x1FAD0] =	vst v2  }
0x297: {  	p1 =	slt.u32 s6, $0x1C;
	[smem:$0x7AC] =	sst s18;
	s18 =	sor.u32 s23, s12;
	v2 =	vperm.xlane v9, v51;
	[tilespmem:s17+$0x0] =	vst v1  }
0x298: {  	s8 =	sadd.s32 $0x8780, s13;
	s25 =	sor.u32 s7, s5;
	s22 =	sadd.s32 $0x8700, s13;
	v1 =	vperm.xlane v10, v50;
	[tilespmem:s18+$0x0] =	vst v0  }
0x299: {  	[smem:$0x7AE] =	sst s25;
	s28 =	sor.u32 s7, s4;
	s25 =	sor.u32 s23, s22;
	v0 =	vperm.xlane v14, v50;
	[tilespmem:$0x1FAE0] =	vst v2  }
0x29a: {  	s14 =	sor.u32 s7, s20;
	[smem:$0x7AF] =	sst s28;
	s28 =	sor.u32 s23, s8;
	v2 =	vperm.xlane v6, v51;
	[tilespmem:s25+$0x0] =	vst v1  }
0x29b: {  	s6 =	sadd.s32 $0x9500, s13;
	[smem:$0x7B1] =	sst s14;
	s17 =	sadd.s32 $0x9400, s13;
	v1 =	vperm.xlane v15, v50;
	[tilespmem:s28+$0x0] =	vst v0  }
0x29c: {  	s26 =	sor.u32 s7, s16;
	s18 =	sadd.s32 $0x9480, s13;
	s2 =	sor.u32 s23, s17;
	v0 =	vperm.xlane v9, v50;
	[tilespmem:$0x1FAF0] =	vst v2  }
0x29d: {  	[smem:$0x7B2] =	sst s26;
	s31 =	sor.u32 s7, s30;
	s14 =	sor.u32 s23, s18;
	v2 =	vperm.xlane v8, v51;
	[tilespmem:s2+$0x0] =	vst v1  }
0x29e: {  	s26 =	sor.u32 s7, s21;
	[smem:$0x7B3] =	sst s31;
	s9 =	sor.u32 s7, s19;
	v1 =	vperm.xlane v6, v50;
	[tilespmem:s14+$0x0] =	vst v0  }
0x29f: {  	[smem:$0x7B5] =	sst s26;
	s31 =	sor.u32 s7, s12;
	s28 =	sor.u32 s23, s6;
	[tilespmem:$0x1FB00] =	vst v2;
	v2 =	vperm.xlane v16, v51  }
0x2a0: {  	s26 =	sadd.s32 $0x9600, s13;
	[smem:$0x7B4] =	sst s9;
	s25 =	sadd.s32 $0x9580, s13;
	v0 =	vperm.xlane v8, v50;
	[tilespmem:s28+$0x0] =	vst v1  }
0x2a1: {  	[smem:$0x78A] =	sst s31;
	s9 =	sor.u32 s7, s22;
	s2 =	sor.u32 s23, s25;
	v1 =	vperm.xlane v16, v50;
	[tilespmem:$0x1FB10] =	vst v2  }
0x2a2: {  	s31 =	sadd.s32 $0x9700, s13;
	s14 =	sor.u32 s23, s26;
	s28 =	sadd.s32 $0x9680, s13;
	[tilespmem:s2+$0x0] =	vst v0;
	v2 =	vperm.xlane v17, v50  }
0x2a3: {  	v3 =	vperm.xlane v7, v50;
	[smem:$0x7A6] =	sst s9;
	s2 =	sor.u32 s7, s8;
	s9 =	sor.u32 s23, s28;
	[tilespmem:s14+$0x0] =	vst v1  }
0x2a4: {  	[smem:$0x7B7] =	sst s2;
	s2 =	sor.u32 s23, s31;
	[tilespmem:s9+$0x0] =	vst v2  }
0x2a5: {  	[tilespmem:s2+$0x0] =	vst v3;
	s2 =	sor.u32 s7, s25  }
0x2a6: {  	[smem:$0x7A1] =	sst s2;
	s2 =	sor.u32 s29, s0  }
0x2a7: {  	[smem:$0x784] =	sst s2;
	s2 =	smov.u32 s5;
	s5 =	sor.u32 s29, s5  }
0x2a8: {  	[smem:$0x785] =	sst s5;
	s5 =	sor.u32 s29, s4  }
0x2a9: {  	v47 =	vperm.xlane v5, v50;
	s13 =	sadd.s32 $0x9780, s13;
	[smem:$0x786] =	sst s5  }
0x2aa: {  	s23 =	sor.u32 s23, s13;
	s5 =	sld [smem:$0x77F]  }
0x2ab: {  	v33 =	vperm.xlane v58, v51;
	[tilespmem:s23+$0x0] =	vst v47;
	s23 =	sor.u32 s7, s31  }
0x2ac: {  	[smem:$0x7A4] =	sst s23;
	s23 =	smov.u32 s11  }
0x2ad: {  	[tilespmem:s23+$0x180] =	vst v33;
	s23 =	sor.u32 s29, s5  }
0x2ae: {  	[smem:$0x787] =	sst s23;
	s23 =	sor.u32 s29, s20  }
0x2af: {  	v11 =	vperm.xlane v62, v51;
	[smem:$0x788] =	sst s23;
	s23 =	sor.u32 s29, s16  }
0x2b0: {  	v48 =	vperm.xlane v60, v51;
	[smem:$0x78B] =	sst s23  }
0x2b1: {  	v46 =	vperm.xlane v59, v51;
	[tilespmem:s11+$0x0] =	vst v11;
	s23 =	sld [smem:$0x780]  }
0x2b2: {  	v34 =	vperm.xlane v56, v51;
	[tilespmem:s11+$0x80] =	vst v48  }
0x2b3: {  	[tilespmem:s11+$0x100] =	vst v46  }
0x2b4: {  	[tilespmem:s23+$0x6400] =	vst v34;
	s23 =	sor.u32 s29, s30  }
0x2b5: {  	[smem:$0x78C] =	sst s23;
	s23 =	sor.u32 s29, s19  }
0x2b6: {  	[smem:$0x78D] =	sst s23;
	s23 =	sor.u32 s29, s21  }
0x2b7: {  	[smem:$0x78E] =	sst s23  }
0x2b8: {  	s23 =	sld [smem:$0x781]  }
0x2b9: {  	v35 =	vperm.xlane v54, v51;
	_ =	sdelay $0x1  }
0x2ba: {  	[smem:$0x783] =	sst s1;
	[tilespmem:s23+$0x6400] =	vst v35;
	s23 =	sor.u32 s29, s12  }
0x2bb: {  	[smem:$0x78F] =	sst s23;
	s23 =	sor.u32 s29, s22  }
0x2bc: {  	[smem:$0x790] =	sst s23;
	s23 =	sor.u32 s29, s8  }
0x2bd: {  	[smem:$0x791] =	sst s23  }
0x2be: {  	s1 =	sor.u32 s7, s13;
	s23 =	sld [smem:$0x782]  }
0x2bf: {  	v36 =	vperm.xlane v53, v51;
	[smem:$0x799] =	sst s1  }
0x2c0: {  	v38 =	vperm.xlane v52, v51;
	s14 =	sor.u32 s7, s17;
	s1 =	sld [smem:$0x77E]  }
0x2c1: {  	v39 =	vperm.xlane v49, v51;
	v40 =	vperm.xlane v37, v51;
	[smem:$0x7B8] =	sst s14;
	[tilespmem:s23+$0x6400] =	vst v36;
	s23 =	sor.u32 s29, s17  }
0x2c2: {  	v41 =	vperm.xlane v28, v51;
	v42 =	vperm.xlane v29, v51;
	[smem:$0x792] =	sst s23;
	s23 =	sor.u32 s29, s18  }
0x2c3: {  	v43 =	vperm.xlane v30, v51;
	v44 =	vperm.xlane v31, v51;
	[smem:$0x793] =	sst s23;
	s23 =	sor.u32 s29, s6  }
0x2c4: {  	v45 =	vperm.xlane v25, v51;
	v63 =	vperm.xlane v17, v51;
	[smem:$0x794] =	sst s23  }
0x2c5: {  	v61 =	vperm.xlane v7, v51;
	v55 =	vperm.xlane v5, v51;
	v32 =	vand.u32 $0xF, v4;
	s9 =	sor.u32 s7, s18;
	s23 =	sld [smem:$0x783]  }
0x2c6: {  	v57 =	vperm.xlane v62, v32;
	v27 =	vperm.xlane v58, v32;
	s14 =	sor.u32 s7, s6;
	[smem:$0x7A5] =	sst s9  }
0x2c7: {  	v26 =	vperm.xlane v54, v32;
	v4 =	vperm.xlane v52, v32;
	[smem:$0x789] =	sst s14  }
0x2c8: {  	v12 =	vperm.xlane v19, v32;
	v13 =	vperm.xlane v10, v32;
	s9 =	sor.u32 s7, s26;
	s14 =	sor.u32 s7, s28;
	s7 =	sor.u32 s29, s3;
	[tilespmem:s23+$0x6400] =	vst v38  }
0x2c9: {  	v48 =	vperm.xlane v53, v32;
	v46 =	vperm.xlane v49, v32;
	[smem:$0x7A2] =	sst s9;
	s9 =	sor.u32 s29, s15;
	[tilespmem:s7+$0x0] =	vst v39  }
0x2ca: {  	v11 =	vperm.xlane v21, v32;
	v51 =	vperm.xlane v59, v32;
	[smem:$0x7A3] =	sst s14;
	s14 =	sor.u32 s29, s24;
	[tilespmem:s9+$0x0] =	vst v40  }
0x2cb: {  	v16 =	vperm.xlane v16, v32;
	v50 =	vperm.xlane v60, v32;
	[tilespmem:s14+$0x0] =	vst v41;
	s14 =	sld [smem:$0x784]  }
0x2cc: {  	v0 =	vperm.xlane v23, v32;
	v1 =	vperm.xlane v31, v32  }
0x2cd: {  	v2 =	vperm.xlane v29, v32;
	v3 =	vperm.xlane v37, v32  }
0x2ce: {  	v47 =	vperm.xlane v56, v32;
	s11 =	sor.u32 s29, s1;
	v33 =	vperm.xlane v28, v32;
	[tilespmem:s14+$0x0] =	vst v42  }
0x2cf: {  	v34 =	vperm.xlane v30, v32;
	v35 =	vperm.xlane v25, v32;
	[tilespmem:s11+$0x0] =	vst v43;
	s11 =	sor.u32 s10, s19;
	s19 =	sor.u32 s10, s21;
	s21 =	sld [smem:$0x785]  }
0x2d0: {  	v36 =	vperm.xlane v24, v32;
	v38 =	vperm.xlane v22, v32  }
0x2d1: {  	v39 =	vperm.xlane v20, v32;
	v40 =	vperm.xlane v18, v32  }
0x2d2: {  	s3 =	sor.u32 s10, s3;
	v41 =	vperm.xlane v14, v32;
	v14 =	vperm.xlane v15, v32;
	[tilespmem:s21+$0x0] =	vst v44;
	s21 =	sor.u32 s10, s22;
	s22 =	sld [smem:$0x786]  }
0x2d3: {  	[smem:$0x79E] =	sst s3;
	s3 =	sor.u32 s10, s30;
	v15 =	vperm.xlane v6, v32;
	v42 =	vperm.xlane v9, v32  }
0x2d4: {  	s30 =	sor.u32 s10, s12;
	s12 =	sld [smem:$0x788];
	s23 =	sor.u32 s29, s25;
	v9 =	vld [tilespmem:$0x1FA40];
	v43 =	vperm.xlane v8, v32;
	v44 =	vperm.xlane v17, v32  }
0x2d5: {  	[smem:$0x795] =	sst s23;
	s23 =	sor.u32 s29, s26;
	s9 =	sor.u32 s10, s24;
	v17 =	vperm.xlane v7, v32;
	[tilespmem:s22+$0x0] =	vst v45;
	v45 =	vperm.xlane v5, v32;
	v32 =	vld [tilespmem:$0x1FA50]  }
0x2d6: {  	s24 =	sor.u32 s10, s2;
	s2 =	sor.u32 s10, s4;
	s4 =	sld [smem:$0x787]  }
0x2d7: {  	[smem:$0x796] =	sst s23;
	s23 =	sor.u32 s29, s28  }
0x2d8: {  	[smem:$0x797] =	sst s23;
	v8 =	vld [tilespmem:$0x1FA60]  }
0x2d9: {  	[smem:$0x7A0] =	sst s9;
	[tilespmem:s4+$0x0] =	vst v9;
	v9 =	vld [tilespmem:$0x1FA70]  }
0x2da: {  	s23 =	sor.u32 s10, s15;
	s14 =	sld [smem:$0x78B];
	[tilespmem:s12+$0x0] =	vst v32;
	v32 =	vld [tilespmem:$0x1FA80]  }
0x2db: {  	s15 =	sor.u32 s10, s0;
	s0 =	sor.u32 s10, s16;
	s16 =	sld [smem:$0x78C]  }
0x2dc: {  	s9 =	sor.u32 s10, s5;
	s5 =	sor.u32 s10, s20;
	s20 =	sld [smem:$0x78D]  }
0x2dd: {  	s7 =	sor.u32 s29, s31;
	[tilespmem:s14+$0x0] =	vst v8;
	v8 =	vld [tilespmem:$0x1FA90]  }
0x2de: {  	s22 =	sor.u32 s10, s17;
	s17 =	sor.u32 s10, s18;
	s18 =	sor.u32 s10, s26;
	[tilespmem:s16+$0x0] =	vst v9;
	v9 =	vld [tilespmem:$0x1FAA0]  }
0x2df: {  	s26 =	sor.u32 s10, s28;
	s28 =	sor.u32 s10, s31;
	s31 =	sld [smem:$0x78E];
	[tilespmem:s20+$0x0] =	vst v32;
	v32 =	vld [tilespmem:$0x1FAB0]  }
0x2e0: {  	s12 =	sld [smem:$0x78F]  }
0x2e1: {  	s14 =	sld [smem:$0x790]  }
0x2e2: {  	[tilespmem:s31+$0x0] =	vst v8;
	v8 =	vld [tilespmem:$0x1FAC0]  }
0x2e3: {  	[tilespmem:s12+$0x0] =	vst v9;
	v9 =	vld [tilespmem:$0x1FAD0]  }
0x2e4: {  	s16 =	sld [smem:$0x791];
	[tilespmem:s14+$0x0] =	vst v32;
	v32 =	vld [tilespmem:$0x1FAE0]  }
0x2e5: {  	s20 =	sld [smem:$0x792]  }
0x2e6: {  	s31 =	sld [smem:$0x793]  }
0x2e7: {  	[tilespmem:s16+$0x0] =	vst v8;
	v8 =	vld [tilespmem:$0x1FAF0]  }
0x2e8: {  	[tilespmem:s20+$0x0] =	vst v9;
	v9 =	vld [tilespmem:$0x1FB00]  }
0x2e9: {  	s12 =	sld [smem:$0x794];
	[tilespmem:s31+$0x0] =	vst v32;
	v32 =	vld [tilespmem:$0x1FB10]  }
0x2ea: {  	s14 =	sld [smem:$0x795]  }
0x2eb: {  	s16 =	sld [smem:$0x796]  }
0x2ec: {  	s20 =	sld [smem:$0x797];
	[tilespmem:s12+$0x0] =	vst v8  }
0x2ed: {  	[tilespmem:s14+$0x0] =	vst v9  }
0x2ee: {  	[tilespmem:s16+$0x0] =	vst v32  }
0x2ef: {  	[tilespmem:s20+$0x0] =	vst v63  }
0x2f0: {  	s29 =	sor.u32 s29, s13;
	[tilespmem:s7+$0x0] =	vst v61  }
0x2f1: {  	[tilespmem:s29+$0x0] =	vst v55;
	s29 =	sld [smem:$0x798];
	_ =	sdelay $0x2  }
0x2f2: {  	[smem:$0x79F] =	sst s23;
	[tilespmem:s29+$0x0] =	vst v57  }
0x2f3: {  	s31 =	sld [smem:$0x79A];
	[tilespmem:s29+$0x80] =	vst v50  }
0x2f4: {  	s12 =	sld [smem:$0x79B];
	[tilespmem:s29+$0x100] =	vst v51  }
0x2f5: {  	s14 =	sld [smem:$0x79C];
	[tilespmem:s29+$0x180] =	vst v27  }
0x2f6: {  	s16 =	sld [smem:$0x79D];
	[tilespmem:s31+$0x6400] =	vst v47  }
0x2f7: {  	s20 =	sld [smem:$0x79E];
	[tilespmem:s12+$0x6400] =	vst v26  }
0x2f8: {  	s29 =	sld [smem:$0x79F];
	[tilespmem:s14+$0x6400] =	vst v48  }
0x2f9: {  	s31 =	sld [smem:$0x7A0];
	[tilespmem:s16+$0x6400] =	vst v4  }
0x2fa: {  	[tilespmem:s20+$0x0] =	vst v46  }
0x2fb: {  	[tilespmem:s29+$0x0] =	vst v3  }
0x2fc: {  	[tilespmem:s31+$0x0] =	vst v33  }
0x2fd: {  	s23 =	sor.u32 s10, s1;
	[tilespmem:s15+$0x0] =	vst v2  }
0x2fe: {  	[tilespmem:s23+$0x0] =	vst v34  }
0x2ff: {  	[tilespmem:s24+$0x0] =	vst v1  }
0x300: {  	[tilespmem:s2+$0x0] =	vst v35  }
0x301: {  	[tilespmem:s9+$0x0] =	vst v36  }
0x302: {  	[tilespmem:s5+$0x0] =	vst v0  }
0x303: {  	[tilespmem:s0+$0x0] =	vst v38  }
0x304: {  	[tilespmem:s3+$0x0] =	vst v11  }
0x305: {  	[tilespmem:s11+$0x0] =	vst v39  }
0x306: {  	[tilespmem:s19+$0x0] =	vst v12  }
0x307: {  	[tilespmem:s30+$0x0] =	vst v40  }
0x308: {  	s8 =	sor.u32 s10, s8;
	s30 =	rddreg [dreg:$0x9];
	[tilespmem:s21+$0x0] =	vst v13  }
0x309: {  	s30 =	sadd.s32 $0x40, s30;
	[tilespmem:s8+$0x0] =	vst v41  }
0x30a: {  	s1 =	sor.u32 s10, s13;
	s13 =	sld [smem:$0x789];
	v0 =	vld [tilespmem:s30+$0x0];
	[tilespmem:s22+$0x0] =	vst v14  }
0x30b: {  	s6 =	sor.u32 s10, s6;
	s25 =	sor.u32 s10, s25;
	s10 =	sld [smem:$0x78A];
	[tilespmem:s17+$0x0] =	vst v42  }
0x30c: {  	s4 =	sld [smem:$0x799];
	[tilespmem:s6+$0x0] =	vst v15  }
0x30d: {  	s7 =	sld [smem:$0x7A7];
	[tilespmem:s25+$0x0] =	vst v43  }
0x30e: {  	s12 =	rddreg [dreg:$0x15];
	[tilespmem:s18+$0x0] =	vst v16  }
0x30f: {  	s14 =	sld [smem:$0x7A2];
	v32 =	vand.u32 $0xF, v0;
	[tilespmem:s26+$0x0] =	vst v44  }
0x310: {  	s16 =	sld [smem:$0x7A9];
	v0 =	vperm.xlane v62, v32;
	[tilespmem:s28+$0x0] =	vst v17  }
0x311: {  	s3 =	rddreg [dreg:$0x19];
	v1 =	vperm.xlane v60, v32;
	[tilespmem:s1+$0x0] =	vst v45  }
0x312: {  	s20 =	sld [smem:$0x7AC];
	[tilespmem:s3+$0x0] =	vst v0;
	v0 =	vperm.xlane v59, v32  }
0x313: {  	s29 =	sld [smem:$0x7B4];
	[tilespmem:s3+$0x80] =	vst v1;
	v1 =	vperm.xlane v58, v32  }
0x314: {  	s5 =	rddreg [dreg:$0x1d];
	[tilespmem:s3+$0x100] =	vst v0;
	v0 =	vperm.xlane v56, v32  }
0x315: {  	s11 =	sld [smem:$0x7A8];
	[tilespmem:s3+$0x180] =	vst v1;
	v1 =	vperm.xlane v54, v32  }
0x316: {  	s31 =	sld [smem:$0x7B5];
	[tilespmem:s5+$0x6400] =	vst v0;
	v0 =	vperm.xlane v53, v32  }
0x317: {  	s15 =	sld [smem:$0x7A1];
	[tilespmem:s7+$0x6400] =	vst v1;
	v1 =	vperm.xlane v52, v32  }
0x318: {  	s18 =	sld [smem:$0x7AA];
	[tilespmem:s11+$0x6400] =	vst v0;
	v0 =	vperm.xlane v49, v32  }
0x319: {  	s19 =	sld [smem:$0x7AB];
	[tilespmem:s12+$0x6400] =	vst v1;
	v1 =	vperm.xlane v37, v32  }
0x31a: {  	s23 =	sld [smem:$0x7AF];
	[tilespmem:s16+$0x0] =	vst v0;
	v0 =	vperm.xlane v28, v32  }
0x31b: {  	s21 =	sld [smem:$0x7AD];
	[tilespmem:s18+$0x0] =	vst v1;
	v1 =	vperm.xlane v29, v32  }
0x31c: {  	s22 =	sld [smem:$0x7AE];
	[tilespmem:s19+$0x0] =	vst v0;
	v0 =	vperm.xlane v30, v32  }
0x31d: {  	s24 =	sld [smem:$0x7B0];
	[tilespmem:s20+$0x0] =	vst v1;
	v1 =	vperm.xlane v31, v32  }
0x31e: {  	s2 =	sld [smem:$0x7A6];
	[tilespmem:s21+$0x0] =	vst v0;
	v0 =	vperm.xlane v25, v32  }
0x31f: {  	s25 =	sld [smem:$0x7B1];
	[tilespmem:s22+$0x0] =	vst v1;
	v1 =	vperm.xlane v24, v32  }
0x320: {  	s26 =	sld [smem:$0x7B2];
	[tilespmem:s23+$0x0] =	vst v0;
	v0 =	vperm.xlane v23, v32  }
0x321: {  	s28 =	sld [smem:$0x7B3];
	[tilespmem:s24+$0x0] =	vst v1;
	v1 =	vperm.xlane v22, v32  }
.Ltmp1:
0x322: {  	s9 =	sld [smem:$0x7A3];
	[tilespmem:s25+$0x0] =	vst v0;
	v0 =	vperm.xlane v21, v32;
	(pc) =	sbr.rel @p1 .LBB2_5-.Ltmp1, $4  }
0x323: {  	s0 =	rddreg [dreg:$0x11];
	[tilespmem:s26+$0x0] =	vst v1;
	v1 =	vperm.xlane v20, v32  }
0x324: {  	s8 =	sld [smem:$0x7A4];
	[tilespmem:s28+$0x0] =	vst v0;
	v0 =	vperm.xlane v19, v32  }
0x325: {  	s17 =	sld [smem:$0x7A5];
	[tilespmem:s29+$0x0] =	vst v1  }
0x326: {  	s0 =	sadd.s32 $0x40, s0;
	s6 =	rddreg [dreg:$0xd];
	v1 =	vperm.xlane v18, v32;
	[tilespmem:s31+$0x0] =	vst v0;
	v0 =	vperm.xlane v10, v32  }
0x327: {  	_ = 	snop  }
0x328: {  	[tilespmem:s10+$0x0] =	vst v1  }
0x329: {  	v1 =	vld [tilespmem:$0x1FB20];
	_ =	sdelay $0x2  }
0x32a: {  	[tilespmem:s2+$0x0] =	vst v0  }
0x32b: {  	s0 =	sld [smem:$0x7B7]  }
0x32c: {  	v1 =	vperm.xlane v1, v32;
	_ =	sdelay $0x1  }
0x32d: {  	v0 =	vld [tilespmem:$0x1FB30];
	[tilespmem:s0+$0x0] =	vst v1  }
0x32e: {  	v1 =	vld [tilespmem:$0x1FB40];
	_ =	sdelay $0x2  }
0x32f: {  	s0 =	sld [smem:$0x7B8]  }
0x330: {  	v0 =	vperm.xlane v0, v32  }
0x331: {  	v1 =	vperm.xlane v1, v32  }
0x332: {  	[tilespmem:s0+$0x0] =	vst v0  }
0x333: {  	v0 =	vld [tilespmem:$0x1FB50];
	[tilespmem:s17+$0x0] =	vst v1  }
0x334: {  	v1 =	vld [tilespmem:$0x1FB60];
	_ =	sdelay $0x3  }
0x335: {  	v0 =	vperm.xlane v0, v32  }
0x336: {  	v1 =	vperm.xlane v1, v32  }
0x337: {  	[tilespmem:s13+$0x0] =	vst v0  }
0x338: {  	v0 =	vld [tilespmem:$0x1FB70];
	[tilespmem:s15+$0x0] =	vst v1  }
0x339: {  	v1 =	vld [tilespmem:$0x1FB80];
	_ =	sdelay $0x3  }
0x33a: {  	v0 =	vperm.xlane v0, v32  }
0x33b: {  	v1 =	vperm.xlane v1, v32  }
0x33c: {  	[tilespmem:s14+$0x0] =	vst v0  }
0x33d: {  	v0 =	vld [tilespmem:$0x1FB90];
	[tilespmem:s9+$0x0] =	vst v1  }
0x33e: {  	v1 =	vld [tilespmem:$0x1FBA0];
	_ =	sdelay $0x3  }
0x33f: {  	v0 =	vperm.xlane v0, v32  }
0x340: {  	v1 =	vperm.xlane v1, v32  }
0x341: {  	[tilespmem:s8+$0x0] =	vst v0  }
0x342: {  	[tilespmem:s4+$0x0] =	vst v1  }
0x343: {  	s0 =	sld [smem:$0x7FC]  }
0x344: {  	s1 =	sld [smem:$0x7B6];
	_ =	sdelay $0x1  }
0x345: {  	s3 =	simm.s32 $0x6400;
	s10 =	simm.s32 $0x20000  }
0x346: {  	s9 =	simm.s32 $0x1000;
	s11 =	sld [smem:$0x7F7];
	s0 =	sadd.s32 s1, s0  }
0x347: {  	[hbm4b:s0+s9] =	stream.strided.scatter [tilespmem:s3], [sflag:$0x2], $0x4000, s10, s9, $0x38;
	[tilespmem:$0xA400] =	vst v63  }
0x348: {  	s0 =	sld [smem:$0x7F8];
	_ =	sdelay $0x1  }
0x349: {  	p0 =	seq.s32 s11, $0x63  }
0x34a: {  	s0 =	sadd.s32 @!p0 $0x2, s0  }
0x34b: {  	s1 =	sshll.u32 @!p0 s0, $0x7;
	s0 =	sshll.u32 @!p0 s0, $0xE  }
0x34c: {  	s1 =	sand.u32 @!p0 $0x300, s1;
	s0 =	sand.u32 @!p0 $0x7E0000, s0  }
0x34d: {  	s0 =	sor.u32 @!p0 s0, s1;
	s1 =	sld [smem:$0x7FA];
	_ =	sdelay $0x2  }
0x34e: {  	s12 =	simm.s32 $0x4;
	s0 =	sor.u32 @!p0 s1, s0  }
0x34f: {  	s2 =	simm.s32 @!p0 $0x400;
	s1 =	rddreg [dreg:$0x1];
	s0 =	sshrl.u32 @!p0 s0, $0x3  }
0x350: {  	s3 =	simm.s32 @!p0 $0x2000;
	s0 =	sadd.s32 @!p0 s1, s0;
	s1 =	simm.s32 @!p0 $0x80  }
0x351: {  	[tilespmem:s3], [sflag:$0x3] =	stream.strided.gather @!p0 [hbm4b:s0+s1], $0x200, s2, s1, $0x38;
	[tilespmem:$0xA400] =	vst v63  }
0x352: {  	_ =	swait.ge [sflag:s12], $0x200  }
0x353: {  	[sflag:s12] =	ssyncset.done $0x0  }
0x354: {  	s13 =	simm.s32 $0x1;
	[sflag:s12] =	ssyncadd.s32 $0xFFFFFE00  }
0x355: {  	_ =	swait.ge [sflag:s13], $0x4000  }
0x356: {  	[sflag:s13] =	ssyncset.done $0x0  }
0x357: {  	[sflag:s13] =	ssyncadd.s32 $0xFFFFC000  }
0x358: {  	v4 =	vld [tilespmem:$0x0]  }
0x359: {  	v5 =	vld [tilespmem:$0x80]  }
0x35a: {  	v6 =	vld [tilespmem:$0x100]  }
0x35b: {  	v7 =	vld [tilespmem:$0x180]  }
0x35c: {  	v8 =	vld [tilespmem:$0x200]  }
0x35d: {  	v9 =	vld [tilespmem:$0x280]  }
0x35e: {  	v10 =	vld [tilespmem:$0x300]  }
0x35f: {  	v11 =	vld [tilespmem:$0x380]  }
0x360: {  	v12 =	vld [tilespmem:$0x400]  }
0x361: {  	v13 =	vld [tilespmem:$0x480]  }
0x362: {  	v14 =	vld [tilespmem:$0x500]  }
0x363: {  	v15 =	vld [tilespmem:$0x580]  }
0x364: {  	v16 =	vld [tilespmem:$0x600]  }
0x365: {  	v17 =	vld [tilespmem:$0x680]  }
0x366: {  	v18 =	vld [tilespmem:$0x700]  }
0x367: {  	v19 =	vld [tilespmem:$0x780]  }
0x368: {  	v20 =	vld [tilespmem:$0x800]  }
0x369: {  	v21 =	vld [tilespmem:$0x880]  }
0x36a: {  	v22 =	vld [tilespmem:$0x900]  }
0x36b: {  	v23 =	vld [tilespmem:$0x980]  }
0x36c: {  	s14 =	simm.s32 $0x0;
	v24 =	vld [tilespmem:$0xA00]  }
0x36d: {  	s0 =	sand.u32 $0x40, s14;
	s1 =	sand.u32 $0x180, s14;
	v25 =	vld [tilespmem:$0xA80]  }
0x36e: {  	s25 =	sor.u32 $0x2200, s1;
	s2 =	sor.u32 $0x30, s0;
	v29 =	vld [tilespmem:$0xB00]  }
0x36f: {  	s1 =	sor.u32 s2, s25;
	v30 =	vld [tilespmem:$0xB80]  }
0x370: {  	v0 =	vld [tilespmem:s1+$0x0]  }
0x371: {  	v63 =	vld [tilespmem:$0xC00]  }
0x372: {  	v35 =	vld [tilespmem:$0xC80]  }
0x373: {  	v33 =	vld [tilespmem:$0xD00]  }
0x374: {  	s15 =	simm.s32 $0x0;
	v31 =	vld [tilespmem:$0xD80]  }
0x375: {  	s30 =	sand.u32 $0xC00, s15;
	v27 =	vld [tilespmem:$0xE00];
	v0 =	vand.u32 $0xF, v0  }
0x376: {  	p0 =	por $0x0, $0x0;
	s3 =	sadd.s32 $0x2400, s30;
	v26 =	vld [tilespmem:$0xE80];
	s1 =	simm.s32 $0x1;
	v1 =	vperm.xlane v4, v0  }
0x377: {  	s16 =	sor.u32 s2, s3;
	v28 =	vld [tilespmem:$0xF00];
	s1 =	simm.s32 @!p0 $0x0;
	v2 =	vperm.xlane v5, v0  }
0x378: {  	v34 =	vld [tilespmem:$0xF80];
	s1 =	sshll.u32 s1, $0x6;
	[tilespmem:s16+$0x0] =	vst v1;
	v1 =	vperm.xlane v6, v0  }
0x379: {  	s1 =	sadd.s32 $0x0, s1;
	[tilespmem:s16+$0x80] =	vst v2;
	v2 =	vperm.xlane v7, v0  }
0x37a: {  	s5 =	sadd.s32 $0x30, s1;
	[tilespmem:s16+$0x100] =	vst v1;
	v1 =	vperm.xlane v8, v0  }
0x37b: {  	s17 =	sor.u32 $0x200, s5;
	[tilespmem:s16+$0x180] =	vst v2;
	v2 =	vperm.xlane v9, v0  }
0x37c: {  	s18 =	sor.u32 $0x280, s5;
	[tilespmem:s17+$0x2400] =	vst v1;
	v1 =	vperm.xlane v10, v0  }
0x37d: {  	s6 =	sor.u32 $0x300, s5;
	[tilespmem:s18+$0x2400] =	vst v2;
	v2 =	vperm.xlane v11, v0  }
0x37e: {  	s4 =	sadd.s32 $0x3400, s30;
	s19 =	sor.u32 $0x380, s5;
	[tilespmem:s6+$0x2400] =	vst v1;
	v1 =	vperm.xlane v12, v0  }
0x37f: {  	s20 =	sor.u32 s2, s4;
	s5 =	sadd.s32 $0x3480, s30;
	[tilespmem:s19+$0x2400] =	vst v2;
	v2 =	vperm.xlane v13, v0  }
0x380: {  	s9 =	sadd.s32 $0x3500, s30;
	s7 =	sor.u32 s2, s5;
	[tilespmem:s20+$0x0] =	vst v1;
	v1 =	vperm.xlane v14, v0  }
0x381: {  	s21 =	sor.u32 s2, s9;
	s6 =	sadd.s32 $0x3580, s30;
	[tilespmem:s7+$0x0] =	vst v2;
	v2 =	vperm.xlane v15, v0  }
0x382: {  	s8 =	sadd.s32 $0x3600, s30;
	s22 =	sor.u32 s2, s6;
	[tilespmem:s21+$0x0] =	vst v1;
	v1 =	vperm.xlane v16, v0  }
0x383: {  	s11 =	sadd.s32 $0x3680, s30;
	s23 =	sor.u32 s2, s8;
	[tilespmem:s22+$0x0] =	vst v2;
	v2 =	vperm.xlane v17, v0  }
0x384: {  	s10 =	sadd.s32 $0x3700, s30;
	s24 =	sor.u32 s2, s11;
	[tilespmem:s23+$0x0] =	vst v1;
	v1 =	vperm.xlane v18, v0  }
0x385: {  	s14 =	sadd.s32 $0x3780, s30;
	s26 =	sor.u32 s2, s10;
	[tilespmem:s24+$0x0] =	vst v2;
	v2 =	vperm.xlane v19, v0  }
0x386: {  	s28 =	sor.u32 s2, s14;
	s12 =	sadd.s32 $0x4400, s30;
	[tilespmem:s26+$0x0] =	vst v1;
	v1 =	vperm.xlane v20, v0  }
0x387: {  	s29 =	sor.u32 s2, s12;
	s13 =	sadd.s32 $0x4480, s30;
	[tilespmem:s28+$0x0] =	vst v2;
	v2 =	vperm.xlane v21, v0  }
0x388: {  	s15 =	sadd.s32 $0x4500, s30;
	s16 =	sor.u32 s2, s13;
	[tilespmem:s29+$0x0] =	vst v1;
	v1 =	vperm.xlane v22, v0  }
0x389: {  	s17 =	sor.u32 s2, s15;
	s24 =	sadd.s32 $0x4580, s30;
	[tilespmem:s16+$0x0] =	vst v2;
	v2 =	vperm.xlane v23, v0  }
0x38a: {  	s19 =	sadd.s32 $0x4600, s30;
	s18 =	sor.u32 s2, s24;
	[tilespmem:s17+$0x0] =	vst v1;
	v1 =	vperm.xlane v24, v0  }
0x38b: {  	s20 =	sor.u32 s2, s19;
	s17 =	sadd.s32 $0x4680, s30;
	[tilespmem:s18+$0x0] =	vst v2;
	v2 =	vperm.xlane v25, v0  }
0x38c: {  	s18 =	sadd.s32 $0x4700, s30;
	s21 =	sor.u32 s2, s17;
	[tilespmem:s20+$0x0] =	vst v1;
	v1 =	vperm.xlane v29, v0  }
0x38d: {  	s23 =	sadd.s32 $0x4780, s30;
	s22 =	sor.u32 s2, s18;
	[tilespmem:s21+$0x0] =	vst v2;
	v2 =	vperm.xlane v30, v0  }
0x38e: {  	s26 =	sor.u32 s2, s23;
	s28 =	sor.u32 $0x10, s0;
	s20 =	sadd.s32 $0x5400, s30;
	[tilespmem:s22+$0x0] =	vst v1;
	v1 =	vperm.xlane v63, v0  }
0x38f: {  	s29 =	sor.u32 s28, s25;
	s21 =	sadd.s32 $0x5480, s30;
	s16 =	sor.u32 s2, s20;
	[tilespmem:s26+$0x0] =	vst v2;
	v2 =	vperm.xlane v35, v0  }
0x390: {  	v3 =	vld [tilespmem:s29+$0x0];
	s22 =	sadd.s32 $0x5500, s30;
	[tilespmem:s16+$0x0] =	vst v1;
	v1 =	vperm.xlane v33, v0;
	s16 =	sor.u32 s2, s21  }
0x391: {  	s7 =	sadd.s32 $0x5580, s30;
	s26 =	sor.u32 s2, s22;
	[tilespmem:s16+$0x0] =	vst v2;
	v2 =	vperm.xlane v31, v0  }
0x392: {  	s16 =	sadd.s32 $0x5600, s30;
	[tilespmem:s26+$0x0] =	vst v1;
	v1 =	vperm.xlane v27, v0;
	s26 =	sor.u32 s2, s7  }
0x393: {  	s29 =	sor.u32 s2, s16;
	[tilespmem:s26+$0x0] =	vst v2;
	v2 =	vperm.xlane v26, v0;
	s26 =	sadd.s32 $0x5680, s30  }
0x394: {  	[tilespmem:s29+$0x0] =	vst v1;
	v1 =	vperm.xlane v28, v0;
	s29 =	sadd.s32 $0x5700, s30;
	s31 =	sor.u32 s2, s26  }
0x395: {  	s30 =	sadd.s32 $0x5780, s30;
	v0 =	vperm.xlane v34, v0;
	[tilespmem:s31+$0x0] =	vst v2;
	v2 =	vand.u32 $0xF, v3;
	s31 =	sor.u32 s2, s29  }
0x396: {  	s2 =	sor.u32 s2, s30;
	[tilespmem:s31+$0x0] =	vst v1;
	v1 =	vperm.xlane v4, v2  }
0x397: {  	v3 =	vperm.xlane v6, v2;
	[tilespmem:s2+$0x0] =	vst v0;
	s2 =	sor.u32 s28, s3  }
0x398: {  	v0 =	vperm.xlane v5, v2;
	[tilespmem:s2+$0x0] =	vst v1  }
0x399: {  	v1 =	vperm.xlane v7, v2;
	[tilespmem:s2+$0x100] =	vst v3  }
0x39a: {  	s31 =	sadd.s32 $0x10, s1;
	[tilespmem:s2+$0x80] =	vst v0;
	v0 =	vperm.xlane v8, v2  }
0x39b: {  	[tilespmem:s2+$0x180] =	vst v1;
	v1 =	vperm.xlane v9, v2;
	s2 =	sor.u32 $0x200, s31  }
0x39c: {  	[tilespmem:s2+$0x2400] =	vst v0;
	v0 =	vperm.xlane v10, v2;
	s2 =	sor.u32 $0x280, s31  }
0x39d: {  	[tilespmem:s2+$0x2400] =	vst v1;
	v1 =	vperm.xlane v11, v2;
	s2 =	sor.u32 $0x300, s31  }
0x39e: {  	[tilespmem:s2+$0x2400] =	vst v0;
	s2 =	sor.u32 $0x380, s31;
	v0 =	vperm.xlane v12, v2  }
0x39f: {  	[tilespmem:s2+$0x2400] =	vst v1;
	v1 =	vperm.xlane v13, v2;
	s2 =	sor.u32 s28, s4  }
0x3a0: {  	[tilespmem:s2+$0x0] =	vst v0;
	v0 =	vperm.xlane v14, v2;
	s2 =	sor.u32 s28, s5  }
0x3a1: {  	[tilespmem:s2+$0x0] =	vst v1;
	v1 =	vperm.xlane v15, v2;
	s2 =	sor.u32 s28, s9  }
0x3a2: {  	[tilespmem:s2+$0x0] =	vst v0;
	v0 =	vperm.xlane v16, v2;
	s2 =	sor.u32 s28, s6  }
0x3a3: {  	[tilespmem:s2+$0x0] =	vst v1;
	v1 =	vperm.xlane v17, v2;
	s2 =	sor.u32 s28, s8  }
0x3a4: {  	[tilespmem:s2+$0x0] =	vst v0;
	v0 =	vperm.xlane v18, v2;
	s2 =	sor.u32 s28, s11  }
0x3a5: {  	[tilespmem:s2+$0x0] =	vst v1;
	v1 =	vperm.xlane v19, v2;
	s2 =	sor.u32 s28, s10  }
0x3a6: {  	[tilespmem:s2+$0x0] =	vst v0;
	v0 =	vperm.xlane v20, v2;
	s2 =	sor.u32 s28, s14  }
0x3a7: {  	[tilespmem:s2+$0x0] =	vst v1;
	v1 =	vperm.xlane v21, v2;
	s2 =	sor.u32 s28, s12  }
0x3a8: {  	[tilespmem:s2+$0x0] =	vst v0;
	v0 =	vperm.xlane v22, v2;
	s2 =	sor.u32 s28, s13  }
0x3a9: {  	[tilespmem:s2+$0x0] =	vst v1;
	v1 =	vperm.xlane v23, v2;
	s2 =	sor.u32 s28, s15  }
0x3aa: {  	[tilespmem:s2+$0x0] =	vst v0;
	v0 =	vperm.xlane v24, v2;
	s2 =	sor.u32 s28, s24  }
0x3ab: {  	[tilespmem:s2+$0x0] =	vst v1;
	v1 =	vperm.xlane v25, v2;
	s2 =	sor.u32 s28, s19  }
0x3ac: {  	[tilespmem:s2+$0x0] =	vst v0;
	v0 =	vperm.xlane v29, v2;
	s2 =	sor.u32 s28, s17  }
0x3ad: {  	[tilespmem:s2+$0x0] =	vst v1;
	v1 =	vperm.xlane v30, v2;
	s2 =	sor.u32 s28, s18  }
0x3ae: {  	s31 =	sor.u32 s28, s23;
	[tilespmem:s2+$0x0] =	vst v0;
	v0 =	vperm.xlane v63, v2;
	s2 =	sor.u32 $0x20, s0  }
0x3af: {  	[tilespmem:s31+$0x0] =	vst v1;
	s25 =	sor.u32 s2, s25;
	v1 =	vperm.xlane v35, v2;
	s31 =	sor.u32 s28, s20  }
0x3b0: {  	v3 =	vld [tilespmem:s25+$0x0];
	[tilespmem:s31+$0x0] =	vst v0;
	v0 =	vperm.xlane v33, v2;
	s25 =	sor.u32 s28, s21  }
0x3b1: {  	[tilespmem:s25+$0x0] =	vst v1;
	v1 =	vperm.xlane v31, v2;
	s25 =	sor.u32 s28, s22  }
0x3b2: {  	[tilespmem:s25+$0x0] =	vst v0;
	v0 =	vperm.xlane v27, v2;
	s25 =	sor.u32 s28, s7  }
0x3b3: {  	[tilespmem:s25+$0x0] =	vst v1;
	v1 =	vperm.xlane v26, v2;
	s25 =	sor.u32 s28, s16  }
0x3b4: {  	[tilespmem:s25+$0x0] =	vst v0;
	v0 =	vperm.xlane v28, v2;
	s25 =	sor.u32 s28, s26  }
0x3b5: {  	v2 =	vperm.xlane v34, v2;
	[tilespmem:s25+$0x0] =	vst v1;
	v1 =	vand.u32 $0xF, v3;
	s25 =	sor.u32 s28, s29  }
0x3b6: {  	s28 =	sor.u32 s28, s30;
	[tilespmem:s25+$0x0] =	vst v0;
	v0 =	vperm.xlane v4, v1  }
0x3b7: {  	s25 =	sor.u32 s2, s3;
	v3 =	vperm.xlane v6, v1;
	[tilespmem:s28+$0x0] =	vst v2  }
0x3b8: {  	v2 =	vperm.xlane v5, v1;
	[tilespmem:s25+$0x0] =	vst v0  }
0x3b9: {  	v0 =	vperm.xlane v7, v1;
	[tilespmem:s25+$0x100] =	vst v3  }
0x3ba: {  	s28 =	sadd.s32 $0x20, s1;
	[tilespmem:s25+$0x80] =	vst v2;
	v2 =	vperm.xlane v8, v1  }
0x3bb: {  	[tilespmem:s25+$0x180] =	vst v0;
	v0 =	vperm.xlane v9, v1;
	s25 =	sor.u32 $0x200, s28  }
0x3bc: {  	[tilespmem:s25+$0x2400] =	vst v2;
	v2 =	vperm.xlane v10, v1;
	s25 =	sor.u32 $0x280, s28  }
0x3bd: {  	[tilespmem:s25+$0x2400] =	vst v0;
	v0 =	vperm.xlane v11, v1;
	s25 =	sor.u32 $0x300, s28  }
0x3be: {  	s28 =	sor.u32 $0x380, s28;
	[tilespmem:s25+$0x2400] =	vst v2;
	v2 =	vperm.xlane v12, v1  }
0x3bf: {  	[tilespmem:s28+$0x2400] =	vst v0;
	v0 =	vperm.xlane v13, v1;
	s28 =	sor.u32 s2, s4  }
0x3c0: {  	[tilespmem:s28+$0x0] =	vst v2;
	v2 =	vperm.xlane v14, v1;
	s28 =	sor.u32 s2, s5  }
0x3c1: {  	[tilespmem:s28+$0x0] =	vst v0;
	v0 =	vperm.xlane v15, v1;
	s28 =	sor.u32 s2, s9  }
0x3c2: {  	[tilespmem:s28+$0x0] =	vst v2;
	v2 =	vperm.xlane v16, v1;
	s28 =	sor.u32 s2, s6  }
0x3c3: {  	[tilespmem:s28+$0x0] =	vst v0;
	v0 =	vperm.xlane v17, v1;
	s28 =	sor.u32 s2, s8  }
0x3c4: {  	[tilespmem:s28+$0x0] =	vst v2;
	v2 =	vperm.xlane v18, v1;
	s28 =	sor.u32 s2, s11  }
0x3c5: {  	[tilespmem:s28+$0x0] =	vst v0;
	v0 =	vperm.xlane v19, v1;
	s28 =	sor.u32 s2, s10  }
0x3c6: {  	[tilespmem:s28+$0x0] =	vst v2;
	v2 =	vperm.xlane v20, v1;
	s28 =	sor.u32 s2, s14  }
0x3c7: {  	[tilespmem:s28+$0x0] =	vst v0;
	v0 =	vperm.xlane v21, v1;
	s28 =	sor.u32 s2, s12  }
0x3c8: {  	[tilespmem:s28+$0x0] =	vst v2;
	v2 =	vperm.xlane v22, v1;
	s28 =	sor.u32 s2, s13  }
0x3c9: {  	[tilespmem:s28+$0x0] =	vst v0;
	v0 =	vperm.xlane v23, v1;
	s28 =	sor.u32 s2, s15  }
0x3ca: {  	[tilespmem:s28+$0x0] =	vst v2;
	v2 =	vperm.xlane v24, v1;
	s28 =	sor.u32 s2, s24  }
0x3cb: {  	[tilespmem:s28+$0x0] =	vst v0;
	v0 =	vperm.xlane v25, v1;
	s28 =	sor.u32 s2, s19  }
0x3cc: {  	[tilespmem:s28+$0x0] =	vst v2;
	s28 =	sor.u32 s2, s17  }
0x3cd: {  	v2 =	vperm.xlane v29, v1;
	[tilespmem:s28+$0x0] =	vst v0  }
0x3ce: {  	s28 =	sor.u32 s2, s18;
	[tilespmem:$0x1F840] =	vst v30  }
0x3cf: {  	v0 =	vperm.xlane v30, v1;
	[tilespmem:s28+$0x0] =	vst v2  }
0x3d0: {  	s28 =	sor.u32 s2, s23;
	[tilespmem:$0x1F850] =	vst v63  }
0x3d1: {  	v2 =	vperm.xlane v63, v1;
	[tilespmem:s28+$0x0] =	vst v0  }
0x3d2: {  	s28 =	sor.u32 s2, s20;
	[tilespmem:$0x1F860] =	vst v35  }
0x3d3: {  	v0 =	vperm.xlane v35, v1;
	[tilespmem:s28+$0x0] =	vst v2  }
0x3d4: {  	s28 =	sor.u32 s2, s21;
	[tilespmem:$0x1F870] =	vst v33  }
0x3d5: {  	s31 =	simm.s32 $0x2200;
	v2 =	vperm.xlane v33, v1;
	[tilespmem:s28+$0x0] =	vst v0  }
0x3d6: {  	v3 =	vld [tilespmem:s31+$0x0];
	s28 =	sor.u32 s2, s22;
	[tilespmem:$0x1F880] =	vst v31  }
0x3d7: {  	v0 =	vperm.xlane v31, v1;
	[tilespmem:s28+$0x0] =	vst v2  }
0x3d8: {  	s28 =	sor.u32 s2, s7;
	[tilespmem:$0x1F890] =	vst v27  }
0x3d9: {  	v2 =	vperm.xlane v27, v1;
	[tilespmem:s28+$0x0] =	vst v0  }
0x3da: {  	s28 =	sor.u32 s2, s16;
	[tilespmem:$0x1F8A0] =	vst v26  }
0x3db: {  	v0 =	vperm.xlane v26, v1;
	[tilespmem:s28+$0x0] =	vst v2  }
0x3dc: {  	s28 =	sor.u32 s2, s26;
	[tilespmem:$0x1F8B0] =	vst v28  }
0x3dd: {  	v2 =	vperm.xlane v28, v1;
	[tilespmem:s28+$0x0] =	vst v0  }
0x3de: {  	s28 =	sor.u32 s2, s29;
	[tilespmem:$0x1F8C0] =	vst v34  }
0x3df: {  	v0 =	vperm.xlane v34, v1;
	[tilespmem:s28+$0x0] =	vst v2  }
0x3e0: {  	v32 =	vand.u32 $0xF, v3;
	s2 =	sor.u32 s2, s30;
	[tilespmem:$0x1F8D0] =	vst v4  }
0x3e1: {  	v1 =	vperm.xlane v4, v32;
	[tilespmem:s2+$0x0] =	vst v0  }
0x3e2: {  	s25 =	sor.u32 s0, s3;
	[tilespmem:$0x1F8E0] =	vst v5  }
0x3e3: {  	v0 =	vperm.xlane v5, v32;
	[tilespmem:s25+$0x0] =	vst v1  }
0x3e4: {  	[tilespmem:$0x1F8F0] =	vst v6  }
0x3e5: {  	v1 =	vperm.xlane v6, v32;
	[tilespmem:s25+$0x80] =	vst v0  }
0x3e6: {  	[tilespmem:$0x1F900] =	vst v7  }
0x3e7: {  	v0 =	vperm.xlane v7, v32;
	[tilespmem:s25+$0x100] =	vst v1  }
0x3e8: {  	[tilespmem:$0x1F910] =	vst v8  }
0x3e9: {  	v1 =	vperm.xlane v8, v32;
	[tilespmem:s25+$0x180] =	vst v0  }
0x3ea: {  	s28 =	sor.u32 $0x200, s1;
	[tilespmem:$0x1F920] =	vst v9  }
0x3eb: {  	v0 =	vperm.xlane v9, v32;
	[tilespmem:s28+$0x2400] =	vst v1  }
0x3ec: {  	s3 =	sor.u32 $0x280, s1;
	[tilespmem:$0x1F930] =	vst v10  }
0x3ed: {  	s25 =	simm.s32 $0x0;
	v1 =	vperm.xlane v10, v32;
	[tilespmem:s3+$0x2400] =	vst v0  }
0x3ee: {  	s1 =	sor.u32 $0x300, s1;
	s28 =	simm.s32 $0x0;
	[tilespmem:$0x1F940] =	vst v11;
	[dreg:$0x6] =	wrdreg s25  }
0x3ef: {  	s2 =	sor.u32 s28, s28;
	v0 =	vperm.xlane v11, v32;
	[tilespmem:s1+$0x2400] =	vst v1  }
0x3f0: {  	s2 =	sor.u32 $0x380, s2;
	[tilespmem:$0x1F950] =	vst v12  }
0x3f1: {  	v1 =	vperm.xlane v12, v32;
	[tilespmem:s2+$0x2400] =	vst v0  }
0x3f2: {  	s3 =	sor.u32 s0, s4;
	[tilespmem:$0x1F960] =	vst v13  }
0x3f3: {  	v0 =	vperm.xlane v13, v32;
	[tilespmem:s3+$0x0] =	vst v1  }
0x3f4: {  	s4 =	sor.u32 s0, s5;
	[tilespmem:$0x1F970] =	vst v14  }
0x3f5: {  	v1 =	vperm.xlane v14, v32;
	[tilespmem:s4+$0x0] =	vst v0  }
0x3f6: {  	s5 =	sor.u32 s0, s9;
	[tilespmem:$0x1F980] =	vst v15  }
0x3f7: {  	v0 =	vperm.xlane v15, v32;
	[tilespmem:s5+$0x0] =	vst v1  }
0x3f8: {  	s6 =	sor.u32 s0, s6;
	[tilespmem:$0x1F990] =	vst v16  }
0x3f9: {  	v1 =	vperm.xlane v16, v32;
	[tilespmem:s6+$0x0] =	vst v0  }
0x3fa: {  	s8 =	sor.u32 s0, s8;
	[tilespmem:$0x1F9A0] =	vst v17  }
0x3fb: {  	v0 =	vperm.xlane v17, v32;
	[tilespmem:s8+$0x0] =	vst v1  }
0x3fc: {  	s9 =	sor.u32 s0, s11;
	[tilespmem:$0x1F9B0] =	vst v18  }
0x3fd: {  	v1 =	vperm.xlane v18, v32;
	[tilespmem:s9+$0x0] =	vst v0  }
0x3fe: {  	s10 =	sor.u32 s0, s10;
	[tilespmem:$0x1F9C0] =	vst v19  }
0x3ff: {  	v0 =	vperm.xlane v19, v32;
	[tilespmem:s10+$0x0] =	vst v1  }
0x400: {  	s11 =	sor.u32 s0, s14;
	[tilespmem:$0x1F9D0] =	vst v20  }
0x401: {  	v1 =	vperm.xlane v20, v32;
	[tilespmem:s11+$0x0] =	vst v0  }
0x402: {  	s12 =	sor.u32 s0, s12;
	[tilespmem:$0x1F9E0] =	vst v21  }
0x403: {  	v0 =	vperm.xlane v21, v32;
	[tilespmem:s12+$0x0] =	vst v1  }
0x404: {  	s14 =	sor.u32 s0, s13;
	[tilespmem:$0x1F9F0] =	vst v22  }
0x405: {  	s28 =	sor.u32 s0, s20;
	v1 =	vperm.xlane v22, v32;
	[tilespmem:s14+$0x0] =	vst v0  }
0x406: {  	s15 =	sor.u32 s0, s15;
	[smem:$0x77C] =	sst s28;
	[tilespmem:$0x1FA00] =	vst v23  }
0x407: {  	v0 =	vperm.xlane v23, v32;
	[tilespmem:s15+$0x0] =	vst v1  }
0x408: {  	s24 =	sor.u32 s0, s24;
	s13 =	sor.u32 s0, s16;
	[tilespmem:$0x1FA10] =	vst v24  }
0x409: {  	v2 =	vperm.xlane v24, v32;
	s25 =	sor.u32 s0, s19;
	s2 =	sor.u32 s0, s18;
	s3 =	sor.u32 s0, s22;
	[tilespmem:s24+$0x0] =	vst v0  }
0x40a: {  	s5 =	sor.u32 s0, s30;
	s6 =	simm.s32 $0x0;
	s8 =	sor.u32 s0, s29;
	[tilespmem:$0x1FA20] =	vst v25  }
0x40b: {  	s9 =	sor.u32 s0, s26;
	s10 =	sor.u32 s0, s17;
	s11 =	sor.u32 s0, s23;
	[tilespmem:s25+$0x0] =	vst v2  }
0x40c: {  	s14 =	sor.u32 s0, s7;
	s15 =	sor.u32 s0, s21;
	v1 =	vperm.xlane v25, v32;
	s0 =	simm.s32 $0x40;
	v0 =	vperm.xlane v29, v32;
	[tilespmem:$0x1FA30] =	vst v29  }
.LBB2_7:
0x40d: {  	v14 =	vld [tilespmem:$0x1F840]  }
0x40e: {  	v15 =	vld [tilespmem:$0x1F850]  }
0x40f: {  	v9 =	vld [tilespmem:$0x1F860]  }
0x410: {  	v6 =	vld [tilespmem:$0x1F870]  }
0x411: {  	v8 =	vld [tilespmem:$0x1F880]  }
0x412: {  	v16 =	vld [tilespmem:$0x1F890]  }
0x413: {  	[dreg:$0x12] =	wrdreg s0;
	v17 =	vld [tilespmem:$0x1F8A0]  }
0x414: {  	v7 =	vld [tilespmem:$0x1F8B0];
	s28 =	rddreg [dreg:$0x12]  }
0x415: {  	s7 =	sand.u32 $0x40, s0;
	s30 =	sld [smem:$0x77C];
	v5 =	vld [tilespmem:$0x1F8C0];
	s0 =	sand.u32 $0x180, s28;
	[tilespmem:s10+$0x0] =	vst v1;
	v1 =	vperm.xlane v14, v32  }
0x416: {  	v62 =	vld [tilespmem:$0x1F8D0];
	s23 =	sor.u32 $0x30, s7;
	s0 =	sor.u32 $0x2200, s0;
	[tilespmem:s2+$0x0] =	vst v0;
	v0 =	vperm.xlane v15, v32  }
0x417: {  	v60 =	vld [tilespmem:$0x1F8E0];
	s29 =	sor.u32 s23, s0;
	[tilespmem:s11+$0x0] =	vst v1;
	v1 =	vperm.xlane v9, v32  }
0x418: {  	v2 =	vld [tilespmem:s29+$0x0];
	[tilespmem:s30+$0x0] =	vst v0;
	v0 =	vperm.xlane v6, v32  }
0x419: {  	v59 =	vld [tilespmem:$0x1F8F0];
	s26 =	sor.u32 $0x10, s7;
	[tilespmem:s15+$0x0] =	vst v1;
	v1 =	vperm.xlane v8, v32  }
0x41a: {  	[dreg:$0xa] =	wrdreg s31;
	v58 =	vld [tilespmem:$0x1F900];
	s1 =	sor.u32 s26, s0;
	[tilespmem:s3+$0x0] =	vst v0;
	v0 =	vperm.xlane v16, v32  }
0x41b: {  	s10 =	sor.u32 $0x20, s7;
	s2 =	rddreg [dreg:$0x6];
	v3 =	vld [tilespmem:s1+$0x0];
	[tilespmem:s14+$0x0] =	vst v1;
	v1 =	vperm.xlane v17, v32  }
0x41c: {  	v24 =	vld [tilespmem:$0x1F9C0];
	s4 =	rddreg [dreg:$0x12];
	s0 =	sor.u32 s10, s0;
	s3 =	sadd.s32 $0x200, s2;
	[tilespmem:s13+$0x0] =	vst v0;
	v0 =	vperm.xlane v7, v32  }
0x41d: {  	p0 =	por !p0, !p0;
	v4 =	vld [tilespmem:s0+$0x0];
	v50 =	vand.u32 $0xF, v2;
	s0 =	sor.u32 s3, s4;
	s13 =	sand.u32 $0xC00, s3;
	[tilespmem:s9+$0x0] =	vst v1;
	v1 =	vperm.xlane v5, v32  }
0x41e: {  	v56 =	vld [tilespmem:$0x1F910];
	s6 =	sadd.s32 $0x4, s6;
	v2 =	vperm.xlane v62, v50;
	s0 =	sor.u32 $0x380, s0;
	s9 =	sadd.s32 $0x2400, s13;
	[tilespmem:s8+$0x0] =	vst v0  }
0x41f: {  	v23 =	vld [tilespmem:$0x1F9D0];
	[dreg:$0x16] =	wrdreg s0;
	s0 =	simm.s32 $0x1;
	s14 =	sor.u32 s23, s9;
	v0 =	vperm.xlane v60, v50;
	[tilespmem:s5+$0x0] =	vst v1  }
0x420: {  	v54 =	vld [tilespmem:$0x1F920];
	[dreg:$0xe] =	wrdreg s6;
	v51 =	vand.u32 $0xF, v3;
	s0 =	simm.s32 @!p0 $0x0;
	[tilespmem:s14+$0x0] =	vst v2;
	v1 =	vperm.xlane v59, v50  }
0x421: {  	v53 =	vld [tilespmem:$0x1F930];
	[dreg:$0x6] =	wrdreg s3;
	s0 =	sshll.u32 s0, $0x6;
	v2 =	vperm.xlane v24, v51;
	[tilespmem:s14+$0x80] =	vst v0  }
0x422: {  	v22 =	vld [tilespmem:$0x1F9E0];
	s25 =	sadd.s32 $0x3400, s13;
	s12 =	sor.u32 s7, s9;
	s0 =	sadd.s32 s0, s3;
	v0 =	vperm.xlane v58, v50;
	[tilespmem:s14+$0x100] =	vst v1  }
0x423: {  	v52 =	vld [tilespmem:$0x1F940];
	s1 =	sor.u32 s10, s9;
	[dreg:$0x1a] =	wrdreg s12;
	v1 =	vperm.xlane v56, v50;
	s4 =	sadd.s32 $0x30, s0;
	[tilespmem:$0x1F760] =	vst v2  }
0x424: {  	v49 =	vld [tilespmem:$0x1F950];
	[smem:$0x75E] =	sst s1;
	s12 =	sadd.s32 $0x3580, s13;
	v2 =	vperm.xlane v23, v51;
	[tilespmem:s14+$0x180] =	vst v0;
	s18 =	sor.u32 $0x200, s4  }
0x425: {  	v21 =	vld [tilespmem:$0x1F9F0];
	s11 =	sor.u32 s26, s9;
	[smem:$0x741] =	sst s12;
	s15 =	sadd.s32 $0x10, s0;
	v0 =	vperm.xlane v54, v50;
	[tilespmem:s18+$0x2400] =	vst v1  }
0x426: {  	v37 =	vld [tilespmem:$0x1F960];
	s3 =	sadd.s32 $0x20, s0;
	s9 =	sor.u32 $0x280, s0;
	s20 =	sor.u32 $0x280, s4;
	v1 =	vperm.xlane v53, v50;
	[tilespmem:$0x1F770] =	vst v2  }
0x427: {  	v28 =	vld [tilespmem:$0x1F970];
	s16 =	sor.u32 $0x200, s15;
	s17 =	sor.u32 $0x280, s15;
	s24 =	sor.u32 $0x300, s4;
	v2 =	vperm.xlane v22, v51;
	[tilespmem:s20+$0x2400] =	vst v0  }
0x428: {  	v20 =	vld [tilespmem:$0x1FA00];
	s19 =	sor.u32 $0x300, s15;
	s21 =	sor.u32 $0x200, s3;
	s22 =	sor.u32 $0x280, s3;
	v0 =	vperm.xlane v52, v50;
	[tilespmem:s24+$0x2400] =	vst v1  }
0x429: {  	v29 =	vld [tilespmem:$0x1F980];
	s28 =	sor.u32 $0x300, s3;
	s29 =	sor.u32 $0x380, s4;
	[smem:$0x76D] =	sst s9;
	v1 =	vperm.xlane v49, v50;
	[tilespmem:$0x1F780] =	vst v2  }
0x42a: {  	v30 =	vld [tilespmem:$0x1F990];
	s30 =	sor.u32 $0x380, s3;
	s3 =	sor.u32 s23, s25;
	[smem:$0x744] =	sst s16;
	v2 =	vperm.xlane v21, v51;
	[tilespmem:s29+$0x2400] =	vst v0  }
0x42b: {  	v19 =	vld [tilespmem:$0x1FA10];
	s1 =	sor.u32 $0x380, s15;
	s15 =	sadd.s32 $0x3480, s13;
	[smem:$0x745] =	sst s17;
	v0 =	vperm.xlane v37, v50;
	[tilespmem:s3+$0x0] =	vst v1  }
0x42c: {  	v31 =	vld [tilespmem:$0x1F9A0];
	[smem:$0x746] =	sst s19;
	s8 =	sor.u32 s23, s15;
	s24 =	sadd.s32 $0x3500, s13;
	v1 =	vperm.xlane v28, v50;
	[tilespmem:$0x1F790] =	vst v2  }
0x42d: {  	v25 =	vld [tilespmem:$0x1F9B0];
	[smem:$0x747] =	sst s1;
	s14 =	sor.u32 s23, s24;
	v2 =	vperm.xlane v20, v51;
	[tilespmem:s8+$0x0] =	vst v0  }
0x42e: {  	v18 =	vld [tilespmem:$0x1FA20];
	[smem:$0x75F] =	sst s21;
	v0 =	vperm.xlane v29, v50;
	[tilespmem:s14+$0x0] =	vst v1  }
0x42f: {  	[smem:$0x760] =	sst s22;
	s16 =	sadd.s32 $0x3600, s13;
	s17 =	sor.u32 s23, s12;
	v1 =	vperm.xlane v30, v50;
	[tilespmem:$0x1F7A0] =	vst v2  }
0x430: {  	s5 =	sadd.s32 $0x3680, s13;
	[smem:$0x761] =	sst s28;
	s19 =	sor.u32 s23, s16;
	v2 =	vperm.xlane v19, v51;
	[tilespmem:s17+$0x0] =	vst v0  }
0x431: {  	v10 =	vld [tilespmem:$0x1FA30];
	s4 =	sor.u32 $0x200, s0;
	s0 =	sor.u32 $0x300, s0;
	[smem:$0x762] =	sst s30;
	v0 =	vperm.xlane v31, v50;
	[tilespmem:s19+$0x0] =	vst v1  }
0x432: {  	[dreg:$0x1e] =	wrdreg s4;
	s4 =	sadd.s32 $0x3700, s13;
	s21 =	sor.u32 s23, s5;
	v1 =	vperm.xlane v25, v50;
	[tilespmem:$0x1F7B0] =	vst v2  }
0x433: {  	[smem:$0x76E] =	sst s0;
	s28 =	sor.u32 s23, s4;
	v2 =	vperm.xlane v18, v51;
	[tilespmem:s21+$0x0] =	vst v0  }
0x434: {  	s18 =	sor.u32 s7, s25;
	s3 =	smov.u32 s25;
	s25 =	sadd.s32 $0x3780, s13;
	v0 =	vperm.xlane v24, v50;
	[tilespmem:s28+$0x0] =	vst v1  }
0x435: {  	[smem:$0x76F] =	sst s18;
	s30 =	sor.u32 s23, s25;
	s19 =	sadd.s32 $0x4400, s13;
	v1 =	vperm.xlane v23, v50;
	[tilespmem:$0x1F7C0] =	vst v2  }
0x436: {  	[smem:$0x742] =	sst s16;
	s9 =	sor.u32 s23, s19;
	v2 =	vperm.xlane v10, v51;
	[tilespmem:s30+$0x0] =	vst v0  }
0x437: {  	s20 =	sor.u32 s7, s15;
	s8 =	sor.u32 s7, s16;
	s16 =	sadd.s32 $0x4480, s13;
	v0 =	vperm.xlane v22, v50;
	[tilespmem:s9+$0x0] =	vst v1  }
0x438: {  	[smem:$0x770] =	sst s20;
	s14 =	sor.u32 s23, s16;
	s28 =	sadd.s32 $0x4500, s13;
	v1 =	vperm.xlane v21, v50;
	[tilespmem:$0x1F7D0] =	vst v2  }
0x439: {  	s20 =	sadd.s32 $0x4600, s13;
	s22 =	sor.u32 s7, s24;
	s18 =	sor.u32 s23, s28;
	v2 =	vperm.xlane v14, v51;
	[tilespmem:s14+$0x0] =	vst v0  }
0x43a: {  	s29 =	sor.u32 s7, s12;
	[smem:$0x771] =	sst s22;
	s30 =	sadd.s32 $0x4580, s13;
	v0 =	vperm.xlane v20, v50;
	[tilespmem:s18+$0x0] =	vst v1  }
0x43b: {  	s12 =	sor.u32 s7, s5;
	[smem:$0x772] =	sst s29;
	s22 =	sor.u32 s23, s30;
	v1 =	vperm.xlane v19, v50;
	[tilespmem:$0x1F7E0] =	vst v2  }
0x43c: {  	[smem:$0x774] =	sst s12;
	s29 =	sor.u32 s23, s20;
	v2 =	vperm.xlane v15, v51;
	[tilespmem:s22+$0x0] =	vst v0  }
0x43d: {  	s12 =	sadd.s32 $0x4680, s13;
	[smem:$0x743] =	sst s25;
	s21 =	sor.u32 s7, s25;
	v0 =	vperm.xlane v18, v50;
	[tilespmem:s29+$0x0] =	vst v1  }
0x43e: {  	s1 =	sor.u32 s23, s12;
	[smem:$0x776] =	sst s21;
	s21 =	sadd.s32 $0x4700, s13;
	v1 =	vperm.xlane v10, v50;
	[tilespmem:$0x1F7F0] =	vst v2  }
0x43f: {  	[smem:$0x773] =	sst s8;
	s17 =	sor.u32 s7, s4;
	s2 =	sor.u32 s23, s21;
	v2 =	vperm.xlane v9, v51;
	[tilespmem:s1+$0x0] =	vst v0  }
0x440: {  	p1 =	slt.u32 s6, $0x1C;
	s8 =	sadd.s32 $0x4780, s13;
	[smem:$0x775] =	sst s17;
	v0 =	vperm.xlane v14, v50;
	[tilespmem:s2+$0x0] =	vst v1  }
0x441: {  	s17 =	sadd.s32 $0x5400, s13;
	s25 =	sor.u32 s7, s19;
	s14 =	sor.u32 s23, s8;
	v1 =	vperm.xlane v15, v50;
	[tilespmem:$0x1F800] =	vst v2  }
0x442: {  	s6 =	sadd.s32 $0x5500, s13;
	[smem:$0x777] =	sst s25;
	s25 =	sor.u32 s23, s17;
	v2 =	vperm.xlane v6, v51;
	[tilespmem:s14+$0x0] =	vst v0  }
0x443: {  	s0 =	sld [smem:$0x741];
	s9 =	sor.u32 s7, s16;
	s18 =	sadd.s32 $0x5480, s13;
	v0 =	vperm.xlane v9, v50;
	[tilespmem:s25+$0x0] =	vst v1  }
0x444: {  	[smem:$0x778] =	sst s9;
	s9 =	sor.u32 s7, s20;
	s2 =	sor.u32 s23, s18;
	[tilespmem:$0x1F810] =	vst v2;
	v2 =	vperm.xlane v8, v51  }
0x445: {  	[smem:$0x77B] =	sst s9;
	s9 =	sor.u32 s7, s21;
	s22 =	sor.u32 s7, s28;
	v1 =	vperm.xlane v6, v50;
	[tilespmem:s2+$0x0] =	vst v0  }
0x446: {  	[smem:$0x779] =	sst s22;
	s22 =	sadd.s32 $0x5580, s13;
	s14 =	sor.u32 s23, s6;
	v0 =	vperm.xlane v8, v50;
	[tilespmem:$0x1F820] =	vst v2  }
0x447: {  	s31 =	sadd.s32 $0x5680, s13;
	[smem:$0x76C] =	sst s9;
	s2 =	sor.u32 s23, s22;
	[tilespmem:s14+$0x0] =	vst v1;
	v2 =	vperm.xlane v16, v51  }
0x448: {  	s9 =	sor.u32 s23, s31;
	s29 =	sor.u32 s7, s30;
	s25 =	sadd.s32 $0x5600, s13;
	v1 =	vperm.xlane v16, v50;
	[tilespmem:s2+$0x0] =	vst v0  }
0x449: {  	[smem:$0x77A] =	sst s29;
	s29 =	sor.u32 s7, s12;
	s14 =	sor.u32 s23, s25;
	[tilespmem:$0x1F830] =	vst v2;
	v2 =	vperm.xlane v17, v50  }
0x44a: {  	v3 =	vperm.xlane v7, v50;
	[smem:$0x74F] =	sst s29;
	s29 =	sadd.s32 $0x5700, s13;
	s2 =	sor.u32 s7, s8;
	[tilespmem:s14+$0x0] =	vst v1  }
0x44b: {  	[smem:$0x749] =	sst s2;
	s2 =	sor.u32 s23, s29;
	[tilespmem:s9+$0x0] =	vst v2  }
0x44c: {  	[tilespmem:s2+$0x0] =	vst v3;
	s2 =	sor.u32 s7, s22  }
0x44d: {  	[smem:$0x767] =	sst s2;
	s2 =	sor.u32 s26, s0  }
0x44e: {  	[smem:$0x748] =	sst s2;
	s2 =	smov.u32 s5;
	s5 =	sor.u32 s26, s5  }
0x44f: {  	[smem:$0x74A] =	sst s5;
	s5 =	sor.u32 s26, s4  }
0x450: {  	v47 =	vperm.xlane v5, v50;
	s13 =	sadd.s32 $0x5780, s13;
	[smem:$0x74B] =	sst s5  }
0x451: {  	s23 =	sor.u32 s23, s13;
	s5 =	sld [smem:$0x743]  }
0x452: {  	v33 =	vperm.xlane v58, v51;
	[tilespmem:s23+$0x0] =	vst v47;
	s23 =	sor.u32 s7, s29  }
0x453: {  	[smem:$0x76B] =	sst s23;
	s23 =	smov.u32 s11  }
0x454: {  	[tilespmem:s23+$0x180] =	vst v33;
	s23 =	sor.u32 s26, s5  }
0x455: {  	[smem:$0x74C] =	sst s23;
	s23 =	sor.u32 s26, s19  }
0x456: {  	v11 =	vperm.xlane v62, v51;
	[smem:$0x74D] =	sst s23;
	s23 =	sor.u32 s26, s16  }
0x457: {  	v48 =	vperm.xlane v60, v51;
	[smem:$0x750] =	sst s23  }
0x458: {  	v46 =	vperm.xlane v59, v51;
	[tilespmem:s11+$0x0] =	vst v11;
	s23 =	sld [smem:$0x744]  }
0x459: {  	v34 =	vperm.xlane v56, v51;
	[tilespmem:s11+$0x80] =	vst v48  }
0x45a: {  	[tilespmem:s11+$0x100] =	vst v46  }
0x45b: {  	[tilespmem:s23+$0x2400] =	vst v34;
	s23 =	sor.u32 s26, s28  }
0x45c: {  	[smem:$0x751] =	sst s23;
	s23 =	sor.u32 s26, s30  }
0x45d: {  	[smem:$0x752] =	sst s23;
	s23 =	sor.u32 s26, s20  }
0x45e: {  	[smem:$0x753] =	sst s23  }
0x45f: {  	s23 =	sld [smem:$0x745]  }
0x460: {  	v35 =	vperm.xlane v54, v51;
	s1 =	sor.u32 s7, s13  }
0x461: {  	[smem:$0x769] =	sst s1  }
0x462: {  	v36 =	vperm.xlane v53, v51;
	v38 =	vperm.xlane v52, v51;
	s1 =	sld [smem:$0x742];
	[tilespmem:s23+$0x2400] =	vst v35;
	s23 =	sor.u32 s26, s12  }
0x463: {  	v39 =	vperm.xlane v49, v51;
	v40 =	vperm.xlane v37, v51;
	[smem:$0x754] =	sst s23;
	s23 =	sor.u32 s26, s21  }
0x464: {  	v41 =	vperm.xlane v28, v51;
	v42 =	vperm.xlane v29, v51;
	[smem:$0x755] =	sst s23;
	s23 =	sor.u32 s26, s8  }
0x465: {  	v43 =	vperm.xlane v30, v51;
	v44 =	vperm.xlane v31, v51;
	[smem:$0x756] =	sst s23  }
0x466: {  	v45 =	vperm.xlane v25, v51;
	v63 =	vperm.xlane v17, v51;
	s14 =	sor.u32 s7, s17;
	s23 =	sld [smem:$0x746]  }
0x467: {  	v61 =	vperm.xlane v7, v51;
	v55 =	vperm.xlane v5, v51;
	v32 =	vand.u32 $0xF, v4;
	[smem:$0x77C] =	sst s14;
	s14 =	sor.u32 s7, s6  }
0x468: {  	v57 =	vperm.xlane v62, v32;
	v27 =	vperm.xlane v58, v32;
	s9 =	sor.u32 s7, s18;
	[smem:$0x76A] =	sst s14  }
0x469: {  	v26 =	vperm.xlane v54, v32;
	v4 =	vperm.xlane v52, v32;
	[smem:$0x766] =	sst s9;
	[tilespmem:s23+$0x2400] =	vst v36;
	s23 =	sor.u32 s26, s17  }
0x46a: {  	v12 =	vperm.xlane v19, v32;
	v13 =	vperm.xlane v10, v32;
	[smem:$0x757] =	sst s23;
	s23 =	sor.u32 s26, s18  }
0x46b: {  	v48 =	vperm.xlane v53, v32;
	v46 =	vperm.xlane v49, v32;
	[smem:$0x758] =	sst s23;
	s23 =	sor.u32 s26, s6  }
0x46c: {  	v11 =	vperm.xlane v21, v32;
	v51 =	vperm.xlane v59, v32;
	[smem:$0x759] =	sst s23  }
0x46d: {  	v16 =	vperm.xlane v16, v32;
	v0 =	vperm.xlane v23, v32;
	s14 =	sor.u32 s7, s31;
	s23 =	sld [smem:$0x747]  }
0x46e: {  	v50 =	vperm.xlane v60, v32;
	v1 =	vperm.xlane v31, v32;
	s9 =	sor.u32 s7, s25;
	[smem:$0x768] =	sst s14  }
0x46f: {  	v2 =	vperm.xlane v29, v32;
	v3 =	vperm.xlane v37, v32;
	[smem:$0x74E] =	sst s9;
	s7 =	sor.u32 s26, s3;
	s3 =	sor.u32 s10, s3  }
0x470: {  	s14 =	sor.u32 s26, s24;
	v47 =	vperm.xlane v56, v32;
	[smem:$0x763] =	sst s3;
	v33 =	vperm.xlane v28, v32;
	[tilespmem:s23+$0x2400] =	vst v38  }
0x471: {  	s9 =	sor.u32 s26, s15;
	s3 =	sor.u32 s10, s28;
	v34 =	vperm.xlane v30, v32;
	v35 =	vperm.xlane v25, v32;
	[tilespmem:s7+$0x0] =	vst v39;
	s7 =	sld [smem:$0x748]  }
0x472: {  	s28 =	sor.u32 s10, s17;
	v36 =	vperm.xlane v24, v32;
	s17 =	sor.u32 s10, s18;
	s18 =	sld [smem:$0x74C];
	v38 =	vperm.xlane v22, v32;
	[tilespmem:s9+$0x0] =	vst v40  }
0x473: {  	s11 =	sor.u32 s26, s1;
	s23 =	sor.u32 s26, s22;
	v39 =	vperm.xlane v20, v32;
	v40 =	vperm.xlane v18, v32;
	[tilespmem:s14+$0x0] =	vst v41;
	s14 =	sld [smem:$0x74A]  }
0x474: {  	s9 =	sor.u32 s10, s0;
	s0 =	sor.u32 s10, s16;
	s16 =	sld [smem:$0x74B];
	v41 =	vperm.xlane v14, v32;
	v14 =	vperm.xlane v15, v32;
	[tilespmem:s7+$0x0] =	vst v42  }
0x475: {  	[smem:$0x75A] =	sst s23;
	s23 =	sor.u32 s26, s25;
	v15 =	vperm.xlane v6, v32;
	v42 =	vperm.xlane v9, v32;
	v9 =	vld [tilespmem:$0x1F760];
	[tilespmem:s11+$0x0] =	vst v43  }
0x476: {  	[smem:$0x75B] =	sst s23;
	s23 =	sor.u32 s26, s31;
	v43 =	vperm.xlane v8, v32;
	[tilespmem:s14+$0x0] =	vst v44;
	v44 =	vperm.xlane v17, v32  }
0x477: {  	[smem:$0x75C] =	sst s23;
	s23 =	sor.u32 s26, s29;
	v17 =	vperm.xlane v7, v32;
	[tilespmem:s16+$0x0] =	vst v45;
	v45 =	vperm.xlane v5, v32;
	v32 =	vld [tilespmem:$0x1F770]  }
0x478: {  	[smem:$0x75D] =	sst s23  }
0x479: {  	s23 =	sor.u32 s10, s15;
	s7 =	sor.u32 s10, s19;
	s19 =	sld [smem:$0x74D];
	v8 =	vld [tilespmem:$0x1F780]  }
0x47a: {  	s15 =	sor.u32 s10, s1;
	[smem:$0x764] =	sst s23;
	[tilespmem:s18+$0x0] =	vst v9;
	v9 =	vld [tilespmem:$0x1F790]  }
0x47b: {  	s1 =	sor.u32 s10, s2;
	s23 =	sor.u32 s10, s5;
	s5 =	sld [smem:$0x750]  }
0x47c: {  	s2 =	sor.u32 s10, s30;
	s30 =	sor.u32 s10, s12;
	s12 =	sld [smem:$0x751];
	[tilespmem:s19+$0x0] =	vst v32;
	v32 =	vld [tilespmem:$0x1F7A0]  }
0x47d: {  	_ = 	snop  }
0x47e: {  	s14 =	sld [smem:$0x752];
	[tilespmem:s5+$0x0] =	vst v8;
	v8 =	vld [tilespmem:$0x1F7B0]  }
0x47f: {  	[tilespmem:s12+$0x0] =	vst v9;
	v9 =	vld [tilespmem:$0x1F7C0]  }
0x480: {  	s19 =	sld [smem:$0x753]  }
0x481: {  	s5 =	sld [smem:$0x754];
	[tilespmem:s14+$0x0] =	vst v32;
	v32 =	vld [tilespmem:$0x1F7D0];
	_ =	sdelay $0x1  }
0x482: {  	s12 =	sld [smem:$0x755];
	[tilespmem:s19+$0x0] =	vst v8;
	v8 =	vld [tilespmem:$0x1F7E0]  }
0x483: {  	[tilespmem:s5+$0x0] =	vst v9;
	v9 =	vld [tilespmem:$0x1F7F0]  }
0x484: {  	s14 =	sld [smem:$0x756]  }
0x485: {  	s19 =	sld [smem:$0x757];
	[tilespmem:s12+$0x0] =	vst v32;
	v32 =	vld [tilespmem:$0x1F800];
	_ =	sdelay $0x1  }
0x486: {  	s5 =	sld [smem:$0x758];
	[tilespmem:s14+$0x0] =	vst v8;
	v8 =	vld [tilespmem:$0x1F810]  }
0x487: {  	[tilespmem:s19+$0x0] =	vst v9;
	v9 =	vld [tilespmem:$0x1F820]  }
0x488: {  	s12 =	sld [smem:$0x759]  }
0x489: {  	s14 =	sld [smem:$0x75A];
	[tilespmem:s5+$0x0] =	vst v32;
	v32 =	vld [tilespmem:$0x1F830];
	_ =	sdelay $0x1  }
0x48a: {  	s19 =	sld [smem:$0x75B];
	[tilespmem:s12+$0x0] =	vst v8  }
0x48b: {  	[tilespmem:s14+$0x0] =	vst v9;
	s14 =	sld [smem:$0x75E];
	_ =	sdelay $0x1  }
0x48c: {  	[tilespmem:s19+$0x0] =	vst v32  }
0x48d: {  	s5 =	sld [smem:$0x75C];
	[tilespmem:s14+$0x0] =	vst v57  }
0x48e: {  	s12 =	sld [smem:$0x75D];
	[tilespmem:s14+$0x80] =	vst v50  }
0x48f: {  	s24 =	sor.u32 s10, s24;
	[tilespmem:s14+$0x100] =	vst v51  }
0x490: {  	[smem:$0x765] =	sst s24;
	[tilespmem:s5+$0x0] =	vst v63  }
0x491: {  	s26 =	sor.u32 s26, s13;
	s19 =	sld [smem:$0x75F];
	[tilespmem:s12+$0x0] =	vst v61  }
0x492: {  	[tilespmem:s26+$0x0] =	vst v55;
	s26 =	sld [smem:$0x760]  }
0x493: {  	[tilespmem:s14+$0x180] =	vst v27;
	s5 =	sld [smem:$0x761]  }
0x494: {  	s12 =	sld [smem:$0x762];
	[tilespmem:s19+$0x2400] =	vst v47  }
0x495: {  	s14 =	sld [smem:$0x763];
	[tilespmem:s26+$0x2400] =	vst v26  }
0x496: {  	s19 =	sld [smem:$0x764];
	[tilespmem:s5+$0x2400] =	vst v48  }
0x497: {  	s26 =	sld [smem:$0x765];
	[tilespmem:s12+$0x2400] =	vst v4  }
0x498: {  	[tilespmem:s14+$0x0] =	vst v46  }
0x499: {  	[tilespmem:s19+$0x0] =	vst v3  }
0x49a: {  	[tilespmem:s26+$0x0] =	vst v33  }
0x49b: {  	[tilespmem:s9+$0x0] =	vst v2  }
0x49c: {  	[tilespmem:s15+$0x0] =	vst v34  }
0x49d: {  	s24 =	sor.u32 s10, s4;
	[tilespmem:s1+$0x0] =	vst v1  }
0x49e: {  	[tilespmem:s24+$0x0] =	vst v35  }
0x49f: {  	s18 =	sor.u32 s10, s25;
	s25 =	sor.u32 s10, s31;
	s31 =	rddreg [dreg:$0xa];
	[tilespmem:s23+$0x0] =	vst v36  }
0x4a0: {  	s31 =	sadd.s32 $0x40, s31;
	[tilespmem:s7+$0x0] =	vst v0  }
0x4a1: {  	v0 =	vld [tilespmem:s31+$0x0];
	[tilespmem:s0+$0x0] =	vst v38  }
0x4a2: {  	[tilespmem:s3+$0x0] =	vst v11  }
0x4a3: {  	s20 =	sor.u32 s10, s20;
	[tilespmem:s2+$0x0] =	vst v39  }
0x4a4: {  	[tilespmem:s20+$0x0] =	vst v12  }
0x4a5: {  	s21 =	sor.u32 s10, s21;
	[tilespmem:s30+$0x0] =	vst v40  }
0x4a6: {  	s8 =	sor.u32 s10, s8;
	v32 =	vand.u32 $0xF, v0;
	[tilespmem:s21+$0x0] =	vst v13  }
0x4a7: {  	s4 =	rddreg [dreg:$0x1e];
	v0 =	vperm.xlane v62, v32;
	[tilespmem:s8+$0x0] =	vst v41  }
0x4a8: {  	s30 =	rddreg [dreg:$0x1a];
	v1 =	vperm.xlane v60, v32;
	[tilespmem:s28+$0x0] =	vst v14  }
0x4a9: {  	s11 =	sld [smem:$0x749];
	[tilespmem:s30+$0x0] =	vst v0  }
0x4aa: {  	s6 =	sor.u32 s10, s6;
	s16 =	sor.u32 s10, s13;
	s13 =	sld [smem:$0x74E];
	[tilespmem:s30+$0x80] =	vst v1  }
0x4ab: {  	s22 =	sor.u32 s10, s22;
	s29 =	sor.u32 s10, s29;
	s10 =	sld [smem:$0x74F];
	v0 =	vperm.xlane v59, v32;
	[tilespmem:s17+$0x0] =	vst v42  }
0x4ac: {  	s5 =	sld [smem:$0x769];
	v1 =	vperm.xlane v58, v32;
	[tilespmem:s6+$0x0] =	vst v15  }
0x4ad: {  	s12 =	sld [smem:$0x76E];
	[tilespmem:s30+$0x100] =	vst v0  }
0x4ae: {  	s14 =	sld [smem:$0x767];
	[tilespmem:s30+$0x180] =	vst v1  }
0x4af: {  	s19 =	sld [smem:$0x771];
	v0 =	vperm.xlane v56, v32;
	[tilespmem:s22+$0x0] =	vst v43  }
0x4b0: {  	s7 =	sld [smem:$0x76D];
	[tilespmem:s18+$0x0] =	vst v16  }
0x4b1: {  	s26 =	sld [smem:$0x778];
	v1 =	vperm.xlane v54, v32;
	[tilespmem:s4+$0x2400] =	vst v0  }
0x4b2: {  	s9 =	sld [smem:$0x768];
	[tilespmem:s25+$0x0] =	vst v44  }
0x4b3: {  	s15 =	sld [smem:$0x766];
	v0 =	vperm.xlane v53, v32;
	[tilespmem:s7+$0x2400] =	vst v1  }
0x4b4: {  	s17 =	sld [smem:$0x76F];
	[tilespmem:s29+$0x0] =	vst v17  }
0x4b5: {  	s18 =	sld [smem:$0x770];
	v1 =	vperm.xlane v52, v32;
	[tilespmem:s12+$0x2400] =	vst v0  }
0x4b6: {  	v0 =	vperm.xlane v49, v32;
	[tilespmem:s16+$0x0] =	vst v45;
	s16 =	rddreg [dreg:$0x16]  }
0x4b7: {  	s24 =	sld [smem:$0x776];
	[tilespmem:s16+$0x2400] =	vst v1;
	v1 =	vperm.xlane v37, v32  }
0x4b8: {  	s20 =	sld [smem:$0x772];
	[tilespmem:s17+$0x0] =	vst v0;
	v0 =	vperm.xlane v28, v32  }
0x4b9: {  	s21 =	sld [smem:$0x773];
	[tilespmem:s18+$0x0] =	vst v1;
	v1 =	vperm.xlane v29, v32  }
0x4ba: {  	s22 =	sld [smem:$0x774];
	[tilespmem:s19+$0x0] =	vst v0;
	v0 =	vperm.xlane v30, v32  }
0x4bb: {  	s23 =	sld [smem:$0x775];
	[tilespmem:s20+$0x0] =	vst v1;
	v1 =	vperm.xlane v31, v32  }
0x4bc: {  	s0 =	rddreg [dreg:$0x12];
	[tilespmem:s21+$0x0] =	vst v0;
	v0 =	vperm.xlane v25, v32  }
0x4bd: {  	s25 =	sld [smem:$0x777];
	[tilespmem:s22+$0x0] =	vst v1;
	v1 =	vperm.xlane v24, v32  }
0x4be: {  	s3 =	sld [smem:$0x76A];
	[tilespmem:s23+$0x0] =	vst v0;
	v0 =	vperm.xlane v23, v32  }
0x4bf: {  	s28 =	sld [smem:$0x779];
	[tilespmem:s24+$0x0] =	vst v1;
	v1 =	vperm.xlane v22, v32  }
.Ltmp2:
0x4c0: {  	s29 =	sld [smem:$0x77A];
	[tilespmem:s25+$0x0] =	vst v0;
	v0 =	vperm.xlane v21, v32;
	(pc) =	sbr.rel @p1 .LBB2_7-.Ltmp2, $4  }
0x4c1: {  	s30 =	sld [smem:$0x77B];
	[tilespmem:s26+$0x0] =	vst v1;
	v1 =	vperm.xlane v20, v32  }
0x4c2: {  	s2 =	sld [smem:$0x76C];
	[tilespmem:s28+$0x0] =	vst v0;
	v0 =	vperm.xlane v19, v32  }
0x4c3: {  	s8 =	sld [smem:$0x76B];
	[tilespmem:s29+$0x0] =	vst v1  }
0x4c4: {  	s0 =	sadd.s32 $0x40, s0;
	s6 =	rddreg [dreg:$0xe];
	v1 =	vperm.xlane v18, v32;
	[tilespmem:s30+$0x0] =	vst v0;
	v0 =	vperm.xlane v10, v32  }
0x4c5: {  	_ = 	snop  }
0x4c6: {  	[tilespmem:s10+$0x0] =	vst v1  }
0x4c7: {  	v1 =	vld [tilespmem:$0x1F840];
	_ =	sdelay $0x4  }
0x4c8: {  	v1 =	vperm.xlane v1, v32  }
0x4c9: {  	[tilespmem:s2+$0x0] =	vst v0  }
0x4ca: {  	v0 =	vld [tilespmem:$0x1F850];
	[tilespmem:s11+$0x0] =	vst v1  }
0x4cb: {  	v1 =	vld [tilespmem:$0x1F860];
	_ =	sdelay $0x2  }
0x4cc: {  	s0 =	sld [smem:$0x77C]  }
0x4cd: {  	v0 =	vperm.xlane v0, v32  }
0x4ce: {  	v1 =	vperm.xlane v1, v32  }
0x4cf: {  	[tilespmem:s0+$0x0] =	vst v0  }
0x4d0: {  	v0 =	vld [tilespmem:$0x1F870];
	[tilespmem:s15+$0x0] =	vst v1  }
0x4d1: {  	v1 =	vld [tilespmem:$0x1F880];
	_ =	sdelay $0x3  }
0x4d2: {  	v0 =	vperm.xlane v0, v32  }
0x4d3: {  	v1 =	vperm.xlane v1, v32  }
0x4d4: {  	[tilespmem:s3+$0x0] =	vst v0  }
0x4d5: {  	v0 =	vld [tilespmem:$0x1F890];
	[tilespmem:s14+$0x0] =	vst v1  }
0x4d6: {  	v1 =	vld [tilespmem:$0x1F8A0];
	_ =	sdelay $0x3  }
0x4d7: {  	v0 =	vperm.xlane v0, v32  }
0x4d8: {  	v1 =	vperm.xlane v1, v32  }
0x4d9: {  	[tilespmem:s13+$0x0] =	vst v0  }
0x4da: {  	v0 =	vld [tilespmem:$0x1F8B0];
	s0 =	sld [smem:$0x7F6];
	[tilespmem:s9+$0x0] =	vst v1  }
0x4db: {  	v1 =	vld [tilespmem:$0x1F8C0];
	_ =	sdelay $0x2  }
0x4dc: {  	s1 =	sld [smem:$0x7FA]  }
0x4dd: {  	v0 =	vperm.xlane v0, v32  }
0x4de: {  	s0 =	sshll.u32 s0, $0x14;
	v1 =	vperm.xlane v1, v32  }
0x4df: {  	s4 =	simm.s32 $0x1000;
	s6 =	simm.s32 $0x2400;
	s0 =	sor.u32 s1, s0;
	[tilespmem:s8+$0x0] =	vst v0  }
0x4e0: {  	s7 =	simm.s32 $0x2;
	s3 =	rddreg [dreg:$0x2];
	s1 =	sshrl.u32 s0, $0x3;
	[tilespmem:s5+$0x0] =	vst v1  }
0x4e1: {  	s0 =	sadd.s32 s3, s1;
	s5 =	simm.s32 $0x20000;
	[smem:$0x73E] =	sst s1  }
0x4e2: {  	[hbm4b:s0+s4] =	stream.strided.scatter [tilespmem:s6], [sflag:$0x1], $0x4000, s5, s4, $0x38;
	[tilespmem:$0xA400] =	vst v63  }
0x4e3: {  	_ =	swait.ge [sflag:s7], $0x4000  }
0x4e4: {  	[sflag:s7] =	ssyncset.done $0x0  }
0x4e5: {  	[sflag:s7] =	ssyncadd.s32 $0xFFFFC000  }
0x4e6: {  	v4 =	vld [tilespmem:$0x1000]  }
0x4e7: {  	v5 =	vld [tilespmem:$0x1080]  }
0x4e8: {  	v6 =	vld [tilespmem:$0x1100]  }
0x4e9: {  	v7 =	vld [tilespmem:$0x1180]  }
0x4ea: {  	v8 =	vld [tilespmem:$0x1200]  }
0x4eb: {  	v9 =	vld [tilespmem:$0x1280]  }
0x4ec: {  	v10 =	vld [tilespmem:$0x1300]  }
0x4ed: {  	v11 =	vld [tilespmem:$0x1380]  }
0x4ee: {  	v12 =	vld [tilespmem:$0x1400]  }
0x4ef: {  	v13 =	vld [tilespmem:$0x1480]  }
0x4f0: {  	v14 =	vld [tilespmem:$0x1500]  }
0x4f1: {  	v15 =	vld [tilespmem:$0x1580]  }
0x4f2: {  	v16 =	vld [tilespmem:$0x1600]  }
0x4f3: {  	v17 =	vld [tilespmem:$0x1680]  }
0x4f4: {  	v18 =	vld [tilespmem:$0x1700]  }
0x4f5: {  	v19 =	vld [tilespmem:$0x1780]  }
0x4f6: {  	v20 =	vld [tilespmem:$0x1800]  }
0x4f7: {  	v21 =	vld [tilespmem:$0x1880]  }
0x4f8: {  	v22 =	vld [tilespmem:$0x1900]  }
0x4f9: {  	v23 =	vld [tilespmem:$0x1980]  }
0x4fa: {  	s8 =	simm.s32 $0x0;
	v24 =	vld [tilespmem:$0x1A00]  }
0x4fb: {  	s0 =	sand.u32 $0x40, s8;
	s1 =	sand.u32 $0x180, s8;
	v25 =	vld [tilespmem:$0x1A80]  }
0x4fc: {  	s28 =	sor.u32 $0x2200, s1;
	s2 =	sor.u32 $0x30, s0;
	v29 =	vld [tilespmem:$0x1B00]  }
0x4fd: {  	s1 =	sor.u32 s2, s28;
	v30 =	vld [tilespmem:$0x1B80]  }
0x4fe: {  	v0 =	vld [tilespmem:s1+$0x0]  }
0x4ff: {  	v63 =	vld [tilespmem:$0x1C00]  }
0x500: {  	v34 =	vld [tilespmem:$0x1C80]  }
0x501: {  	v33 =	vld [tilespmem:$0x1D00]  }
0x502: {  	s9 =	simm.s32 $0x0;
	v31 =	vld [tilespmem:$0x1D80]  }
0x503: {  	s3 =	sand.u32 $0xC00, s9;
	v27 =	vld [tilespmem:$0x1E00];
	v0 =	vand.u32 $0xF, v0  }
0x504: {  	p0 =	por $0x0, $0x0;
	s25 =	sadd.s32 $0x6400, s3;
	v26 =	vld [tilespmem:$0x1E80];
	s1 =	simm.s32 $0x1;
	v1 =	vperm.xlane v4, v0  }
0x505: {  	s4 =	sor.u32 s2, s25;
	v28 =	vld [tilespmem:$0x1F00];
	s1 =	simm.s32 @!p0 $0x0;
	v2 =	vperm.xlane v5, v0  }
0x506: {  	v35 =	vld [tilespmem:$0x1F80];
	s1 =	sshll.u32 s1, $0x6;
	[tilespmem:s4+$0x0] =	vst v1;
	v1 =	vperm.xlane v6, v0  }
0x507: {  	s1 =	sadd.s32 $0x0, s1;
	[tilespmem:s4+$0x80] =	vst v2;
	v2 =	vperm.xlane v7, v0  }
0x508: {  	s10 =	sadd.s32 $0x30, s1;
	[tilespmem:s4+$0x100] =	vst v1;
	v1 =	vperm.xlane v8, v0  }
0x509: {  	s11 =	sor.u32 $0x200, s10;
	[tilespmem:s4+$0x180] =	vst v2;
	v2 =	vperm.xlane v9, v0  }
0x50a: {  	s12 =	sor.u32 $0x280, s10;
	[tilespmem:s11+$0x6400] =	vst v1;
	v1 =	vperm.xlane v10, v0  }
0x50b: {  	s6 =	sor.u32 $0x300, s10;
	[tilespmem:s12+$0x6400] =	vst v2;
	v2 =	vperm.xlane v11, v0  }
0x50c: {  	s13 =	sor.u32 $0x380, s10;
	s4 =	sadd.s32 $0x7400, s3;
	[tilespmem:s6+$0x6400] =	vst v1;
	v1 =	vperm.xlane v12, v0  }
0x50d: {  	s5 =	sadd.s32 $0x7480, s3;
	s14 =	sor.u32 s2, s4;
	[tilespmem:s13+$0x6400] =	vst v2;
	v2 =	vperm.xlane v13, v0  }
0x50e: {  	s9 =	sadd.s32 $0x7500, s3;
	s7 =	sor.u32 s2, s5;
	[tilespmem:s14+$0x0] =	vst v1;
	v1 =	vperm.xlane v14, v0  }
0x50f: {  	s15 =	sor.u32 s2, s9;
	s6 =	sadd.s32 $0x7580, s3;
	[tilespmem:s7+$0x0] =	vst v2;
	v2 =	vperm.xlane v15, v0  }
0x510: {  	s8 =	sadd.s32 $0x7600, s3;
	s16 =	sor.u32 s2, s6;
	[tilespmem:s15+$0x0] =	vst v1;
	v1 =	vperm.xlane v16, v0  }
0x511: {  	s17 =	sor.u32 s2, s8;
	s11 =	sadd.s32 $0x7680, s3;
	[tilespmem:s16+$0x0] =	vst v2;
	v2 =	vperm.xlane v17, v0  }
0x512: {  	s10 =	sadd.s32 $0x7700, s3;
	s18 =	sor.u32 s2, s11;
	[tilespmem:s17+$0x0] =	vst v1;
	v1 =	vperm.xlane v18, v0  }
0x513: {  	s19 =	sor.u32 s2, s10;
	s14 =	sadd.s32 $0x7780, s3;
	[tilespmem:s18+$0x0] =	vst v2;
	v2 =	vperm.xlane v19, v0  }
0x514: {  	s12 =	sadd.s32 $0x8400, s3;
	s20 =	sor.u32 s2, s14;
	[tilespmem:s19+$0x0] =	vst v1;
	v1 =	vperm.xlane v20, v0  }
0x515: {  	s21 =	sor.u32 s2, s12;
	s13 =	sadd.s32 $0x8480, s3;
	[tilespmem:s20+$0x0] =	vst v2;
	v2 =	vperm.xlane v21, v0  }
0x516: {  	s22 =	sor.u32 s2, s13;
	s15 =	sadd.s32 $0x8500, s3;
	[tilespmem:s21+$0x0] =	vst v1;
	v1 =	vperm.xlane v22, v0  }
0x517: {  	s24 =	sadd.s32 $0x8580, s3;
	s23 =	sor.u32 s2, s15;
	[tilespmem:s22+$0x0] =	vst v2;
	v2 =	vperm.xlane v23, v0  }
0x518: {  	s26 =	sor.u32 s2, s24;
	s20 =	sadd.s32 $0x8600, s3;
	[tilespmem:s23+$0x0] =	vst v1;
	v1 =	vperm.xlane v24, v0  }
0x519: {  	s17 =	sadd.s32 $0x8680, s3;
	s29 =	sor.u32 s2, s20;
	[tilespmem:s26+$0x0] =	vst v2;
	v2 =	vperm.xlane v25, v0  }
0x51a: {  	s18 =	sadd.s32 $0x8700, s3;
	s31 =	sor.u32 s2, s17;
	[tilespmem:s29+$0x0] =	vst v1;
	v1 =	vperm.xlane v29, v0  }
0x51b: {  	s19 =	sadd.s32 $0x8780, s3;
	s16 =	sor.u32 s2, s18;
	[tilespmem:s31+$0x0] =	vst v2;
	v2 =	vperm.xlane v30, v0  }
0x51c: {  	s30 =	sor.u32 $0x10, s0;
	s21 =	sor.u32 s2, s19;
	s23 =	sadd.s32 $0x9400, s3;
	[tilespmem:s16+$0x0] =	vst v1;
	v1 =	vperm.xlane v63, v0  }
0x51d: {  	s22 =	sor.u32 s30, s28;
	s16 =	sor.u32 s2, s23;
	[tilespmem:s21+$0x0] =	vst v2;
	v2 =	vperm.xlane v34, v0;
	s21 =	sadd.s32 $0x9480, s3  }
0x51e: {  	v3 =	vld [tilespmem:s22+$0x0];
	s22 =	sadd.s32 $0x9500, s3;
	[tilespmem:s16+$0x0] =	vst v1;
	v1 =	vperm.xlane v33, v0;
	s26 =	sor.u32 s2, s21  }
0x51f: {  	s7 =	sadd.s32 $0x9580, s3;
	s29 =	sor.u32 s2, s22;
	[tilespmem:s26+$0x0] =	vst v2;
	v2 =	vperm.xlane v31, v0  }
0x520: {  	s16 =	sadd.s32 $0x9600, s3;
	s26 =	sor.u32 s2, s7;
	[tilespmem:s29+$0x0] =	vst v1;
	v1 =	vperm.xlane v27, v0  }
0x521: {  	s29 =	sor.u32 s2, s16;
	[tilespmem:s26+$0x0] =	vst v2;
	v2 =	vperm.xlane v26, v0;
	s26 =	sadd.s32 $0x9680, s3  }
0x522: {  	[tilespmem:s29+$0x0] =	vst v1;
	v1 =	vperm.xlane v28, v0;
	s29 =	sadd.s32 $0x9700, s3;
	s31 =	sor.u32 s2, s26  }
0x523: {  	s3 =	sadd.s32 $0x9780, s3;
	v0 =	vperm.xlane v35, v0;
	[tilespmem:s31+$0x0] =	vst v2;
	v2 =	vand.u32 $0xF, v3;
	s31 =	sor.u32 s2, s29  }
0x524: {  	s2 =	sor.u32 s2, s3;
	[tilespmem:s31+$0x0] =	vst v1;
	v1 =	vperm.xlane v4, v2  }
0x525: {  	v3 =	vperm.xlane v6, v2;
	[tilespmem:s2+$0x0] =	vst v0;
	s2 =	sor.u32 s30, s25  }
0x526: {  	v0 =	vperm.xlane v5, v2;
	[tilespmem:s2+$0x0] =	vst v1  }
0x527: {  	v1 =	vperm.xlane v7, v2;
	[tilespmem:s2+$0x100] =	vst v3  }
0x528: {  	s31 =	sadd.s32 $0x10, s1;
	[tilespmem:s2+$0x80] =	vst v0;
	v0 =	vperm.xlane v8, v2  }
0x529: {  	[tilespmem:s2+$0x180] =	vst v1;
	v1 =	vperm.xlane v9, v2;
	s2 =	sor.u32 $0x200, s31  }
0x52a: {  	[tilespmem:s2+$0x6400] =	vst v0;
	v0 =	vperm.xlane v10, v2;
	s2 =	sor.u32 $0x280, s31  }
0x52b: {  	[tilespmem:s2+$0x6400] =	vst v1;
	v1 =	vperm.xlane v11, v2;
	s2 =	sor.u32 $0x300, s31  }
0x52c: {  	s31 =	sor.u32 $0x380, s31;
	[tilespmem:s2+$0x6400] =	vst v0;
	v0 =	vperm.xlane v12, v2  }
0x52d: {  	[tilespmem:s31+$0x6400] =	vst v1;
	v1 =	vperm.xlane v13, v2;
	s31 =	sor.u32 s30, s4  }
0x52e: {  	[tilespmem:s31+$0x0] =	vst v0;
	v0 =	vperm.xlane v14, v2;
	s31 =	sor.u32 s30, s5  }
0x52f: {  	[tilespmem:s31+$0x0] =	vst v1;
	v1 =	vperm.xlane v15, v2;
	s31 =	sor.u32 s30, s9  }
0x530: {  	[tilespmem:s31+$0x0] =	vst v0;
	v0 =	vperm.xlane v16, v2;
	s31 =	sor.u32 s30, s6  }
0x531: {  	[tilespmem:s31+$0x0] =	vst v1;
	v1 =	vperm.xlane v17, v2;
	s31 =	sor.u32 s30, s8  }
0x532: {  	[tilespmem:s31+$0x0] =	vst v0;
	v0 =	vperm.xlane v18, v2;
	s31 =	sor.u32 s30, s11  }
0x533: {  	[tilespmem:s31+$0x0] =	vst v1;
	v1 =	vperm.xlane v19, v2;
	s31 =	sor.u32 s30, s10  }
0x534: {  	[tilespmem:s31+$0x0] =	vst v0;
	v0 =	vperm.xlane v20, v2;
	s31 =	sor.u32 s30, s14  }
0x535: {  	[tilespmem:s31+$0x0] =	vst v1;
	v1 =	vperm.xlane v21, v2;
	s31 =	sor.u32 s30, s12  }
0x536: {  	[tilespmem:s31+$0x0] =	vst v0;
	v0 =	vperm.xlane v22, v2;
	s31 =	sor.u32 s30, s13  }
0x537: {  	[tilespmem:s31+$0x0] =	vst v1;
	v1 =	vperm.xlane v23, v2;
	s31 =	sor.u32 s30, s15  }
0x538: {  	[tilespmem:s31+$0x0] =	vst v0;
	v0 =	vperm.xlane v24, v2;
	s31 =	sor.u32 s30, s24  }
0x539: {  	[tilespmem:s31+$0x0] =	vst v1;
	v1 =	vperm.xlane v25, v2;
	s31 =	sor.u32 s30, s20  }
0x53a: {  	[tilespmem:s31+$0x0] =	vst v0;
	v0 =	vperm.xlane v29, v2;
	s31 =	sor.u32 s30, s17  }
0x53b: {  	[tilespmem:s31+$0x0] =	vst v1;
	v1 =	vperm.xlane v30, v2;
	s31 =	sor.u32 s30, s18  }
0x53c: {  	s2 =	sor.u32 $0x20, s0;
	[tilespmem:s31+$0x0] =	vst v0;
	v0 =	vperm.xlane v63, v2;
	s31 =	sor.u32 s30, s19  }
0x53d: {  	s28 =	sor.u32 s2, s28;
	[tilespmem:s31+$0x0] =	vst v1;
	v1 =	vperm.xlane v34, v2;
	s31 =	sor.u32 s30, s23  }
0x53e: {  	v3 =	vld [tilespmem:s28+$0x0];
	[tilespmem:s31+$0x0] =	vst v0;
	v0 =	vperm.xlane v33, v2;
	s31 =	sor.u32 s30, s21  }
0x53f: {  	[tilespmem:s31+$0x0] =	vst v1;
	v1 =	vperm.xlane v31, v2;
	s31 =	sor.u32 s30, s22  }
0x540: {  	[tilespmem:s31+$0x0] =	vst v0;
	v0 =	vperm.xlane v27, v2;
	s31 =	sor.u32 s30, s7  }
0x541: {  	[tilespmem:s31+$0x0] =	vst v1;
	v1 =	vperm.xlane v26, v2;
	s31 =	sor.u32 s30, s16  }
0x542: {  	[tilespmem:s31+$0x0] =	vst v0;
	v0 =	vperm.xlane v28, v2;
	s31 =	sor.u32 s30, s26  }
0x543: {  	v2 =	vperm.xlane v35, v2;
	[tilespmem:s31+$0x0] =	vst v1;
	v1 =	vand.u32 $0xF, v3;
	s31 =	sor.u32 s30, s29  }
0x544: {  	[tilespmem:s31+$0x0] =	vst v0;
	v0 =	vperm.xlane v4, v1;
	s31 =	sor.u32 s30, s3  }
0x545: {  	v3 =	vperm.xlane v6, v1;
	[tilespmem:s31+$0x0] =	vst v2;
	s31 =	sor.u32 s2, s25  }
0x546: {  	v2 =	vperm.xlane v5, v1;
	[tilespmem:s31+$0x0] =	vst v0  }
0x547: {  	v0 =	vperm.xlane v7, v1;
	[tilespmem:s31+$0x100] =	vst v3  }
0x548: {  	s30 =	sadd.s32 $0x20, s1;
	[tilespmem:s31+$0x80] =	vst v2;
	v2 =	vperm.xlane v8, v1  }
0x549: {  	[tilespmem:s31+$0x180] =	vst v0;
	v0 =	vperm.xlane v9, v1;
	s31 =	sor.u32 $0x200, s30  }
0x54a: {  	[tilespmem:s31+$0x6400] =	vst v2;
	v2 =	vperm.xlane v10, v1;
	s31 =	sor.u32 $0x280, s30  }
0x54b: {  	[tilespmem:s31+$0x6400] =	vst v0;
	v0 =	vperm.xlane v11, v1;
	s31 =	sor.u32 $0x300, s30  }
0x54c: {  	[tilespmem:s31+$0x6400] =	vst v2;
	s31 =	sor.u32 $0x380, s30;
	v2 =	vperm.xlane v12, v1  }
0x54d: {  	[tilespmem:s31+$0x6400] =	vst v0;
	v0 =	vperm.xlane v13, v1;
	s31 =	sor.u32 s2, s4  }
0x54e: {  	[tilespmem:s31+$0x0] =	vst v2;
	v2 =	vperm.xlane v14, v1;
	s31 =	sor.u32 s2, s5  }
0x54f: {  	[tilespmem:s31+$0x0] =	vst v0;
	v0 =	vperm.xlane v15, v1;
	s31 =	sor.u32 s2, s9  }
0x550: {  	[tilespmem:s31+$0x0] =	vst v2;
	v2 =	vperm.xlane v16, v1;
	s31 =	sor.u32 s2, s6  }
0x551: {  	[tilespmem:s31+$0x0] =	vst v0;
	v0 =	vperm.xlane v17, v1;
	s31 =	sor.u32 s2, s8  }
0x552: {  	[tilespmem:s31+$0x0] =	vst v2;
	v2 =	vperm.xlane v18, v1;
	s31 =	sor.u32 s2, s11  }
0x553: {  	[tilespmem:s31+$0x0] =	vst v0;
	v0 =	vperm.xlane v19, v1;
	s31 =	sor.u32 s2, s10  }
0x554: {  	[tilespmem:s31+$0x0] =	vst v2;
	v2 =	vperm.xlane v20, v1;
	s31 =	sor.u32 s2, s14  }
0x555: {  	[tilespmem:s31+$0x0] =	vst v0;
	v0 =	vperm.xlane v21, v1;
	s31 =	sor.u32 s2, s12  }
0x556: {  	[tilespmem:s31+$0x0] =	vst v2;
	v2 =	vperm.xlane v22, v1;
	s31 =	sor.u32 s2, s13  }
0x557: {  	[tilespmem:s31+$0x0] =	vst v0;
	v0 =	vperm.xlane v23, v1;
	s31 =	sor.u32 s2, s15  }
0x558: {  	[tilespmem:s31+$0x0] =	vst v2;
	v2 =	vperm.xlane v24, v1;
	s31 =	sor.u32 s2, s24  }
0x559: {  	[tilespmem:s31+$0x0] =	vst v0;
	v0 =	vperm.xlane v25, v1;
	s31 =	sor.u32 s2, s20  }
0x55a: {  	[tilespmem:s31+$0x0] =	vst v2;
	s31 =	sor.u32 s2, s17  }
0x55b: {  	v2 =	vperm.xlane v29, v1;
	[tilespmem:s31+$0x0] =	vst v0  }
0x55c: {  	s31 =	sor.u32 s2, s18;
	[tilespmem:$0x1F560] =	vst v30  }
0x55d: {  	v0 =	vperm.xlane v30, v1;
	[tilespmem:s31+$0x0] =	vst v2  }
0x55e: {  	s31 =	sor.u32 s2, s19;
	[tilespmem:$0x1F570] =	vst v63  }
0x55f: {  	v2 =	vperm.xlane v63, v1;
	[tilespmem:s31+$0x0] =	vst v0  }
0x560: {  	s31 =	sor.u32 s2, s23;
	[tilespmem:$0x1F580] =	vst v34  }
0x561: {  	v0 =	vperm.xlane v34, v1;
	[tilespmem:s31+$0x0] =	vst v2  }
0x562: {  	s31 =	sor.u32 s2, s21;
	[tilespmem:$0x1F590] =	vst v33  }
0x563: {  	s30 =	simm.s32 $0x2200;
	v2 =	vperm.xlane v33, v1;
	[tilespmem:s31+$0x0] =	vst v0  }
0x564: {  	v3 =	vld [tilespmem:s30+$0x0];
	s31 =	sor.u32 s2, s22;
	[tilespmem:$0x1F5A0] =	vst v31  }
0x565: {  	v0 =	vperm.xlane v31, v1;
	[tilespmem:s31+$0x0] =	vst v2  }
0x566: {  	s31 =	sor.u32 s2, s7;
	[tilespmem:$0x1F5B0] =	vst v27  }
0x567: {  	v2 =	vperm.xlane v27, v1;
	[tilespmem:s31+$0x0] =	vst v0  }
0x568: {  	s31 =	sor.u32 s2, s16;
	[tilespmem:$0x1F5C0] =	vst v26  }
0x569: {  	v0 =	vperm.xlane v26, v1;
	[tilespmem:s31+$0x0] =	vst v2  }
0x56a: {  	s31 =	sor.u32 s2, s26;
	[tilespmem:$0x1F5D0] =	vst v28  }
0x56b: {  	v2 =	vperm.xlane v28, v1;
	[tilespmem:s31+$0x0] =	vst v0  }
0x56c: {  	s31 =	sor.u32 s2, s29;
	[tilespmem:$0x1F5E0] =	vst v35  }
0x56d: {  	v0 =	vperm.xlane v35, v1;
	[tilespmem:s31+$0x0] =	vst v2  }
0x56e: {  	v32 =	vand.u32 $0xF, v3;
	s2 =	sor.u32 s2, s3;
	[tilespmem:$0x1F5F0] =	vst v4  }
0x56f: {  	v1 =	vperm.xlane v4, v32;
	[tilespmem:s2+$0x0] =	vst v0  }
0x570: {  	s25 =	sor.u32 s0, s25;
	[tilespmem:$0x1F600] =	vst v5  }
0x571: {  	v0 =	vperm.xlane v5, v32;
	[tilespmem:s25+$0x0] =	vst v1  }
0x572: {  	[tilespmem:$0x1F610] =	vst v6  }
0x573: {  	v1 =	vperm.xlane v6, v32;
	[tilespmem:s25+$0x80] =	vst v0  }
0x574: {  	[tilespmem:$0x1F620] =	vst v7  }
0x575: {  	v0 =	vperm.xlane v7, v32;
	[tilespmem:s25+$0x100] =	vst v1  }
0x576: {  	[tilespmem:$0x1F630] =	vst v8  }
0x577: {  	v1 =	vperm.xlane v8, v32;
	[tilespmem:s25+$0x180] =	vst v0  }
0x578: {  	s28 =	sor.u32 $0x200, s1;
	[tilespmem:$0x1F640] =	vst v9  }
0x579: {  	v0 =	vperm.xlane v9, v32;
	[tilespmem:s28+$0x6400] =	vst v1  }
0x57a: {  	s31 =	sor.u32 $0x280, s1;
	[tilespmem:$0x1F650] =	vst v10  }
0x57b: {  	s25 =	simm.s32 $0x0;
	v1 =	vperm.xlane v10, v32;
	[tilespmem:s31+$0x6400] =	vst v0  }
0x57c: {  	s1 =	sor.u32 $0x300, s1;
	s28 =	simm.s32 $0x0;
	[tilespmem:$0x1F660] =	vst v11;
	[dreg:$0x7] =	wrdreg s25  }
0x57d: {  	s2 =	sor.u32 s28, s28;
	v0 =	vperm.xlane v11, v32;
	[tilespmem:s1+$0x6400] =	vst v1  }
0x57e: {  	s31 =	sor.u32 $0x380, s2;
	[tilespmem:$0x1F670] =	vst v12  }
0x57f: {  	v1 =	vperm.xlane v12, v32;
	[tilespmem:s31+$0x6400] =	vst v0  }
0x580: {  	s2 =	sor.u32 s0, s4;
	[tilespmem:$0x1F680] =	vst v13  }
0x581: {  	v0 =	vperm.xlane v13, v32;
	[tilespmem:s2+$0x0] =	vst v1  }
0x582: {  	s4 =	sor.u32 s0, s5;
	[tilespmem:$0x1F690] =	vst v14  }
0x583: {  	v1 =	vperm.xlane v14, v32;
	[tilespmem:s4+$0x0] =	vst v0  }
0x584: {  	s5 =	sor.u32 s0, s9;
	[tilespmem:$0x1F6A0] =	vst v15  }
0x585: {  	v0 =	vperm.xlane v15, v32;
	[tilespmem:s5+$0x0] =	vst v1  }
0x586: {  	s6 =	sor.u32 s0, s6;
	[tilespmem:$0x1F6B0] =	vst v16  }
0x587: {  	v1 =	vperm.xlane v16, v32;
	[tilespmem:s6+$0x0] =	vst v0  }
0x588: {  	s8 =	sor.u32 s0, s8;
	[tilespmem:$0x1F6C0] =	vst v17  }
0x589: {  	v0 =	vperm.xlane v17, v32;
	[tilespmem:s8+$0x0] =	vst v1  }
0x58a: {  	s9 =	sor.u32 s0, s11;
	[tilespmem:$0x1F6D0] =	vst v18  }
0x58b: {  	v1 =	vperm.xlane v18, v32;
	[tilespmem:s9+$0x0] =	vst v0  }
0x58c: {  	s10 =	sor.u32 s0, s10;
	[tilespmem:$0x1F6E0] =	vst v19  }
0x58d: {  	v0 =	vperm.xlane v19, v32;
	[tilespmem:s10+$0x0] =	vst v1  }
0x58e: {  	s11 =	sor.u32 s0, s14;
	[tilespmem:$0x1F6F0] =	vst v20  }
0x58f: {  	v1 =	vperm.xlane v20, v32;
	[tilespmem:s11+$0x0] =	vst v0  }
0x590: {  	s12 =	sor.u32 s0, s12;
	[tilespmem:$0x1F700] =	vst v21  }
0x591: {  	v0 =	vperm.xlane v21, v32;
	[tilespmem:s12+$0x0] =	vst v1  }
0x592: {  	s14 =	sor.u32 s0, s13;
	[tilespmem:$0x1F710] =	vst v22  }
0x593: {  	s15 =	sor.u32 s0, s15;
	s28 =	sor.u32 s0, s20;
	s31 =	sor.u32 s0, s23;
	v1 =	vperm.xlane v22, v32;
	[tilespmem:s14+$0x0] =	vst v0  }
0x594: {  	s13 =	sor.u32 s0, s22;
	s25 =	sor.u32 s0, s24;
	[smem:$0x73F] =	sst s31;
	[tilespmem:$0x1F720] =	vst v23  }
0x595: {  	s2 =	sor.u32 s0, s18;
	s8 =	sor.u32 s0, s29;
	s9 =	sor.u32 s0, s26;
	v0 =	vperm.xlane v23, v32;
	[tilespmem:s15+$0x0] =	vst v1  }
0x596: {  	s10 =	sor.u32 s0, s17;
	s17 =	sor.u32 s0, s21;
	s11 =	sor.u32 s0, s19;
	[tilespmem:$0x1F730] =	vst v24  }
0x597: {  	v2 =	vperm.xlane v24, v32;
	s14 =	sor.u32 s0, s16;
	s15 =	sor.u32 s0, s7;
	s0 =	sor.u32 s0, s3;
	[tilespmem:s25+$0x0] =	vst v0  }
0x598: {  	[smem:$0x740] =	sst s0;
	[tilespmem:$0x1F740] =	vst v25  }
0x599: {  	[tilespmem:s28+$0x0] =	vst v2  }
0x59a: {  	s6 =	simm.s32 $0x0;
	v1 =	vperm.xlane v25, v32;
	v0 =	vperm.xlane v29, v32;
	s0 =	simm.s32 $0x40;
	[tilespmem:$0x1F750] =	vst v29  }
.LBB2_9:
0x59b: {  	v14 =	vld [tilespmem:$0x1F560]  }
0x59c: {  	v15 =	vld [tilespmem:$0x1F570]  }
0x59d: {  	v9 =	vld [tilespmem:$0x1F580]  }
0x59e: {  	v6 =	vld [tilespmem:$0x1F590]  }
0x59f: {  	[dreg:$0x13] =	wrdreg s0;
	v8 =	vld [tilespmem:$0x1F5A0]  }
0x5a0: {  	v16 =	vld [tilespmem:$0x1F5B0];
	s4 =	rddreg [dreg:$0x13]  }
0x5a1: {  	s7 =	sand.u32 $0x40, s0;
	v17 =	vld [tilespmem:$0x1F5C0];
	s0 =	sand.u32 $0x180, s4  }
0x5a2: {  	v7 =	vld [tilespmem:$0x1F5D0];
	s23 =	sor.u32 $0x30, s7;
	s0 =	sor.u32 $0x2200, s0  }
0x5a3: {  	s12 =	sld [smem:$0x73F];
	v5 =	vld [tilespmem:$0x1F5E0];
	[tilespmem:s10+$0x0] =	vst v1;
	s5 =	sor.u32 s23, s0;
	v1 =	vperm.xlane v14, v32  }
0x5a4: {  	[tilespmem:s2+$0x0] =	vst v0;
	v0 =	vperm.xlane v15, v32;
	v2 =	vld [tilespmem:s5+$0x0]  }
0x5a5: {  	v62 =	vld [tilespmem:$0x1F5F0];
	s26 =	sor.u32 $0x10, s7;
	[tilespmem:s11+$0x0] =	vst v1;
	v1 =	vperm.xlane v9, v32  }
0x5a6: {  	v60 =	vld [tilespmem:$0x1F600];
	s1 =	sor.u32 s26, s0;
	[tilespmem:s12+$0x0] =	vst v0;
	v0 =	vperm.xlane v6, v32  }
0x5a7: {  	s3 =	rddreg [dreg:$0x7];
	v3 =	vld [tilespmem:s1+$0x0];
	[tilespmem:s17+$0x0] =	vst v1;
	v1 =	vperm.xlane v8, v32  }
0x5a8: {  	v24 =	vld [tilespmem:$0x1F6E0];
	s3 =	sadd.s32 $0x200, s3;
	[tilespmem:s13+$0x0] =	vst v0;
	v0 =	vperm.xlane v16, v32  }
0x5a9: {  	v59 =	vld [tilespmem:$0x1F610];
	s13 =	sand.u32 $0xC00, s3;
	v50 =	vand.u32 $0xF, v2;
	[tilespmem:s15+$0x0] =	vst v1;
	v1 =	vperm.xlane v17, v32  }
0x5aa: {  	v58 =	vld [tilespmem:$0x1F620];
	s16 =	rddreg [dreg:$0x13];
	s10 =	sor.u32 $0x20, s7;
	s17 =	sadd.s32 $0x6400, s13;
	v2 =	vperm.xlane v62, v50;
	[tilespmem:s14+$0x0] =	vst v0  }
0x5ab: {  	v23 =	vld [tilespmem:$0x1F6F0];
	s4 =	sld [smem:$0x740];
	s0 =	sor.u32 s10, s0;
	v0 =	vperm.xlane v7, v32;
	s19 =	sor.u32 s23, s17;
	[tilespmem:s9+$0x0] =	vst v1  }
0x5ac: {  	v4 =	vld [tilespmem:s0+$0x0];
	s0 =	sor.u32 s3, s16;
	v51 =	vand.u32 $0xF, v3;
	v1 =	vperm.xlane v5, v32;
	[tilespmem:s19+$0x0] =	vst v2  }
0x5ad: {  	v56 =	vld [tilespmem:$0x1F630];
	s0 =	sor.u32 $0x380, s0;
	v2 =	vperm.xlane v24, v51;
	[tilespmem:s8+$0x0] =	vst v0  }
0x5ae: {  	p0 =	por !p0, !p0;
	v22 =	vld [tilespmem:$0x1F700];
	[dreg:$0x17] =	wrdreg s0;
	s0 =	simm.s32 $0x1;
	v0 =	vperm.xlane v60, v50;
	[tilespmem:s4+$0x0] =	vst v1  }
0x5af: {  	v54 =	vld [tilespmem:$0x1F640];
	s0 =	simm.s32 @!p0 $0x0;
	v1 =	vperm.xlane v59, v50;
	[tilespmem:$0x1F480] =	vst v2  }
0x5b0: {  	[dreg:$0xb] =	wrdreg s30;
	v53 =	vld [tilespmem:$0x1F650];
	s6 =	sadd.s32 $0x4, s6;
	s0 =	sshll.u32 s0, $0x6;
	v2 =	vperm.xlane v23, v51;
	[tilespmem:s19+$0x80] =	vst v0  }
0x5b1: {  	v21 =	vld [tilespmem:$0x1F710];
	[dreg:$0xf] =	wrdreg s6;
	s0 =	sadd.s32 s0, s3;
	v0 =	vperm.xlane v58, v50;
	[tilespmem:s19+$0x100] =	vst v1  }
0x5b2: {  	v52 =	vld [tilespmem:$0x1F660];
	p1 =	slt.u32 s6, $0x1C;
	[dreg:$0x7] =	wrdreg s3;
	s21 =	sadd.s32 $0x30, s0;
	v1 =	vperm.xlane v56, v50;
	[tilespmem:$0x1F490] =	vst v2  }
0x5b3: {  	v49 =	vld [tilespmem:$0x1F670];
	s20 =	sadd.s32 $0x10, s0;
	s3 =	sadd.s32 $0x20, s0;
	s24 =	sor.u32 $0x200, s21;
	v2 =	vperm.xlane v22, v51;
	[tilespmem:s19+$0x180] =	vst v0  }
0x5b4: {  	v20 =	vld [tilespmem:$0x1F720];
	s15 =	sadd.s32 $0x7480, s13;
	s18 =	sor.u32 s7, s17;
	s11 =	sor.u32 s26, s17;
	v0 =	vperm.xlane v54, v50;
	[tilespmem:s24+$0x6400] =	vst v1  }
0x5b5: {  	v37 =	vld [tilespmem:$0x1F680];
	s1 =	sor.u32 s10, s17;
	s5 =	sor.u32 $0x200, s20;
	s28 =	sor.u32 $0x280, s21;
	v1 =	vperm.xlane v53, v50;
	[tilespmem:$0x1F4A0] =	vst v2  }
0x5b6: {  	v28 =	vld [tilespmem:$0x1F690];
	s22 =	sor.u32 $0x280, s20;
	[smem:$0x708] =	sst s5;
	s5 =	sor.u32 $0x300, s21;
	v2 =	vperm.xlane v21, v51;
	[tilespmem:s28+$0x6400] =	vst v0  }
0x5b7: {  	v19 =	vld [tilespmem:$0x1F730];
	s25 =	sor.u32 $0x300, s20;
	s29 =	sor.u32 $0x200, s3;
	[dreg:$0x1b] =	wrdreg s18;
	v0 =	vperm.xlane v52, v50;
	[tilespmem:s5+$0x6400] =	vst v1  }
0x5b8: {  	v29 =	vld [tilespmem:$0x1F6A0];
	s12 =	sor.u32 $0x380, s21;
	[smem:$0x720] =	sst s1;
	s8 =	sadd.s32 $0x7400, s13;
	v1 =	vperm.xlane v49, v50;
	[tilespmem:$0x1F4B0] =	vst v2  }
0x5b9: {  	v30 =	vld [tilespmem:$0x1F6B0];
	s31 =	sor.u32 $0x280, s3;
	[smem:$0x709] =	sst s22;
	s16 =	sor.u32 s23, s8;
	v2 =	vperm.xlane v20, v51;
	[tilespmem:s12+$0x6400] =	vst v0  }
0x5ba: {  	v18 =	vld [tilespmem:$0x1F740];
	s14 =	sor.u32 $0x380, s3;
	s17 =	sor.u32 $0x200, s0;
	[smem:$0x70A] =	sst s25;
	v0 =	vperm.xlane v37, v50;
	[tilespmem:s16+$0x0] =	vst v1  }
0x5bb: {  	v31 =	vld [tilespmem:$0x1F6C0];
	[smem:$0x722] =	sst s29;
	s18 =	sor.u32 s23, s15;
	s24 =	sadd.s32 $0x7500, s13;
	v1 =	vperm.xlane v28, v50;
	[tilespmem:$0x1F4C0] =	vst v2  }
0x5bc: {  	v25 =	vld [tilespmem:$0x1F6D0];
	s1 =	sor.u32 $0x380, s20;
	[smem:$0x723] =	sst s31;
	s21 =	sor.u32 s23, s24;
	v2 =	vperm.xlane v19, v51;
	[tilespmem:s18+$0x0] =	vst v0  }
0x5bd: {  	v10 =	vld [tilespmem:$0x1F750];
	s9 =	sor.u32 $0x300, s3;
	[smem:$0x725] =	sst s14;
	s20 =	sadd.s32 $0x7580, s13;
	v0 =	vperm.xlane v29, v50;
	[tilespmem:s21+$0x0] =	vst v1  }
0x5be: {  	[dreg:$0x1f] =	wrdreg s17;
	s22 =	sadd.s32 $0x7600, s13;
	s25 =	sor.u32 s23, s20;
	v1 =	vperm.xlane v30, v50;
	[tilespmem:$0x1F4D0] =	vst v2  }
0x5bf: {  	s31 =	sor.u32 s7, s15;
	[smem:$0x724] =	sst s9;
	s29 =	sor.u32 s23, s22;
	v2 =	vperm.xlane v18, v51;
	[tilespmem:s25+$0x0] =	vst v0  }
0x5c0: {  	s14 =	sadd.s32 $0x7780, s13;
	[smem:$0x705] =	sst s20;
	s5 =	sadd.s32 $0x7680, s13;
	v0 =	vperm.xlane v31, v50;
	[tilespmem:s29+$0x0] =	vst v1  }
0x5c1: {  	[smem:$0x706] =	sst s22;
	s4 =	sadd.s32 $0x7700, s13;
	s2 =	sor.u32 s23, s5;
	v1 =	vperm.xlane v25, v50;
	[tilespmem:$0x1F4E0] =	vst v2  }
0x5c2: {  	[smem:$0x732] =	sst s31;
	s17 =	sor.u32 s7, s20;
	s16 =	sor.u32 s23, s4;
	v2 =	vperm.xlane v10, v51;
	[tilespmem:s2+$0x0] =	vst v0  }
0x5c3: {  	s20 =	sadd.s32 $0x8400, s13;
	[smem:$0x707] =	sst s14;
	s3 =	smov.u32 s8;
	v0 =	vperm.xlane v24, v50;
	[tilespmem:s16+$0x0] =	vst v1  }
0x5c4: {  	[smem:$0x734] =	sst s17;
	s19 =	sor.u32 $0x280, s0;
	s18 =	sor.u32 s23, s14;
	v1 =	vperm.xlane v23, v50;
	[tilespmem:$0x1F4F0] =	vst v2  }
0x5c5: {  	s0 =	sor.u32 $0x300, s0;
	[smem:$0x72F] =	sst s19;
	s21 =	sor.u32 s23, s20;
	v2 =	vperm.xlane v14, v51;
	[tilespmem:s18+$0x0] =	vst v0  }
0x5c6: {  	[smem:$0x730] =	sst s0;
	s28 =	sor.u32 s7, s8;
	s16 =	sadd.s32 $0x8480, s13;
	v0 =	vperm.xlane v22, v50;
	[tilespmem:s21+$0x0] =	vst v1  }
0x5c7: {  	[smem:$0x731] =	sst s28;
	s28 =	sadd.s32 $0x8500, s13;
	s25 =	sor.u32 s23, s16;
	v1 =	vperm.xlane v21, v50;
	[tilespmem:$0x1F500] =	vst v2  }
0x5c8: {  	s19 =	sor.u32 s7, s22;
	s0 =	sld [smem:$0x705];
	s31 =	sor.u32 s23, s28;
	v2 =	vperm.xlane v15, v51;
	[tilespmem:s25+$0x0] =	vst v0  }
0x5c9: {  	[smem:$0x735] =	sst s19;
	s19 =	sadd.s32 $0x8580, s13;
	s8 =	sor.u32 s7, s14;
	v0 =	vperm.xlane v20, v50;
	[tilespmem:s31+$0x0] =	vst v1  }
0x5ca: {  	s9 =	sor.u32 s23, s19;
	s12 =	sor.u32 s7, s24;
	s21 =	sadd.s32 $0x8600, s13;
	v1 =	vperm.xlane v19, v50;
	[tilespmem:$0x1F510] =	vst v2  }
0x5cb: {  	[smem:$0x733] =	sst s12;
	s12 =	sor.u32 s7, s20;
	s14 =	sor.u32 s23, s21;
	v2 =	vperm.xlane v9, v51;
	[tilespmem:s9+$0x0] =	vst v0  }
0x5cc: {  	s22 =	sor.u32 s7, s5;
	[smem:$0x739] =	sst s12;
	s12 =	sadd.s32 $0x8680, s13;
	v0 =	vperm.xlane v18, v50;
	[tilespmem:s14+$0x0] =	vst v1  }
0x5cd: {  	[smem:$0x736] =	sst s22;
	s22 =	sadd.s32 $0x8700, s13;
	s17 =	sor.u32 s23, s12;
	v1 =	vperm.xlane v10, v50;
	[tilespmem:$0x1F520] =	vst v2  }
0x5ce: {  	[smem:$0x738] =	sst s8;
	s29 =	sor.u32 s7, s4;
	s18 =	sor.u32 s23, s22;
	v2 =	vperm.xlane v6, v51;
	[tilespmem:s17+$0x0] =	vst v0  }
0x5cf: {  	s6 =	sadd.s32 $0x9500, s13;
	s8 =	sadd.s32 $0x8780, s13;
	[smem:$0x737] =	sst s29;
	v0 =	vperm.xlane v14, v50;
	[tilespmem:s18+$0x0] =	vst v1  }
0x5d0: {  	s29 =	sor.u32 s23, s8;
	s25 =	sor.u32 s7, s16;
	s17 =	sadd.s32 $0x9400, s13;
	v1 =	vperm.xlane v15, v50;
	[tilespmem:$0x1F530] =	vst v2  }
0x5d1: {  	[smem:$0x73A] =	sst s25;
	s31 =	sor.u32 s7, s28;
	s2 =	sor.u32 s23, s17;
	v2 =	vperm.xlane v8, v51;
	[tilespmem:s29+$0x0] =	vst v0  }
0x5d2: {  	s25 =	sor.u32 s7, s21;
	[smem:$0x73B] =	sst s31;
	s18 =	sadd.s32 $0x9480, s13;
	v0 =	vperm.xlane v9, v50;
	[tilespmem:s2+$0x0] =	vst v1  }
0x5d3: {  	s9 =	sor.u32 s7, s19;
	[smem:$0x73D] =	sst s25;
	s14 =	sor.u32 s23, s18;
	v1 =	vperm.xlane v6, v50;
	[tilespmem:$0x1F540] =	vst v2  }
0x5d4: {  	s31 =	sor.u32 s7, s12;
	[smem:$0x73C] =	sst s9;
	s29 =	sor.u32 s23, s6;
	v2 =	vperm.xlane v16, v51;
	[tilespmem:s14+$0x0] =	vst v0  }
0x5d5: {  	s30 =	sadd.s32 $0x9580, s13;
	[smem:$0x72E] =	sst s31;
	v0 =	vperm.xlane v8, v50;
	[tilespmem:s29+$0x0] =	vst v1  }
0x5d6: {  	s31 =	sadd.s32 $0x9600, s13;
	s9 =	sor.u32 s7, s22;
	s2 =	sor.u32 s23, s30;
	v1 =	vperm.xlane v16, v50;
	[tilespmem:$0x1F550] =	vst v2  }
0x5d7: {  	s25 =	sadd.s32 $0x9680, s13;
	[smem:$0x721] =	sst s9;
	s14 =	sor.u32 s23, s31;
	v2 =	vperm.xlane v17, v50;
	[tilespmem:s2+$0x0] =	vst v0  }
0x5d8: {  	v3 =	vperm.xlane v7, v50;
	s9 =	sor.u32 s23, s25;
	s29 =	sadd.s32 $0x9700, s13;
	s2 =	sor.u32 s7, s8;
	[tilespmem:s14+$0x0] =	vst v1  }
0x5d9: {  	[smem:$0x70D] =	sst s2;
	s2 =	sor.u32 s23, s29;
	[tilespmem:s9+$0x0] =	vst v2  }
0x5da: {  	[tilespmem:s2+$0x0] =	vst v3;
	s2 =	sor.u32 s7, s30  }
0x5db: {  	[smem:$0x729] =	sst s2;
	s2 =	sor.u32 s26, s0  }
0x5dc: {  	[smem:$0x70C] =	sst s2;
	s2 =	smov.u32 s5;
	s5 =	sor.u32 s26, s5  }
0x5dd: {  	[smem:$0x70E] =	sst s5;
	s5 =	sor.u32 s26, s4  }
0x5de: {  	v47 =	vperm.xlane v5, v50;
	s13 =	sadd.s32 $0x9780, s13;
	[smem:$0x70F] =	sst s5  }
0x5df: {  	s23 =	sor.u32 s23, s13;
	s5 =	sld [smem:$0x707]  }
0x5e0: {  	v33 =	vperm.xlane v58, v51;
	[tilespmem:s23+$0x0] =	vst v47;
	s23 =	sor.u32 s7, s29  }
0x5e1: {  	[smem:$0x72C] =	sst s23;
	s23 =	smov.u32 s11  }
0x5e2: {  	[tilespmem:s23+$0x180] =	vst v33;
	s23 =	sor.u32 s26, s5  }
0x5e3: {  	[smem:$0x710] =	sst s23;
	s23 =	sor.u32 s26, s20  }
0x5e4: {  	v11 =	vperm.xlane v62, v51;
	[smem:$0x711] =	sst s23;
	s23 =	sor.u32 s26, s16  }
0x5e5: {  	v48 =	vperm.xlane v60, v51;
	[smem:$0x713] =	sst s23  }
0x5e6: {  	v46 =	vperm.xlane v59, v51;
	[tilespmem:s11+$0x0] =	vst v11;
	s23 =	sld [smem:$0x708]  }
0x5e7: {  	v34 =	vperm.xlane v56, v51;
	[tilespmem:s11+$0x80] =	vst v48  }
0x5e8: {  	[tilespmem:s11+$0x100] =	vst v46  }
0x5e9: {  	[tilespmem:s23+$0x6400] =	vst v34;
	s23 =	sor.u32 s26, s28  }
0x5ea: {  	[smem:$0x714] =	sst s23;
	s23 =	sor.u32 s26, s19  }
0x5eb: {  	[smem:$0x715] =	sst s23;
	s23 =	sor.u32 s26, s21  }
0x5ec: {  	[smem:$0x716] =	sst s23  }
0x5ed: {  	s23 =	sld [smem:$0x709]  }
0x5ee: {  	v35 =	vperm.xlane v54, v51  }
0x5ef: {  	[smem:$0x70B] =	sst s1;
	s1 =	sor.u32 s7, s13  }
0x5f0: {  	[smem:$0x740] =	sst s1;
	[tilespmem:s23+$0x6400] =	vst v35;
	s23 =	sor.u32 s26, s12  }
0x5f1: {  	[smem:$0x717] =	sst s23;
	s23 =	sor.u32 s26, s22  }
0x5f2: {  	[smem:$0x718] =	sst s23;
	s23 =	sor.u32 s26, s8  }
0x5f3: {  	[smem:$0x719] =	sst s23  }
0x5f4: {  	s23 =	sld [smem:$0x70A]  }
0x5f5: {  	v36 =	vperm.xlane v53, v51;
	v38 =	vperm.xlane v52, v51;
	s14 =	sor.u32 s7, s17;
	s1 =	sld [smem:$0x706]  }
0x5f6: {  	v39 =	vperm.xlane v49, v51;
	v40 =	vperm.xlane v37, v51;
	[smem:$0x73F] =	sst s14;
	s9 =	sor.u32 s7, s18  }
0x5f7: {  	v41 =	vperm.xlane v28, v51;
	v42 =	vperm.xlane v29, v51;
	[smem:$0x72D] =	sst s9;
	[tilespmem:s23+$0x6400] =	vst v36;
	s23 =	sor.u32 s26, s17  }
0x5f8: {  	v43 =	vperm.xlane v30, v51;
	v44 =	vperm.xlane v31, v51;
	[smem:$0x71A] =	sst s23;
	s23 =	sor.u32 s26, s18  }
0x5f9: {  	v45 =	vperm.xlane v25, v51;
	v63 =	vperm.xlane v17, v51;
	[smem:$0x71B] =	sst s23;
	s23 =	sor.u32 s26, s6  }
0x5fa: {  	v61 =	vperm.xlane v7, v51;
	v55 =	vperm.xlane v5, v51;
	v32 =	vand.u32 $0xF, v4;
	[smem:$0x71C] =	sst s23  }
0x5fb: {  	v57 =	vperm.xlane v62, v32;
	v27 =	vperm.xlane v58, v32;
	s14 =	sor.u32 s7, s6;
	s23 =	sld [smem:$0x70B]  }
0x5fc: {  	v26 =	vperm.xlane v54, v32;
	v48 =	vperm.xlane v53, v32;
	[smem:$0x712] =	sst s14;
	s9 =	sor.u32 s7, s31  }
0x5fd: {  	v4 =	vperm.xlane v52, v32;
	v46 =	vperm.xlane v49, v32;
	s14 =	sor.u32 s7, s25;
	[smem:$0x72A] =	sst s9  }
0x5fe: {  	v11 =	vperm.xlane v21, v32;
	v12 =	vperm.xlane v19, v32;
	[smem:$0x72B] =	sst s14;
	[tilespmem:s23+$0x6400] =	vst v38;
	s23 =	sor.u32 s26, s30  }
0x5ff: {  	v13 =	vperm.xlane v10, v32;
	v51 =	vperm.xlane v59, v32;
	s7 =	sor.u32 s26, s3;
	[smem:$0x71D] =	sst s23;
	s23 =	sor.u32 s26, s31  }
0x600: {  	v50 =	vperm.xlane v60, v32;
	v16 =	vperm.xlane v16, v32;
	s9 =	sor.u32 s26, s15;
	[tilespmem:s7+$0x0] =	vst v39;
	[smem:$0x71E] =	sst s23;
	s23 =	sor.u32 s26, s25  }
0x601: {  	v0 =	vperm.xlane v23, v32;
	v1 =	vperm.xlane v31, v32;
	s14 =	sor.u32 s26, s24;
	[tilespmem:s9+$0x0] =	vst v40;
	[smem:$0x71F] =	sst s23  }
0x602: {  	v2 =	vperm.xlane v29, v32;
	v3 =	vperm.xlane v37, v32;
	s23 =	sor.u32 s10, s15;
	[tilespmem:s14+$0x0] =	vst v41;
	s14 =	sld [smem:$0x70C]  }
0x603: {  	v47 =	vperm.xlane v56, v32;
	v33 =	vperm.xlane v28, v32;
	[smem:$0x727] =	sst s23;
	s23 =	sor.u32 s10, s5  }
0x604: {  	v34 =	vperm.xlane v30, v32;
	v35 =	vperm.xlane v25, v32;
	s5 =	sor.u32 s10, s19;
	s19 =	sor.u32 s10, s21;
	s21 =	sld [smem:$0x70E]  }
0x605: {  	s11 =	sor.u32 s26, s1;
	v36 =	vperm.xlane v24, v32;
	v38 =	vperm.xlane v22, v32;
	[tilespmem:s14+$0x0] =	vst v42  }
0x606: {  	v39 =	vperm.xlane v20, v32;
	v40 =	vperm.xlane v18, v32;
	[tilespmem:s11+$0x0] =	vst v43  }
0x607: {  	v41 =	vperm.xlane v14, v32;
	v14 =	vperm.xlane v15, v32;
	[tilespmem:s21+$0x0] =	vst v44;
	s21 =	sor.u32 s10, s22;
	s22 =	sld [smem:$0x70F]  }
0x608: {  	s3 =	sor.u32 s10, s3;
	v15 =	vperm.xlane v6, v32;
	v42 =	vperm.xlane v9, v32;
	v9 =	vld [tilespmem:$0x1F480]  }
0x609: {  	[smem:$0x726] =	sst s3;
	v43 =	vperm.xlane v8, v32;
	v44 =	vperm.xlane v17, v32  }
0x60a: {  	s3 =	sor.u32 s10, s28;
	s28 =	sld [smem:$0x710];
	s9 =	sor.u32 s10, s24;
	v17 =	vperm.xlane v7, v32;
	[tilespmem:s22+$0x0] =	vst v45;
	v45 =	vperm.xlane v5, v32;
	v32 =	vld [tilespmem:$0x1F490]  }
0x60b: {  	[smem:$0x728] =	sst s9;
	s9 =	sor.u32 s10, s0;
	v8 =	vld [tilespmem:$0x1F4A0]  }
0x60c: {  	s0 =	sor.u32 s10, s1;
	s1 =	sor.u32 s10, s12;
	s12 =	sld [smem:$0x711]  }
0x60d: {  	s14 =	sld [smem:$0x713];
	[tilespmem:s28+$0x0] =	vst v9;
	v9 =	vld [tilespmem:$0x1F4B0];
	_ =	sdelay $0x1  }
0x60e: {  	s24 =	sor.u32 s10, s16;
	s16 =	sld [smem:$0x714];
	[tilespmem:s12+$0x0] =	vst v32;
	v32 =	vld [tilespmem:$0x1F4C0]  }
0x60f: {  	s22 =	sor.u32 s10, s17;
	[tilespmem:s14+$0x0] =	vst v8;
	v8 =	vld [tilespmem:$0x1F4D0]  }
0x610: {  	s17 =	sor.u32 s10, s18;
	s18 =	sor.u32 s10, s31;
	s31 =	sld [smem:$0x715]  }
0x611: {  	s12 =	sld [smem:$0x716];
	[tilespmem:s16+$0x0] =	vst v9;
	v9 =	vld [tilespmem:$0x1F4E0];
	_ =	sdelay $0x1  }
0x612: {  	s14 =	sld [smem:$0x717];
	[tilespmem:s31+$0x0] =	vst v32;
	v32 =	vld [tilespmem:$0x1F4F0]  }
0x613: {  	[tilespmem:s12+$0x0] =	vst v8;
	v8 =	vld [tilespmem:$0x1F500]  }
0x614: {  	s16 =	sld [smem:$0x718]  }
0x615: {  	s31 =	sld [smem:$0x719];
	[tilespmem:s14+$0x0] =	vst v9;
	v9 =	vld [tilespmem:$0x1F510];
	_ =	sdelay $0x1  }
0x616: {  	s12 =	sld [smem:$0x71A];
	[tilespmem:s16+$0x0] =	vst v32;
	v32 =	vld [tilespmem:$0x1F520]  }
0x617: {  	[tilespmem:s31+$0x0] =	vst v8;
	v8 =	vld [tilespmem:$0x1F530]  }
0x618: {  	s14 =	sld [smem:$0x71B]  }
0x619: {  	s16 =	sld [smem:$0x71C];
	[tilespmem:s12+$0x0] =	vst v9;
	v9 =	vld [tilespmem:$0x1F540];
	_ =	sdelay $0x1  }
0x61a: {  	s31 =	sld [smem:$0x71D];
	[tilespmem:s14+$0x0] =	vst v32  }
0x61b: {  	v32 =	vld [tilespmem:$0x1F550];
	[tilespmem:s16+$0x0] =	vst v8;
	s16 =	sld [smem:$0x720];
	_ =	sdelay $0x1  }
0x61c: {  	s12 =	sld [smem:$0x71E];
	[tilespmem:s31+$0x0] =	vst v9  }
0x61d: {  	s14 =	sld [smem:$0x71F];
	[tilespmem:s16+$0x0] =	vst v57  }
0x61e: {  	[tilespmem:s16+$0x80] =	vst v50  }
0x61f: {  	[tilespmem:s12+$0x0] =	vst v32  }
0x620: {  	s7 =	sor.u32 s26, s29;
	[tilespmem:s14+$0x0] =	vst v63  }
0x621: {  	s26 =	sor.u32 s26, s13;
	[tilespmem:s7+$0x0] =	vst v61  }
0x622: {  	[tilespmem:s26+$0x0] =	vst v55;
	s26 =	sld [smem:$0x722]  }
0x623: {  	s31 =	sld [smem:$0x723];
	[tilespmem:s16+$0x100] =	vst v51  }
0x624: {  	[tilespmem:s16+$0x180] =	vst v27;
	s12 =	sld [smem:$0x724]  }
0x625: {  	s14 =	sld [smem:$0x725];
	[tilespmem:s26+$0x6400] =	vst v47  }
0x626: {  	s16 =	sld [smem:$0x726];
	[tilespmem:s31+$0x6400] =	vst v26  }
0x627: {  	s26 =	sld [smem:$0x727];
	[tilespmem:s12+$0x6400] =	vst v48  }
0x628: {  	s31 =	sld [smem:$0x728];
	[tilespmem:s14+$0x6400] =	vst v4  }
0x629: {  	[tilespmem:s16+$0x0] =	vst v46  }
0x62a: {  	[tilespmem:s26+$0x0] =	vst v3  }
0x62b: {  	[tilespmem:s31+$0x0] =	vst v33  }
0x62c: {  	[tilespmem:s9+$0x0] =	vst v2  }
0x62d: {  	s15 =	sor.u32 s10, s2;
	[tilespmem:s0+$0x0] =	vst v34  }
0x62e: {  	s4 =	sor.u32 s10, s4;
	[tilespmem:s15+$0x0] =	vst v1  }
0x62f: {  	[tilespmem:s4+$0x0] =	vst v35  }
0x630: {  	s20 =	sor.u32 s10, s20;
	s28 =	sor.u32 s10, s30;
	s30 =	rddreg [dreg:$0xb];
	[tilespmem:s23+$0x0] =	vst v36  }
0x631: {  	s30 =	sadd.s32 $0x40, s30;
	[tilespmem:s20+$0x0] =	vst v0  }
0x632: {  	v0 =	vld [tilespmem:s30+$0x0];
	[tilespmem:s24+$0x0] =	vst v38  }
0x633: {  	[tilespmem:s3+$0x0] =	vst v11  }
0x634: {  	[tilespmem:s5+$0x0] =	vst v39  }
0x635: {  	[tilespmem:s19+$0x0] =	vst v12  }
0x636: {  	[tilespmem:s1+$0x0] =	vst v40  }
0x637: {  	s8 =	sor.u32 s10, s8;
	v32 =	vand.u32 $0xF, v0;
	[tilespmem:s21+$0x0] =	vst v13  }
0x638: {  	v0 =	vperm.xlane v62, v32;
	[tilespmem:s8+$0x0] =	vst v41  }
0x639: {  	s3 =	rddreg [dreg:$0x1b];
	v1 =	vperm.xlane v60, v32;
	[tilespmem:s22+$0x0] =	vst v14  }
0x63a: {  	s2 =	sld [smem:$0x721];
	[tilespmem:s3+$0x0] =	vst v0  }
0x63b: {  	s6 =	sor.u32 s10, s6;
	s29 =	sor.u32 s10, s29;
	s11 =	sld [smem:$0x70D];
	[tilespmem:s3+$0x80] =	vst v1  }
0x63c: {  	s25 =	sor.u32 s10, s25;
	s10 =	sor.u32 s10, s13;
	s13 =	sld [smem:$0x712];
	v0 =	vperm.xlane v59, v32;
	[tilespmem:s17+$0x0] =	vst v42  }
0x63d: {  	s7 =	sld [smem:$0x730];
	v1 =	vperm.xlane v58, v32;
	[tilespmem:s6+$0x0] =	vst v15  }
0x63e: {  	s12 =	rddreg [dreg:$0x17];
	[tilespmem:s3+$0x100] =	vst v0  }
0x63f: {  	s14 =	sld [smem:$0x72A];
	[tilespmem:s3+$0x180] =	vst v1  }
0x640: {  	s4 =	rddreg [dreg:$0x1f];
	v0 =	vperm.xlane v56, v32;
	[tilespmem:s28+$0x0] =	vst v43  }
0x641: {  	s5 =	sld [smem:$0x72F];
	[tilespmem:s18+$0x0] =	vst v16  }
0x642: {  	s16 =	sld [smem:$0x731];
	v1 =	vperm.xlane v54, v32;
	[tilespmem:s4+$0x6400] =	vst v0  }
0x643: {  	s26 =	sld [smem:$0x73A];
	[tilespmem:s25+$0x0] =	vst v44  }
0x644: {  	s31 =	sld [smem:$0x73D];
	v0 =	vperm.xlane v53, v32;
	[tilespmem:s5+$0x6400] =	vst v1  }
0x645: {  	s9 =	sld [smem:$0x72B];
	[tilespmem:s29+$0x0] =	vst v17  }
0x646: {  	s0 =	rddreg [dreg:$0x13];
	v1 =	vperm.xlane v52, v32;
	[tilespmem:s7+$0x6400] =	vst v0  }
0x647: {  	s18 =	sld [smem:$0x732];
	v0 =	vperm.xlane v49, v32;
	[tilespmem:s10+$0x0] =	vst v45  }
0x648: {  	s19 =	sld [smem:$0x733];
	[tilespmem:s12+$0x6400] =	vst v1;
	v1 =	vperm.xlane v37, v32  }
0x649: {  	s20 =	sld [smem:$0x734];
	[tilespmem:s16+$0x0] =	vst v0;
	v0 =	vperm.xlane v28, v32  }
0x64a: {  	s21 =	sld [smem:$0x735];
	[tilespmem:s18+$0x0] =	vst v1;
	v1 =	vperm.xlane v29, v32  }
0x64b: {  	s22 =	sld [smem:$0x736];
	[tilespmem:s19+$0x0] =	vst v0;
	v0 =	vperm.xlane v30, v32  }
0x64c: {  	s23 =	sld [smem:$0x737];
	[tilespmem:s20+$0x0] =	vst v1;
	v1 =	vperm.xlane v31, v32  }
0x64d: {  	s24 =	sld [smem:$0x738];
	[tilespmem:s21+$0x0] =	vst v0;
	v0 =	vperm.xlane v25, v32  }
0x64e: {  	s25 =	sld [smem:$0x739];
	[tilespmem:s22+$0x0] =	vst v1;
	v1 =	vperm.xlane v24, v32  }
0x64f: {  	s15 =	sld [smem:$0x729];
	[tilespmem:s23+$0x0] =	vst v0;
	v0 =	vperm.xlane v23, v32  }
0x650: {  	s28 =	sld [smem:$0x73B];
	[tilespmem:s24+$0x0] =	vst v1;
	v1 =	vperm.xlane v22, v32  }
.Ltmp3:
0x651: {  	s29 =	sld [smem:$0x73C];
	[tilespmem:s25+$0x0] =	vst v0;
	v0 =	vperm.xlane v21, v32;
	(pc) =	sbr.rel @p1 .LBB2_9-.Ltmp3, $4  }
0x652: {  	s8 =	sld [smem:$0x72C];
	[tilespmem:s26+$0x0] =	vst v1;
	v1 =	vperm.xlane v20, v32  }
0x653: {  	s17 =	sld [smem:$0x72D];
	[tilespmem:s28+$0x0] =	vst v0;
	v0 =	vperm.xlane v19, v32  }
0x654: {  	s6 =	rddreg [dreg:$0xf];
	[tilespmem:s29+$0x0] =	vst v1  }
0x655: {  	s0 =	sadd.s32 $0x40, s0;
	s10 =	sld [smem:$0x72E];
	v1 =	vperm.xlane v18, v32;
	[tilespmem:s31+$0x0] =	vst v0;
	v0 =	vperm.xlane v10, v32  }
0x656: {  	_ =	sdelay $0x1  }
0x657: {  	[tilespmem:s10+$0x0] =	vst v1  }
0x658: {  	v1 =	vld [tilespmem:$0x1F560];
	_ =	sdelay $0x2  }
0x659: {  	[tilespmem:s2+$0x0] =	vst v0  }
0x65a: {  	v0 =	vld [tilespmem:$0x1F570]  }
0x65b: {  	v1 =	vperm.xlane v1, v32;
	_ =	sdelay $0x1  }
0x65c: {  	[tilespmem:s11+$0x0] =	vst v1  }
0x65d: {  	v1 =	vld [tilespmem:$0x1F580];
	s0 =	sld [smem:$0x73F]  }
0x65e: {  	v0 =	vperm.xlane v0, v32;
	_ =	sdelay $0x1  }
0x65f: {  	[tilespmem:s0+$0x0] =	vst v0  }
0x660: {  	v0 =	vld [tilespmem:$0x1F590]  }
0x661: {  	v1 =	vperm.xlane v1, v32;
	_ =	sdelay $0x1  }
0x662: {  	[tilespmem:s17+$0x0] =	vst v1  }
0x663: {  	v1 =	vld [tilespmem:$0x1F5A0]  }
0x664: {  	v0 =	vperm.xlane v0, v32;
	_ =	sdelay $0x1  }
0x665: {  	[tilespmem:s13+$0x0] =	vst v0  }
0x666: {  	v0 =	vld [tilespmem:$0x1F5B0]  }
0x667: {  	v1 =	vperm.xlane v1, v32;
	_ =	sdelay $0x1  }
0x668: {  	[tilespmem:s15+$0x0] =	vst v1  }
0x669: {  	v1 =	vld [tilespmem:$0x1F5C0]  }
0x66a: {  	v0 =	vperm.xlane v0, v32;
	_ =	sdelay $0x1  }
0x66b: {  	[tilespmem:s14+$0x0] =	vst v0  }
0x66c: {  	v0 =	vld [tilespmem:$0x1F5D0]  }
0x66d: {  	v1 =	vperm.xlane v1, v32;
	_ =	sdelay $0x1  }
0x66e: {  	[tilespmem:s9+$0x0] =	vst v1  }
0x66f: {  	v1 =	vld [tilespmem:$0x1F5E0]  }
0x670: {  	v0 =	vperm.xlane v0, v32;
	_ =	sdelay $0x1  }
0x671: {  	[tilespmem:s8+$0x0] =	vst v0  }
0x672: {  	s0 =	sld [smem:$0x740]  }
0x673: {  	v1 =	vperm.xlane v1, v32;
	_ =	sdelay $0x1  }
0x674: {  	[tilespmem:s0+$0x0] =	vst v1  }
0x675: {  	s0 =	sld [smem:$0x7FC]  }
0x676: {  	s1 =	sld [smem:$0x73E];
	_ =	sdelay $0x1  }
0x677: {  	s29 =	simm.s32 $0x1000;
	s31 =	sld [smem:$0x7F7]  }
0x678: {  	s30 =	simm.s32 $0x20000;
	s3 =	simm.s32 $0x6400;
	s0 =	sadd.s32 s1, s0  }
0x679: {  	[hbm4b:s0+s29] =	stream.strided.scatter [tilespmem:s3], [sflag:$0x2], $0x4000, s30, s29, $0x38;
	[tilespmem:$0xA400] =	vst v63  }
0x67a: {  	s0 =	sadd.s32 $0x1, s31  }
0x67b: {  	p0 =	sne.s32 s0, $0x64  }
.Ltmp4:
0x67c: {  	_ = 	snop;
	(pc) =	sbr.rel @p0 .LBB2_2-.Ltmp4, $1  }
0x67d: {  	_ =	sdelay $0x3  }
0x67e: {  	s0 =	simm.s32 $0x1  }
0x67f: {  	_ =	swait.ge [sflag:s0], $0x4000  }
0x680: {  	[sflag:s0] =	ssyncset.done $0x0  }
0x681: {  	s1 =	simm.s32 $0x2;
	[sflag:s0] =	ssyncadd.s32 $0xFFFFC000  }
0x682: {  	_ =	swait.ge [sflag:s1], $0x4000  }
0x683: {  	s2 =	sld [smem:$0x7F9]  }
0x684: {  	s31 =	sld [smem:$0x7FD];
	_ =	sdelay $0x1  }
0x685: {  	s2 =	sadd.s32 $0x1, s2  }
0x686: {  	p0 =	sne.s32 s2, s31  }
.Ltmp5:
0x687: {  	_ = 	snop;
	(pc) =	sbr.rel @p0 .LBB2_1-.Ltmp5, $3  }
0x688: {  	_ =	sdelay $0x1  }
0x689: {  	[sflag:s1] =	ssyncset.done $0x0  }
0x68a: {  	[sflag:s1] =	ssyncadd.s32 $0xFFFFC000  }
0x68b: {  	_ =	sfence.sel $0x180000  }
0x68c: {  	[bflag:$0x0] =	sbarrier.arrive $0xFFFF  }
0x68d: {  	_ =	strace $0x90000047  }
0x68e: {  	s0 =	stileid.u32;
	[bflag:$0x2] =	sbarrier.arrive $0xFFFF  }
0x68f: {  	p0 =	sne.s32 s0, $0x0;
	s0 =	rddreg [dreg:$0x3]  }
0x690: {  	s0 =	sadd.s32 @!p0 $0x100000, s0  }
0x691: {  	[sflag:s0] =	ssyncadd.tile.s32 @!p0 $0x1;
	_ =	shalt  }
.Lfunc_end2:
_tile_overlayer_lowered:
.L_overlay_start_2:
0x692: {  	(tag) =	ssettag $0x2  }
0x693: {  	s0 =	rddreg [dreg:$0x0];
	s2 =	stileid.u32  }
0x694: {  	s1 =	rddreg [dreg:$0x1];
	p0 =	sne.s32 s2, $0x0  }
0x695: {  	s3 =	rddreg [dreg:$0x2];
	[bflag:$0x3] =	sbarrier.arrive $0xFFFF;
	s2 =	simm.s32 @!p0 $0x1C05  }
0x696: {  	[timem:s3], [sflag:s2] =	dma.local @!p0 [hbm:s0], s1  }
0x697: {  	s0 =	simm.s32 @!p0 $0x5  }
0x698: {  	_ =	swait.ge @!p0 [sflag:s0], s1  }
0x699: {  	s1 =	ssub.s32 @!p0 $0x0, s1;
	[sflag:s0] =	ssyncset.done @!p0 $0x0  }
0x69a: {  	[sflag:s0] =	ssyncadd.s32 @!p0 s1  }
0x69b: {  	[bflag:$0x3] =	sbarrier.arrive $0xFFFF  }
0x69c: {  	_ =	shalt  }

</sc_bundles>
